<compile_context>
chip_gen: v7x
topology: tpu7x:2x2x1
jax: 0.10.2.dev20260603
libtpu: 0.0.44.dev20260713+nightly
codegen_flags: <defaults>
</compile_context>

<pallas_src>
import functools

import jax
import jax.numpy as jnp
from jax import lax
from jax.experimental import pallas as pl
from jax.experimental.pallas import tpu as pltpu
from jax.experimental.pallas import tpu_sc as plsc

NC = 2
NS = 16
NW = NC * NS
LANES = 16
CHUNK = 128
NBUF = 8


def _sc_mesh():
    return plsc.VectorSubcoreMesh(core_axis_name="c", subcore_axis_name="s")



def _make_deg_kernel(n_pad, cpw):
    rps = n_pad // NS

    @functools.partial(
        pl.kernel,
        out_type=jax.ShapeDtypeStruct((NC, n_pad), jnp.float32),
        mesh=_sc_mesh(),
        scratch_types=[
            pltpu.VMEM((cpw, CHUNK), jnp.int32),
            pltpu.VMEM((CHUNK,), jnp.float32),
            pltpu.VMEM_SHARED((n_pad,), jnp.float32),
            pltpu.SemaphoreType.DMA,
        ],
    )
    def deg_kernel(dst_hbm, out_hbm, didx_v, ones_v, deg_sh, sem):
        c = lax.axis_index("c")
        s = lax.axis_index("s")
        w = c * NS + s
        base = pl.multiple_of(s * rps, 8)

        @pl.loop(0, CHUNK, step=LANES)
        def _(i):
            ones_v[pl.ds(i, LANES)] = jnp.zeros((LANES,), jnp.float32)

        for k in range(rps // CHUNK):
            pltpu.sync_copy(ones_v, deg_sh.at[pl.ds(base + k * CHUNK, CHUNK)])

        @pl.loop(0, CHUNK, step=LANES)
        def _(i):
            ones_v[pl.ds(i, LANES)] = jnp.ones((LANES,), jnp.float32)

        pltpu.sync_copy(dst_hbm.at[w], didx_v)
        plsc.subcore_barrier()

        @pl.loop(0, cpw)
        def _(j):
            pltpu.sync_copy(ones_v, deg_sh.at[didx_v.at[j]], add=True)

        plsc.subcore_barrier()
        pltpu.sync_copy(deg_sh.at[pl.ds(base, rps)],
                        out_hbm.at[c, pl.ds(base, rps)])

    return deg_kernel


def _make_agg_kernel(n_pad, cpw):
    rps = n_pad // NS
    assert cpw % NBUF == 0 and cpw // NBUF >= 2
    ngroups = cpw // NBUF

    @functools.partial(
        pl.kernel,
        out_type=jax.ShapeDtypeStruct((NC, n_pad, LANES), jnp.float32),
        mesh=_sc_mesh(),
        scratch_types=[
            pltpu.VMEM((cpw, CHUNK), jnp.int32),
            pltpu.VMEM((cpw, CHUNK), jnp.int32),
            pltpu.VMEM((NBUF, CHUNK, LANES), jnp.float32),
            pltpu.VMEM_SHARED((n_pad, LANES), jnp.float32),
        ] + [pltpu.SemaphoreType.DMA] * (NBUF + 2),
        compiler_params=pltpu.CompilerParams(use_tc_tiling_on_sc=False),
    )
    def agg_kernel(g_hbm, src_hbm, dst_hbm, out_hbm,
                   sidx_v, didx_v, rows_v, agg_sh, *sems):
        c = lax.axis_index("c")
        s = lax.axis_index("s")
        w = c * NS + s
        base = pl.multiple_of(s * rps, 8)

        ci = pltpu.async_copy(src_hbm.at[w], sidx_v, sems[NBUF])
        cd = pltpu.async_copy(dst_hbm.at[w], didx_v, sems[NBUF + 1])

        @pl.loop(0, CHUNK)
        def _(i):
            rows_v[0, i, :] = jnp.zeros((LANES,), jnp.float32)

        for k in range(rps // CHUNK):
            pltpu.sync_copy(rows_v.at[0], agg_sh.at[pl.ds(base + k * CHUNK, CHUNK)])

        ci.wait()
        cd.wait()
        plsc.subcore_barrier()

        for b in range(NBUF):
            pltpu.async_copy(g_hbm.at[sidx_v.at[b]], rows_v.at[b], sems[b])

        @pl.loop(0, ngroups - 1)
        def _(g):
            j = g * NBUF
            for b in range(NBUF):
                pltpu.make_async_copy(
                    g_hbm.at[sidx_v.at[b]], rows_v.at[b], sems[b]).wait()
                pltpu.sync_copy(rows_v.at[b], agg_sh.at[didx_v.at[j + b]],
                                add=True)
                pltpu.async_copy(
                    g_hbm.at[sidx_v.at[j + NBUF + b]], rows_v.at[b], sems[b])

        jl = (ngroups - 1) * NBUF
        for b in range(NBUF):
            pltpu.make_async_copy(
                g_hbm.at[sidx_v.at[b]], rows_v.at[b], sems[b]).wait()
            pltpu.sync_copy(rows_v.at[b], agg_sh.at[didx_v.at[jl + b]],
                            add=True)

        plsc.subcore_barrier()
        pltpu.sync_copy(agg_sh.at[pl.ds(base, rps)],
                        out_hbm.at[c, pl.ds(base, rps)])

    return agg_kernel



def _g1_body(xr_ref, w1b_ref, degp_ref, bcast_ref, g1_ref, dinv_ref):
    deg8 = degp_ref[0] + degp_ref[1] + 1.0
    dinv = jnp.dot(lax.rsqrt(deg8), bcast_ref[...],
                   preferred_element_type=jnp.float32)
    h = jnp.dot(xr_ref[...], w1b_ref[...], preferred_element_type=jnp.float32)
    g1_ref[...] = h * dinv
    dinv_ref[...] = dinv


def _g2_body(zero_row, p_ref, g1_ref, dinv_ref, b1t_ref, g2_ref):
    dinv = dinv_ref[...]
    agg = p_ref[0] + p_ref[1] + g1_ref[...]
    out1 = agg * dinv + b1t_ref[...][None, :]
    g2_ref[...] = jnp.maximum(out1, 0.0) * dinv
    g2_ref[zero_row, 0:LANES] = jnp.zeros((LANES,), jnp.float32)


def _out_body(p_ref, g2_ref, dinv_ref, w2b_ref, pswap_ref, b2t_ref, o_ref):
    agg = (p_ref[0] + p_ref[1] + g2_ref[...]) * dinv_ref[...]
    v = jnp.dot(agg, w2b_ref[...], preferred_element_type=jnp.float32)
    v = v + b2t_ref[...][None, :]
    vs = jnp.dot(v, pswap_ref[...], preferred_element_type=jnp.float32)
    m = jnp.maximum(v, vs)
    lse = m + jnp.log(jnp.exp(v - m) + jnp.exp(vs - m))
    o_ref[...] = v - lse


def _g1_call(x_rs, w1b, degp8, bcast):
    npk = x_rs.shape[0]
    return pl.pallas_call(
        _g1_body,
        out_shape=[
            jax.ShapeDtypeStruct((npk, 128), jnp.float32),
            jax.ShapeDtypeStruct((npk, 128), jnp.float32),
        ],
    )(x_rs, w1b, degp8, bcast)


def _g2_call(zero_row, p, g1, dinv, b1t):
    npk = g1.shape[0]
    return pl.pallas_call(
        functools.partial(_g2_body, zero_row),
        out_shape=jax.ShapeDtypeStruct((npk, 128), jnp.float32),
    )(p, g1, dinv, b1t)


def _out_call(p, g2, dinv, w2b, pswap, b2t):
    npk = g2.shape[0]
    return pl.pallas_call(
        _out_body,
        out_shape=jax.ShapeDtypeStruct((npk, 2 * 8), jnp.float32),
    )(p, g2, dinv, w2b, pswap, b2t)



def kernel(x, edge_index, W1, b1, W2, b2):
    n, d = x.shape
    e = edge_index.shape[1]
    h = W1.shape[1]
    c = W2.shape[1]
    n_pad = ((n + 1 + NS * CHUNK - 1) // (NS * CHUNK)) * (NS * CHUNK)
    cpw = (e + NW * CHUNK - 1) // (NW * CHUNK)
    cpw = ((cpw + NBUF - 1) // NBUF) * NBUF
    e_pad = NW * cpw * CHUNK
    npk = n_pad // 8

    ei_pad = jnp.pad(edge_index, ((0, 0), (0, e_pad - e)), constant_values=n)
    src_r = ei_pad[0].reshape(NW, cpw, CHUNK)
    dst_r = ei_pad[1].reshape(NW, cpw, CHUNK)
    x_rs = jnp.pad(x, ((0, n_pad - n), (0, 0))).reshape(npk, 8 * d)

    eye8 = jnp.eye(8, dtype=jnp.float32)
    w1b = jnp.kron(eye8, W1)
    w2b = jnp.kron(eye8, W2)
    pswap = jnp.kron(eye8, jnp.ones((c, c), jnp.float32)
                     - jnp.eye(c, dtype=jnp.float32))
    bcast = jnp.kron(eye8, jnp.ones((1, LANES), jnp.float32))
    b1t = jnp.tile(b1, 8)
    b2t = jnp.tile(b2, 8)

    agg = _make_agg_kernel(n_pad, cpw)
    degp = _make_deg_kernel(n_pad, cpw)(dst_r)
    degp8 = degp.reshape(NC, npk, 8)

    g1, dinv = _g1_call(x_rs, w1b, degp8, bcast)
    p1 = agg(g1.reshape(n_pad, LANES), src_r, dst_r)
    g2 = _g2_call(n // 8, p1.reshape(NC, npk, 128), g1, dinv, b1t)
    p2 = agg(g2.reshape(n_pad, LANES), src_r, dst_r)
    out = _out_call(p2.reshape(NC, npk, 128), g2, dinv, w2b, pswap, b2t)
    return out.reshape(n_pad, c)[:n]

# --- scband reference (transcript-rebuilt; emitter-appended) ---
"""Pipeline reference for scband-gcnmodel-23244363006342 (READ-ONLY COPY).

The authoritative reference and input builder live on the scoring server;
editing this copy changes nothing except your own understanding.
"""

import jax, jax.numpy as jnp
import numpy as np

N = 10000
E = 320000
D = 128
H = 16
C = 2


def setup_inputs(seed: int = 0) -> dict:
    key = jax.random.key(seed)
    k1, k2, k3, k4, k5, k6 = jax.random.split(key, 6)
    x = jax.random.normal(k1, (N, D), dtype=jnp.float32)
    edge_index = jax.random.randint(k2, (2, E), 0, N, dtype=jnp.int32)
    W1 = jax.random.normal(k3, (D, H), dtype=jnp.float32) * (1.0 / np.sqrt(D))
    b1 = jnp.zeros((H,), dtype=jnp.float32)
    W2 = jax.random.normal(k4, (H, C), dtype=jnp.float32) * (1.0 / np.sqrt(H))
    b2 = jnp.zeros((C,), dtype=jnp.float32)
    return {"x": x, "edge_index": edge_index, "W1": W1, "b1": b1, "W2": W2, "b2": b2}


def _gcn_layer(x, src, dst, norm, W, b, n_nodes):
    # GCNConv: linear transform, then normalized scatter-add aggregation, then bias
    h = x @ W
    msg = h[src] * norm[:, None]
    out = jax.ops.segment_sum(msg, dst, num_segments=n_nodes)
    return out + b


def reference(x, edge_index, W1, b1, W2, b2):
    n_nodes = x.shape[0]
    # add self loops (GCNConv default)
    loops = jnp.arange(n_nodes, dtype=edge_index.dtype)
    src = jnp.concatenate([edge_index[0], loops])
    dst = jnp.concatenate([edge_index[1], loops])
    # symmetric normalization D^{-1/2} (A+I) D^{-1/2}
    deg = jax.ops.segment_sum(jnp.ones_like(dst, dtype=x.dtype), dst, num_segments=n_nodes)
    dinv = jnp.where(deg > 0, 1.0 / jnp.sqrt(deg), 0.0)
    norm = dinv[src] * dinv[dst]
    h = _gcn_layer(x, src, dst, norm, W1, b1, n_nodes)
    h = jax.nn.relu(h)
    # dropout is identity in eval mode (self.training == False)
    h = _gcn_layer(h, src, dst, norm, W2, b2, n_nodes)
    return jax.nn.log_softmax(h, axis=1)

if __name__ == "__main__":
    import jax
    _d = setup_inputs()
    print(jax.jit(kernel)(*tuple(_d.values())))

</pallas_src>

<mosaic_0001>
#map = affine_map<(d0, d1) -> (0, 0)>
#map1 = affine_map<(d0, d1) -> (0, 0, 0)>
module attributes {stable_mosaic.version = 14 : i64} {
  func.func @agg_kernel(%arg0: i32, %arg1: i32, %arg2: memref<10240x16xf32, #tpu.memory_space<hbm>>, %arg3: memref<32x80x128xi32, #tpu.memory_space<hbm>>, %arg4: memref<32x80x128xi32, #tpu.memory_space<hbm>>, %arg5: memref<2x10240x16xf32, #tpu.memory_space<hbm>>, %arg6: memref<80x128xi32, #tpu.memory_space<vmem>>, %arg7: memref<80x128xi32, #tpu.memory_space<vmem>>, %arg8: memref<8x128x16xf32, #tpu.memory_space<vmem>>, %arg9: memref<10240x16xf32, #tpu.memory_space<vmem_shared>>, %arg10: memref<!tpu.dma_semaphore, #tpu.memory_space<semaphore_mem>>, %arg11: memref<!tpu.dma_semaphore, #tpu.memory_space<semaphore_mem>>, %arg12: memref<!tpu.dma_semaphore, #tpu.memory_space<semaphore_mem>>, %arg13: memref<!tpu.dma_semaphore, #tpu.memory_space<semaphore_mem>>, %arg14: memref<!tpu.dma_semaphore, #tpu.memory_space<semaphore_mem>>, %arg15: memref<!tpu.dma_semaphore, #tpu.memory_space<semaphore_mem>>, %arg16: memref<!tpu.dma_semaphore, #tpu.memory_space<semaphore_mem>>, %arg17: memref<!tpu.dma_semaphore, #tpu.memory_space<semaphore_mem>>, %arg18: memref<!tpu.dma_semaphore, #tpu.memory_space<semaphore_mem>>, %arg19: memref<!tpu.dma_semaphore, #tpu.memory_space<semaphore_mem>>) attributes {dimension_semantics = [#tpu.dimension_semantics<core_parallel>, #tpu.dimension_semantics<subcore_parallel>], iteration_bounds = array<i64: 2, 16>, scalar_prefetch = 0 : i64, scratch_operands = 14 : i64, tpu.core_type = #tpu.core_type<sc_vector_subcore>, window_params = [{transform_indices = #map}, {transform_indices = #map1}, {transform_indices = #map1}, {transform_indices = #map1}]} {
    %mul3A = arith.constant 16 : i32
    %mul3A_0 = arith.muli %arg0, %mul3A : i32
    %add3A = arith.addi %mul3A_0, %arg1 : i32
    %mul3A_1 = arith.constant 640 : i32
    %mul3A_2 = arith.muli %arg1, %mul3A_1 : i32
    %multiple_of3A = tpu.assume_multiple %mul3A_2, 8 : i32
    %dma_start3A = arith.constant 0 : i32
    %dma_start3A_3 = arith.constant 0 : i32
    %dma_start3A_4 = tpu.memref_slice %arg3[%add3A, %dma_start3A, %dma_start3A_3] : memref<32x80x128xi32, #tpu.memory_space<hbm>> -> memref<1x80x128xi32, #tpu.memory_space<hbm>>
    %dma_start3A_5 = tpu.memref_squeeze %dma_start3A_4 : memref<1x80x128xi32, #tpu.memory_space<hbm>> -> memref<80x128xi32, #tpu.memory_space<hbm>>
    %dma_start3A_6 = arith.constant 0 : i32
    %dma_start3A_7 = arith.constant 0 : i32
    %dma_start3A_8 = tpu.memref_slice %arg3[%add3A, %dma_start3A_6, %dma_start3A_7] : memref<32x80x128xi32, #tpu.memory_space<hbm>> -> memref<1x80x128xi32, #tpu.memory_space<hbm>>
    %dma_start3A_9 = tpu.memref_squeeze %dma_start3A_8 : memref<1x80x128xi32, #tpu.memory_space<hbm>> -> memref<80x128xi32, #tpu.memory_space<hbm>>
    tpu.enqueue_dma source(%dma_start3A_9 : memref<80x128xi32, #tpu.memory_space<hbm>>) target(%arg6 : memref<80x128xi32, #tpu.memory_space<vmem>>) target_semaphore(%arg18 : memref<!tpu.dma_semaphore, #tpu.memory_space<semaphore_mem>>)
    %dma_start3A_10 = arith.constant 0 : i32
    %dma_start3A_11 = arith.constant 0 : i32
    %dma_start3A_12 = tpu.memref_slice %arg4[%add3A, %dma_start3A_10, %dma_start3A_11] : memref<32x80x128xi32, #tpu.memory_space<hbm>> -> memref<1x80x128xi32, #tpu.memory_space<hbm>>
    %dma_start3A_13 = tpu.memref_squeeze %dma_start3A_12 : memref<1x80x128xi32, #tpu.memory_space<hbm>> -> memref<80x128xi32, #tpu.memory_space<hbm>>
    %dma_start3A_14 = arith.constant 0 : i32
    %dma_start3A_15 = arith.constant 0 : i32
    %dma_start3A_16 = tpu.memref_slice %arg4[%add3A, %dma_start3A_14, %dma_start3A_15] : memref<32x80x128xi32, #tpu.memory_space<hbm>> -> memref<1x80x128xi32, #tpu.memory_space<hbm>>
    %dma_start3A_17 = tpu.memref_squeeze %dma_start3A_16 : memref<1x80x128xi32, #tpu.memory_space<hbm>> -> memref<80x128xi32, #tpu.memory_space<hbm>>
    tpu.enqueue_dma source(%dma_start3A_17 : memref<80x128xi32, #tpu.memory_space<hbm>>) target(%arg7 : memref<80x128xi32, #tpu.memory_space<vmem>>) target_semaphore(%arg19 : memref<!tpu.dma_semaphore, #tpu.memory_space<semaphore_mem>>)
    %scan3A = arith.constant 0 : i32
    %scan3A_18 = arith.constant 128 : i32
    %scan3A_19 = arith.addi %scan3A, %scan3A_18 : i32
    %scan3A_20 = arith.constant 1 : i32
    scf.for %scan3A_265 = %scan3A to %scan3A_19 step %scan3A_20  : i32 {
      %mul3A_266 = arith.constant 1 : i32
      %mul3A_267 = arith.muli %scan3A_265, %mul3A_266 : i32
      %add3A_268 = arith.constant 0 : i32
      %add3A_269 = arith.addi %add3A_268, %mul3A_267 : i32
      %broadcast_in_dim3A = arith.constant 0.000000e+00 : f32
      %broadcast_in_dim3A_270 = vector.broadcast %broadcast_in_dim3A : f32 to vector<16xf32>
      %swap3A = arith.constant 0 : i32
      %swap3A_271 = arith.index_cast %swap3A : i32 to index
      %swap3A_272 = arith.index_cast %add3A_269 : i32 to index
      %swap3A_273 = arith.constant 0 : index
      %swap3A_274 = tpu.vector_load %arg8[%swap3A_271, %swap3A_272, %swap3A_273] {strides = array<i32>} : memref<8x128x16xf32, #tpu.memory_space<vmem>>, vector<1x1x16xf32>,
      %swap3A_275 = vector.shape_cast %swap3A_274 : vector<1x1x16xf32> to vector<16xf32>
      %swap3A_276 = vector.shape_cast %broadcast_in_dim3A_270 : vector<16xf32> to vector<1x1x16xf32>
      tpu.vector_store %arg8[%swap3A_271, %swap3A_272, %swap3A_273], %swap3A_276 {strides = array<i32>} : memref<8x128x16xf32, #tpu.memory_space<vmem>>, vector<1x1x16xf32>,
    }
    %scan3A_21 = arith.constant 128 : i32
    %add3A_22 = arith.constant 0 : i32
    %add3A_23 = arith.addi %multiple_of3A, %add3A_22 : i32
    %run_scoped3A = arith.constant 0 : i32
    "tpu.region"() ({
      %run_scoped3A_265 = tpu.sem_alloc : memref<!tpu.dma_semaphore, #tpu.memory_space<semaphore_mem>>
      %dma_start3A_266 = arith.constant 0 : i32
      %dma_start3A_267 = arith.constant 0 : i32
      %dma_start3A_268 = tpu.memref_slice %arg8[%run_scoped3A, %dma_start3A_266, %dma_start3A_267] : memref<8x128x16xf32, #tpu.memory_space<vmem>> -> memref<1x128x16xf32, #tpu.memory_space<vmem>>
      %dma_start3A_269 = tpu.memref_squeeze %dma_start3A_268 : memref<1x128x16xf32, #tpu.memory_space<vmem>> -> memref<128x16xf32, #tpu.memory_space<vmem>>
      %dma_start3A_270 = arith.constant 0 : i32
      %dma_start3A_271 = tpu.memref_slice %arg9[%add3A_23, %dma_start3A_270] : memref<10240x16xf32, #tpu.memory_space<vmem_shared>> -> memref<128x16xf32, #tpu.memory_space<vmem_shared>>
      %dma_start3A_272 = arith.constant 0 : i32
      %dma_start3A_273 = tpu.memref_slice %arg9[%add3A_23, %dma_start3A_272] : memref<10240x16xf32, #tpu.memory_space<vmem_shared>> -> memref<128x16xf32, #tpu.memory_space<vmem_shared>>
      %dma_start3A_274 = arith.constant 0 : i32
      %dma_start3A_275 = arith.constant 0 : i32
      %dma_start3A_276 = tpu.memref_slice %arg8[%run_scoped3A, %dma_start3A_274, %dma_start3A_275] : memref<8x128x16xf32, #tpu.memory_space<vmem>> -> memref<1x128x16xf32, #tpu.memory_space<vmem>>
      %dma_start3A_277 = tpu.memref_squeeze %dma_start3A_276 : memref<1x128x16xf32, #tpu.memory_space<vmem>> -> memref<128x16xf32, #tpu.memory_space<vmem>>
      tpu.enqueue_dma source(%dma_start3A_277 : memref<128x16xf32, #tpu.memory_space<vmem>>) target(%dma_start3A_273 : memref<128x16xf32, #tpu.memory_space<vmem_shared>>) target_semaphore(%run_scoped3A_265 : memref<!tpu.dma_semaphore, #tpu.memory_space<semaphore_mem>>)
      %dma_wait3A_278 = arith.constant 0 : i32
      %dma_wait3A_279 = arith.constant 0 : i32
      %dma_wait3A_280 = tpu.memref_slice %arg8[%run_scoped3A, %dma_wait3A_278, %dma_wait3A_279] : memref<8x128x16xf32, #tpu.memory_space<vmem>> -> memref<1x128x16xf32, #tpu.memory_space<vmem>>
      %dma_wait3A_281 = tpu.memref_squeeze %dma_wait3A_280 : memref<1x128x16xf32, #tpu.memory_space<vmem>> -> memref<128x16xf32, #tpu.memory_space<vmem>>
      %dma_wait3A_282 = arith.constant 0 : i32
      %dma_wait3A_283 = tpu.memref_slice %arg9[%add3A_23, %dma_wait3A_282] : memref<10240x16xf32, #tpu.memory_space<vmem_shared>> -> memref<128x16xf32, #tpu.memory_space<vmem_shared>>
      %dma_wait3A_284 = arith.constant 0 : i32
      %dma_wait3A_285 = tpu.memref_slice %arg9[%add3A_23, %dma_wait3A_284] : memref<10240x16xf32, #tpu.memory_space<vmem_shared>> -> memref<128x16xf32, #tpu.memory_space<vmem_shared>>
      %dma_wait3A_286 = arith.constant 0 : i32
      %dma_wait3A_287 = arith.constant 0 : i32
      %dma_wait3A_288 = tpu.memref_slice %arg8[%run_scoped3A, %dma_wait3A_286, %dma_wait3A_287] : memref<8x128x16xf32, #tpu.memory_space<vmem>> -> memref<1x128x16xf32, #tpu.memory_space<vmem>>
      %dma_wait3A_289 = tpu.memref_squeeze %dma_wait3A_288 : memref<1x128x16xf32, #tpu.memory_space<vmem>> -> memref<128x16xf32, #tpu.memory_space<vmem>>
      tpu.wait_dma2 semaphore(%run_scoped3A_265 : memref<!tpu.dma_semaphore, #tpu.memory_space<semaphore_mem>>) src(%dma_wait3A_289 : memref<128x16xf32, #tpu.memory_space<vmem>>) dst(%dma_wait3A_285 : memref<128x16xf32, #tpu.memory_space<vmem_shared>>)
      tpu.yield
    }) : () -> ()
    %add3A_24 = arith.constant 128 : i32
    %add3A_25 = arith.addi %multiple_of3A, %add3A_24 : i32
    %run_scoped3A_26 = arith.constant 0 : i32
    "tpu.region"() ({
      %run_scoped3A_265 = tpu.sem_alloc : memref<!tpu.dma_semaphore, #tpu.memory_space<semaphore_mem>>
      %dma_start3A_266 = arith.constant 0 : i32
      %dma_start3A_267 = arith.constant 0 : i32
      %dma_start3A_268 = tpu.memref_slice %arg8[%run_scoped3A_26, %dma_start3A_266, %dma_start3A_267] : memref<8x128x16xf32, #tpu.memory_space<vmem>> -> memref<1x128x16xf32, #tpu.memory_space<vmem>>
      %dma_start3A_269 = tpu.memref_squeeze %dma_start3A_268 : memref<1x128x16xf32, #tpu.memory_space<vmem>> -> memref<128x16xf32, #tpu.memory_space<vmem>>
      %dma_start3A_270 = arith.constant 0 : i32
      %dma_start3A_271 = tpu.memref_slice %arg9[%add3A_25, %dma_start3A_270] : memref<10240x16xf32, #tpu.memory_space<vmem_shared>> -> memref<128x16xf32, #tpu.memory_space<vmem_shared>>
      %dma_start3A_272 = arith.constant 0 : i32
      %dma_start3A_273 = tpu.memref_slice %arg9[%add3A_25, %dma_start3A_272] : memref<10240x16xf32, #tpu.memory_space<vmem_shared>> -> memref<128x16xf32, #tpu.memory_space<vmem_shared>>
      %dma_start3A_274 = arith.constant 0 : i32
      %dma_start3A_275 = arith.constant 0 : i32
      %dma_start3A_276 = tpu.memref_slice %arg8[%run_scoped3A_26, %dma_start3A_274, %dma_start3A_275] : memref<8x128x16xf32, #tpu.memory_space<vmem>> -> memref<1x128x16xf32, #tpu.memory_space<vmem>>
      %dma_start3A_277 = tpu.memref_squeeze %dma_start3A_276 : memref<1x128x16xf32, #tpu.memory_space<vmem>> -> memref<128x16xf32, #tpu.memory_space<vmem>>
      tpu.enqueue_dma source(%dma_start3A_277 : memref<128x16xf32, #tpu.memory_space<vmem>>) target(%dma_start3A_273 : memref<128x16xf32, #tpu.memory_space<vmem_shared>>) target_semaphore(%run_scoped3A_265 : memref<!tpu.dma_semaphore, #tpu.memory_space<semaphore_mem>>)
      %dma_wait3A_278 = arith.constant 0 : i32
      %dma_wait3A_279 = arith.constant 0 : i32
      %dma_wait3A_280 = tpu.memref_slice %arg8[%run_scoped3A_26, %dma_wait3A_278, %dma_wait3A_279] : memref<8x128x16xf32, #tpu.memory_space<vmem>> -> memref<1x128x16xf32, #tpu.memory_space<vmem>>
      %dma_wait3A_281 = tpu.memref_squeeze %dma_wait3A_280 : memref<1x128x16xf32, #tpu.memory_space<vmem>> -> memref<128x16xf32, #tpu.memory_space<vmem>>
      %dma_wait3A_282 = arith.constant 0 : i32
      %dma_wait3A_283 = tpu.memref_slice %arg9[%add3A_25, %dma_wait3A_282] : memref<10240x16xf32, #tpu.memory_space<vmem_shared>> -> memref<128x16xf32, #tpu.memory_space<vmem_shared>>
      %dma_wait3A_284 = arith.constant 0 : i32
      %dma_wait3A_285 = tpu.memref_slice %arg9[%add3A_25, %dma_wait3A_284] : memref<10240x16xf32, #tpu.memory_space<vmem_shared>> -> memref<128x16xf32, #tpu.memory_space<vmem_shared>>
      %dma_wait3A_286 = arith.constant 0 : i32
      %dma_wait3A_287 = arith.constant 0 : i32
      %dma_wait3A_288 = tpu.memref_slice %arg8[%run_scoped3A_26, %dma_wait3A_286, %dma_wait3A_287] : memref<8x128x16xf32, #tpu.memory_space<vmem>> -> memref<1x128x16xf32, #tpu.memory_space<vmem>>
      %dma_wait3A_289 = tpu.memref_squeeze %dma_wait3A_288 : memref<1x128x16xf32, #tpu.memory_space<vmem>> -> memref<128x16xf32, #tpu.memory_space<vmem>>
      tpu.wait_dma2 semaphore(%run_scoped3A_265 : memref<!tpu.dma_semaphore, #tpu.memory_space<semaphore_mem>>) src(%dma_wait3A_289 : memref<128x16xf32, #tpu.memory_space<vmem>>) dst(%dma_wait3A_285 : memref<128x16xf32, #tpu.memory_space<vmem_shared>>)
      tpu.yield
    }) : () -> ()
    %add3A_27 = arith.constant 256 : i32
    %add3A_28 = arith.addi %multiple_of3A, %add3A_27 : i32
    %run_scoped3A_29 = arith.constant 0 : i32
    "tpu.region"() ({
      %run_scoped3A_265 = tpu.sem_alloc : memref<!tpu.dma_semaphore, #tpu.memory_space<semaphore_mem>>
      %dma_start3A_266 = arith.constant 0 : i32
      %dma_start3A_267 = arith.constant 0 : i32
      %dma_start3A_268 = tpu.memref_slice %arg8[%run_scoped3A_29, %dma_start3A_266, %dma_start3A_267] : memref<8x128x16xf32, #tpu.memory_space<vmem>> -> memref<1x128x16xf32, #tpu.memory_space<vmem>>
      %dma_start3A_269 = tpu.memref_squeeze %dma_start3A_268 : memref<1x128x16xf32, #tpu.memory_space<vmem>> -> memref<128x16xf32, #tpu.memory_space<vmem>>
      %dma_start3A_270 = arith.constant 0 : i32
      %dma_start3A_271 = tpu.memref_slice %arg9[%add3A_28, %dma_start3A_270] : memref<10240x16xf32, #tpu.memory_space<vmem_shared>> -> memref<128x16xf32, #tpu.memory_space<vmem_shared>>
      %dma_start3A_272 = arith.constant 0 : i32
      %dma_start3A_273 = tpu.memref_slice %arg9[%add3A_28, %dma_start3A_272] : memref<10240x16xf32, #tpu.memory_space<vmem_shared>> -> memref<128x16xf32, #tpu.memory_space<vmem_shared>>
      %dma_start3A_274 = arith.constant 0 : i32
      %dma_start3A_275 = arith.constant 0 : i32
      %dma_start3A_276 = tpu.memref_slice %arg8[%run_scoped3A_29, %dma_start3A_274, %dma_start3A_275] : memref<8x128x16xf32, #tpu.memory_space<vmem>> -> memref<1x128x16xf32, #tpu.memory_space<vmem>>
      %dma_start3A_277 = tpu.memref_squeeze %dma_start3A_276 : memref<1x128x16xf32, #tpu.memory_space<vmem>> -> memref<128x16xf32, #tpu.memory_space<vmem>>
      tpu.enqueue_dma source(%dma_start3A_277 : memref<128x16xf32, #tpu.memory_space<vmem>>) target(%dma_start3A_273 : memref<128x16xf32, #tpu.memory_space<vmem_shared>>) target_semaphore(%run_scoped3A_265 : memref<!tpu.dma_semaphore, #tpu.memory_space<semaphore_mem>>)
      %dma_wait3A_278 = arith.constant 0 : i32
      %dma_wait3A_279 = arith.constant 0 : i32
      %dma_wait3A_280 = tpu.memref_slice %arg8[%run_scoped3A_29, %dma_wait3A_278, %dma_wait3A_279] : memref<8x128x16xf32, #tpu.memory_space<vmem>> -> memref<1x128x16xf32, #tpu.memory_space<vmem>>
      %dma_wait3A_281 = tpu.memref_squeeze %dma_wait3A_280 : memref<1x128x16xf32, #tpu.memory_space<vmem>> -> memref<128x16xf32, #tpu.memory_space<vmem>>
      %dma_wait3A_282 = arith.constant 0 : i32
      %dma_wait3A_283 = tpu.memref_slice %arg9[%add3A_28, %dma_wait3A_282] : memref<10240x16xf32, #tpu.memory_space<vmem_shared>> -> memref<128x16xf32, #tpu.memory_space<vmem_shared>>
      %dma_wait3A_284 = arith.constant 0 : i32
      %dma_wait3A_285 = tpu.memref_slice %arg9[%add3A_28, %dma_wait3A_284] : memref<10240x16xf32, #tpu.memory_space<vmem_shared>> -> memref<128x16xf32, #tpu.memory_space<vmem_shared>>
      %dma_wait3A_286 = arith.constant 0 : i32
      %dma_wait3A_287 = arith.constant 0 : i32
      %dma_wait3A_288 = tpu.memref_slice %arg8[%run_scoped3A_29, %dma_wait3A_286, %dma_wait3A_287] : memref<8x128x16xf32, #tpu.memory_space<vmem>> -> memref<1x128x16xf32, #tpu.memory_space<vmem>>
      %dma_wait3A_289 = tpu.memref_squeeze %dma_wait3A_288 : memref<1x128x16xf32, #tpu.memory_space<vmem>> -> memref<128x16xf32, #tpu.memory_space<vmem>>
      tpu.wait_dma2 semaphore(%run_scoped3A_265 : memref<!tpu.dma_semaphore, #tpu.memory_space<semaphore_mem>>) src(%dma_wait3A_289 : memref<128x16xf32, #tpu.memory_space<vmem>>) dst(%dma_wait3A_285 : memref<128x16xf32, #tpu.memory_space<vmem_shared>>)
      tpu.yield
    }) : () -> ()
    %add3A_30 = arith.constant 384 : i32
    %add3A_31 = arith.addi %multiple_of3A, %add3A_30 : i32
    %run_scoped3A_32 = arith.constant 0 : i32
    "tpu.region"() ({
      %run_scoped3A_265 = tpu.sem_alloc : memref<!tpu.dma_semaphore, #tpu.memory_space<semaphore_mem>>
      %dma_start3A_266 = arith.constant 0 : i32
      %dma_start3A_267 = arith.constant 0 : i32
      %dma_start3A_268 = tpu.memref_slice %arg8[%run_scoped3A_32, %dma_start3A_266, %dma_start3A_267] : memref<8x128x16xf32, #tpu.memory_space<vmem>> -> memref<1x128x16xf32, #tpu.memory_space<vmem>>
      %dma_start3A_269 = tpu.memref_squeeze %dma_start3A_268 : memref<1x128x16xf32, #tpu.memory_space<vmem>> -> memref<128x16xf32, #tpu.memory_space<vmem>>
      %dma_start3A_270 = arith.constant 0 : i32
      %dma_start3A_271 = tpu.memref_slice %arg9[%add3A_31, %dma_start3A_270] : memref<10240x16xf32, #tpu.memory_space<vmem_shared>> -> memref<128x16xf32, #tpu.memory_space<vmem_shared>>
      %dma_start3A_272 = arith.constant 0 : i32
      %dma_start3A_273 = tpu.memref_slice %arg9[%add3A_31, %dma_start3A_272] : memref<10240x16xf32, #tpu.memory_space<vmem_shared>> -> memref<128x16xf32, #tpu.memory_space<vmem_shared>>
      %dma_start3A_274 = arith.constant 0 : i32
      %dma_start3A_275 = arith.constant 0 : i32
      %dma_start3A_276 = tpu.memref_slice %arg8[%run_scoped3A_32, %dma_start3A_274, %dma_start3A_275] : memref<8x128x16xf32, #tpu.memory_space<vmem>> -> memref<1x128x16xf32, #tpu.memory_space<vmem>>
      %dma_start3A_277 = tpu.memref_squeeze %dma_start3A_276 : memref<1x128x16xf32, #tpu.memory_space<vmem>> -> memref<128x16xf32, #tpu.memory_space<vmem>>
      tpu.enqueue_dma source(%dma_start3A_277 : memref<128x16xf32, #tpu.memory_space<vmem>>) target(%dma_start3A_273 : memref<128x16xf32, #tpu.memory_space<vmem_shared>>) target_semaphore(%run_scoped3A_265 : memref<!tpu.dma_semaphore, #tpu.memory_space<semaphore_mem>>)
      %dma_wait3A_278 = arith.constant 0 : i32
      %dma_wait3A_279 = arith.constant 0 : i32
      %dma_wait3A_280 = tpu.memref_slice %arg8[%run_scoped3A_32, %dma_wait3A_278, %dma_wait3A_279] : memref<8x128x16xf32, #tpu.memory_space<vmem>> -> memref<1x128x16xf32, #tpu.memory_space<vmem>>
      %dma_wait3A_281 = tpu.memref_squeeze %dma_wait3A_280 : memref<1x128x16xf32, #tpu.memory_space<vmem>> -> memref<128x16xf32, #tpu.memory_space<vmem>>
      %dma_wait3A_282 = arith.constant 0 : i32
      %dma_wait3A_283 = tpu.memref_slice %arg9[%add3A_31, %dma_wait3A_282] : memref<10240x16xf32, #tpu.memory_space<vmem_shared>> -> memref<128x16xf32, #tpu.memory_space<vmem_shared>>
      %dma_wait3A_284 = arith.constant 0 : i32
      %dma_wait3A_285 = tpu.memref_slice %arg9[%add3A_31, %dma_wait3A_284] : memref<10240x16xf32, #tpu.memory_space<vmem_shared>> -> memref<128x16xf32, #tpu.memory_space<vmem_shared>>
      %dma_wait3A_286 = arith.constant 0 : i32
      %dma_wait3A_287 = arith.constant 0 : i32
      %dma_wait3A_288 = tpu.memref_slice %arg8[%run_scoped3A_32, %dma_wait3A_286, %dma_wait3A_287] : memref<8x128x16xf32, #tpu.memory_space<vmem>> -> memref<1x128x16xf32, #tpu.memory_space<vmem>>
      %dma_wait3A_289 = tpu.memref_squeeze %dma_wait3A_288 : memref<1x128x16xf32, #tpu.memory_space<vmem>> -> memref<128x16xf32, #tpu.memory_space<vmem>>
      tpu.wait_dma2 semaphore(%run_scoped3A_265 : memref<!tpu.dma_semaphore, #tpu.memory_space<semaphore_mem>>) src(%dma_wait3A_289 : memref<128x16xf32, #tpu.memory_space<vmem>>) dst(%dma_wait3A_285 : memref<128x16xf32, #tpu.memory_space<vmem_shared>>)
      tpu.yield
    }) : () -> ()
    %add3A_33 = arith.constant 512 : i32
    %add3A_34 = arith.addi %multiple_of3A, %add3A_33 : i32
    %run_scoped3A_35 = arith.constant 0 : i32
    "tpu.region"() ({
      %run_scoped3A_265 = tpu.sem_alloc : memref<!tpu.dma_semaphore, #tpu.memory_space<semaphore_mem>>
      %dma_start3A_266 = arith.constant 0 : i32
      %dma_start3A_267 = arith.constant 0 : i32
      %dma_start3A_268 = tpu.memref_slice %arg8[%run_scoped3A_35, %dma_start3A_266, %dma_start3A_267] : memref<8x128x16xf32, #tpu.memory_space<vmem>> -> memref<1x128x16xf32, #tpu.memory_space<vmem>>
      %dma_start3A_269 = tpu.memref_squeeze %dma_start3A_268 : memref<1x128x16xf32, #tpu.memory_space<vmem>> -> memref<128x16xf32, #tpu.memory_space<vmem>>
      %dma_start3A_270 = arith.constant 0 : i32
      %dma_start3A_271 = tpu.memref_slice %arg9[%add3A_34, %dma_start3A_270] : memref<10240x16xf32, #tpu.memory_space<vmem_shared>> -> memref<128x16xf32, #tpu.memory_space<vmem_shared>>
      %dma_start3A_272 = arith.constant 0 : i32
      %dma_start3A_273 = tpu.memref_slice %arg9[%add3A_34, %dma_start3A_272] : memref<10240x16xf32, #tpu.memory_space<vmem_shared>> -> memref<128x16xf32, #tpu.memory_space<vmem_shared>>
      %dma_start3A_274 = arith.constant 0 : i32
      %dma_start3A_275 = arith.constant 0 : i32
      %dma_start3A_276 = tpu.memref_slice %arg8[%run_scoped3A_35, %dma_start3A_274, %dma_start3A_275] : memref<8x128x16xf32, #tpu.memory_space<vmem>> -> memref<1x128x16xf32, #tpu.memory_space<vmem>>
      %dma_start3A_277 = tpu.memref_squeeze %dma_start3A_276 : memref<1x128x16xf32, #tpu.memory_space<vmem>> -> memref<128x16xf32, #tpu.memory_space<vmem>>
      tpu.enqueue_dma source(%dma_start3A_277 : memref<128x16xf32, #tpu.memory_space<vmem>>) target(%dma_start3A_273 : memref<128x16xf32, #tpu.memory_space<vmem_shared>>) target_semaphore(%run_scoped3A_265 : memref<!tpu.dma_semaphore, #tpu.memory_space<semaphore_mem>>)
      %dma_wait3A_278 = arith.constant 0 : i32
      %dma_wait3A_279 = arith.constant 0 : i32
      %dma_wait3A_280 = tpu.memref_slice %arg8[%run_scoped3A_35, %dma_wait3A_278, %dma_wait3A_279] : memref<8x128x16xf32, #tpu.memory_space<vmem>> -> memref<1x128x16xf32, #tpu.memory_space<vmem>>
      %dma_wait3A_281 = tpu.memref_squeeze %dma_wait3A_280 : memref<1x128x16xf32, #tpu.memory_space<vmem>> -> memref<128x16xf32, #tpu.memory_space<vmem>>
      %dma_wait3A_282 = arith.constant 0 : i32
      %dma_wait3A_283 = tpu.memref_slice %arg9[%add3A_34, %dma_wait3A_282] : memref<10240x16xf32, #tpu.memory_space<vmem_shared>> -> memref<128x16xf32, #tpu.memory_space<vmem_shared>>
      %dma_wait3A_284 = arith.constant 0 : i32
      %dma_wait3A_285 = tpu.memref_slice %arg9[%add3A_34, %dma_wait3A_284] : memref<10240x16xf32, #tpu.memory_space<vmem_shared>> -> memref<128x16xf32, #tpu.memory_space<vmem_shared>>
      %dma_wait3A_286 = arith.constant 0 : i32
      %dma_wait3A_287 = arith.constant 0 : i32
      %dma_wait3A_288 = tpu.memref_slice %arg8[%run_scoped3A_35, %dma_wait3A_286, %dma_wait3A_287] : memref<8x128x16xf32, #tpu.memory_space<vmem>> -> memref<1x128x16xf32, #tpu.memory_space<vmem>>
      %dma_wait3A_289 = tpu.memref_squeeze %dma_wait3A_288 : memref<1x128x16xf32, #tpu.memory_space<vmem>> -> memref<128x16xf32, #tpu.memory_space<vmem>>
      tpu.wait_dma2 semaphore(%run_scoped3A_265 : memref<!tpu.dma_semaphore, #tpu.memory_space<semaphore_mem>>) src(%dma_wait3A_289 : memref<128x16xf32, #tpu.memory_space<vmem>>) dst(%dma_wait3A_285 : memref<128x16xf32, #tpu.memory_space<vmem_shared>>)
      tpu.yield
    }) : () -> ()
    %dma_wait3A = arith.constant 0 : i32
    %dma_wait3A_36 = arith.constant 0 : i32
    %dma_wait3A_37 = tpu.memref_slice %arg3[%add3A, %dma_wait3A, %dma_wait3A_36] : memref<32x80x128xi32, #tpu.memory_space<hbm>> -> memref<1x80x128xi32, #tpu.memory_space<hbm>>
    %dma_wait3A_38 = tpu.memref_squeeze %dma_wait3A_37 : memref<1x80x128xi32, #tpu.memory_space<hbm>> -> memref<80x128xi32, #tpu.memory_space<hbm>>
    %dma_wait3A_39 = arith.constant 0 : i32
    %dma_wait3A_40 = arith.constant 0 : i32
    %dma_wait3A_41 = tpu.memref_slice %arg3[%add3A, %dma_wait3A_39, %dma_wait3A_40] : memref<32x80x128xi32, #tpu.memory_space<hbm>> -> memref<1x80x128xi32, #tpu.memory_space<hbm>>
    %dma_wait3A_42 = tpu.memref_squeeze %dma_wait3A_41 : memref<1x80x128xi32, #tpu.memory_space<hbm>> -> memref<80x128xi32, #tpu.memory_space<hbm>>
    tpu.wait_dma2 semaphore(%arg18 : memref<!tpu.dma_semaphore, #tpu.memory_space<semaphore_mem>>) src(%dma_wait3A_42 : memref<80x128xi32, #tpu.memory_space<hbm>>) dst(%arg6 : memref<80x128xi32, #tpu.memory_space<vmem>>)
    %dma_wait3A_43 = arith.constant 0 : i32
    %dma_wait3A_44 = arith.constant 0 : i32
    %dma_wait3A_45 = tpu.memref_slice %arg4[%add3A, %dma_wait3A_43, %dma_wait3A_44] : memref<32x80x128xi32, #tpu.memory_space<hbm>> -> memref<1x80x128xi32, #tpu.memory_space<hbm>>
    %dma_wait3A_46 = tpu.memref_squeeze %dma_wait3A_45 : memref<1x80x128xi32, #tpu.memory_space<hbm>> -> memref<80x128xi32, #tpu.memory_space<hbm>>
    %dma_wait3A_47 = arith.constant 0 : i32
    %dma_wait3A_48 = arith.constant 0 : i32
    %dma_wait3A_49 = tpu.memref_slice %arg4[%add3A, %dma_wait3A_47, %dma_wait3A_48] : memref<32x80x128xi32, #tpu.memory_space<hbm>> -> memref<1x80x128xi32, #tpu.memory_space<hbm>>
    %dma_wait3A_50 = tpu.memref_squeeze %dma_wait3A_49 : memref<1x80x128xi32, #tpu.memory_space<hbm>> -> memref<80x128xi32, #tpu.memory_space<hbm>>
    tpu.wait_dma2 semaphore(%arg19 : memref<!tpu.dma_semaphore, #tpu.memory_space<semaphore_mem>>) src(%dma_wait3A_50 : memref<80x128xi32, #tpu.memory_space<hbm>>) dst(%arg7 : memref<80x128xi32, #tpu.memory_space<vmem>>)
    %barrier3A = arith.constant 0 : index
    tpu.barrier barrier_id(%barrier3A)
    %dma_start3A_51 = arith.constant 0 : i32
    %dma_start3A_52 = arith.constant 0 : i32
    %dma_start3A_53 = arith.constant 0 : i32
    %dma_start3A_54 = arith.constant 0 : i32
    %dma_start3A_55 = tpu.memref_slice %arg8[%dma_start3A_52, %dma_start3A_53, %dma_start3A_54] : memref<8x128x16xf32, #tpu.memory_space<vmem>> -> memref<1x128x16xf32, #tpu.memory_space<vmem>>
    %dma_start3A_56 = tpu.memref_squeeze %dma_start3A_55 : memref<1x128x16xf32, #tpu.memory_space<vmem>> -> memref<128x16xf32, #tpu.memory_space<vmem>>
    %dma_start3A_57 = arith.constant 0 : i32
    %dma_start3A_58 = tpu.memref_slice %arg6[%dma_start3A_51, %dma_start3A_57] : memref<80x128xi32, #tpu.memory_space<vmem>> -> memref<1x128xi32, #tpu.memory_space<vmem>>
    %dma_start3A_59 = tpu.memref_squeeze %dma_start3A_58 : memref<1x128xi32, #tpu.memory_space<vmem>> -> memref<128xi32, #tpu.memory_space<vmem>>
    %dma_start3A_60 = arith.constant 0 : i32
    %dma_start3A_61 = arith.constant 0 : i32
    %dma_start3A_62 = tpu.memref_slice %arg2[%dma_start3A_60, %dma_start3A_61] : memref<10240x16xf32, #tpu.memory_space<hbm>> -> memref<10240x16xf32, #tpu.memory_space<hbm>>
    tpu.enqueue_indirect_dma source(%dma_start3A_62 : memref<10240x16xf32, #tpu.memory_space<hbm>>) target(%dma_start3A_56 : memref<128x16xf32, #tpu.memory_space<vmem>>) offsets(%dma_start3A_59 : memref<128xi32, #tpu.memory_space<vmem>>) semaphore(%arg10 : memref<!tpu.dma_semaphore, #tpu.memory_space<semaphore_mem>>)
    %dma_start3A_63 = arith.constant 1 : i32
    %dma_start3A_64 = arith.constant 1 : i32
    %dma_start3A_65 = arith.constant 0 : i32
    %dma_start3A_66 = arith.constant 0 : i32
    %dma_start3A_67 = tpu.memref_slice %arg8[%dma_start3A_64, %dma_start3A_65, %dma_start3A_66] : memref<8x128x16xf32, #tpu.memory_space<vmem>> -> memref<1x128x16xf32, #tpu.memory_space<vmem>>
    %dma_start3A_68 = tpu.memref_squeeze %dma_start3A_67 : memref<1x128x16xf32, #tpu.memory_space<vmem>> -> memref<128x16xf32, #tpu.memory_space<vmem>>
    %dma_start3A_69 = arith.constant 0 : i32
    %dma_start3A_70 = tpu.memref_slice %arg6[%dma_start3A_63, %dma_start3A_69] : memref<80x128xi32, #tpu.memory_space<vmem>> -> memref<1x128xi32, #tpu.memory_space<vmem>>
    %dma_start3A_71 = tpu.memref_squeeze %dma_start3A_70 : memref<1x128xi32, #tpu.memory_space<vmem>> -> memref<128xi32, #tpu.memory_space<vmem>>
    %dma_start3A_72 = arith.constant 0 : i32
    %dma_start3A_73 = arith.constant 0 : i32
    %dma_start3A_74 = tpu.memref_slice %arg2[%dma_start3A_72, %dma_start3A_73] : memref<10240x16xf32, #tpu.memory_space<hbm>> -> memref<10240x16xf32, #tpu.memory_space<hbm>>
    tpu.enqueue_indirect_dma source(%dma_start3A_74 : memref<10240x16xf32, #tpu.memory_space<hbm>>) target(%dma_start3A_68 : memref<128x16xf32, #tpu.memory_space<vmem>>) offsets(%dma_start3A_71 : memref<128xi32, #tpu.memory_space<vmem>>) semaphore(%arg11 : memref<!tpu.dma_semaphore, #tpu.memory_space<semaphore_mem>>)
    %dma_start3A_75 = arith.constant 2 : i32
    %dma_start3A_76 = arith.constant 2 : i32
    %dma_start3A_77 = arith.constant 0 : i32
    %dma_start3A_78 = arith.constant 0 : i32
    %dma_start3A_79 = tpu.memref_slice %arg8[%dma_start3A_76, %dma_start3A_77, %dma_start3A_78] : memref<8x128x16xf32, #tpu.memory_space<vmem>> -> memref<1x128x16xf32, #tpu.memory_space<vmem>>
    %dma_start3A_80 = tpu.memref_squeeze %dma_start3A_79 : memref<1x128x16xf32, #tpu.memory_space<vmem>> -> memref<128x16xf32, #tpu.memory_space<vmem>>
    %dma_start3A_81 = arith.constant 0 : i32
    %dma_start3A_82 = tpu.memref_slice %arg6[%dma_start3A_75, %dma_start3A_81] : memref<80x128xi32, #tpu.memory_space<vmem>> -> memref<1x128xi32, #tpu.memory_space<vmem>>
    %dma_start3A_83 = tpu.memref_squeeze %dma_start3A_82 : memref<1x128xi32, #tpu.memory_space<vmem>> -> memref<128xi32, #tpu.memory_space<vmem>>
    %dma_start3A_84 = arith.constant 0 : i32
    %dma_start3A_85 = arith.constant 0 : i32
    %dma_start3A_86 = tpu.memref_slice %arg2[%dma_start3A_84, %dma_start3A_85] : memref<10240x16xf32, #tpu.memory_space<hbm>> -> memref<10240x16xf32, #tpu.memory_space<hbm>>
    tpu.enqueue_indirect_dma source(%dma_start3A_86 : memref<10240x16xf32, #tpu.memory_space<hbm>>) target(%dma_start3A_80 : memref<128x16xf32, #tpu.memory_space<vmem>>) offsets(%dma_start3A_83 : memref<128xi32, #tpu.memory_space<vmem>>) semaphore(%arg12 : memref<!tpu.dma_semaphore, #tpu.memory_space<semaphore_mem>>)
    %dma_start3A_87 = arith.constant 3 : i32
    %dma_start3A_88 = arith.constant 3 : i32
    %dma_start3A_89 = arith.constant 0 : i32
    %dma_start3A_90 = arith.constant 0 : i32
    %dma_start3A_91 = tpu.memref_slice %arg8[%dma_start3A_88, %dma_start3A_89, %dma_start3A_90] : memref<8x128x16xf32, #tpu.memory_space<vmem>> -> memref<1x128x16xf32, #tpu.memory_space<vmem>>
    %dma_start3A_92 = tpu.memref_squeeze %dma_start3A_91 : memref<1x128x16xf32, #tpu.memory_space<vmem>> -> memref<128x16xf32, #tpu.memory_space<vmem>>
    %dma_start3A_93 = arith.constant 0 : i32
    %dma_start3A_94 = tpu.memref_slice %arg6[%dma_start3A_87, %dma_start3A_93] : memref<80x128xi32, #tpu.memory_space<vmem>> -> memref<1x128xi32, #tpu.memory_space<vmem>>
    %dma_start3A_95 = tpu.memref_squeeze %dma_start3A_94 : memref<1x128xi32, #tpu.memory_space<vmem>> -> memref<128xi32, #tpu.memory_space<vmem>>
    %dma_start3A_96 = arith.constant 0 : i32
    %dma_start3A_97 = arith.constant 0 : i32
    %dma_start3A_98 = tpu.memref_slice %arg2[%dma_start3A_96, %dma_start3A_97] : memref<10240x16xf32, #tpu.memory_space<hbm>> -> memref<10240x16xf32, #tpu.memory_space<hbm>>
    tpu.enqueue_indirect_dma source(%dma_start3A_98 : memref<10240x16xf32, #tpu.memory_space<hbm>>) target(%dma_start3A_92 : memref<128x16xf32, #tpu.memory_space<vmem>>) offsets(%dma_start3A_95 : memref<128xi32, #tpu.memory_space<vmem>>) semaphore(%arg13 : memref<!tpu.dma_semaphore, #tpu.memory_space<semaphore_mem>>)
    %dma_start3A_99 = arith.constant 4 : i32
    %dma_start3A_100 = arith.constant 4 : i32
    %dma_start3A_101 = arith.constant 0 : i32
    %dma_start3A_102 = arith.constant 0 : i32
    %dma_start3A_103 = tpu.memref_slice %arg8[%dma_start3A_100, %dma_start3A_101, %dma_start3A_102] : memref<8x128x16xf32, #tpu.memory_space<vmem>> -> memref<1x128x16xf32, #tpu.memory_space<vmem>>
    %dma_start3A_104 = tpu.memref_squeeze %dma_start3A_103 : memref<1x128x16xf32, #tpu.memory_space<vmem>> -> memref<128x16xf32, #tpu.memory_space<vmem>>
    %dma_start3A_105 = arith.constant 0 : i32
    %dma_start3A_106 = tpu.memref_slice %arg6[%dma_start3A_99, %dma_start3A_105] : memref<80x128xi32, #tpu.memory_space<vmem>> -> memref<1x128xi32, #tpu.memory_space<vmem>>
    %dma_start3A_107 = tpu.memref_squeeze %dma_start3A_106 : memref<1x128xi32, #tpu.memory_space<vmem>> -> memref<128xi32, #tpu.memory_space<vmem>>
    %dma_start3A_108 = arith.constant 0 : i32
    %dma_start3A_109 = arith.constant 0 : i32
    %dma_start3A_110 = tpu.memref_slice %arg2[%dma_start3A_108, %dma_start3A_109] : memref<10240x16xf32, #tpu.memory_space<hbm>> -> memref<10240x16xf32, #tpu.memory_space<hbm>>
    tpu.enqueue_indirect_dma source(%dma_start3A_110 : memref<10240x16xf32, #tpu.memory_space<hbm>>) target(%dma_start3A_104 : memref<128x16xf32, #tpu.memory_space<vmem>>) offsets(%dma_start3A_107 : memref<128xi32, #tpu.memory_space<vmem>>) semaphore(%arg14 : memref<!tpu.dma_semaphore, #tpu.memory_space<semaphore_mem>>)
    %dma_start3A_111 = arith.constant 5 : i32
    %dma_start3A_112 = arith.constant 5 : i32
    %dma_start3A_113 = arith.constant 0 : i32
    %dma_start3A_114 = arith.constant 0 : i32
    %dma_start3A_115 = tpu.memref_slice %arg8[%dma_start3A_112, %dma_start3A_113, %dma_start3A_114] : memref<8x128x16xf32, #tpu.memory_space<vmem>> -> memref<1x128x16xf32, #tpu.memory_space<vmem>>
    %dma_start3A_116 = tpu.memref_squeeze %dma_start3A_115 : memref<1x128x16xf32, #tpu.memory_space<vmem>> -> memref<128x16xf32, #tpu.memory_space<vmem>>
    %dma_start3A_117 = arith.constant 0 : i32
    %dma_start3A_118 = tpu.memref_slice %arg6[%dma_start3A_111, %dma_start3A_117] : memref<80x128xi32, #tpu.memory_space<vmem>> -> memref<1x128xi32, #tpu.memory_space<vmem>>
    %dma_start3A_119 = tpu.memref_squeeze %dma_start3A_118 : memref<1x128xi32, #tpu.memory_space<vmem>> -> memref<128xi32, #tpu.memory_space<vmem>>
    %dma_start3A_120 = arith.constant 0 : i32
    %dma_start3A_121 = arith.constant 0 : i32
    %dma_start3A_122 = tpu.memref_slice %arg2[%dma_start3A_120, %dma_start3A_121] : memref<10240x16xf32, #tpu.memory_space<hbm>> -> memref<10240x16xf32, #tpu.memory_space<hbm>>
    tpu.enqueue_indirect_dma source(%dma_start3A_122 : memref<10240x16xf32, #tpu.memory_space<hbm>>) target(%dma_start3A_116 : memref<128x16xf32, #tpu.memory_space<vmem>>) offsets(%dma_start3A_119 : memref<128xi32, #tpu.memory_space<vmem>>) semaphore(%arg15 : memref<!tpu.dma_semaphore, #tpu.memory_space<semaphore_mem>>)
    %dma_start3A_123 = arith.constant 6 : i32
    %dma_start3A_124 = arith.constant 6 : i32
    %dma_start3A_125 = arith.constant 0 : i32
    %dma_start3A_126 = arith.constant 0 : i32
    %dma_start3A_127 = tpu.memref_slice %arg8[%dma_start3A_124, %dma_start3A_125, %dma_start3A_126] : memref<8x128x16xf32, #tpu.memory_space<vmem>> -> memref<1x128x16xf32, #tpu.memory_space<vmem>>
    %dma_start3A_128 = tpu.memref_squeeze %dma_start3A_127 : memref<1x128x16xf32, #tpu.memory_space<vmem>> -> memref<128x16xf32, #tpu.memory_space<vmem>>
    %dma_start3A_129 = arith.constant 0 : i32
    %dma_start3A_130 = tpu.memref_slice %arg6[%dma_start3A_123, %dma_start3A_129] : memref<80x128xi32, #tpu.memory_space<vmem>> -> memref<1x128xi32, #tpu.memory_space<vmem>>
    %dma_start3A_131 = tpu.memref_squeeze %dma_start3A_130 : memref<1x128xi32, #tpu.memory_space<vmem>> -> memref<128xi32, #tpu.memory_space<vmem>>
    %dma_start3A_132 = arith.constant 0 : i32
    %dma_start3A_133 = arith.constant 0 : i32
    %dma_start3A_134 = tpu.memref_slice %arg2[%dma_start3A_132, %dma_start3A_133] : memref<10240x16xf32, #tpu.memory_space<hbm>> -> memref<10240x16xf32, #tpu.memory_space<hbm>>
    tpu.enqueue_indirect_dma source(%dma_start3A_134 : memref<10240x16xf32, #tpu.memory_space<hbm>>) target(%dma_start3A_128 : memref<128x16xf32, #tpu.memory_space<vmem>>) offsets(%dma_start3A_131 : memref<128xi32, #tpu.memory_space<vmem>>) semaphore(%arg16 : memref<!tpu.dma_semaphore, #tpu.memory_space<semaphore_mem>>)
    %dma_start3A_135 = arith.constant 7 : i32
    %dma_start3A_136 = arith.constant 7 : i32
    %dma_start3A_137 = arith.constant 0 : i32
    %dma_start3A_138 = arith.constant 0 : i32
    %dma_start3A_139 = tpu.memref_slice %arg8[%dma_start3A_136, %dma_start3A_137, %dma_start3A_138] : memref<8x128x16xf32, #tpu.memory_space<vmem>> -> memref<1x128x16xf32, #tpu.memory_space<vmem>>
    %dma_start3A_140 = tpu.memref_squeeze %dma_start3A_139 : memref<1x128x16xf32, #tpu.memory_space<vmem>> -> memref<128x16xf32, #tpu.memory_space<vmem>>
    %dma_start3A_141 = arith.constant 0 : i32
    %dma_start3A_142 = tpu.memref_slice %arg6[%dma_start3A_135, %dma_start3A_141] : memref<80x128xi32, #tpu.memory_space<vmem>> -> memref<1x128xi32, #tpu.memory_space<vmem>>
    %dma_start3A_143 = tpu.memref_squeeze %dma_start3A_142 : memref<1x128xi32, #tpu.memory_space<vmem>> -> memref<128xi32, #tpu.memory_space<vmem>>
    %dma_start3A_144 = arith.constant 0 : i32
    %dma_start3A_145 = arith.constant 0 : i32
    %dma_start3A_146 = tpu.memref_slice %arg2[%dma_start3A_144, %dma_start3A_145] : memref<10240x16xf32, #tpu.memory_space<hbm>> -> memref<10240x16xf32, #tpu.memory_space<hbm>>
    tpu.enqueue_indirect_dma source(%dma_start3A_146 : memref<10240x16xf32, #tpu.memory_space<hbm>>) target(%dma_start3A_140 : memref<128x16xf32, #tpu.memory_space<vmem>>) offsets(%dma_start3A_143 : memref<128xi32, #tpu.memory_space<vmem>>) semaphore(%arg17 : memref<!tpu.dma_semaphore, #tpu.memory_space<semaphore_mem>>)
    %scan3A_147 = arith.constant 0 : i32
    %scan3A_148 = arith.constant 9 : i32
    %scan3A_149 = arith.addi %scan3A_147, %scan3A_148 : i32
    %scan3A_150 = arith.constant 1 : i32
    scf.for %scan3A_265 = %scan3A_147 to %scan3A_149 step %scan3A_150  : i32 {
      %mul3A_266 = arith.constant 1 : i32
      %mul3A_267 = arith.muli %scan3A_265, %mul3A_266 : i32
      %add3A_268 = arith.constant 0 : i32
      %add3A_269 = arith.addi %add3A_268, %mul3A_267 : i32
      %mul3A_270 = arith.constant 8 : i32
      %mul3A_271 = arith.muli %add3A_269, %mul3A_270 : i32
      %dma_wait3A_272 = arith.constant 0 : i32
      %dma_wait3A_273 = arith.constant 0 : i32
      %dma_wait3A_274 = arith.constant 0 : i32
      %dma_wait3A_275 = arith.constant 0 : i32
      %dma_wait3A_276 = tpu.memref_slice %arg8[%dma_wait3A_273, %dma_wait3A_274, %dma_wait3A_275] : memref<8x128x16xf32, #tpu.memory_space<vmem>> -> memref<1x128x16xf32, #tpu.memory_space<vmem>>
      %dma_wait3A_277 = tpu.memref_squeeze %dma_wait3A_276 : memref<1x128x16xf32, #tpu.memory_space<vmem>> -> memref<128x16xf32, #tpu.memory_space<vmem>>
      %dma_wait3A_278 = arith.constant 0 : i32
      %dma_wait3A_279 = tpu.memref_slice %arg6[%dma_wait3A_272, %dma_wait3A_278] : memref<80x128xi32, #tpu.memory_space<vmem>> -> memref<1x128xi32, #tpu.memory_space<vmem>>
      %dma_wait3A_280 = tpu.memref_squeeze %dma_wait3A_279 : memref<1x128xi32, #tpu.memory_space<vmem>> -> memref<128xi32, #tpu.memory_space<vmem>>
      %dma_wait3A_281 = arith.constant 0 : i32
      %dma_wait3A_282 = arith.constant 0 : i32
      %dma_wait3A_283 = tpu.memref_slice %arg2[%dma_wait3A_281, %dma_wait3A_282] : memref<10240x16xf32, #tpu.memory_space<hbm>> -> memref<10240x16xf32, #tpu.memory_space<hbm>>
      tpu.wait_indirect_dma semaphore(%arg10 : memref<!tpu.dma_semaphore, #tpu.memory_space<semaphore_mem>>) src(%dma_wait3A_283 : memref<10240x16xf32, #tpu.memory_space<hbm>>) dst(%dma_wait3A_277 : memref<128x16xf32, #tpu.memory_space<vmem>>)
      %add3A_284 = arith.constant 0 : i32
      %add3A_285 = arith.addi %mul3A_271, %add3A_284 : i32
      %run_scoped3A_286 = arith.constant 0 : i32
      "tpu.region"() ({
        %run_scoped3A_512 = tpu.sem_alloc : memref<!tpu.dma_semaphore, #tpu.memory_space<semaphore_mem>>
        %dma_start3A_513 = arith.constant 0 : i32
        %dma_start3A_514 = arith.constant 0 : i32
        %dma_start3A_515 = tpu.memref_slice %arg8[%run_scoped3A_286, %dma_start3A_513, %dma_start3A_514] : memref<8x128x16xf32, #tpu.memory_space<vmem>> -> memref<1x128x16xf32, #tpu.memory_space<vmem>>
        %dma_start3A_516 = tpu.memref_squeeze %dma_start3A_515 : memref<1x128x16xf32, #tpu.memory_space<vmem>> -> memref<128x16xf32, #tpu.memory_space<vmem>>
        %dma_start3A_517 = arith.constant 0 : i32
        %dma_start3A_518 = tpu.memref_slice %arg7[%add3A_285, %dma_start3A_517] : memref<80x128xi32, #tpu.memory_space<vmem>> -> memref<1x128xi32, #tpu.memory_space<vmem>>
        %dma_start3A_519 = tpu.memref_squeeze %dma_start3A_518 : memref<1x128xi32, #tpu.memory_space<vmem>> -> memref<128xi32, #tpu.memory_space<vmem>>
        %dma_start3A_520 = arith.constant 0 : i32
        %dma_start3A_521 = arith.constant 0 : i32
        %dma_start3A_522 = tpu.memref_slice %arg9[%dma_start3A_520, %dma_start3A_521] : memref<10240x16xf32, #tpu.memory_space<vmem_shared>> -> memref<10240x16xf32, #tpu.memory_space<vmem_shared>>
        tpu.enqueue_indirect_dma source(%dma_start3A_516 : memref<128x16xf32, #tpu.memory_space<vmem>>) target(%dma_start3A_522 : memref<10240x16xf32, #tpu.memory_space<vmem_shared>>) offsets(%dma_start3A_519 : memref<128xi32, #tpu.memory_space<vmem>>) semaphore(%run_scoped3A_512 : memref<!tpu.dma_semaphore, #tpu.memory_space<semaphore_mem>>) {add = true}
        %dma_wait3A_523 = arith.constant 0 : i32
        %dma_wait3A_524 = arith.constant 0 : i32
        %dma_wait3A_525 = tpu.memref_slice %arg8[%run_scoped3A_286, %dma_wait3A_523, %dma_wait3A_524] : memref<8x128x16xf32, #tpu.memory_space<vmem>> -> memref<1x128x16xf32, #tpu.memory_space<vmem>>
        %dma_wait3A_526 = tpu.memref_squeeze %dma_wait3A_525 : memref<1x128x16xf32, #tpu.memory_space<vmem>> -> memref<128x16xf32, #tpu.memory_space<vmem>>
        %dma_wait3A_527 = arith.constant 0 : i32
        %dma_wait3A_528 = tpu.memref_slice %arg7[%add3A_285, %dma_wait3A_527] : memref<80x128xi32, #tpu.memory_space<vmem>> -> memref<1x128xi32, #tpu.memory_space<vmem>>
        %dma_wait3A_529 = tpu.memref_squeeze %dma_wait3A_528 : memref<1x128xi32, #tpu.memory_space<vmem>> -> memref<128xi32, #tpu.memory_space<vmem>>
        %dma_wait3A_530 = arith.constant 0 : i32
        %dma_wait3A_531 = arith.constant 0 : i32
        %dma_wait3A_532 = tpu.memref_slice %arg9[%dma_wait3A_530, %dma_wait3A_531] : memref<10240x16xf32, #tpu.memory_space<vmem_shared>> -> memref<10240x16xf32, #tpu.memory_space<vmem_shared>>
        tpu.wait_indirect_dma semaphore(%run_scoped3A_512 : memref<!tpu.dma_semaphore, #tpu.memory_space<semaphore_mem>>) src(%dma_wait3A_526 : memref<128x16xf32, #tpu.memory_space<vmem>>) dst(%dma_wait3A_532 : memref<10240x16xf32, #tpu.memory_space<vmem_shared>>)
        tpu.yield
      }) : () -> ()
      %add3A_287 = arith.constant 8 : i32
      %add3A_288 = arith.addi %mul3A_271, %add3A_287 : i32
      %add3A_289 = arith.constant 0 : i32
      %add3A_290 = arith.addi %add3A_288, %add3A_289 : i32
      %dma_start3A_291 = arith.constant 0 : i32
      %dma_start3A_292 = arith.constant 0 : i32
      %dma_start3A_293 = arith.constant 0 : i32
      %dma_start3A_294 = tpu.memref_slice %arg8[%dma_start3A_291, %dma_start3A_292, %dma_start3A_293] : memref<8x128x16xf32, #tpu.memory_space<vmem>> -> memref<1x128x16xf32, #tpu.memory_space<vmem>>
      %dma_start3A_295 = tpu.memref_squeeze %dma_start3A_294 : memref<1x128x16xf32, #tpu.memory_space<vmem>> -> memref<128x16xf32, #tpu.memory_space<vmem>>
      %dma_start3A_296 = arith.constant 0 : i32
      %dma_start3A_297 = tpu.memref_slice %arg6[%add3A_290, %dma_start3A_296] : memref<80x128xi32, #tpu.memory_space<vmem>> -> memref<1x128xi32, #tpu.memory_space<vmem>>
      %dma_start3A_298 = tpu.memref_squeeze %dma_start3A_297 : memref<1x128xi32, #tpu.memory_space<vmem>> -> memref<128xi32, #tpu.memory_space<vmem>>
      %dma_start3A_299 = arith.constant 0 : i32
      %dma_start3A_300 = arith.constant 0 : i32
      %dma_start3A_301 = tpu.memref_slice %arg2[%dma_start3A_299, %dma_start3A_300] : memref<10240x16xf32, #tpu.memory_space<hbm>> -> memref<10240x16xf32, #tpu.memory_space<hbm>>
      tpu.enqueue_indirect_dma source(%dma_start3A_301 : memref<10240x16xf32, #tpu.memory_space<hbm>>) target(%dma_start3A_295 : memref<128x16xf32, #tpu.memory_space<vmem>>) offsets(%dma_start3A_298 : memref<128xi32, #tpu.memory_space<vmem>>) semaphore(%arg10 : memref<!tpu.dma_semaphore, #tpu.memory_space<semaphore_mem>>)
      %dma_wait3A_302 = arith.constant 1 : i32
      %dma_wait3A_303 = arith.constant 1 : i32
      %dma_wait3A_304 = arith.constant 0 : i32
      %dma_wait3A_305 = arith.constant 0 : i32
      %dma_wait3A_306 = tpu.memref_slice %arg8[%dma_wait3A_303, %dma_wait3A_304, %dma_wait3A_305] : memref<8x128x16xf32, #tpu.memory_space<vmem>> -> memref<1x128x16xf32, #tpu.memory_space<vmem>>
      %dma_wait3A_307 = tpu.memref_squeeze %dma_wait3A_306 : memref<1x128x16xf32, #tpu.memory_space<vmem>> -> memref<128x16xf32, #tpu.memory_space<vmem>>
      %dma_wait3A_308 = arith.constant 0 : i32
      %dma_wait3A_309 = tpu.memref_slice %arg6[%dma_wait3A_302, %dma_wait3A_308] : memref<80x128xi32, #tpu.memory_space<vmem>> -> memref<1x128xi32, #tpu.memory_space<vmem>>
      %dma_wait3A_310 = tpu.memref_squeeze %dma_wait3A_309 : memref<1x128xi32, #tpu.memory_space<vmem>> -> memref<128xi32, #tpu.memory_space<vmem>>
      %dma_wait3A_311 = arith.constant 0 : i32
      %dma_wait3A_312 = arith.constant 0 : i32
      %dma_wait3A_313 = tpu.memref_slice %arg2[%dma_wait3A_311, %dma_wait3A_312] : memref<10240x16xf32, #tpu.memory_space<hbm>> -> memref<10240x16xf32, #tpu.memory_space<hbm>>
      tpu.wait_indirect_dma semaphore(%arg11 : memref<!tpu.dma_semaphore, #tpu.memory_space<semaphore_mem>>) src(%dma_wait3A_313 : memref<10240x16xf32, #tpu.memory_space<hbm>>) dst(%dma_wait3A_307 : memref<128x16xf32, #tpu.memory_space<vmem>>)
      %add3A_314 = arith.constant 1 : i32
      %add3A_315 = arith.addi %mul3A_271, %add3A_314 : i32
      %run_scoped3A_316 = arith.constant 1 : i32
      "tpu.region"() ({
        %run_scoped3A_512 = tpu.sem_alloc : memref<!tpu.dma_semaphore, #tpu.memory_space<semaphore_mem>>
        %dma_start3A_513 = arith.constant 0 : i32
        %dma_start3A_514 = arith.constant 0 : i32
        %dma_start3A_515 = tpu.memref_slice %arg8[%run_scoped3A_316, %dma_start3A_513, %dma_start3A_514] : memref<8x128x16xf32, #tpu.memory_space<vmem>> -> memref<1x128x16xf32, #tpu.memory_space<vmem>>
        %dma_start3A_516 = tpu.memref_squeeze %dma_start3A_515 : memref<1x128x16xf32, #tpu.memory_space<vmem>> -> memref<128x16xf32, #tpu.memory_space<vmem>>
        %dma_start3A_517 = arith.constant 0 : i32
        %dma_start3A_518 = tpu.memref_slice %arg7[%add3A_315, %dma_start3A_517] : memref<80x128xi32, #tpu.memory_space<vmem>> -> memref<1x128xi32, #tpu.memory_space<vmem>>
        %dma_start3A_519 = tpu.memref_squeeze %dma_start3A_518 : memref<1x128xi32, #tpu.memory_space<vmem>> -> memref<128xi32, #tpu.memory_space<vmem>>
        %dma_start3A_520 = arith.constant 0 : i32
        %dma_start3A_521 = arith.constant 0 : i32
        %dma_start3A_522 = tpu.memref_slice %arg9[%dma_start3A_520, %dma_start3A_521] : memref<10240x16xf32, #tpu.memory_space<vmem_shared>> -> memref<10240x16xf32, #tpu.memory_space<vmem_shared>>
        tpu.enqueue_indirect_dma source(%dma_start3A_516 : memref<128x16xf32, #tpu.memory_space<vmem>>) target(%dma_start3A_522 : memref<10240x16xf32, #tpu.memory_space<vmem_shared>>) offsets(%dma_start3A_519 : memref<128xi32, #tpu.memory_space<vmem>>) semaphore(%run_scoped3A_512 : memref<!tpu.dma_semaphore, #tpu.memory_space<semaphore_mem>>) {add = true}
        %dma_wait3A_523 = arith.constant 0 : i32
        %dma_wait3A_524 = arith.constant 0 : i32
        %dma_wait3A_525 = tpu.memref_slice %arg8[%run_scoped3A_316, %dma_wait3A_523, %dma_wait3A_524] : memref<8x128x16xf32, #tpu.memory_space<vmem>> -> memref<1x128x16xf32, #tpu.memory_space<vmem>>
        %dma_wait3A_526 = tpu.memref_squeeze %dma_wait3A_525 : memref<1x128x16xf32, #tpu.memory_space<vmem>> -> memref<128x16xf32, #tpu.memory_space<vmem>>
        %dma_wait3A_527 = arith.constant 0 : i32
        %dma_wait3A_528 = tpu.memref_slice %arg7[%add3A_315, %dma_wait3A_527] : memref<80x128xi32, #tpu.memory_space<vmem>> -> memref<1x128xi32, #tpu.memory_space<vmem>>
        %dma_wait3A_529 = tpu.memref_squeeze %dma_wait3A_528 : memref<1x128xi32, #tpu.memory_space<vmem>> -> memref<128xi32, #tpu.memory_space<vmem>>
        %dma_wait3A_530 = arith.constant 0 : i32
        %dma_wait3A_531 = arith.constant 0 : i32
        %dma_wait3A_532 = tpu.memref_slice %arg9[%dma_wait3A_530, %dma_wait3A_531] : memref<10240x16xf32, #tpu.memory_space<vmem_shared>> -> memref<10240x16xf32, #tpu.memory_space<vmem_shared>>
        tpu.wait_indirect_dma semaphore(%run_scoped3A_512 : memref<!tpu.dma_semaphore, #tpu.memory_space<semaphore_mem>>) src(%dma_wait3A_526 : memref<128x16xf32, #tpu.memory_space<vmem>>) dst(%dma_wait3A_532 : memref<10240x16xf32, #tpu.memory_space<vmem_shared>>)
        tpu.yield
      }) : () -> ()
      %add3A_317 = arith.constant 8 : i32
      %add3A_318 = arith.addi %mul3A_271, %add3A_317 : i32
      %add3A_319 = arith.constant 1 : i32
      %add3A_320 = arith.addi %add3A_318, %add3A_319 : i32
      %dma_start3A_321 = arith.constant 1 : i32
      %dma_start3A_322 = arith.constant 0 : i32
      %dma_start3A_323 = arith.constant 0 : i32
      %dma_start3A_324 = tpu.memref_slice %arg8[%dma_start3A_321, %dma_start3A_322, %dma_start3A_323] : memref<8x128x16xf32, #tpu.memory_space<vmem>> -> memref<1x128x16xf32, #tpu.memory_space<vmem>>
      %dma_start3A_325 = tpu.memref_squeeze %dma_start3A_324 : memref<1x128x16xf32, #tpu.memory_space<vmem>> -> memref<128x16xf32, #tpu.memory_space<vmem>>
      %dma_start3A_326 = arith.constant 0 : i32
      %dma_start3A_327 = tpu.memref_slice %arg6[%add3A_320, %dma_start3A_326] : memref<80x128xi32, #tpu.memory_space<vmem>> -> memref<1x128xi32, #tpu.memory_space<vmem>>
      %dma_start3A_328 = tpu.memref_squeeze %dma_start3A_327 : memref<1x128xi32, #tpu.memory_space<vmem>> -> memref<128xi32, #tpu.memory_space<vmem>>
      %dma_start3A_329 = arith.constant 0 : i32
      %dma_start3A_330 = arith.constant 0 : i32
      %dma_start3A_331 = tpu.memref_slice %arg2[%dma_start3A_329, %dma_start3A_330] : memref<10240x16xf32, #tpu.memory_space<hbm>> -> memref<10240x16xf32, #tpu.memory_space<hbm>>
      tpu.enqueue_indirect_dma source(%dma_start3A_331 : memref<10240x16xf32, #tpu.memory_space<hbm>>) target(%dma_start3A_325 : memref<128x16xf32, #tpu.memory_space<vmem>>) offsets(%dma_start3A_328 : memref<128xi32, #tpu.memory_space<vmem>>) semaphore(%arg11 : memref<!tpu.dma_semaphore, #tpu.memory_space<semaphore_mem>>)
      %dma_wait3A_332 = arith.constant 2 : i32
      %dma_wait3A_333 = arith.constant 2 : i32
      %dma_wait3A_334 = arith.constant 0 : i32
      %dma_wait3A_335 = arith.constant 0 : i32
      %dma_wait3A_336 = tpu.memref_slice %arg8[%dma_wait3A_333, %dma_wait3A_334, %dma_wait3A_335] : memref<8x128x16xf32, #tpu.memory_space<vmem>> -> memref<1x128x16xf32, #tpu.memory_space<vmem>>
      %dma_wait3A_337 = tpu.memref_squeeze %dma_wait3A_336 : memref<1x128x16xf32, #tpu.memory_space<vmem>> -> memref<128x16xf32, #tpu.memory_space<vmem>>
      %dma_wait3A_338 = arith.constant 0 : i32
      %dma_wait3A_339 = tpu.memref_slice %arg6[%dma_wait3A_332, %dma_wait3A_338] : memref<80x128xi32, #tpu.memory_space<vmem>> -> memref<1x128xi32, #tpu.memory_space<vmem>>
      %dma_wait3A_340 = tpu.memref_squeeze %dma_wait3A_339 : memref<1x128xi32, #tpu.memory_space<vmem>> -> memref<128xi32, #tpu.memory_space<vmem>>
      %dma_wait3A_341 = arith.constant 0 : i32
      %dma_wait3A_342 = arith.constant 0 : i32
      %dma_wait3A_343 = tpu.memref_slice %arg2[%dma_wait3A_341, %dma_wait3A_342] : memref<10240x16xf32, #tpu.memory_space<hbm>> -> memref<10240x16xf32, #tpu.memory_space<hbm>>
      tpu.wait_indirect_dma semaphore(%arg12 : memref<!tpu.dma_semaphore, #tpu.memory_space<semaphore_mem>>) src(%dma_wait3A_343 : memref<10240x16xf32, #tpu.memory_space<hbm>>) dst(%dma_wait3A_337 : memref<128x16xf32, #tpu.memory_space<vmem>>)
      %add3A_344 = arith.constant 2 : i32
      %add3A_345 = arith.addi %mul3A_271, %add3A_344 : i32
      %run_scoped3A_346 = arith.constant 2 : i32
      "tpu.region"() ({
        %run_scoped3A_512 = tpu.sem_alloc : memref<!tpu.dma_semaphore, #tpu.memory_space<semaphore_mem>>
        %dma_start3A_513 = arith.constant 0 : i32
        %dma_start3A_514 = arith.constant 0 : i32
        %dma_start3A_515 = tpu.memref_slice %arg8[%run_scoped3A_346, %dma_start3A_513, %dma_start3A_514] : memref<8x128x16xf32, #tpu.memory_space<vmem>> -> memref<1x128x16xf32, #tpu.memory_space<vmem>>
        %dma_start3A_516 = tpu.memref_squeeze %dma_start3A_515 : memref<1x128x16xf32, #tpu.memory_space<vmem>> -> memref<128x16xf32, #tpu.memory_space<vmem>>
        %dma_start3A_517 = arith.constant 0 : i32
        %dma_start3A_518 = tpu.memref_slice %arg7[%add3A_345, %dma_start3A_517] : memref<80x128xi32, #tpu.memory_space<vmem>> -> memref<1x128xi32, #tpu.memory_space<vmem>>
        %dma_start3A_519 = tpu.memref_squeeze %dma_start3A_518 : memref<1x128xi32, #tpu.memory_space<vmem>> -> memref<128xi32, #tpu.memory_space<vmem>>
        %dma_start3A_520 = arith.constant 0 : i32
        %dma_start3A_521 = arith.constant 0 : i32
        %dma_start3A_522 = tpu.memref_slice %arg9[%dma_start3A_520, %dma_start3A_521] : memref<10240x16xf32, #tpu.memory_space<vmem_shared>> -> memref<10240x16xf32, #tpu.memory_space<vmem_shared>>
        tpu.enqueue_indirect_dma source(%dma_start3A_516 : memref<128x16xf32, #tpu.memory_space<vmem>>) target(%dma_start3A_522 : memref<10240x16xf32, #tpu.memory_space<vmem_shared>>) offsets(%dma_start3A_519 : memref<128xi32, #tpu.memory_space<vmem>>) semaphore(%run_scoped3A_512 : memref<!tpu.dma_semaphore, #tpu.memory_space<semaphore_mem>>) {add = true}
        %dma_wait3A_523 = arith.constant 0 : i32
        %dma_wait3A_524 = arith.constant 0 : i32
        %dma_wait3A_525 = tpu.memref_slice %arg8[%run_scoped3A_346, %dma_wait3A_523, %dma_wait3A_524] : memref<8x128x16xf32, #tpu.memory_space<vmem>> -> memref<1x128x16xf32, #tpu.memory_space<vmem>>
        %dma_wait3A_526 = tpu.memref_squeeze %dma_wait3A_525 : memref<1x128x16xf32, #tpu.memory_space<vmem>> -> memref<128x16xf32, #tpu.memory_space<vmem>>
        %dma_wait3A_527 = arith.constant 0 : i32
        %dma_wait3A_528 = tpu.memref_slice %arg7[%add3A_345, %dma_wait3A_527] : memref<80x128xi32, #tpu.memory_space<vmem>> -> memref<1x128xi32, #tpu.memory_space<vmem>>
        %dma_wait3A_529 = tpu.memref_squeeze %dma_wait3A_528 : memref<1x128xi32, #tpu.memory_space<vmem>> -> memref<128xi32, #tpu.memory_space<vmem>>
        %dma_wait3A_530 = arith.constant 0 : i32
        %dma_wait3A_531 = arith.constant 0 : i32
        %dma_wait3A_532 = tpu.memref_slice %arg9[%dma_wait3A_530, %dma_wait3A_531] : memref<10240x16xf32, #tpu.memory_space<vmem_shared>> -> memref<10240x16xf32, #tpu.memory_space<vmem_shared>>
        tpu.wait_indirect_dma semaphore(%run_scoped3A_512 : memref<!tpu.dma_semaphore, #tpu.memory_space<semaphore_mem>>) src(%dma_wait3A_526 : memref<128x16xf32, #tpu.memory_space<vmem>>) dst(%dma_wait3A_532 : memref<10240x16xf32, #tpu.memory_space<vmem_shared>>)
        tpu.yield
      }) : () -> ()
      %add3A_347 = arith.constant 8 : i32
      %add3A_348 = arith.addi %mul3A_271, %add3A_347 : i32
      %add3A_349 = arith.constant 2 : i32
      %add3A_350 = arith.addi %add3A_348, %add3A_349 : i32
      %dma_start3A_351 = arith.constant 2 : i32
      %dma_start3A_352 = arith.constant 0 : i32
      %dma_start3A_353 = arith.constant 0 : i32
      %dma_start3A_354 = tpu.memref_slice %arg8[%dma_start3A_351, %dma_start3A_352, %dma_start3A_353] : memref<8x128x16xf32, #tpu.memory_space<vmem>> -> memref<1x128x16xf32, #tpu.memory_space<vmem>>
      %dma_start3A_355 = tpu.memref_squeeze %dma_start3A_354 : memref<1x128x16xf32, #tpu.memory_space<vmem>> -> memref<128x16xf32, #tpu.memory_space<vmem>>
      %dma_start3A_356 = arith.constant 0 : i32
      %dma_start3A_357 = tpu.memref_slice %arg6[%add3A_350, %dma_start3A_356] : memref<80x128xi32, #tpu.memory_space<vmem>> -> memref<1x128xi32, #tpu.memory_space<vmem>>
      %dma_start3A_358 = tpu.memref_squeeze %dma_start3A_357 : memref<1x128xi32, #tpu.memory_space<vmem>> -> memref<128xi32, #tpu.memory_space<vmem>>
      %dma_start3A_359 = arith.constant 0 : i32
      %dma_start3A_360 = arith.constant 0 : i32
      %dma_start3A_361 = tpu.memref_slice %arg2[%dma_start3A_359, %dma_start3A_360] : memref<10240x16xf32, #tpu.memory_space<hbm>> -> memref<10240x16xf32, #tpu.memory_space<hbm>>
      tpu.enqueue_indirect_dma source(%dma_start3A_361 : memref<10240x16xf32, #tpu.memory_space<hbm>>) target(%dma_start3A_355 : memref<128x16xf32, #tpu.memory_space<vmem>>) offsets(%dma_start3A_358 : memref<128xi32, #tpu.memory_space<vmem>>) semaphore(%arg12 : memref<!tpu.dma_semaphore, #tpu.memory_space<semaphore_mem>>)
      %dma_wait3A_362 = arith.constant 3 : i32
      %dma_wait3A_363 = arith.constant 3 : i32
      %dma_wait3A_364 = arith.constant 0 : i32
      %dma_wait3A_365 = arith.constant 0 : i32
      %dma_wait3A_366 = tpu.memref_slice %arg8[%dma_wait3A_363, %dma_wait3A_364, %dma_wait3A_365] : memref<8x128x16xf32, #tpu.memory_space<vmem>> -> memref<1x128x16xf32, #tpu.memory_space<vmem>>
      %dma_wait3A_367 = tpu.memref_squeeze %dma_wait3A_366 : memref<1x128x16xf32, #tpu.memory_space<vmem>> -> memref<128x16xf32, #tpu.memory_space<vmem>>
      %dma_wait3A_368 = arith.constant 0 : i32
      %dma_wait3A_369 = tpu.memref_slice %arg6[%dma_wait3A_362, %dma_wait3A_368] : memref<80x128xi32, #tpu.memory_space<vmem>> -> memref<1x128xi32, #tpu.memory_space<vmem>>
      %dma_wait3A_370 = tpu.memref_squeeze %dma_wait3A_369 : memref<1x128xi32, #tpu.memory_space<vmem>> -> memref<128xi32, #tpu.memory_space<vmem>>
      %dma_wait3A_371 = arith.constant 0 : i32
      %dma_wait3A_372 = arith.constant 0 : i32
      %dma_wait3A_373 = tpu.memref_slice %arg2[%dma_wait3A_371, %dma_wait3A_372] : memref<10240x16xf32, #tpu.memory_space<hbm>> -> memref<10240x16xf32, #tpu.memory_space<hbm>>
      tpu.wait_indirect_dma semaphore(%arg13 : memref<!tpu.dma_semaphore, #tpu.memory_space<semaphore_mem>>) src(%dma_wait3A_373 : memref<10240x16xf32, #tpu.memory_space<hbm>>) dst(%dma_wait3A_367 : memref<128x16xf32, #tpu.memory_space<vmem>>)
      %add3A_374 = arith.constant 3 : i32
      %add3A_375 = arith.addi %mul3A_271, %add3A_374 : i32
      %run_scoped3A_376 = arith.constant 3 : i32
      "tpu.region"() ({
        %run_scoped3A_512 = tpu.sem_alloc : memref<!tpu.dma_semaphore, #tpu.memory_space<semaphore_mem>>
        %dma_start3A_513 = arith.constant 0 : i32
        %dma_start3A_514 = arith.constant 0 : i32
        %dma_start3A_515 = tpu.memref_slice %arg8[%run_scoped3A_376, %dma_start3A_513, %dma_start3A_514] : memref<8x128x16xf32, #tpu.memory_space<vmem>> -> memref<1x128x16xf32, #tpu.memory_space<vmem>>
        %dma_start3A_516 = tpu.memref_squeeze %dma_start3A_515 : memref<1x128x16xf32, #tpu.memory_space<vmem>> -> memref<128x16xf32, #tpu.memory_space<vmem>>
        %dma_start3A_517 = arith.constant 0 : i32
        %dma_start3A_518 = tpu.memref_slice %arg7[%add3A_375, %dma_start3A_517] : memref<80x128xi32, #tpu.memory_space<vmem>> -> memref<1x128xi32, #tpu.memory_space<vmem>>
        %dma_start3A_519 = tpu.memref_squeeze %dma_start3A_518 : memref<1x128xi32, #tpu.memory_space<vmem>> -> memref<128xi32, #tpu.memory_space<vmem>>
        %dma_start3A_520 = arith.constant 0 : i32
        %dma_start3A_521 = arith.constant 0 : i32
        %dma_start3A_522 = tpu.memref_slice %arg9[%dma_start3A_520, %dma_start3A_521] : memref<10240x16xf32, #tpu.memory_space<vmem_shared>> -> memref<10240x16xf32, #tpu.memory_space<vmem_shared>>
        tpu.enqueue_indirect_dma source(%dma_start3A_516 : memref<128x16xf32, #tpu.memory_space<vmem>>) target(%dma_start3A_522 : memref<10240x16xf32, #tpu.memory_space<vmem_shared>>) offsets(%dma_start3A_519 : memref<128xi32, #tpu.memory_space<vmem>>) semaphore(%run_scoped3A_512 : memref<!tpu.dma_semaphore, #tpu.memory_space<semaphore_mem>>) {add = true}
        %dma_wait3A_523 = arith.constant 0 : i32
        %dma_wait3A_524 = arith.constant 0 : i32
        %dma_wait3A_525 = tpu.memref_slice %arg8[%run_scoped3A_376, %dma_wait3A_523, %dma_wait3A_524] : memref<8x128x16xf32, #tpu.memory_space<vmem>> -> memref<1x128x16xf32, #tpu.memory_space<vmem>>
        %dma_wait3A_526 = tpu.memref_squeeze %dma_wait3A_525 : memref<1x128x16xf32, #tpu.memory_space<vmem>> -> memref<128x16xf32, #tpu.memory_space<vmem>>
        %dma_wait3A_527 = arith.constant 0 : i32
        %dma_wait3A_528 = tpu.memref_slice %arg7[%add3A_375, %dma_wait3A_527] : memref<80x128xi32, #tpu.memory_space<vmem>> -> memref<1x128xi32, #tpu.memory_space<vmem>>
        %dma_wait3A_529 = tpu.memref_squeeze %dma_wait3A_528 : memref<1x128xi32, #tpu.memory_space<vmem>> -> memref<128xi32, #tpu.memory_space<vmem>>
        %dma_wait3A_530 = arith.constant 0 : i32
        %dma_wait3A_531 = arith.constant 0 : i32
        %dma_wait3A_532 = tpu.memref_slice %arg9[%dma_wait3A_530, %dma_wait3A_531] : memref<10240x16xf32, #tpu.memory_space<vmem_shared>> -> memref<10240x16xf32, #tpu.memory_space<vmem_shared>>
        tpu.wait_indirect_dma semaphore(%run_scoped3A_512 : memref<!tpu.dma_semaphore, #tpu.memory_space<semaphore_mem>>) src(%dma_wait3A_526 : memref<128x16xf32, #tpu.memory_space<vmem>>) dst(%dma_wait3A_532 : memref<10240x16xf32, #tpu.memory_space<vmem_shared>>)
        tpu.yield
      }) : () -> ()
      %add3A_377 = arith.constant 8 : i32
      %add3A_378 = arith.addi %mul3A_271, %add3A_377 : i32
      %add3A_379 = arith.constant 3 : i32
      %add3A_380 = arith.addi %add3A_378, %add3A_379 : i32
      %dma_start3A_381 = arith.constant 3 : i32
      %dma_start3A_382 = arith.constant 0 : i32
      %dma_start3A_383 = arith.constant 0 : i32
      %dma_start3A_384 = tpu.memref_slice %arg8[%dma_start3A_381, %dma_start3A_382, %dma_start3A_383] : memref<8x128x16xf32, #tpu.memory_space<vmem>> -> memref<1x128x16xf32, #tpu.memory_space<vmem>>
      %dma_start3A_385 = tpu.memref_squeeze %dma_start3A_384 : memref<1x128x16xf32, #tpu.memory_space<vmem>> -> memref<128x16xf32, #tpu.memory_space<vmem>>
      %dma_start3A_386 = arith.constant 0 : i32
      %dma_start3A_387 = tpu.memref_slice %arg6[%add3A_380, %dma_start3A_386] : memref<80x128xi32, #tpu.memory_space<vmem>> -> memref<1x128xi32, #tpu.memory_space<vmem>>
      %dma_start3A_388 = tpu.memref_squeeze %dma_start3A_387 : memref<1x128xi32, #tpu.memory_space<vmem>> -> memref<128xi32, #tpu.memory_space<vmem>>
      %dma_start3A_389 = arith.constant 0 : i32
      %dma_start3A_390 = arith.constant 0 : i32
      %dma_start3A_391 = tpu.memref_slice %arg2[%dma_start3A_389, %dma_start3A_390] : memref<10240x16xf32, #tpu.memory_space<hbm>> -> memref<10240x16xf32, #tpu.memory_space<hbm>>
      tpu.enqueue_indirect_dma source(%dma_start3A_391 : memref<10240x16xf32, #tpu.memory_space<hbm>>) target(%dma_start3A_385 : memref<128x16xf32, #tpu.memory_space<vmem>>) offsets(%dma_start3A_388 : memref<128xi32, #tpu.memory_space<vmem>>) semaphore(%arg13 : memref<!tpu.dma_semaphore, #tpu.memory_space<semaphore_mem>>)
      %dma_wait3A_392 = arith.constant 4 : i32
      %dma_wait3A_393 = arith.constant 4 : i32
      %dma_wait3A_394 = arith.constant 0 : i32
      %dma_wait3A_395 = arith.constant 0 : i32
      %dma_wait3A_396 = tpu.memref_slice %arg8[%dma_wait3A_393, %dma_wait3A_394, %dma_wait3A_395] : memref<8x128x16xf32, #tpu.memory_space<vmem>> -> memref<1x128x16xf32, #tpu.memory_space<vmem>>
      %dma_wait3A_397 = tpu.memref_squeeze %dma_wait3A_396 : memref<1x128x16xf32, #tpu.memory_space<vmem>> -> memref<128x16xf32, #tpu.memory_space<vmem>>
      %dma_wait3A_398 = arith.constant 0 : i32
      %dma_wait3A_399 = tpu.memref_slice %arg6[%dma_wait3A_392, %dma_wait3A_398] : memref<80x128xi32, #tpu.memory_space<vmem>> -> memref<1x128xi32, #tpu.memory_space<vmem>>
      %dma_wait3A_400 = tpu.memref_squeeze %dma_wait3A_399 : memref<1x128xi32, #tpu.memory_space<vmem>> -> memref<128xi32, #tpu.memory_space<vmem>>
      %dma_wait3A_401 = arith.constant 0 : i32
      %dma_wait3A_402 = arith.constant 0 : i32
      %dma_wait3A_403 = tpu.memref_slice %arg2[%dma_wait3A_401, %dma_wait3A_402] : memref<10240x16xf32, #tpu.memory_space<hbm>> -> memref<10240x16xf32, #tpu.memory_space<hbm>>
      tpu.wait_indirect_dma semaphore(%arg14 : memref<!tpu.dma_semaphore, #tpu.memory_space<semaphore_mem>>) src(%dma_wait3A_403 : memref<10240x16xf32, #tpu.memory_space<hbm>>) dst(%dma_wait3A_397 : memref<128x16xf32, #tpu.memory_space<vmem>>)
      %add3A_404 = arith.constant 4 : i32
      %add3A_405 = arith.addi %mul3A_271, %add3A_404 : i32
      %run_scoped3A_406 = arith.constant 4 : i32
      "tpu.region"() ({
        %run_scoped3A_512 = tpu.sem_alloc : memref<!tpu.dma_semaphore, #tpu.memory_space<semaphore_mem>>
        %dma_start3A_513 = arith.constant 0 : i32
        %dma_start3A_514 = arith.constant 0 : i32
        %dma_start3A_515 = tpu.memref_slice %arg8[%run_scoped3A_406, %dma_start3A_513, %dma_start3A_514] : memref<8x128x16xf32, #tpu.memory_space<vmem>> -> memref<1x128x16xf32, #tpu.memory_space<vmem>>
        %dma_start3A_516 = tpu.memref_squeeze %dma_start3A_515 : memref<1x128x16xf32, #tpu.memory_space<vmem>> -> memref<128x16xf32, #tpu.memory_space<vmem>>
        %dma_start3A_517 = arith.constant 0 : i32
        %dma_start3A_518 = tpu.memref_slice %arg7[%add3A_405, %dma_start3A_517] : memref<80x128xi32, #tpu.memory_space<vmem>> -> memref<1x128xi32, #tpu.memory_space<vmem>>
        %dma_start3A_519 = tpu.memref_squeeze %dma_start3A_518 : memref<1x128xi32, #tpu.memory_space<vmem>> -> memref<128xi32, #tpu.memory_space<vmem>>
        %dma_start3A_520 = arith.constant 0 : i32
        %dma_start3A_521 = arith.constant 0 : i32
        %dma_start3A_522 = tpu.memref_slice %arg9[%dma_start3A_520, %dma_start3A_521] : memref<10240x16xf32, #tpu.memory_space<vmem_shared>> -> memref<10240x16xf32, #tpu.memory_space<vmem_shared>>
        tpu.enqueue_indirect_dma source(%dma_start3A_516 : memref<128x16xf32, #tpu.memory_space<vmem>>) target(%dma_start3A_522 : memref<10240x16xf32, #tpu.memory_space<vmem_shared>>) offsets(%dma_start3A_519 : memref<128xi32, #tpu.memory_space<vmem>>) semaphore(%run_scoped3A_512 : memref<!tpu.dma_semaphore, #tpu.memory_space<semaphore_mem>>) {add = true}
        %dma_wait3A_523 = arith.constant 0 : i32
        %dma_wait3A_524 = arith.constant 0 : i32
        %dma_wait3A_525 = tpu.memref_slice %arg8[%run_scoped3A_406, %dma_wait3A_523, %dma_wait3A_524] : memref<8x128x16xf32, #tpu.memory_space<vmem>> -> memref<1x128x16xf32, #tpu.memory_space<vmem>>
        %dma_wait3A_526 = tpu.memref_squeeze %dma_wait3A_525 : memref<1x128x16xf32, #tpu.memory_space<vmem>> -> memref<128x16xf32, #tpu.memory_space<vmem>>
        %dma_wait3A_527 = arith.constant 0 : i32
        %dma_wait3A_528 = tpu.memref_slice %arg7[%add3A_405, %dma_wait3A_527] : memref<80x128xi32, #tpu.memory_space<vmem>> -> memref<1x128xi32, #tpu.memory_space<vmem>>
        %dma_wait3A_529 = tpu.memref_squeeze %dma_wait3A_528 : memref<1x128xi32, #tpu.memory_space<vmem>> -> memref<128xi32, #tpu.memory_space<vmem>>
        %dma_wait3A_530 = arith.constant 0 : i32
        %dma_wait3A_531 = arith.constant 0 : i32
        %dma_wait3A_532 = tpu.memref_slice %arg9[%dma_wait3A_530, %dma_wait3A_531] : memref<10240x16xf32, #tpu.memory_space<vmem_shared>> -> memref<10240x16xf32, #tpu.memory_space<vmem_shared>>
        tpu.wait_indirect_dma semaphore(%run_scoped3A_512 : memref<!tpu.dma_semaphore, #tpu.memory_space<semaphore_mem>>) src(%dma_wait3A_526 : memref<128x16xf32, #tpu.memory_space<vmem>>) dst(%dma_wait3A_532 : memref<10240x16xf32, #tpu.memory_space<vmem_shared>>)
        tpu.yield
      }) : () -> ()
      %add3A_407 = arith.constant 8 : i32
      %add3A_408 = arith.addi %mul3A_271, %add3A_407 : i32
      %add3A_409 = arith.constant 4 : i32
      %add3A_410 = arith.addi %add3A_408, %add3A_409 : i32
      %dma_start3A_411 = arith.constant 4 : i32
      %dma_start3A_412 = arith.constant 0 : i32
      %dma_start3A_413 = arith.constant 0 : i32
      %dma_start3A_414 = tpu.memref_slice %arg8[%dma_start3A_411, %dma_start3A_412, %dma_start3A_413] : memref<8x128x16xf32, #tpu.memory_space<vmem>> -> memref<1x128x16xf32, #tpu.memory_space<vmem>>
      %dma_start3A_415 = tpu.memref_squeeze %dma_start3A_414 : memref<1x128x16xf32, #tpu.memory_space<vmem>> -> memref<128x16xf32, #tpu.memory_space<vmem>>
      %dma_start3A_416 = arith.constant 0 : i32
      %dma_start3A_417 = tpu.memref_slice %arg6[%add3A_410, %dma_start3A_416] : memref<80x128xi32, #tpu.memory_space<vmem>> -> memref<1x128xi32, #tpu.memory_space<vmem>>
      %dma_start3A_418 = tpu.memref_squeeze %dma_start3A_417 : memref<1x128xi32, #tpu.memory_space<vmem>> -> memref<128xi32, #tpu.memory_space<vmem>>
      %dma_start3A_419 = arith.constant 0 : i32
      %dma_start3A_420 = arith.constant 0 : i32
      %dma_start3A_421 = tpu.memref_slice %arg2[%dma_start3A_419, %dma_start3A_420] : memref<10240x16xf32, #tpu.memory_space<hbm>> -> memref<10240x16xf32, #tpu.memory_space<hbm>>
      tpu.enqueue_indirect_dma source(%dma_start3A_421 : memref<10240x16xf32, #tpu.memory_space<hbm>>) target(%dma_start3A_415 : memref<128x16xf32, #tpu.memory_space<vmem>>) offsets(%dma_start3A_418 : memref<128xi32, #tpu.memory_space<vmem>>) semaphore(%arg14 : memref<!tpu.dma_semaphore, #tpu.memory_space<semaphore_mem>>)
      %dma_wait3A_422 = arith.constant 5 : i32
      %dma_wait3A_423 = arith.constant 5 : i32
      %dma_wait3A_424 = arith.constant 0 : i32
      %dma_wait3A_425 = arith.constant 0 : i32
      %dma_wait3A_426 = tpu.memref_slice %arg8[%dma_wait3A_423, %dma_wait3A_424, %dma_wait3A_425] : memref<8x128x16xf32, #tpu.memory_space<vmem>> -> memref<1x128x16xf32, #tpu.memory_space<vmem>>
      %dma_wait3A_427 = tpu.memref_squeeze %dma_wait3A_426 : memref<1x128x16xf32, #tpu.memory_space<vmem>> -> memref<128x16xf32, #tpu.memory_space<vmem>>
      %dma_wait3A_428 = arith.constant 0 : i32
      %dma_wait3A_429 = tpu.memref_slice %arg6[%dma_wait3A_422, %dma_wait3A_428] : memref<80x128xi32, #tpu.memory_space<vmem>> -> memref<1x128xi32, #tpu.memory_space<vmem>>
      %dma_wait3A_430 = tpu.memref_squeeze %dma_wait3A_429 : memref<1x128xi32, #tpu.memory_space<vmem>> -> memref<128xi32, #tpu.memory_space<vmem>>
      %dma_wait3A_431 = arith.constant 0 : i32
      %dma_wait3A_432 = arith.constant 0 : i32
      %dma_wait3A_433 = tpu.memref_slice %arg2[%dma_wait3A_431, %dma_wait3A_432] : memref<10240x16xf32, #tpu.memory_space<hbm>> -> memref<10240x16xf32, #tpu.memory_space<hbm>>
      tpu.wait_indirect_dma semaphore(%arg15 : memref<!tpu.dma_semaphore, #tpu.memory_space<semaphore_mem>>) src(%dma_wait3A_433 : memref<10240x16xf32, #tpu.memory_space<hbm>>) dst(%dma_wait3A_427 : memref<128x16xf32, #tpu.memory_space<vmem>>)
      %add3A_434 = arith.constant 5 : i32
      %add3A_435 = arith.addi %mul3A_271, %add3A_434 : i32
      %run_scoped3A_436 = arith.constant 5 : i32
      "tpu.region"() ({
        %run_scoped3A_512 = tpu.sem_alloc : memref<!tpu.dma_semaphore, #tpu.memory_space<semaphore_mem>>
        %dma_start3A_513 = arith.constant 0 : i32
        %dma_start3A_514 = arith.constant 0 : i32
        %dma_start3A_515 = tpu.memref_slice %arg8[%run_scoped3A_436, %dma_start3A_513, %dma_start3A_514] : memref<8x128x16xf32, #tpu.memory_space<vmem>> -> memref<1x128x16xf32, #tpu.memory_space<vmem>>
        %dma_start3A_516 = tpu.memref_squeeze %dma_start3A_515 : memref<1x128x16xf32, #tpu.memory_space<vmem>> -> memref<128x16xf32, #tpu.memory_space<vmem>>
        %dma_start3A_517 = arith.constant 0 : i32
        %dma_start3A_518 = tpu.memref_slice %arg7[%add3A_435, %dma_start3A_517] : memref<80x128xi32, #tpu.memory_space<vmem>> -> memref<1x128xi32, #tpu.memory_space<vmem>>
        %dma_start3A_519 = tpu.memref_squeeze %dma_start3A_518 : memref<1x128xi32, #tpu.memory_space<vmem>> -> memref<128xi32, #tpu.memory_space<vmem>>
        %dma_start3A_520 = arith.constant 0 : i32
        %dma_start3A_521 = arith.constant 0 : i32
        %dma_start3A_522 = tpu.memref_slice %arg9[%dma_start3A_520, %dma_start3A_521] : memref<10240x16xf32, #tpu.memory_space<vmem_shared>> -> memref<10240x16xf32, #tpu.memory_space<vmem_shared>>
        tpu.enqueue_indirect_dma source(%dma_start3A_516 : memref<128x16xf32, #tpu.memory_space<vmem>>) target(%dma_start3A_522 : memref<10240x16xf32, #tpu.memory_space<vmem_shared>>) offsets(%dma_start3A_519 : memref<128xi32, #tpu.memory_space<vmem>>) semaphore(%run_scoped3A_512 : memref<!tpu.dma_semaphore, #tpu.memory_space<semaphore_mem>>) {add = true}
        %dma_wait3A_523 = arith.constant 0 : i32
        %dma_wait3A_524 = arith.constant 0 : i32
        %dma_wait3A_525 = tpu.memref_slice %arg8[%run_scoped3A_436, %dma_wait3A_523, %dma_wait3A_524] : memref<8x128x16xf32, #tpu.memory_space<vmem>> -> memref<1x128x16xf32, #tpu.memory_space<vmem>>
        %dma_wait3A_526 = tpu.memref_squeeze %dma_wait3A_525 : memref<1x128x16xf32, #tpu.memory_space<vmem>> -> memref<128x16xf32, #tpu.memory_space<vmem>>
        %dma_wait3A_527 = arith.constant 0 : i32
        %dma_wait3A_528 = tpu.memref_slice %arg7[%add3A_435, %dma_wait3A_527] : memref<80x128xi32, #tpu.memory_space<vmem>> -> memref<1x128xi32, #tpu.memory_space<vmem>>
        %dma_wait3A_529 = tpu.memref_squeeze %dma_wait3A_528 : memref<1x128xi32, #tpu.memory_space<vmem>> -> memref<128xi32, #tpu.memory_space<vmem>>
        %dma_wait3A_530 = arith.constant 0 : i32
        %dma_wait3A_531 = arith.constant 0 : i32
        %dma_wait3A_532 = tpu.memref_slice %arg9[%dma_wait3A_530, %dma_wait3A_531] : memref<10240x16xf32, #tpu.memory_space<vmem_shared>> -> memref<10240x16xf32, #tpu.memory_space<vmem_shared>>
        tpu.wait_indirect_dma semaphore(%run_scoped3A_512 : memref<!tpu.dma_semaphore, #tpu.memory_space<semaphore_mem>>) src(%dma_wait3A_526 : memref<128x16xf32, #tpu.memory_space<vmem>>) dst(%dma_wait3A_532 : memref<10240x16xf32, #tpu.memory_space<vmem_shared>>)
        tpu.yield
      }) : () -> ()
      %add3A_437 = arith.constant 8 : i32
      %add3A_438 = arith.addi %mul3A_271, %add3A_437 : i32
      %add3A_439 = arith.constant 5 : i32
      %add3A_440 = arith.addi %add3A_438, %add3A_439 : i32
      %dma_start3A_441 = arith.constant 5 : i32
      %dma_start3A_442 = arith.constant 0 : i32
      %dma_start3A_443 = arith.constant 0 : i32
      %dma_start3A_444 = tpu.memref_slice %arg8[%dma_start3A_441, %dma_start3A_442, %dma_start3A_443] : memref<8x128x16xf32, #tpu.memory_space<vmem>> -> memref<1x128x16xf32, #tpu.memory_space<vmem>>
      %dma_start3A_445 = tpu.memref_squeeze %dma_start3A_444 : memref<1x128x16xf32, #tpu.memory_space<vmem>> -> memref<128x16xf32, #tpu.memory_space<vmem>>
      %dma_start3A_446 = arith.constant 0 : i32
      %dma_start3A_447 = tpu.memref_slice %arg6[%add3A_440, %dma_start3A_446] : memref<80x128xi32, #tpu.memory_space<vmem>> -> memref<1x128xi32, #tpu.memory_space<vmem>>
      %dma_start3A_448 = tpu.memref_squeeze %dma_start3A_447 : memref<1x128xi32, #tpu.memory_space<vmem>> -> memref<128xi32, #tpu.memory_space<vmem>>
      %dma_start3A_449 = arith.constant 0 : i32
      %dma_start3A_450 = arith.constant 0 : i32
      %dma_start3A_451 = tpu.memref_slice %arg2[%dma_start3A_449, %dma_start3A_450] : memref<10240x16xf32, #tpu.memory_space<hbm>> -> memref<10240x16xf32, #tpu.memory_space<hbm>>
      tpu.enqueue_indirect_dma source(%dma_start3A_451 : memref<10240x16xf32, #tpu.memory_space<hbm>>) target(%dma_start3A_445 : memref<128x16xf32, #tpu.memory_space<vmem>>) offsets(%dma_start3A_448 : memref<128xi32, #tpu.memory_space<vmem>>) semaphore(%arg15 : memref<!tpu.dma_semaphore, #tpu.memory_space<semaphore_mem>>)
      %dma_wait3A_452 = arith.constant 6 : i32
      %dma_wait3A_453 = arith.constant 6 : i32
      %dma_wait3A_454 = arith.constant 0 : i32
      %dma_wait3A_455 = arith.constant 0 : i32
      %dma_wait3A_456 = tpu.memref_slice %arg8[%dma_wait3A_453, %dma_wait3A_454, %dma_wait3A_455] : memref<8x128x16xf32, #tpu.memory_space<vmem>> -> memref<1x128x16xf32, #tpu.memory_space<vmem>>
      %dma_wait3A_457 = tpu.memref_squeeze %dma_wait3A_456 : memref<1x128x16xf32, #tpu.memory_space<vmem>> -> memref<128x16xf32, #tpu.memory_space<vmem>>
      %dma_wait3A_458 = arith.constant 0 : i32
      %dma_wait3A_459 = tpu.memref_slice %arg6[%dma_wait3A_452, %dma_wait3A_458] : memref<80x128xi32, #tpu.memory_space<vmem>> -> memref<1x128xi32, #tpu.memory_space<vmem>>
      %dma_wait3A_460 = tpu.memref_squeeze %dma_wait3A_459 : memref<1x128xi32, #tpu.memory_space<vmem>> -> memref<128xi32, #tpu.memory_space<vmem>>
      %dma_wait3A_461 = arith.constant 0 : i32
      %dma_wait3A_462 = arith.constant 0 : i32
      %dma_wait3A_463 = tpu.memref_slice %arg2[%dma_wait3A_461, %dma_wait3A_462] : memref<10240x16xf32, #tpu.memory_space<hbm>> -> memref<10240x16xf32, #tpu.memory_space<hbm>>
      tpu.wait_indirect_dma semaphore(%arg16 : memref<!tpu.dma_semaphore, #tpu.memory_space<semaphore_mem>>) src(%dma_wait3A_463 : memref<10240x16xf32, #tpu.memory_space<hbm>>) dst(%dma_wait3A_457 : memref<128x16xf32, #tpu.memory_space<vmem>>)
      %add3A_464 = arith.constant 6 : i32
      %add3A_465 = arith.addi %mul3A_271, %add3A_464 : i32
      %run_scoped3A_466 = arith.constant 6 : i32
      "tpu.region"() ({
        %run_scoped3A_512 = tpu.sem_alloc : memref<!tpu.dma_semaphore, #tpu.memory_space<semaphore_mem>>
        %dma_start3A_513 = arith.constant 0 : i32
        %dma_start3A_514 = arith.constant 0 : i32
        %dma_start3A_515 = tpu.memref_slice %arg8[%run_scoped3A_466, %dma_start3A_513, %dma_start3A_514] : memref<8x128x16xf32, #tpu.memory_space<vmem>> -> memref<1x128x16xf32, #tpu.memory_space<vmem>>
        %dma_start3A_516 = tpu.memref_squeeze %dma_start3A_515 : memref<1x128x16xf32, #tpu.memory_space<vmem>> -> memref<128x16xf32, #tpu.memory_space<vmem>>
        %dma_start3A_517 = arith.constant 0 : i32
        %dma_start3A_518 = tpu.memref_slice %arg7[%add3A_465, %dma_start3A_517] : memref<80x128xi32, #tpu.memory_space<vmem>> -> memref<1x128xi32, #tpu.memory_space<vmem>>
        %dma_start3A_519 = tpu.memref_squeeze %dma_start3A_518 : memref<1x128xi32, #tpu.memory_space<vmem>> -> memref<128xi32, #tpu.memory_space<vmem>>
        %dma_start3A_520 = arith.constant 0 : i32
        %dma_start3A_521 = arith.constant 0 : i32
        %dma_start3A_522 = tpu.memref_slice %arg9[%dma_start3A_520, %dma_start3A_521] : memref<10240x16xf32, #tpu.memory_space<vmem_shared>> -> memref<10240x16xf32, #tpu.memory_space<vmem_shared>>
        tpu.enqueue_indirect_dma source(%dma_start3A_516 : memref<128x16xf32, #tpu.memory_space<vmem>>) target(%dma_start3A_522 : memref<10240x16xf32, #tpu.memory_space<vmem_shared>>) offsets(%dma_start3A_519 : memref<128xi32, #tpu.memory_space<vmem>>) semaphore(%run_scoped3A_512 : memref<!tpu.dma_semaphore, #tpu.memory_space<semaphore_mem>>) {add = true}
        %dma_wait3A_523 = arith.constant 0 : i32
        %dma_wait3A_524 = arith.constant 0 : i32
        %dma_wait3A_525 = tpu.memref_slice %arg8[%run_scoped3A_466, %dma_wait3A_523, %dma_wait3A_524] : memref<8x128x16xf32, #tpu.memory_space<vmem>> -> memref<1x128x16xf32, #tpu.memory_space<vmem>>
        %dma_wait3A_526 = tpu.memref_squeeze %dma_wait3A_525 : memref<1x128x16xf32, #tpu.memory_space<vmem>> -> memref<128x16xf32, #tpu.memory_space<vmem>>
        %dma_wait3A_527 = arith.constant 0 : i32
        %dma_wait3A_528 = tpu.memref_slice %arg7[%add3A_465, %dma_wait3A_527] : memref<80x128xi32, #tpu.memory_space<vmem>> -> memref<1x128xi32, #tpu.memory_space<vmem>>
        %dma_wait3A_529 = tpu.memref_squeeze %dma_wait3A_528 : memref<1x128xi32, #tpu.memory_space<vmem>> -> memref<128xi32, #tpu.memory_space<vmem>>
        %dma_wait3A_530 = arith.constant 0 : i32
        %dma_wait3A_531 = arith.constant 0 : i32
        %dma_wait3A_532 = tpu.memref_slice %arg9[%dma_wait3A_530, %dma_wait3A_531] : memref<10240x16xf32, #tpu.memory_space<vmem_shared>> -> memref<10240x16xf32, #tpu.memory_space<vmem_shared>>
        tpu.wait_indirect_dma semaphore(%run_scoped3A_512 : memref<!tpu.dma_semaphore, #tpu.memory_space<semaphore_mem>>) src(%dma_wait3A_526 : memref<128x16xf32, #tpu.memory_space<vmem>>) dst(%dma_wait3A_532 : memref<10240x16xf32, #tpu.memory_space<vmem_shared>>)
        tpu.yield
      }) : () -> ()
      %add3A_467 = arith.constant 8 : i32
      %add3A_468 = arith.addi %mul3A_271, %add3A_467 : i32
      %add3A_469 = arith.constant 6 : i32
      %add3A_470 = arith.addi %add3A_468, %add3A_469 : i32
      %dma_start3A_471 = arith.constant 6 : i32
      %dma_start3A_472 = arith.constant 0 : i32
      %dma_start3A_473 = arith.constant 0 : i32
      %dma_start3A_474 = tpu.memref_slice %arg8[%dma_start3A_471, %dma_start3A_472, %dma_start3A_473] : memref<8x128x16xf32, #tpu.memory_space<vmem>> -> memref<1x128x16xf32, #tpu.memory_space<vmem>>
      %dma_start3A_475 = tpu.memref_squeeze %dma_start3A_474 : memref<1x128x16xf32, #tpu.memory_space<vmem>> -> memref<128x16xf32, #tpu.memory_space<vmem>>
      %dma_start3A_476 = arith.constant 0 : i32
      %dma_start3A_477 = tpu.memref_slice %arg6[%add3A_470, %dma_start3A_476] : memref<80x128xi32, #tpu.memory_space<vmem>> -> memref<1x128xi32, #tpu.memory_space<vmem>>
      %dma_start3A_478 = tpu.memref_squeeze %dma_start3A_477 : memref<1x128xi32, #tpu.memory_space<vmem>> -> memref<128xi32, #tpu.memory_space<vmem>>
      %dma_start3A_479 = arith.constant 0 : i32
      %dma_start3A_480 = arith.constant 0 : i32
      %dma_start3A_481 = tpu.memref_slice %arg2[%dma_start3A_479, %dma_start3A_480] : memref<10240x16xf32, #tpu.memory_space<hbm>> -> memref<10240x16xf32, #tpu.memory_space<hbm>>
      tpu.enqueue_indirect_dma source(%dma_start3A_481 : memref<10240x16xf32, #tpu.memory_space<hbm>>) target(%dma_start3A_475 : memref<128x16xf32, #tpu.memory_space<vmem>>) offsets(%dma_start3A_478 : memref<128xi32, #tpu.memory_space<vmem>>) semaphore(%arg16 : memref<!tpu.dma_semaphore, #tpu.memory_space<semaphore_mem>>)
      %dma_wait3A_482 = arith.constant 7 : i32
      %dma_wait3A_483 = arith.constant 7 : i32
      %dma_wait3A_484 = arith.constant 0 : i32
      %dma_wait3A_485 = arith.constant 0 : i32
      %dma_wait3A_486 = tpu.memref_slice %arg8[%dma_wait3A_483, %dma_wait3A_484, %dma_wait3A_485] : memref<8x128x16xf32, #tpu.memory_space<vmem>> -> memref<1x128x16xf32, #tpu.memory_space<vmem>>
      %dma_wait3A_487 = tpu.memref_squeeze %dma_wait3A_486 : memref<1x128x16xf32, #tpu.memory_space<vmem>> -> memref<128x16xf32, #tpu.memory_space<vmem>>
      %dma_wait3A_488 = arith.constant 0 : i32
      %dma_wait3A_489 = tpu.memref_slice %arg6[%dma_wait3A_482, %dma_wait3A_488] : memref<80x128xi32, #tpu.memory_space<vmem>> -> memref<1x128xi32, #tpu.memory_space<vmem>>
      %dma_wait3A_490 = tpu.memref_squeeze %dma_wait3A_489 : memref<1x128xi32, #tpu.memory_space<vmem>> -> memref<128xi32, #tpu.memory_space<vmem>>
      %dma_wait3A_491 = arith.constant 0 : i32
      %dma_wait3A_492 = arith.constant 0 : i32
      %dma_wait3A_493 = tpu.memref_slice %arg2[%dma_wait3A_491, %dma_wait3A_492] : memref<10240x16xf32, #tpu.memory_space<hbm>> -> memref<10240x16xf32, #tpu.memory_space<hbm>>
      tpu.wait_indirect_dma semaphore(%arg17 : memref<!tpu.dma_semaphore, #tpu.memory_space<semaphore_mem>>) src(%dma_wait3A_493 : memref<10240x16xf32, #tpu.memory_space<hbm>>) dst(%dma_wait3A_487 : memref<128x16xf32, #tpu.memory_space<vmem>>)
      %add3A_494 = arith.constant 7 : i32
      %add3A_495 = arith.addi %mul3A_271, %add3A_494 : i32
      %run_scoped3A_496 = arith.constant 7 : i32
      "tpu.region"() ({
        %run_scoped3A_512 = tpu.sem_alloc : memref<!tpu.dma_semaphore, #tpu.memory_space<semaphore_mem>>
        %dma_start3A_513 = arith.constant 0 : i32
        %dma_start3A_514 = arith.constant 0 : i32
        %dma_start3A_515 = tpu.memref_slice %arg8[%run_scoped3A_496, %dma_start3A_513, %dma_start3A_514] : memref<8x128x16xf32, #tpu.memory_space<vmem>> -> memref<1x128x16xf32, #tpu.memory_space<vmem>>
        %dma_start3A_516 = tpu.memref_squeeze %dma_start3A_515 : memref<1x128x16xf32, #tpu.memory_space<vmem>> -> memref<128x16xf32, #tpu.memory_space<vmem>>
        %dma_start3A_517 = arith.constant 0 : i32
        %dma_start3A_518 = tpu.memref_slice %arg7[%add3A_495, %dma_start3A_517] : memref<80x128xi32, #tpu.memory_space<vmem>> -> memref<1x128xi32, #tpu.memory_space<vmem>>
        %dma_start3A_519 = tpu.memref_squeeze %dma_start3A_518 : memref<1x128xi32, #tpu.memory_space<vmem>> -> memref<128xi32, #tpu.memory_space<vmem>>
        %dma_start3A_520 = arith.constant 0 : i32
        %dma_start3A_521 = arith.constant 0 : i32
        %dma_start3A_522 = tpu.memref_slice %arg9[%dma_start3A_520, %dma_start3A_521] : memref<10240x16xf32, #tpu.memory_space<vmem_shared>> -> memref<10240x16xf32, #tpu.memory_space<vmem_shared>>
        tpu.enqueue_indirect_dma source(%dma_start3A_516 : memref<128x16xf32, #tpu.memory_space<vmem>>) target(%dma_start3A_522 : memref<10240x16xf32, #tpu.memory_space<vmem_shared>>) offsets(%dma_start3A_519 : memref<128xi32, #tpu.memory_space<vmem>>) semaphore(%run_scoped3A_512 : memref<!tpu.dma_semaphore, #tpu.memory_space<semaphore_mem>>) {add = true}
        %dma_wait3A_523 = arith.constant 0 : i32
        %dma_wait3A_524 = arith.constant 0 : i32
        %dma_wait3A_525 = tpu.memref_slice %arg8[%run_scoped3A_496, %dma_wait3A_523, %dma_wait3A_524] : memref<8x128x16xf32, #tpu.memory_space<vmem>> -> memref<1x128x16xf32, #tpu.memory_space<vmem>>
        %dma_wait3A_526 = tpu.memref_squeeze %dma_wait3A_525 : memref<1x128x16xf32, #tpu.memory_space<vmem>> -> memref<128x16xf32, #tpu.memory_space<vmem>>
        %dma_wait3A_527 = arith.constant 0 : i32
        %dma_wait3A_528 = tpu.memref_slice %arg7[%add3A_495, %dma_wait3A_527] : memref<80x128xi32, #tpu.memory_space<vmem>> -> memref<1x128xi32, #tpu.memory_space<vmem>>
        %dma_wait3A_529 = tpu.memref_squeeze %dma_wait3A_528 : memref<1x128xi32, #tpu.memory_space<vmem>> -> memref<128xi32, #tpu.memory_space<vmem>>
        %dma_wait3A_530 = arith.constant 0 : i32
        %dma_wait3A_531 = arith.constant 0 : i32
        %dma_wait3A_532 = tpu.memref_slice %arg9[%dma_wait3A_530, %dma_wait3A_531] : memref<10240x16xf32, #tpu.memory_space<vmem_shared>> -> memref<10240x16xf32, #tpu.memory_space<vmem_shared>>
        tpu.wait_indirect_dma semaphore(%run_scoped3A_512 : memref<!tpu.dma_semaphore, #tpu.memory_space<semaphore_mem>>) src(%dma_wait3A_526 : memref<128x16xf32, #tpu.memory_space<vmem>>) dst(%dma_wait3A_532 : memref<10240x16xf32, #tpu.memory_space<vmem_shared>>)
        tpu.yield
      }) : () -> ()
      %add3A_497 = arith.constant 8 : i32
      %add3A_498 = arith.addi %mul3A_271, %add3A_497 : i32
      %add3A_499 = arith.constant 7 : i32
      %add3A_500 = arith.addi %add3A_498, %add3A_499 : i32
      %dma_start3A_501 = arith.constant 7 : i32
      %dma_start3A_502 = arith.constant 0 : i32
      %dma_start3A_503 = arith.constant 0 : i32
      %dma_start3A_504 = tpu.memref_slice %arg8[%dma_start3A_501, %dma_start3A_502, %dma_start3A_503] : memref<8x128x16xf32, #tpu.memory_space<vmem>> -> memref<1x128x16xf32, #tpu.memory_space<vmem>>
      %dma_start3A_505 = tpu.memref_squeeze %dma_start3A_504 : memref<1x128x16xf32, #tpu.memory_space<vmem>> -> memref<128x16xf32, #tpu.memory_space<vmem>>
      %dma_start3A_506 = arith.constant 0 : i32
      %dma_start3A_507 = tpu.memref_slice %arg6[%add3A_500, %dma_start3A_506] : memref<80x128xi32, #tpu.memory_space<vmem>> -> memref<1x128xi32, #tpu.memory_space<vmem>>
      %dma_start3A_508 = tpu.memref_squeeze %dma_start3A_507 : memref<1x128xi32, #tpu.memory_space<vmem>> -> memref<128xi32, #tpu.memory_space<vmem>>
      %dma_start3A_509 = arith.constant 0 : i32
      %dma_start3A_510 = arith.constant 0 : i32
      %dma_start3A_511 = tpu.memref_slice %arg2[%dma_start3A_509, %dma_start3A_510] : memref<10240x16xf32, #tpu.memory_space<hbm>> -> memref<10240x16xf32, #tpu.memory_space<hbm>>
      tpu.enqueue_indirect_dma source(%dma_start3A_511 : memref<10240x16xf32, #tpu.memory_space<hbm>>) target(%dma_start3A_505 : memref<128x16xf32, #tpu.memory_space<vmem>>) offsets(%dma_start3A_508 : memref<128xi32, #tpu.memory_space<vmem>>) semaphore(%arg17 : memref<!tpu.dma_semaphore, #tpu.memory_space<semaphore_mem>>)
    }
    %scan3A_151 = arith.constant 9 : i32
    %dma_wait3A_152 = arith.constant 0 : i32
    %dma_wait3A_153 = arith.constant 0 : i32
    %dma_wait3A_154 = arith.constant 0 : i32
    %dma_wait3A_155 = arith.constant 0 : i32
    %dma_wait3A_156 = tpu.memref_slice %arg8[%dma_wait3A_153, %dma_wait3A_154, %dma_wait3A_155] : memref<8x128x16xf32, #tpu.memory_space<vmem>> -> memref<1x128x16xf32, #tpu.memory_space<vmem>>
    %dma_wait3A_157 = tpu.memref_squeeze %dma_wait3A_156 : memref<1x128x16xf32, #tpu.memory_space<vmem>> -> memref<128x16xf32, #tpu.memory_space<vmem>>
    %dma_wait3A_158 = arith.constant 0 : i32
    %dma_wait3A_159 = tpu.memref_slice %arg6[%dma_wait3A_152, %dma_wait3A_158] : memref<80x128xi32, #tpu.memory_space<vmem>> -> memref<1x128xi32, #tpu.memory_space<vmem>>
    %dma_wait3A_160 = tpu.memref_squeeze %dma_wait3A_159 : memref<1x128xi32, #tpu.memory_space<vmem>> -> memref<128xi32, #tpu.memory_space<vmem>>
    %dma_wait3A_161 = arith.constant 0 : i32
    %dma_wait3A_162 = arith.constant 0 : i32
    %dma_wait3A_163 = tpu.memref_slice %arg2[%dma_wait3A_161, %dma_wait3A_162] : memref<10240x16xf32, #tpu.memory_space<hbm>> -> memref<10240x16xf32, #tpu.memory_space<hbm>>
    tpu.wait_indirect_dma semaphore(%arg10 : memref<!tpu.dma_semaphore, #tpu.memory_space<semaphore_mem>>) src(%dma_wait3A_163 : memref<10240x16xf32, #tpu.memory_space<hbm>>) dst(%dma_wait3A_157 : memref<128x16xf32, #tpu.memory_space<vmem>>)
    %run_scoped3A_164 = arith.constant 0 : i32
    %run_scoped3A_165 = arith.constant 72 : i32
    "tpu.region"() ({
      %run_scoped3A_265 = tpu.sem_alloc : memref<!tpu.dma_semaphore, #tpu.memory_space<semaphore_mem>>
      %dma_start3A_266 = arith.constant 0 : i32
      %dma_start3A_267 = arith.constant 0 : i32
      %dma_start3A_268 = tpu.memref_slice %arg8[%run_scoped3A_164, %dma_start3A_266, %dma_start3A_267] : memref<8x128x16xf32, #tpu.memory_space<vmem>> -> memref<1x128x16xf32, #tpu.memory_space<vmem>>
      %dma_start3A_269 = tpu.memref_squeeze %dma_start3A_268 : memref<1x128x16xf32, #tpu.memory_space<vmem>> -> memref<128x16xf32, #tpu.memory_space<vmem>>
      %dma_start3A_270 = arith.constant 0 : i32
      %dma_start3A_271 = tpu.memref_slice %arg7[%run_scoped3A_165, %dma_start3A_270] : memref<80x128xi32, #tpu.memory_space<vmem>> -> memref<1x128xi32, #tpu.memory_space<vmem>>
      %dma_start3A_272 = tpu.memref_squeeze %dma_start3A_271 : memref<1x128xi32, #tpu.memory_space<vmem>> -> memref<128xi32, #tpu.memory_space<vmem>>
      %dma_start3A_273 = arith.constant 0 : i32
      %dma_start3A_274 = arith.constant 0 : i32
      %dma_start3A_275 = tpu.memref_slice %arg9[%dma_start3A_273, %dma_start3A_274] : memref<10240x16xf32, #tpu.memory_space<vmem_shared>> -> memref<10240x16xf32, #tpu.memory_space<vmem_shared>>
      tpu.enqueue_indirect_dma source(%dma_start3A_269 : memref<128x16xf32, #tpu.memory_space<vmem>>) target(%dma_start3A_275 : memref<10240x16xf32, #tpu.memory_space<vmem_shared>>) offsets(%dma_start3A_272 : memref<128xi32, #tpu.memory_space<vmem>>) semaphore(%run_scoped3A_265 : memref<!tpu.dma_semaphore, #tpu.memory_space<semaphore_mem>>) {add = true}
      %dma_wait3A_276 = arith.constant 0 : i32
      %dma_wait3A_277 = arith.constant 0 : i32
      %dma_wait3A_278 = tpu.memref_slice %arg8[%run_scoped3A_164, %dma_wait3A_276, %dma_wait3A_277] : memref<8x128x16xf32, #tpu.memory_space<vmem>> -> memref<1x128x16xf32, #tpu.memory_space<vmem>>
      %dma_wait3A_279 = tpu.memref_squeeze %dma_wait3A_278 : memref<1x128x16xf32, #tpu.memory_space<vmem>> -> memref<128x16xf32, #tpu.memory_space<vmem>>
      %dma_wait3A_280 = arith.constant 0 : i32
      %dma_wait3A_281 = tpu.memref_slice %arg7[%run_scoped3A_165, %dma_wait3A_280] : memref<80x128xi32, #tpu.memory_space<vmem>> -> memref<1x128xi32, #tpu.memory_space<vmem>>
      %dma_wait3A_282 = tpu.memref_squeeze %dma_wait3A_281 : memref<1x128xi32, #tpu.memory_space<vmem>> -> memref<128xi32, #tpu.memory_space<vmem>>
      %dma_wait3A_283 = arith.constant 0 : i32
      %dma_wait3A_284 = arith.constant 0 : i32
      %dma_wait3A_285 = tpu.memref_slice %arg9[%dma_wait3A_283, %dma_wait3A_284] : memref<10240x16xf32, #tpu.memory_space<vmem_shared>> -> memref<10240x16xf32, #tpu.memory_space<vmem_shared>>
      tpu.wait_indirect_dma semaphore(%run_scoped3A_265 : memref<!tpu.dma_semaphore, #tpu.memory_space<semaphore_mem>>) src(%dma_wait3A_279 : memref<128x16xf32, #tpu.memory_space<vmem>>) dst(%dma_wait3A_285 : memref<10240x16xf32, #tpu.memory_space<vmem_shared>>)
      tpu.yield
    }) : () -> ()
    %dma_wait3A_166 = arith.constant 1 : i32
    %dma_wait3A_167 = arith.constant 1 : i32
    %dma_wait3A_168 = arith.constant 0 : i32
    %dma_wait3A_169 = arith.constant 0 : i32
    %dma_wait3A_170 = tpu.memref_slice %arg8[%dma_wait3A_167, %dma_wait3A_168, %dma_wait3A_169] : memref<8x128x16xf32, #tpu.memory_space<vmem>> -> memref<1x128x16xf32, #tpu.memory_space<vmem>>
    %dma_wait3A_171 = tpu.memref_squeeze %dma_wait3A_170 : memref<1x128x16xf32, #tpu.memory_space<vmem>> -> memref<128x16xf32, #tpu.memory_space<vmem>>
    %dma_wait3A_172 = arith.constant 0 : i32
    %dma_wait3A_173 = tpu.memref_slice %arg6[%dma_wait3A_166, %dma_wait3A_172] : memref<80x128xi32, #tpu.memory_space<vmem>> -> memref<1x128xi32, #tpu.memory_space<vmem>>
    %dma_wait3A_174 = tpu.memref_squeeze %dma_wait3A_173 : memref<1x128xi32, #tpu.memory_space<vmem>> -> memref<128xi32, #tpu.memory_space<vmem>>
    %dma_wait3A_175 = arith.constant 0 : i32
    %dma_wait3A_176 = arith.constant 0 : i32
    %dma_wait3A_177 = tpu.memref_slice %arg2[%dma_wait3A_175, %dma_wait3A_176] : memref<10240x16xf32, #tpu.memory_space<hbm>> -> memref<10240x16xf32, #tpu.memory_space<hbm>>
    tpu.wait_indirect_dma semaphore(%arg11 : memref<!tpu.dma_semaphore, #tpu.memory_space<semaphore_mem>>) src(%dma_wait3A_177 : memref<10240x16xf32, #tpu.memory_space<hbm>>) dst(%dma_wait3A_171 : memref<128x16xf32, #tpu.memory_space<vmem>>)
    %run_scoped3A_178 = arith.constant 1 : i32
    %run_scoped3A_179 = arith.constant 73 : i32
    "tpu.region"() ({
      %run_scoped3A_265 = tpu.sem_alloc : memref<!tpu.dma_semaphore, #tpu.memory_space<semaphore_mem>>
      %dma_start3A_266 = arith.constant 0 : i32
      %dma_start3A_267 = arith.constant 0 : i32
      %dma_start3A_268 = tpu.memref_slice %arg8[%run_scoped3A_178, %dma_start3A_266, %dma_start3A_267] : memref<8x128x16xf32, #tpu.memory_space<vmem>> -> memref<1x128x16xf32, #tpu.memory_space<vmem>>
      %dma_start3A_269 = tpu.memref_squeeze %dma_start3A_268 : memref<1x128x16xf32, #tpu.memory_space<vmem>> -> memref<128x16xf32, #tpu.memory_space<vmem>>
      %dma_start3A_270 = arith.constant 0 : i32
      %dma_start3A_271 = tpu.memref_slice %arg7[%run_scoped3A_179, %dma_start3A_270] : memref<80x128xi32, #tpu.memory_space<vmem>> -> memref<1x128xi32, #tpu.memory_space<vmem>>
      %dma_start3A_272 = tpu.memref_squeeze %dma_start3A_271 : memref<1x128xi32, #tpu.memory_space<vmem>> -> memref<128xi32, #tpu.memory_space<vmem>>
      %dma_start3A_273 = arith.constant 0 : i32
      %dma_start3A_274 = arith.constant 0 : i32
      %dma_start3A_275 = tpu.memref_slice %arg9[%dma_start3A_273, %dma_start3A_274] : memref<10240x16xf32, #tpu.memory_space<vmem_shared>> -> memref<10240x16xf32, #tpu.memory_space<vmem_shared>>
      tpu.enqueue_indirect_dma source(%dma_start3A_269 : memref<128x16xf32, #tpu.memory_space<vmem>>) target(%dma_start3A_275 : memref<10240x16xf32, #tpu.memory_space<vmem_shared>>) offsets(%dma_start3A_272 : memref<128xi32, #tpu.memory_space<vmem>>) semaphore(%run_scoped3A_265 : memref<!tpu.dma_semaphore, #tpu.memory_space<semaphore_mem>>) {add = true}
      %dma_wait3A_276 = arith.constant 0 : i32
      %dma_wait3A_277 = arith.constant 0 : i32
      %dma_wait3A_278 = tpu.memref_slice %arg8[%run_scoped3A_178, %dma_wait3A_276, %dma_wait3A_277] : memref<8x128x16xf32, #tpu.memory_space<vmem>> -> memref<1x128x16xf32, #tpu.memory_space<vmem>>
      %dma_wait3A_279 = tpu.memref_squeeze %dma_wait3A_278 : memref<1x128x16xf32, #tpu.memory_space<vmem>> -> memref<128x16xf32, #tpu.memory_space<vmem>>
      %dma_wait3A_280 = arith.constant 0 : i32
      %dma_wait3A_281 = tpu.memref_slice %arg7[%run_scoped3A_179, %dma_wait3A_280] : memref<80x128xi32, #tpu.memory_space<vmem>> -> memref<1x128xi32, #tpu.memory_space<vmem>>
      %dma_wait3A_282 = tpu.memref_squeeze %dma_wait3A_281 : memref<1x128xi32, #tpu.memory_space<vmem>> -> memref<128xi32, #tpu.memory_space<vmem>>
      %dma_wait3A_283 = arith.constant 0 : i32
      %dma_wait3A_284 = arith.constant 0 : i32
      %dma_wait3A_285 = tpu.memref_slice %arg9[%dma_wait3A_283, %dma_wait3A_284] : memref<10240x16xf32, #tpu.memory_space<vmem_shared>> -> memref<10240x16xf32, #tpu.memory_space<vmem_shared>>
      tpu.wait_indirect_dma semaphore(%run_scoped3A_265 : memref<!tpu.dma_semaphore, #tpu.memory_space<semaphore_mem>>) src(%dma_wait3A_279 : memref<128x16xf32, #tpu.memory_space<vmem>>) dst(%dma_wait3A_285 : memref<10240x16xf32, #tpu.memory_space<vmem_shared>>)
      tpu.yield
    }) : () -> ()
    %dma_wait3A_180 = arith.constant 2 : i32
    %dma_wait3A_181 = arith.constant 2 : i32
    %dma_wait3A_182 = arith.constant 0 : i32
    %dma_wait3A_183 = arith.constant 0 : i32
    %dma_wait3A_184 = tpu.memref_slice %arg8[%dma_wait3A_181, %dma_wait3A_182, %dma_wait3A_183] : memref<8x128x16xf32, #tpu.memory_space<vmem>> -> memref<1x128x16xf32, #tpu.memory_space<vmem>>
    %dma_wait3A_185 = tpu.memref_squeeze %dma_wait3A_184 : memref<1x128x16xf32, #tpu.memory_space<vmem>> -> memref<128x16xf32, #tpu.memory_space<vmem>>
    %dma_wait3A_186 = arith.constant 0 : i32
    %dma_wait3A_187 = tpu.memref_slice %arg6[%dma_wait3A_180, %dma_wait3A_186] : memref<80x128xi32, #tpu.memory_space<vmem>> -> memref<1x128xi32, #tpu.memory_space<vmem>>
    %dma_wait3A_188 = tpu.memref_squeeze %dma_wait3A_187 : memref<1x128xi32, #tpu.memory_space<vmem>> -> memref<128xi32, #tpu.memory_space<vmem>>
    %dma_wait3A_189 = arith.constant 0 : i32
    %dma_wait3A_190 = arith.constant 0 : i32
    %dma_wait3A_191 = tpu.memref_slice %arg2[%dma_wait3A_189, %dma_wait3A_190] : memref<10240x16xf32, #tpu.memory_space<hbm>> -> memref<10240x16xf32, #tpu.memory_space<hbm>>
    tpu.wait_indirect_dma semaphore(%arg12 : memref<!tpu.dma_semaphore, #tpu.memory_space<semaphore_mem>>) src(%dma_wait3A_191 : memref<10240x16xf32, #tpu.memory_space<hbm>>) dst(%dma_wait3A_185 : memref<128x16xf32, #tpu.memory_space<vmem>>)
    %run_scoped3A_192 = arith.constant 2 : i32
    %run_scoped3A_193 = arith.constant 74 : i32
    "tpu.region"() ({
      %run_scoped3A_265 = tpu.sem_alloc : memref<!tpu.dma_semaphore, #tpu.memory_space<semaphore_mem>>
      %dma_start3A_266 = arith.constant 0 : i32
      %dma_start3A_267 = arith.constant 0 : i32
      %dma_start3A_268 = tpu.memref_slice %arg8[%run_scoped3A_192, %dma_start3A_266, %dma_start3A_267] : memref<8x128x16xf32, #tpu.memory_space<vmem>> -> memref<1x128x16xf32, #tpu.memory_space<vmem>>
      %dma_start3A_269 = tpu.memref_squeeze %dma_start3A_268 : memref<1x128x16xf32, #tpu.memory_space<vmem>> -> memref<128x16xf32, #tpu.memory_space<vmem>>
      %dma_start3A_270 = arith.constant 0 : i32
      %dma_start3A_271 = tpu.memref_slice %arg7[%run_scoped3A_193, %dma_start3A_270] : memref<80x128xi32, #tpu.memory_space<vmem>> -> memref<1x128xi32, #tpu.memory_space<vmem>>
      %dma_start3A_272 = tpu.memref_squeeze %dma_start3A_271 : memref<1x128xi32, #tpu.memory_space<vmem>> -> memref<128xi32, #tpu.memory_space<vmem>>
      %dma_start3A_273 = arith.constant 0 : i32
      %dma_start3A_274 = arith.constant 0 : i32
      %dma_start3A_275 = tpu.memref_slice %arg9[%dma_start3A_273, %dma_start3A_274] : memref<10240x16xf32, #tpu.memory_space<vmem_shared>> -> memref<10240x16xf32, #tpu.memory_space<vmem_shared>>
      tpu.enqueue_indirect_dma source(%dma_start3A_269 : memref<128x16xf32, #tpu.memory_space<vmem>>) target(%dma_start3A_275 : memref<10240x16xf32, #tpu.memory_space<vmem_shared>>) offsets(%dma_start3A_272 : memref<128xi32, #tpu.memory_space<vmem>>) semaphore(%run_scoped3A_265 : memref<!tpu.dma_semaphore, #tpu.memory_space<semaphore_mem>>) {add = true}
      %dma_wait3A_276 = arith.constant 0 : i32
      %dma_wait3A_277 = arith.constant 0 : i32
      %dma_wait3A_278 = tpu.memref_slice %arg8[%run_scoped3A_192, %dma_wait3A_276, %dma_wait3A_277] : memref<8x128x16xf32, #tpu.memory_space<vmem>> -> memref<1x128x16xf32, #tpu.memory_space<vmem>>
      %dma_wait3A_279 = tpu.memref_squeeze %dma_wait3A_278 : memref<1x128x16xf32, #tpu.memory_space<vmem>> -> memref<128x16xf32, #tpu.memory_space<vmem>>
      %dma_wait3A_280 = arith.constant 0 : i32
      %dma_wait3A_281 = tpu.memref_slice %arg7[%run_scoped3A_193, %dma_wait3A_280] : memref<80x128xi32, #tpu.memory_space<vmem>> -> memref<1x128xi32, #tpu.memory_space<vmem>>
      %dma_wait3A_282 = tpu.memref_squeeze %dma_wait3A_281 : memref<1x128xi32, #tpu.memory_space<vmem>> -> memref<128xi32, #tpu.memory_space<vmem>>
      %dma_wait3A_283 = arith.constant 0 : i32
      %dma_wait3A_284 = arith.constant 0 : i32
      %dma_wait3A_285 = tpu.memref_slice %arg9[%dma_wait3A_283, %dma_wait3A_284] : memref<10240x16xf32, #tpu.memory_space<vmem_shared>> -> memref<10240x16xf32, #tpu.memory_space<vmem_shared>>
      tpu.wait_indirect_dma semaphore(%run_scoped3A_265 : memref<!tpu.dma_semaphore, #tpu.memory_space<semaphore_mem>>) src(%dma_wait3A_279 : memref<128x16xf32, #tpu.memory_space<vmem>>) dst(%dma_wait3A_285 : memref<10240x16xf32, #tpu.memory_space<vmem_shared>>)
      tpu.yield
    }) : () -> ()
    %dma_wait3A_194 = arith.constant 3 : i32
    %dma_wait3A_195 = arith.constant 3 : i32
    %dma_wait3A_196 = arith.constant 0 : i32
    %dma_wait3A_197 = arith.constant 0 : i32
    %dma_wait3A_198 = tpu.memref_slice %arg8[%dma_wait3A_195, %dma_wait3A_196, %dma_wait3A_197] : memref<8x128x16xf32, #tpu.memory_space<vmem>> -> memref<1x128x16xf32, #tpu.memory_space<vmem>>
    %dma_wait3A_199 = tpu.memref_squeeze %dma_wait3A_198 : memref<1x128x16xf32, #tpu.memory_space<vmem>> -> memref<128x16xf32, #tpu.memory_space<vmem>>
    %dma_wait3A_200 = arith.constant 0 : i32
    %dma_wait3A_201 = tpu.memref_slice %arg6[%dma_wait3A_194, %dma_wait3A_200] : memref<80x128xi32, #tpu.memory_space<vmem>> -> memref<1x128xi32, #tpu.memory_space<vmem>>
    %dma_wait3A_202 = tpu.memref_squeeze %dma_wait3A_201 : memref<1x128xi32, #tpu.memory_space<vmem>> -> memref<128xi32, #tpu.memory_space<vmem>>
    %dma_wait3A_203 = arith.constant 0 : i32
    %dma_wait3A_204 = arith.constant 0 : i32
    %dma_wait3A_205 = tpu.memref_slice %arg2[%dma_wait3A_203, %dma_wait3A_204] : memref<10240x16xf32, #tpu.memory_space<hbm>> -> memref<10240x16xf32, #tpu.memory_space<hbm>>
    tpu.wait_indirect_dma semaphore(%arg13 : memref<!tpu.dma_semaphore, #tpu.memory_space<semaphore_mem>>) src(%dma_wait3A_205 : memref<10240x16xf32, #tpu.memory_space<hbm>>) dst(%dma_wait3A_199 : memref<128x16xf32, #tpu.memory_space<vmem>>)
    %run_scoped3A_206 = arith.constant 3 : i32
    %run_scoped3A_207 = arith.constant 75 : i32
    "tpu.region"() ({
      %run_scoped3A_265 = tpu.sem_alloc : memref<!tpu.dma_semaphore, #tpu.memory_space<semaphore_mem>>
      %dma_start3A_266 = arith.constant 0 : i32
      %dma_start3A_267 = arith.constant 0 : i32
      %dma_start3A_268 = tpu.memref_slice %arg8[%run_scoped3A_206, %dma_start3A_266, %dma_start3A_267] : memref<8x128x16xf32, #tpu.memory_space<vmem>> -> memref<1x128x16xf32, #tpu.memory_space<vmem>>
      %dma_start3A_269 = tpu.memref_squeeze %dma_start3A_268 : memref<1x128x16xf32, #tpu.memory_space<vmem>> -> memref<128x16xf32, #tpu.memory_space<vmem>>
      %dma_start3A_270 = arith.constant 0 : i32
      %dma_start3A_271 = tpu.memref_slice %arg7[%run_scoped3A_207, %dma_start3A_270] : memref<80x128xi32, #tpu.memory_space<vmem>> -> memref<1x128xi32, #tpu.memory_space<vmem>>
      %dma_start3A_272 = tpu.memref_squeeze %dma_start3A_271 : memref<1x128xi32, #tpu.memory_space<vmem>> -> memref<128xi32, #tpu.memory_space<vmem>>
      %dma_start3A_273 = arith.constant 0 : i32
      %dma_start3A_274 = arith.constant 0 : i32
      %dma_start3A_275 = tpu.memref_slice %arg9[%dma_start3A_273, %dma_start3A_274] : memref<10240x16xf32, #tpu.memory_space<vmem_shared>> -> memref<10240x16xf32, #tpu.memory_space<vmem_shared>>
      tpu.enqueue_indirect_dma source(%dma_start3A_269 : memref<128x16xf32, #tpu.memory_space<vmem>>) target(%dma_start3A_275 : memref<10240x16xf32, #tpu.memory_space<vmem_shared>>) offsets(%dma_start3A_272 : memref<128xi32, #tpu.memory_space<vmem>>) semaphore(%run_scoped3A_265 : memref<!tpu.dma_semaphore, #tpu.memory_space<semaphore_mem>>) {add = true}
      %dma_wait3A_276 = arith.constant 0 : i32
      %dma_wait3A_277 = arith.constant 0 : i32
      %dma_wait3A_278 = tpu.memref_slice %arg8[%run_scoped3A_206, %dma_wait3A_276, %dma_wait3A_277] : memref<8x128x16xf32, #tpu.memory_space<vmem>> -> memref<1x128x16xf32, #tpu.memory_space<vmem>>
      %dma_wait3A_279 = tpu.memref_squeeze %dma_wait3A_278 : memref<1x128x16xf32, #tpu.memory_space<vmem>> -> memref<128x16xf32, #tpu.memory_space<vmem>>
      %dma_wait3A_280 = arith.constant 0 : i32
      %dma_wait3A_281 = tpu.memref_slice %arg7[%run_scoped3A_207, %dma_wait3A_280] : memref<80x128xi32, #tpu.memory_space<vmem>> -> memref<1x128xi32, #tpu.memory_space<vmem>>
      %dma_wait3A_282 = tpu.memref_squeeze %dma_wait3A_281 : memref<1x128xi32, #tpu.memory_space<vmem>> -> memref<128xi32, #tpu.memory_space<vmem>>
      %dma_wait3A_283 = arith.constant 0 : i32
      %dma_wait3A_284 = arith.constant 0 : i32
      %dma_wait3A_285 = tpu.memref_slice %arg9[%dma_wait3A_283, %dma_wait3A_284] : memref<10240x16xf32, #tpu.memory_space<vmem_shared>> -> memref<10240x16xf32, #tpu.memory_space<vmem_shared>>
      tpu.wait_indirect_dma semaphore(%run_scoped3A_265 : memref<!tpu.dma_semaphore, #tpu.memory_space<semaphore_mem>>) src(%dma_wait3A_279 : memref<128x16xf32, #tpu.memory_space<vmem>>) dst(%dma_wait3A_285 : memref<10240x16xf32, #tpu.memory_space<vmem_shared>>)
      tpu.yield
    }) : () -> ()
    %dma_wait3A_208 = arith.constant 4 : i32
    %dma_wait3A_209 = arith.constant 4 : i32
    %dma_wait3A_210 = arith.constant 0 : i32
    %dma_wait3A_211 = arith.constant 0 : i32
    %dma_wait3A_212 = tpu.memref_slice %arg8[%dma_wait3A_209, %dma_wait3A_210, %dma_wait3A_211] : memref<8x128x16xf32, #tpu.memory_space<vmem>> -> memref<1x128x16xf32, #tpu.memory_space<vmem>>
    %dma_wait3A_213 = tpu.memref_squeeze %dma_wait3A_212 : memref<1x128x16xf32, #tpu.memory_space<vmem>> -> memref<128x16xf32, #tpu.memory_space<vmem>>
    %dma_wait3A_214 = arith.constant 0 : i32
    %dma_wait3A_215 = tpu.memref_slice %arg6[%dma_wait3A_208, %dma_wait3A_214] : memref<80x128xi32, #tpu.memory_space<vmem>> -> memref<1x128xi32, #tpu.memory_space<vmem>>
    %dma_wait3A_216 = tpu.memref_squeeze %dma_wait3A_215 : memref<1x128xi32, #tpu.memory_space<vmem>> -> memref<128xi32, #tpu.memory_space<vmem>>
    %dma_wait3A_217 = arith.constant 0 : i32
    %dma_wait3A_218 = arith.constant 0 : i32
    %dma_wait3A_219 = tpu.memref_slice %arg2[%dma_wait3A_217, %dma_wait3A_218] : memref<10240x16xf32, #tpu.memory_space<hbm>> -> memref<10240x16xf32, #tpu.memory_space<hbm>>
    tpu.wait_indirect_dma semaphore(%arg14 : memref<!tpu.dma_semaphore, #tpu.memory_space<semaphore_mem>>) src(%dma_wait3A_219 : memref<10240x16xf32, #tpu.memory_space<hbm>>) dst(%dma_wait3A_213 : memref<128x16xf32, #tpu.memory_space<vmem>>)
    %run_scoped3A_220 = arith.constant 4 : i32
    %run_scoped3A_221 = arith.constant 76 : i32
    "tpu.region"() ({
      %run_scoped3A_265 = tpu.sem_alloc : memref<!tpu.dma_semaphore, #tpu.memory_space<semaphore_mem>>
      %dma_start3A_266 = arith.constant 0 : i32
      %dma_start3A_267 = arith.constant 0 : i32
      %dma_start3A_268 = tpu.memref_slice %arg8[%run_scoped3A_220, %dma_start3A_266, %dma_start3A_267] : memref<8x128x16xf32, #tpu.memory_space<vmem>> -> memref<1x128x16xf32, #tpu.memory_space<vmem>>
      %dma_start3A_269 = tpu.memref_squeeze %dma_start3A_268 : memref<1x128x16xf32, #tpu.memory_space<vmem>> -> memref<128x16xf32, #tpu.memory_space<vmem>>
      %dma_start3A_270 = arith.constant 0 : i32
      %dma_start3A_271 = tpu.memref_slice %arg7[%run_scoped3A_221, %dma_start3A_270] : memref<80x128xi32, #tpu.memory_space<vmem>> -> memref<1x128xi32, #tpu.memory_space<vmem>>
      %dma_start3A_272 = tpu.memref_squeeze %dma_start3A_271 : memref<1x128xi32, #tpu.memory_space<vmem>> -> memref<128xi32, #tpu.memory_space<vmem>>
      %dma_start3A_273 = arith.constant 0 : i32
      %dma_start3A_274 = arith.constant 0 : i32
      %dma_start3A_275 = tpu.memref_slice %arg9[%dma_start3A_273, %dma_start3A_274] : memref<10240x16xf32, #tpu.memory_space<vmem_shared>> -> memref<10240x16xf32, #tpu.memory_space<vmem_shared>>
      tpu.enqueue_indirect_dma source(%dma_start3A_269 : memref<128x16xf32, #tpu.memory_space<vmem>>) target(%dma_start3A_275 : memref<10240x16xf32, #tpu.memory_space<vmem_shared>>) offsets(%dma_start3A_272 : memref<128xi32, #tpu.memory_space<vmem>>) semaphore(%run_scoped3A_265 : memref<!tpu.dma_semaphore, #tpu.memory_space<semaphore_mem>>) {add = true}
      %dma_wait3A_276 = arith.constant 0 : i32
      %dma_wait3A_277 = arith.constant 0 : i32
      %dma_wait3A_278 = tpu.memref_slice %arg8[%run_scoped3A_220, %dma_wait3A_276, %dma_wait3A_277] : memref<8x128x16xf32, #tpu.memory_space<vmem>> -> memref<1x128x16xf32, #tpu.memory_space<vmem>>
      %dma_wait3A_279 = tpu.memref_squeeze %dma_wait3A_278 : memref<1x128x16xf32, #tpu.memory_space<vmem>> -> memref<128x16xf32, #tpu.memory_space<vmem>>
      %dma_wait3A_280 = arith.constant 0 : i32
      %dma_wait3A_281 = tpu.memref_slice %arg7[%run_scoped3A_221, %dma_wait3A_280] : memref<80x128xi32, #tpu.memory_space<vmem>> -> memref<1x128xi32, #tpu.memory_space<vmem>>
      %dma_wait3A_282 = tpu.memref_squeeze %dma_wait3A_281 : memref<1x128xi32, #tpu.memory_space<vmem>> -> memref<128xi32, #tpu.memory_space<vmem>>
      %dma_wait3A_283 = arith.constant 0 : i32
      %dma_wait3A_284 = arith.constant 0 : i32
      %dma_wait3A_285 = tpu.memref_slice %arg9[%dma_wait3A_283, %dma_wait3A_284] : memref<10240x16xf32, #tpu.memory_space<vmem_shared>> -> memref<10240x16xf32, #tpu.memory_space<vmem_shared>>
      tpu.wait_indirect_dma semaphore(%run_scoped3A_265 : memref<!tpu.dma_semaphore, #tpu.memory_space<semaphore_mem>>) src(%dma_wait3A_279 : memref<128x16xf32, #tpu.memory_space<vmem>>) dst(%dma_wait3A_285 : memref<10240x16xf32, #tpu.memory_space<vmem_shared>>)
      tpu.yield
    }) : () -> ()
    %dma_wait3A_222 = arith.constant 5 : i32
    %dma_wait3A_223 = arith.constant 5 : i32
    %dma_wait3A_224 = arith.constant 0 : i32
    %dma_wait3A_225 = arith.constant 0 : i32
    %dma_wait3A_226 = tpu.memref_slice %arg8[%dma_wait3A_223, %dma_wait3A_224, %dma_wait3A_225] : memref<8x128x16xf32, #tpu.memory_space<vmem>> -> memref<1x128x16xf32, #tpu.memory_space<vmem>>
    %dma_wait3A_227 = tpu.memref_squeeze %dma_wait3A_226 : memref<1x128x16xf32, #tpu.memory_space<vmem>> -> memref<128x16xf32, #tpu.memory_space<vmem>>
    %dma_wait3A_228 = arith.constant 0 : i32
    %dma_wait3A_229 = tpu.memref_slice %arg6[%dma_wait3A_222, %dma_wait3A_228] : memref<80x128xi32, #tpu.memory_space<vmem>> -> memref<1x128xi32, #tpu.memory_space<vmem>>
    %dma_wait3A_230 = tpu.memref_squeeze %dma_wait3A_229 : memref<1x128xi32, #tpu.memory_space<vmem>> -> memref<128xi32, #tpu.memory_space<vmem>>
    %dma_wait3A_231 = arith.constant 0 : i32
    %dma_wait3A_232 = arith.constant 0 : i32
    %dma_wait3A_233 = tpu.memref_slice %arg2[%dma_wait3A_231, %dma_wait3A_232] : memref<10240x16xf32, #tpu.memory_space<hbm>> -> memref<10240x16xf32, #tpu.memory_space<hbm>>
    tpu.wait_indirect_dma semaphore(%arg15 : memref<!tpu.dma_semaphore, #tpu.memory_space<semaphore_mem>>) src(%dma_wait3A_233 : memref<10240x16xf32, #tpu.memory_space<hbm>>) dst(%dma_wait3A_227 : memref<128x16xf32, #tpu.memory_space<vmem>>)
    %run_scoped3A_234 = arith.constant 5 : i32
    %run_scoped3A_235 = arith.constant 77 : i32
    "tpu.region"() ({
      %run_scoped3A_265 = tpu.sem_alloc : memref<!tpu.dma_semaphore, #tpu.memory_space<semaphore_mem>>
      %dma_start3A_266 = arith.constant 0 : i32
      %dma_start3A_267 = arith.constant 0 : i32
      %dma_start3A_268 = tpu.memref_slice %arg8[%run_scoped3A_234, %dma_start3A_266, %dma_start3A_267] : memref<8x128x16xf32, #tpu.memory_space<vmem>> -> memref<1x128x16xf32, #tpu.memory_space<vmem>>
      %dma_start3A_269 = tpu.memref_squeeze %dma_start3A_268 : memref<1x128x16xf32, #tpu.memory_space<vmem>> -> memref<128x16xf32, #tpu.memory_space<vmem>>
      %dma_start3A_270 = arith.constant 0 : i32
      %dma_start3A_271 = tpu.memref_slice %arg7[%run_scoped3A_235, %dma_start3A_270] : memref<80x128xi32, #tpu.memory_space<vmem>> -> memref<1x128xi32, #tpu.memory_space<vmem>>
      %dma_start3A_272 = tpu.memref_squeeze %dma_start3A_271 : memref<1x128xi32, #tpu.memory_space<vmem>> -> memref<128xi32, #tpu.memory_space<vmem>>
      %dma_start3A_273 = arith.constant 0 : i32
      %dma_start3A_274 = arith.constant 0 : i32
      %dma_start3A_275 = tpu.memref_slice %arg9[%dma_start3A_273, %dma_start3A_274] : memref<10240x16xf32, #tpu.memory_space<vmem_shared>> -> memref<10240x16xf32, #tpu.memory_space<vmem_shared>>
      tpu.enqueue_indirect_dma source(%dma_start3A_269 : memref<128x16xf32, #tpu.memory_space<vmem>>) target(%dma_start3A_275 : memref<10240x16xf32, #tpu.memory_space<vmem_shared>>) offsets(%dma_start3A_272 : memref<128xi32, #tpu.memory_space<vmem>>) semaphore(%run_scoped3A_265 : memref<!tpu.dma_semaphore, #tpu.memory_space<semaphore_mem>>) {add = true}
      %dma_wait3A_276 = arith.constant 0 : i32
      %dma_wait3A_277 = arith.constant 0 : i32
      %dma_wait3A_278 = tpu.memref_slice %arg8[%run_scoped3A_234, %dma_wait3A_276, %dma_wait3A_277] : memref<8x128x16xf32, #tpu.memory_space<vmem>> -> memref<1x128x16xf32, #tpu.memory_space<vmem>>
      %dma_wait3A_279 = tpu.memref_squeeze %dma_wait3A_278 : memref<1x128x16xf32, #tpu.memory_space<vmem>> -> memref<128x16xf32, #tpu.memory_space<vmem>>
      %dma_wait3A_280 = arith.constant 0 : i32
      %dma_wait3A_281 = tpu.memref_slice %arg7[%run_scoped3A_235, %dma_wait3A_280] : memref<80x128xi32, #tpu.memory_space<vmem>> -> memref<1x128xi32, #tpu.memory_space<vmem>>
      %dma_wait3A_282 = tpu.memref_squeeze %dma_wait3A_281 : memref<1x128xi32, #tpu.memory_space<vmem>> -> memref<128xi32, #tpu.memory_space<vmem>>
      %dma_wait3A_283 = arith.constant 0 : i32
      %dma_wait3A_284 = arith.constant 0 : i32
      %dma_wait3A_285 = tpu.memref_slice %arg9[%dma_wait3A_283, %dma_wait3A_284] : memref<10240x16xf32, #tpu.memory_space<vmem_shared>> -> memref<10240x16xf32, #tpu.memory_space<vmem_shared>>
      tpu.wait_indirect_dma semaphore(%run_scoped3A_265 : memref<!tpu.dma_semaphore, #tpu.memory_space<semaphore_mem>>) src(%dma_wait3A_279 : memref<128x16xf32, #tpu.memory_space<vmem>>) dst(%dma_wait3A_285 : memref<10240x16xf32, #tpu.memory_space<vmem_shared>>)
      tpu.yield
    }) : () -> ()
    %dma_wait3A_236 = arith.constant 6 : i32
    %dma_wait3A_237 = arith.constant 6 : i32
    %dma_wait3A_238 = arith.constant 0 : i32
    %dma_wait3A_239 = arith.constant 0 : i32
    %dma_wait3A_240 = tpu.memref_slice %arg8[%dma_wait3A_237, %dma_wait3A_238, %dma_wait3A_239] : memref<8x128x16xf32, #tpu.memory_space<vmem>> -> memref<1x128x16xf32, #tpu.memory_space<vmem>>
    %dma_wait3A_241 = tpu.memref_squeeze %dma_wait3A_240 : memref<1x128x16xf32, #tpu.memory_space<vmem>> -> memref<128x16xf32, #tpu.memory_space<vmem>>
    %dma_wait3A_242 = arith.constant 0 : i32
    %dma_wait3A_243 = tpu.memref_slice %arg6[%dma_wait3A_236, %dma_wait3A_242] : memref<80x128xi32, #tpu.memory_space<vmem>> -> memref<1x128xi32, #tpu.memory_space<vmem>>
    %dma_wait3A_244 = tpu.memref_squeeze %dma_wait3A_243 : memref<1x128xi32, #tpu.memory_space<vmem>> -> memref<128xi32, #tpu.memory_space<vmem>>
    %dma_wait3A_245 = arith.constant 0 : i32
    %dma_wait3A_246 = arith.constant 0 : i32
    %dma_wait3A_247 = tpu.memref_slice %arg2[%dma_wait3A_245, %dma_wait3A_246] : memref<10240x16xf32, #tpu.memory_space<hbm>> -> memref<10240x16xf32, #tpu.memory_space<hbm>>
    tpu.wait_indirect_dma semaphore(%arg16 : memref<!tpu.dma_semaphore, #tpu.memory_space<semaphore_mem>>) src(%dma_wait3A_247 : memref<10240x16xf32, #tpu.memory_space<hbm>>) dst(%dma_wait3A_241 : memref<128x16xf32, #tpu.memory_space<vmem>>)
    %run_scoped3A_248 = arith.constant 6 : i32
    %run_scoped3A_249 = arith.constant 78 : i32
    "tpu.region"() ({
      %run_scoped3A_265 = tpu.sem_alloc : memref<!tpu.dma_semaphore, #tpu.memory_space<semaphore_mem>>
      %dma_start3A_266 = arith.constant 0 : i32
      %dma_start3A_267 = arith.constant 0 : i32
      %dma_start3A_268 = tpu.memref_slice %arg8[%run_scoped3A_248, %dma_start3A_266, %dma_start3A_267] : memref<8x128x16xf32, #tpu.memory_space<vmem>> -> memref<1x128x16xf32, #tpu.memory_space<vmem>>
      %dma_start3A_269 = tpu.memref_squeeze %dma_start3A_268 : memref<1x128x16xf32, #tpu.memory_space<vmem>> -> memref<128x16xf32, #tpu.memory_space<vmem>>
      %dma_start3A_270 = arith.constant 0 : i32
      %dma_start3A_271 = tpu.memref_slice %arg7[%run_scoped3A_249, %dma_start3A_270] : memref<80x128xi32, #tpu.memory_space<vmem>> -> memref<1x128xi32, #tpu.memory_space<vmem>>
      %dma_start3A_272 = tpu.memref_squeeze %dma_start3A_271 : memref<1x128xi32, #tpu.memory_space<vmem>> -> memref<128xi32, #tpu.memory_space<vmem>>
      %dma_start3A_273 = arith.constant 0 : i32
      %dma_start3A_274 = arith.constant 0 : i32
      %dma_start3A_275 = tpu.memref_slice %arg9[%dma_start3A_273, %dma_start3A_274] : memref<10240x16xf32, #tpu.memory_space<vmem_shared>> -> memref<10240x16xf32, #tpu.memory_space<vmem_shared>>
      tpu.enqueue_indirect_dma source(%dma_start3A_269 : memref<128x16xf32, #tpu.memory_space<vmem>>) target(%dma_start3A_275 : memref<10240x16xf32, #tpu.memory_space<vmem_shared>>) offsets(%dma_start3A_272 : memref<128xi32, #tpu.memory_space<vmem>>) semaphore(%run_scoped3A_265 : memref<!tpu.dma_semaphore, #tpu.memory_space<semaphore_mem>>) {add = true}
      %dma_wait3A_276 = arith.constant 0 : i32
      %dma_wait3A_277 = arith.constant 0 : i32
      %dma_wait3A_278 = tpu.memref_slice %arg8[%run_scoped3A_248, %dma_wait3A_276, %dma_wait3A_277] : memref<8x128x16xf32, #tpu.memory_space<vmem>> -> memref<1x128x16xf32, #tpu.memory_space<vmem>>
      %dma_wait3A_279 = tpu.memref_squeeze %dma_wait3A_278 : memref<1x128x16xf32, #tpu.memory_space<vmem>> -> memref<128x16xf32, #tpu.memory_space<vmem>>
      %dma_wait3A_280 = arith.constant 0 : i32
      %dma_wait3A_281 = tpu.memref_slice %arg7[%run_scoped3A_249, %dma_wait3A_280] : memref<80x128xi32, #tpu.memory_space<vmem>> -> memref<1x128xi32, #tpu.memory_space<vmem>>
      %dma_wait3A_282 = tpu.memref_squeeze %dma_wait3A_281 : memref<1x128xi32, #tpu.memory_space<vmem>> -> memref<128xi32, #tpu.memory_space<vmem>>
      %dma_wait3A_283 = arith.constant 0 : i32
      %dma_wait3A_284 = arith.constant 0 : i32
      %dma_wait3A_285 = tpu.memref_slice %arg9[%dma_wait3A_283, %dma_wait3A_284] : memref<10240x16xf32, #tpu.memory_space<vmem_shared>> -> memref<10240x16xf32, #tpu.memory_space<vmem_shared>>
      tpu.wait_indirect_dma semaphore(%run_scoped3A_265 : memref<!tpu.dma_semaphore, #tpu.memory_space<semaphore_mem>>) src(%dma_wait3A_279 : memref<128x16xf32, #tpu.memory_space<vmem>>) dst(%dma_wait3A_285 : memref<10240x16xf32, #tpu.memory_space<vmem_shared>>)
      tpu.yield
    }) : () -> ()
    %dma_wait3A_250 = arith.constant 7 : i32
    %dma_wait3A_251 = arith.constant 7 : i32
    %dma_wait3A_252 = arith.constant 0 : i32
    %dma_wait3A_253 = arith.constant 0 : i32
    %dma_wait3A_254 = tpu.memref_slice %arg8[%dma_wait3A_251, %dma_wait3A_252, %dma_wait3A_253] : memref<8x128x16xf32, #tpu.memory_space<vmem>> -> memref<1x128x16xf32, #tpu.memory_space<vmem>>
    %dma_wait3A_255 = tpu.memref_squeeze %dma_wait3A_254 : memref<1x128x16xf32, #tpu.memory_space<vmem>> -> memref<128x16xf32, #tpu.memory_space<vmem>>
    %dma_wait3A_256 = arith.constant 0 : i32
    %dma_wait3A_257 = tpu.memref_slice %arg6[%dma_wait3A_250, %dma_wait3A_256] : memref<80x128xi32, #tpu.memory_space<vmem>> -> memref<1x128xi32, #tpu.memory_space<vmem>>
    %dma_wait3A_258 = tpu.memref_squeeze %dma_wait3A_257 : memref<1x128xi32, #tpu.memory_space<vmem>> -> memref<128xi32, #tpu.memory_space<vmem>>
    %dma_wait3A_259 = arith.constant 0 : i32
    %dma_wait3A_260 = arith.constant 0 : i32
    %dma_wait3A_261 = tpu.memref_slice %arg2[%dma_wait3A_259, %dma_wait3A_260] : memref<10240x16xf32, #tpu.memory_space<hbm>> -> memref<10240x16xf32, #tpu.memory_space<hbm>>
    tpu.wait_indirect_dma semaphore(%arg17 : memref<!tpu.dma_semaphore, #tpu.memory_space<semaphore_mem>>) src(%dma_wait3A_261 : memref<10240x16xf32, #tpu.memory_space<hbm>>) dst(%dma_wait3A_255 : memref<128x16xf32, #tpu.memory_space<vmem>>)
    %run_scoped3A_262 = arith.constant 7 : i32
    %run_scoped3A_263 = arith.constant 79 : i32
    "tpu.region"() ({
      %run_scoped3A_265 = tpu.sem_alloc : memref<!tpu.dma_semaphore, #tpu.memory_space<semaphore_mem>>
      %dma_start3A_266 = arith.constant 0 : i32
      %dma_start3A_267 = arith.constant 0 : i32
      %dma_start3A_268 = tpu.memref_slice %arg8[%run_scoped3A_262, %dma_start3A_266, %dma_start3A_267] : memref<8x128x16xf32, #tpu.memory_space<vmem>> -> memref<1x128x16xf32, #tpu.memory_space<vmem>>
      %dma_start3A_269 = tpu.memref_squeeze %dma_start3A_268 : memref<1x128x16xf32, #tpu.memory_space<vmem>> -> memref<128x16xf32, #tpu.memory_space<vmem>>
      %dma_start3A_270 = arith.constant 0 : i32
      %dma_start3A_271 = tpu.memref_slice %arg7[%run_scoped3A_263, %dma_start3A_270] : memref<80x128xi32, #tpu.memory_space<vmem>> -> memref<1x128xi32, #tpu.memory_space<vmem>>
      %dma_start3A_272 = tpu.memref_squeeze %dma_start3A_271 : memref<1x128xi32, #tpu.memory_space<vmem>> -> memref<128xi32, #tpu.memory_space<vmem>>
      %dma_start3A_273 = arith.constant 0 : i32
      %dma_start3A_274 = arith.constant 0 : i32
      %dma_start3A_275 = tpu.memref_slice %arg9[%dma_start3A_273, %dma_start3A_274] : memref<10240x16xf32, #tpu.memory_space<vmem_shared>> -> memref<10240x16xf32, #tpu.memory_space<vmem_shared>>
      tpu.enqueue_indirect_dma source(%dma_start3A_269 : memref<128x16xf32, #tpu.memory_space<vmem>>) target(%dma_start3A_275 : memref<10240x16xf32, #tpu.memory_space<vmem_shared>>) offsets(%dma_start3A_272 : memref<128xi32, #tpu.memory_space<vmem>>) semaphore(%run_scoped3A_265 : memref<!tpu.dma_semaphore, #tpu.memory_space<semaphore_mem>>) {add = true}
      %dma_wait3A_276 = arith.constant 0 : i32
      %dma_wait3A_277 = arith.constant 0 : i32
      %dma_wait3A_278 = tpu.memref_slice %arg8[%run_scoped3A_262, %dma_wait3A_276, %dma_wait3A_277] : memref<8x128x16xf32, #tpu.memory_space<vmem>> -> memref<1x128x16xf32, #tpu.memory_space<vmem>>
      %dma_wait3A_279 = tpu.memref_squeeze %dma_wait3A_278 : memref<1x128x16xf32, #tpu.memory_space<vmem>> -> memref<128x16xf32, #tpu.memory_space<vmem>>
      %dma_wait3A_280 = arith.constant 0 : i32
      %dma_wait3A_281 = tpu.memref_slice %arg7[%run_scoped3A_263, %dma_wait3A_280] : memref<80x128xi32, #tpu.memory_space<vmem>> -> memref<1x128xi32, #tpu.memory_space<vmem>>
      %dma_wait3A_282 = tpu.memref_squeeze %dma_wait3A_281 : memref<1x128xi32, #tpu.memory_space<vmem>> -> memref<128xi32, #tpu.memory_space<vmem>>
      %dma_wait3A_283 = arith.constant 0 : i32
      %dma_wait3A_284 = arith.constant 0 : i32
      %dma_wait3A_285 = tpu.memref_slice %arg9[%dma_wait3A_283, %dma_wait3A_284] : memref<10240x16xf32, #tpu.memory_space<vmem_shared>> -> memref<10240x16xf32, #tpu.memory_space<vmem_shared>>
      tpu.wait_indirect_dma semaphore(%run_scoped3A_265 : memref<!tpu.dma_semaphore, #tpu.memory_space<semaphore_mem>>) src(%dma_wait3A_279 : memref<128x16xf32, #tpu.memory_space<vmem>>) dst(%dma_wait3A_285 : memref<10240x16xf32, #tpu.memory_space<vmem_shared>>)
      tpu.yield
    }) : () -> ()
    %barrier3A_264 = arith.constant 0 : index
    tpu.barrier barrier_id(%barrier3A_264)
    "tpu.region"() ({
      %run_scoped3A_265 = tpu.sem_alloc : memref<!tpu.dma_semaphore, #tpu.memory_space<semaphore_mem>>
      %dma_start3A_266 = arith.constant 0 : i32
      %dma_start3A_267 = tpu.memref_slice %arg5[%arg0, %multiple_of3A, %dma_start3A_266] : memref<2x10240x16xf32, #tpu.memory_space<hbm>> -> memref<1x640x16xf32, #tpu.memory_space<hbm>>
      %dma_start3A_268 = tpu.memref_squeeze %dma_start3A_267 : memref<1x640x16xf32, #tpu.memory_space<hbm>> -> memref<640x16xf32, #tpu.memory_space<hbm>>
      %dma_start3A_269 = arith.constant 0 : i32
      %dma_start3A_270 = tpu.memref_slice %arg9[%multiple_of3A, %dma_start3A_269] : memref<10240x16xf32, #tpu.memory_space<vmem_shared>> -> memref<640x16xf32, #tpu.memory_space<vmem_shared>>
      tpu.enqueue_dma source(%dma_start3A_270 : memref<640x16xf32, #tpu.memory_space<vmem_shared>>) target(%dma_start3A_268 : memref<640x16xf32, #tpu.memory_space<hbm>>) target_semaphore(%run_scoped3A_265 : memref<!tpu.dma_semaphore, #tpu.memory_space<semaphore_mem>>)
      %dma_wait3A_271 = arith.constant 0 : i32
      %dma_wait3A_272 = tpu.memref_slice %arg5[%arg0, %multiple_of3A, %dma_wait3A_271] : memref<2x10240x16xf32, #tpu.memory_space<hbm>> -> memref<1x640x16xf32, #tpu.memory_space<hbm>>
      %dma_wait3A_273 = tpu.memref_squeeze %dma_wait3A_272 : memref<1x640x16xf32, #tpu.memory_space<hbm>> -> memref<640x16xf32, #tpu.memory_space<hbm>>
      %dma_wait3A_274 = arith.constant 0 : i32
      %dma_wait3A_275 = tpu.memref_slice %arg9[%multiple_of3A, %dma_wait3A_274] : memref<10240x16xf32, #tpu.memory_space<vmem_shared>> -> memref<640x16xf32, #tpu.memory_space<vmem_shared>>
      tpu.wait_dma2 semaphore(%run_scoped3A_265 : memref<!tpu.dma_semaphore, #tpu.memory_space<semaphore_mem>>) src(%dma_wait3A_275 : memref<640x16xf32, #tpu.memory_space<vmem_shared>>) dst(%dma_wait3A_273 : memref<640x16xf32, #tpu.memory_space<hbm>>)
      tpu.yield
    }) : () -> ()
    return
  }
}

#map = affine_map<(d0, d1) -> (0, 0, 0)>
#map1 = affine_map<(d0, d1) -> (0, 0)>
module attributes {stable_mosaic.version = 14 : i64} {
  func.func @deg_kernel(%arg0: i32, %arg1: i32, %arg2: memref<32x80x128xi32, #tpu.memory_space<hbm>>, %arg3: memref<2x10240xf32, #tpu.memory_space<hbm>>, %arg4: memref<80x128xi32, #tpu.memory_space<vmem>>, %arg5: memref<128xf32, #tpu.memory_space<vmem>>, %arg6: memref<10240xf32, #tpu.memory_space<vmem_shared>>, %arg7: memref<!tpu.dma_semaphore, #tpu.memory_space<semaphore_mem>>) attributes {dimension_semantics = [#tpu.dimension_semantics<core_parallel>, #tpu.dimension_semantics<subcore_parallel>], iteration_bounds = array<i64: 2, 16>, scalar_prefetch = 0 : i64, scratch_operands = 4 : i64, tpu.core_type = #tpu.core_type<sc_vector_subcore>, window_params = [{transform_indices = #map}, {transform_indices = #map1}]} {
    %mul3A = arith.constant 16 : i32
    %mul3A_0 = arith.muli %arg0, %mul3A : i32
    %add3A = arith.addi %mul3A_0, %arg1 : i32
    %mul3A_1 = arith.constant 640 : i32
    %mul3A_2 = arith.muli %arg1, %mul3A_1 : i32
    %multiple_of3A = tpu.assume_multiple %mul3A_2, 8 : i32
    %scan3A = arith.constant 0 : i32
    %scan3A_3 = arith.constant 8 : i32
    %scan3A_4 = arith.addi %scan3A, %scan3A_3 : i32
    %scan3A_5 = arith.constant 1 : i32
    scf.for %scan3A_28 = %scan3A to %scan3A_4 step %scan3A_5  : i32 {
      %mul3A_29 = arith.constant 16 : i32
      %mul3A_30 = arith.muli %scan3A_28, %mul3A_29 : i32
      %add3A_31 = arith.constant 0 : i32
      %add3A_32 = arith.addi %add3A_31, %mul3A_30 : i32
      %broadcast_in_dim3A = arith.constant 0.000000e+00 : f32
      %broadcast_in_dim3A_33 = vector.broadcast %broadcast_in_dim3A : f32 to vector<16xf32>
      %swap3A = arith.index_cast %add3A_32 : i32 to index
      %swap3A_34 = tpu.vector_load %arg5[%swap3A] {strides = array<i32>} : memref<128xf32, #tpu.memory_space<vmem>>, vector<16xf32>,
      %swap3A_35 = vector.shape_cast %swap3A_34 : vector<16xf32> to vector<16xf32>
      %swap3A_36 = vector.shape_cast %broadcast_in_dim3A_33 : vector<16xf32> to vector<16xf32>
      tpu.vector_store %arg5[%swap3A], %swap3A_36 {strides = array<i32>} : memref<128xf32, #tpu.memory_space<vmem>>, vector<16xf32>,
    }
    %scan3A_6 = arith.constant 8 : i32
    %add3A_7 = arith.constant 0 : i32
    %add3A_8 = arith.addi %multiple_of3A, %add3A_7 : i32
    "tpu.region"() ({
      %run_scoped3A = tpu.sem_alloc : memref<!tpu.dma_semaphore, #tpu.memory_space<semaphore_mem>>
      %dma_start3A = tpu.memref_slice %arg6[%add3A_8] : memref<10240xf32, #tpu.memory_space<vmem_shared>> -> memref<128xf32, #tpu.memory_space<vmem_shared>>
      %dma_start3A_28 = tpu.memref_slice %arg6[%add3A_8] : memref<10240xf32, #tpu.memory_space<vmem_shared>> -> memref<128xf32, #tpu.memory_space<vmem_shared>>
      tpu.enqueue_dma source(%arg5 : memref<128xf32, #tpu.memory_space<vmem>>) target(%dma_start3A_28 : memref<128xf32, #tpu.memory_space<vmem_shared>>) target_semaphore(%run_scoped3A : memref<!tpu.dma_semaphore, #tpu.memory_space<semaphore_mem>>)
      %dma_wait3A = tpu.memref_slice %arg6[%add3A_8] : memref<10240xf32, #tpu.memory_space<vmem_shared>> -> memref<128xf32, #tpu.memory_space<vmem_shared>>
      %dma_wait3A_29 = tpu.memref_slice %arg6[%add3A_8] : memref<10240xf32, #tpu.memory_space<vmem_shared>> -> memref<128xf32, #tpu.memory_space<vmem_shared>>
      tpu.wait_dma2 semaphore(%run_scoped3A : memref<!tpu.dma_semaphore, #tpu.memory_space<semaphore_mem>>) src(%arg5 : memref<128xf32, #tpu.memory_space<vmem>>) dst(%dma_wait3A_29 : memref<128xf32, #tpu.memory_space<vmem_shared>>)
      tpu.yield
    }) : () -> ()
    %add3A_9 = arith.constant 128 : i32
    %add3A_10 = arith.addi %multiple_of3A, %add3A_9 : i32
    "tpu.region"() ({
      %run_scoped3A = tpu.sem_alloc : memref<!tpu.dma_semaphore, #tpu.memory_space<semaphore_mem>>
      %dma_start3A = tpu.memref_slice %arg6[%add3A_10] : memref<10240xf32, #tpu.memory_space<vmem_shared>> -> memref<128xf32, #tpu.memory_space<vmem_shared>>
      %dma_start3A_28 = tpu.memref_slice %arg6[%add3A_10] : memref<10240xf32, #tpu.memory_space<vmem_shared>> -> memref<128xf32, #tpu.memory_space<vmem_shared>>
      tpu.enqueue_dma source(%arg5 : memref<128xf32, #tpu.memory_space<vmem>>) target(%dma_start3A_28 : memref<128xf32, #tpu.memory_space<vmem_shared>>) target_semaphore(%run_scoped3A : memref<!tpu.dma_semaphore, #tpu.memory_space<semaphore_mem>>)
      %dma_wait3A = tpu.memref_slice %arg6[%add3A_10] : memref<10240xf32, #tpu.memory_space<vmem_shared>> -> memref<128xf32, #tpu.memory_space<vmem_shared>>
      %dma_wait3A_29 = tpu.memref_slice %arg6[%add3A_10] : memref<10240xf32, #tpu.memory_space<vmem_shared>> -> memref<128xf32, #tpu.memory_space<vmem_shared>>
      tpu.wait_dma2 semaphore(%run_scoped3A : memref<!tpu.dma_semaphore, #tpu.memory_space<semaphore_mem>>) src(%arg5 : memref<128xf32, #tpu.memory_space<vmem>>) dst(%dma_wait3A_29 : memref<128xf32, #tpu.memory_space<vmem_shared>>)
      tpu.yield
    }) : () -> ()
    %add3A_11 = arith.constant 256 : i32
    %add3A_12 = arith.addi %multiple_of3A, %add3A_11 : i32
    "tpu.region"() ({
      %run_scoped3A = tpu.sem_alloc : memref<!tpu.dma_semaphore, #tpu.memory_space<semaphore_mem>>
      %dma_start3A = tpu.memref_slice %arg6[%add3A_12] : memref<10240xf32, #tpu.memory_space<vmem_shared>> -> memref<128xf32, #tpu.memory_space<vmem_shared>>
      %dma_start3A_28 = tpu.memref_slice %arg6[%add3A_12] : memref<10240xf32, #tpu.memory_space<vmem_shared>> -> memref<128xf32, #tpu.memory_space<vmem_shared>>
      tpu.enqueue_dma source(%arg5 : memref<128xf32, #tpu.memory_space<vmem>>) target(%dma_start3A_28 : memref<128xf32, #tpu.memory_space<vmem_shared>>) target_semaphore(%run_scoped3A : memref<!tpu.dma_semaphore, #tpu.memory_space<semaphore_mem>>)
      %dma_wait3A = tpu.memref_slice %arg6[%add3A_12] : memref<10240xf32, #tpu.memory_space<vmem_shared>> -> memref<128xf32, #tpu.memory_space<vmem_shared>>
      %dma_wait3A_29 = tpu.memref_slice %arg6[%add3A_12] : memref<10240xf32, #tpu.memory_space<vmem_shared>> -> memref<128xf32, #tpu.memory_space<vmem_shared>>
      tpu.wait_dma2 semaphore(%run_scoped3A : memref<!tpu.dma_semaphore, #tpu.memory_space<semaphore_mem>>) src(%arg5 : memref<128xf32, #tpu.memory_space<vmem>>) dst(%dma_wait3A_29 : memref<128xf32, #tpu.memory_space<vmem_shared>>)
      tpu.yield
    }) : () -> ()
    %add3A_13 = arith.constant 384 : i32
    %add3A_14 = arith.addi %multiple_of3A, %add3A_13 : i32
    "tpu.region"() ({
      %run_scoped3A = tpu.sem_alloc : memref<!tpu.dma_semaphore, #tpu.memory_space<semaphore_mem>>
      %dma_start3A = tpu.memref_slice %arg6[%add3A_14] : memref<10240xf32, #tpu.memory_space<vmem_shared>> -> memref<128xf32, #tpu.memory_space<vmem_shared>>
      %dma_start3A_28 = tpu.memref_slice %arg6[%add3A_14] : memref<10240xf32, #tpu.memory_space<vmem_shared>> -> memref<128xf32, #tpu.memory_space<vmem_shared>>
      tpu.enqueue_dma source(%arg5 : memref<128xf32, #tpu.memory_space<vmem>>) target(%dma_start3A_28 : memref<128xf32, #tpu.memory_space<vmem_shared>>) target_semaphore(%run_scoped3A : memref<!tpu.dma_semaphore, #tpu.memory_space<semaphore_mem>>)
      %dma_wait3A = tpu.memref_slice %arg6[%add3A_14] : memref<10240xf32, #tpu.memory_space<vmem_shared>> -> memref<128xf32, #tpu.memory_space<vmem_shared>>
      %dma_wait3A_29 = tpu.memref_slice %arg6[%add3A_14] : memref<10240xf32, #tpu.memory_space<vmem_shared>> -> memref<128xf32, #tpu.memory_space<vmem_shared>>
      tpu.wait_dma2 semaphore(%run_scoped3A : memref<!tpu.dma_semaphore, #tpu.memory_space<semaphore_mem>>) src(%arg5 : memref<128xf32, #tpu.memory_space<vmem>>) dst(%dma_wait3A_29 : memref<128xf32, #tpu.memory_space<vmem_shared>>)
      tpu.yield
    }) : () -> ()
    %add3A_15 = arith.constant 512 : i32
    %add3A_16 = arith.addi %multiple_of3A, %add3A_15 : i32
    "tpu.region"() ({
      %run_scoped3A = tpu.sem_alloc : memref<!tpu.dma_semaphore, #tpu.memory_space<semaphore_mem>>
      %dma_start3A = tpu.memref_slice %arg6[%add3A_16] : memref<10240xf32, #tpu.memory_space<vmem_shared>> -> memref<128xf32, #tpu.memory_space<vmem_shared>>
      %dma_start3A_28 = tpu.memref_slice %arg6[%add3A_16] : memref<10240xf32, #tpu.memory_space<vmem_shared>> -> memref<128xf32, #tpu.memory_space<vmem_shared>>
      tpu.enqueue_dma source(%arg5 : memref<128xf32, #tpu.memory_space<vmem>>) target(%dma_start3A_28 : memref<128xf32, #tpu.memory_space<vmem_shared>>) target_semaphore(%run_scoped3A : memref<!tpu.dma_semaphore, #tpu.memory_space<semaphore_mem>>)
      %dma_wait3A = tpu.memref_slice %arg6[%add3A_16] : memref<10240xf32, #tpu.memory_space<vmem_shared>> -> memref<128xf32, #tpu.memory_space<vmem_shared>>
      %dma_wait3A_29 = tpu.memref_slice %arg6[%add3A_16] : memref<10240xf32, #tpu.memory_space<vmem_shared>> -> memref<128xf32, #tpu.memory_space<vmem_shared>>
      tpu.wait_dma2 semaphore(%run_scoped3A : memref<!tpu.dma_semaphore, #tpu.memory_space<semaphore_mem>>) src(%arg5 : memref<128xf32, #tpu.memory_space<vmem>>) dst(%dma_wait3A_29 : memref<128xf32, #tpu.memory_space<vmem_shared>>)
      tpu.yield
    }) : () -> ()
    %scan3A_17 = arith.constant 0 : i32
    %scan3A_18 = arith.constant 8 : i32
    %scan3A_19 = arith.addi %scan3A_17, %scan3A_18 : i32
    %scan3A_20 = arith.constant 1 : i32
    scf.for %scan3A_28 = %scan3A_17 to %scan3A_19 step %scan3A_20  : i32 {
      %mul3A_29 = arith.constant 16 : i32
      %mul3A_30 = arith.muli %scan3A_28, %mul3A_29 : i32
      %add3A_31 = arith.constant 0 : i32
      %add3A_32 = arith.addi %add3A_31, %mul3A_30 : i32
      %broadcast_in_dim3A = arith.constant 1.000000e+00 : f32
      %broadcast_in_dim3A_33 = vector.broadcast %broadcast_in_dim3A : f32 to vector<16xf32>
      %swap3A = arith.index_cast %add3A_32 : i32 to index
      %swap3A_34 = tpu.vector_load %arg5[%swap3A] {strides = array<i32>} : memref<128xf32, #tpu.memory_space<vmem>>, vector<16xf32>,
      %swap3A_35 = vector.shape_cast %swap3A_34 : vector<16xf32> to vector<16xf32>
      %swap3A_36 = vector.shape_cast %broadcast_in_dim3A_33 : vector<16xf32> to vector<16xf32>
      tpu.vector_store %arg5[%swap3A], %swap3A_36 {strides = array<i32>} : memref<128xf32, #tpu.memory_space<vmem>>, vector<16xf32>,
    }
    %scan3A_21 = arith.constant 8 : i32
    "tpu.region"() ({
      %run_scoped3A = tpu.sem_alloc : memref<!tpu.dma_semaphore, #tpu.memory_space<semaphore_mem>>
      %dma_start3A = arith.constant 0 : i32
      %dma_start3A_28 = arith.constant 0 : i32
      %dma_start3A_29 = tpu.memref_slice %arg2[%add3A, %dma_start3A, %dma_start3A_28] : memref<32x80x128xi32, #tpu.memory_space<hbm>> -> memref<1x80x128xi32, #tpu.memory_space<hbm>>
      %dma_start3A_30 = tpu.memref_squeeze %dma_start3A_29 : memref<1x80x128xi32, #tpu.memory_space<hbm>> -> memref<80x128xi32, #tpu.memory_space<hbm>>
      %dma_start3A_31 = arith.constant 0 : i32
      %dma_start3A_32 = arith.constant 0 : i32
      %dma_start3A_33 = tpu.memref_slice %arg2[%add3A, %dma_start3A_31, %dma_start3A_32] : memref<32x80x128xi32, #tpu.memory_space<hbm>> -> memref<1x80x128xi32, #tpu.memory_space<hbm>>
      %dma_start3A_34 = tpu.memref_squeeze %dma_start3A_33 : memref<1x80x128xi32, #tpu.memory_space<hbm>> -> memref<80x128xi32, #tpu.memory_space<hbm>>
      tpu.enqueue_dma source(%dma_start3A_34 : memref<80x128xi32, #tpu.memory_space<hbm>>) target(%arg4 : memref<80x128xi32, #tpu.memory_space<vmem>>) target_semaphore(%run_scoped3A : memref<!tpu.dma_semaphore, #tpu.memory_space<semaphore_mem>>)
      %dma_wait3A = arith.constant 0 : i32
      %dma_wait3A_35 = arith.constant 0 : i32
      %dma_wait3A_36 = tpu.memref_slice %arg2[%add3A, %dma_wait3A, %dma_wait3A_35] : memref<32x80x128xi32, #tpu.memory_space<hbm>> -> memref<1x80x128xi32, #tpu.memory_space<hbm>>
      %dma_wait3A_37 = tpu.memref_squeeze %dma_wait3A_36 : memref<1x80x128xi32, #tpu.memory_space<hbm>> -> memref<80x128xi32, #tpu.memory_space<hbm>>
      %dma_wait3A_38 = arith.constant 0 : i32
      %dma_wait3A_39 = arith.constant 0 : i32
      %dma_wait3A_40 = tpu.memref_slice %arg2[%add3A, %dma_wait3A_38, %dma_wait3A_39] : memref<32x80x128xi32, #tpu.memory_space<hbm>> -> memref<1x80x128xi32, #tpu.memory_space<hbm>>
      %dma_wait3A_41 = tpu.memref_squeeze %dma_wait3A_40 : memref<1x80x128xi32, #tpu.memory_space<hbm>> -> memref<80x128xi32, #tpu.memory_space<hbm>>
      tpu.wait_dma2 semaphore(%run_scoped3A : memref<!tpu.dma_semaphore, #tpu.memory_space<semaphore_mem>>) src(%dma_wait3A_41 : memref<80x128xi32, #tpu.memory_space<hbm>>) dst(%arg4 : memref<80x128xi32, #tpu.memory_space<vmem>>)
      tpu.yield
    }) : () -> ()
    %barrier3A = arith.constant 0 : index
    tpu.barrier barrier_id(%barrier3A)
    %scan3A_22 = arith.constant 0 : i32
    %scan3A_23 = arith.constant 80 : i32
    %scan3A_24 = arith.addi %scan3A_22, %scan3A_23 : i32
    %scan3A_25 = arith.constant 1 : i32
    scf.for %scan3A_28 = %scan3A_22 to %scan3A_24 step %scan3A_25  : i32 {
      %mul3A_29 = arith.constant 1 : i32
      %mul3A_30 = arith.muli %scan3A_28, %mul3A_29 : i32
      %add3A_31 = arith.constant 0 : i32
      %add3A_32 = arith.addi %add3A_31, %mul3A_30 : i32
      "tpu.region"() ({
        %run_scoped3A = tpu.sem_alloc : memref<!tpu.dma_semaphore, #tpu.memory_space<semaphore_mem>>
        %dma_start3A = arith.constant 0 : i32
        %dma_start3A_33 = tpu.memref_slice %arg4[%add3A_32, %dma_start3A] : memref<80x128xi32, #tpu.memory_space<vmem>> -> memref<1x128xi32, #tpu.memory_space<vmem>>
        %dma_start3A_34 = tpu.memref_squeeze %dma_start3A_33 : memref<1x128xi32, #tpu.memory_space<vmem>> -> memref<128xi32, #tpu.memory_space<vmem>>
        %dma_start3A_35 = arith.constant 0 : i32
        %dma_start3A_36 = tpu.memref_slice %arg6[%dma_start3A_35] : memref<10240xf32, #tpu.memory_space<vmem_shared>> -> memref<10240xf32, #tpu.memory_space<vmem_shared>>
        tpu.enqueue_indirect_dma source(%arg5 : memref<128xf32, #tpu.memory_space<vmem>>) target(%dma_start3A_36 : memref<10240xf32, #tpu.memory_space<vmem_shared>>) offsets(%dma_start3A_34 : memref<128xi32, #tpu.memory_space<vmem>>) semaphore(%run_scoped3A : memref<!tpu.dma_semaphore, #tpu.memory_space<semaphore_mem>>) {add = true}
        %dma_wait3A = arith.constant 0 : i32
        %dma_wait3A_37 = tpu.memref_slice %arg4[%add3A_32, %dma_wait3A] : memref<80x128xi32, #tpu.memory_space<vmem>> -> memref<1x128xi32, #tpu.memory_space<vmem>>
        %dma_wait3A_38 = tpu.memref_squeeze %dma_wait3A_37 : memref<1x128xi32, #tpu.memory_space<vmem>> -> memref<128xi32, #tpu.memory_space<vmem>>
        %dma_wait3A_39 = arith.constant 0 : i32
        %dma_wait3A_40 = tpu.memref_slice %arg6[%dma_wait3A_39] : memref<10240xf32, #tpu.memory_space<vmem_shared>> -> memref<10240xf32, #tpu.memory_space<vmem_shared>>
        tpu.wait_indirect_dma semaphore(%run_scoped3A : memref<!tpu.dma_semaphore, #tpu.memory_space<semaphore_mem>>) src(%arg5 : memref<128xf32, #tpu.memory_space<vmem>>) dst(%dma_wait3A_40 : memref<10240xf32, #tpu.memory_space<vmem_shared>>)
        tpu.yield
      }) : () -> ()
    }
    %scan3A_26 = arith.constant 80 : i32
    %barrier3A_27 = arith.constant 0 : index
    tpu.barrier barrier_id(%barrier3A_27)
    "tpu.region"() ({
      %run_scoped3A = tpu.sem_alloc : memref<!tpu.dma_semaphore, #tpu.memory_space<semaphore_mem>>
      %dma_start3A = tpu.memref_slice %arg3[%arg0, %multiple_of3A] : memref<2x10240xf32, #tpu.memory_space<hbm>> -> memref<1x640xf32, #tpu.memory_space<hbm>>
      %dma_start3A_28 = tpu.memref_squeeze %dma_start3A : memref<1x640xf32, #tpu.memory_space<hbm>> -> memref<640xf32, #tpu.memory_space<hbm>>
      %dma_start3A_29 = tpu.memref_slice %arg6[%multiple_of3A] : memref<10240xf32, #tpu.memory_space<vmem_shared>> -> memref<640xf32, #tpu.memory_space<vmem_shared>>
      tpu.enqueue_dma source(%dma_start3A_29 : memref<640xf32, #tpu.memory_space<vmem_shared>>) target(%dma_start3A_28 : memref<640xf32, #tpu.memory_space<hbm>>) target_semaphore(%run_scoped3A : memref<!tpu.dma_semaphore, #tpu.memory_space<semaphore_mem>>)
      %dma_wait3A = tpu.memref_slice %arg3[%arg0, %multiple_of3A] : memref<2x10240xf32, #tpu.memory_space<hbm>> -> memref<1x640xf32, #tpu.memory_space<hbm>>
      %dma_wait3A_30 = tpu.memref_squeeze %dma_wait3A : memref<1x640xf32, #tpu.memory_space<hbm>> -> memref<640xf32, #tpu.memory_space<hbm>>
      %dma_wait3A_31 = tpu.memref_slice %arg6[%multiple_of3A] : memref<10240xf32, #tpu.memory_space<vmem_shared>> -> memref<640xf32, #tpu.memory_space<vmem_shared>>
      tpu.wait_dma2 semaphore(%run_scoped3A : memref<!tpu.dma_semaphore, #tpu.memory_space<semaphore_mem>>) src(%dma_wait3A_31 : memref<640xf32, #tpu.memory_space<vmem_shared>>) dst(%dma_wait3A_30 : memref<640xf32, #tpu.memory_space<hbm>>)
      tpu.yield
    }) : () -> ()
    return
  }
}

#map = affine_map<(d0, d1) -> (0, 0)>
#map1 = affine_map<(d0, d1) -> (0, 0, 0)>
module attributes {stable_mosaic.version = 14 : i64} {
  func.func @agg_kernel(%arg0: i32, %arg1: i32, %arg2: memref<10240x16xf32, #tpu.memory_space<hbm>>, %arg3: memref<32x80x128xi32, #tpu.memory_space<hbm>>, %arg4: memref<32x80x128xi32, #tpu.memory_space<hbm>>, %arg5: memref<2x10240x16xf32, #tpu.memory_space<hbm>>, %arg6: memref<80x128xi32, #tpu.memory_space<vmem>>, %arg7: memref<80x128xi32, #tpu.memory_space<vmem>>, %arg8: memref<8x128x16xf32, #tpu.memory_space<vmem>>, %arg9: memref<10240x16xf32, #tpu.memory_space<vmem_shared>>, %arg10: memref<!tpu.dma_semaphore, #tpu.memory_space<semaphore_mem>>, %arg11: memref<!tpu.dma_semaphore, #tpu.memory_space<semaphore_mem>>, %arg12: memref<!tpu.dma_semaphore, #tpu.memory_space<semaphore_mem>>, %arg13: memref<!tpu.dma_semaphore, #tpu.memory_space<semaphore_mem>>, %arg14: memref<!tpu.dma_semaphore, #tpu.memory_space<semaphore_mem>>, %arg15: memref<!tpu.dma_semaphore, #tpu.memory_space<semaphore_mem>>, %arg16: memref<!tpu.dma_semaphore, #tpu.memory_space<semaphore_mem>>, %arg17: memref<!tpu.dma_semaphore, #tpu.memory_space<semaphore_mem>>, %arg18: memref<!tpu.dma_semaphore, #tpu.memory_space<semaphore_mem>>, %arg19: memref<!tpu.dma_semaphore, #tpu.memory_space<semaphore_mem>>) attributes {dimension_semantics = [#tpu.dimension_semantics<core_parallel>, #tpu.dimension_semantics<subcore_parallel>], iteration_bounds = array<i64: 2, 16>, scalar_prefetch = 0 : i64, scratch_operands = 14 : i64, tpu.core_type = #tpu.core_type<sc_vector_subcore>, window_params = [{transform_indices = #map}, {transform_indices = #map1}, {transform_indices = #map1}, {transform_indices = #map1}]} {
    %mul3A = arith.constant 16 : i32
    %mul3A_0 = arith.muli %arg0, %mul3A : i32
    %add3A = arith.addi %mul3A_0, %arg1 : i32
    %mul3A_1 = arith.constant 640 : i32
    %mul3A_2 = arith.muli %arg1, %mul3A_1 : i32
    %multiple_of3A = tpu.assume_multiple %mul3A_2, 8 : i32
    %dma_start3A = arith.constant 0 : i32
    %dma_start3A_3 = arith.constant 0 : i32
    %dma_start3A_4 = tpu.memref_slice %arg3[%add3A, %dma_start3A, %dma_start3A_3] : memref<32x80x128xi32, #tpu.memory_space<hbm>> -> memref<1x80x128xi32, #tpu.memory_space<hbm>>
    %dma_start3A_5 = tpu.memref_squeeze %dma_start3A_4 : memref<1x80x128xi32, #tpu.memory_space<hbm>> -> memref<80x128xi32, #tpu.memory_space<hbm>>
    %dma_start3A_6 = arith.constant 0 : i32
    %dma_start3A_7 = arith.constant 0 : i32
    %dma_start3A_8 = tpu.memref_slice %arg3[%add3A, %dma_start3A_6, %dma_start3A_7] : memref<32x80x128xi32, #tpu.memory_space<hbm>> -> memref<1x80x128xi32, #tpu.memory_space<hbm>>
    %dma_start3A_9 = tpu.memref_squeeze %dma_start3A_8 : memref<1x80x128xi32, #tpu.memory_space<hbm>> -> memref<80x128xi32, #tpu.memory_space<hbm>>
    tpu.enqueue_dma source(%dma_start3A_9 : memref<80x128xi32, #tpu.memory_space<hbm>>) target(%arg6 : memref<80x128xi32, #tpu.memory_space<vmem>>) target_semaphore(%arg18 : memref<!tpu.dma_semaphore, #tpu.memory_space<semaphore_mem>>)
    %dma_start3A_10 = arith.constant 0 : i32
    %dma_start3A_11 = arith.constant 0 : i32
    %dma_start3A_12 = tpu.memref_slice %arg4[%add3A, %dma_start3A_10, %dma_start3A_11] : memref<32x80x128xi32, #tpu.memory_space<hbm>> -> memref<1x80x128xi32, #tpu.memory_space<hbm>>
    %dma_start3A_13 = tpu.memref_squeeze %dma_start3A_12 : memref<1x80x128xi32, #tpu.memory_space<hbm>> -> memref<80x128xi32, #tpu.memory_space<hbm>>
    %dma_start3A_14 = arith.constant 0 : i32
    %dma_start3A_15 = arith.constant 0 : i32
    %dma_start3A_16 = tpu.memref_slice %arg4[%add3A, %dma_start3A_14, %dma_start3A_15] : memref<32x80x128xi32, #tpu.memory_space<hbm>> -> memref<1x80x128xi32, #tpu.memory_space<hbm>>
    %dma_start3A_17 = tpu.memref_squeeze %dma_start3A_16 : memref<1x80x128xi32, #tpu.memory_space<hbm>> -> memref<80x128xi32, #tpu.memory_space<hbm>>
    tpu.enqueue_dma source(%dma_start3A_17 : memref<80x128xi32, #tpu.memory_space<hbm>>) target(%arg7 : memref<80x128xi32, #tpu.memory_space<vmem>>) target_semaphore(%arg19 : memref<!tpu.dma_semaphore, #tpu.memory_space<semaphore_mem>>)
    %scan3A = arith.constant 0 : i32
    %scan3A_18 = arith.constant 128 : i32
    %scan3A_19 = arith.addi %scan3A, %scan3A_18 : i32
    %scan3A_20 = arith.constant 1 : i32
    scf.for %scan3A_265 = %scan3A to %scan3A_19 step %scan3A_20  : i32 {
      %mul3A_266 = arith.constant 1 : i32
      %mul3A_267 = arith.muli %scan3A_265, %mul3A_266 : i32
      %add3A_268 = arith.constant 0 : i32
      %add3A_269 = arith.addi %add3A_268, %mul3A_267 : i32
      %broadcast_in_dim3A = arith.constant 0.000000e+00 : f32
      %broadcast_in_dim3A_270 = vector.broadcast %broadcast_in_dim3A : f32 to vector<16xf32>
      %swap3A = arith.constant 0 : i32
      %swap3A_271 = arith.index_cast %swap3A : i32 to index
      %swap3A_272 = arith.index_cast %add3A_269 : i32 to index
      %swap3A_273 = arith.constant 0 : index
      %swap3A_274 = tpu.vector_load %arg8[%swap3A_271, %swap3A_272, %swap3A_273] {strides = array<i32>} : memref<8x128x16xf32, #tpu.memory_space<vmem>>, vector<1x1x16xf32>,
      %swap3A_275 = vector.shape_cast %swap3A_274 : vector<1x1x16xf32> to vector<16xf32>
      %swap3A_276 = vector.shape_cast %broadcast_in_dim3A_270 : vector<16xf32> to vector<1x1x16xf32>
      tpu.vector_store %arg8[%swap3A_271, %swap3A_272, %swap3A_273], %swap3A_276 {strides = array<i32>} : memref<8x128x16xf32, #tpu.memory_space<vmem>>, vector<1x1x16xf32>,
    }
    %scan3A_21 = arith.constant 128 : i32
    %add3A_22 = arith.constant 0 : i32
    %add3A_23 = arith.addi %multiple_of3A, %add3A_22 : i32
    %run_scoped3A = arith.constant 0 : i32
    "tpu.region"() ({
      %run_scoped3A_265 = tpu.sem_alloc : memref<!tpu.dma_semaphore, #tpu.memory_space<semaphore_mem>>
      %dma_start3A_266 = arith.constant 0 : i32
      %dma_start3A_267 = arith.constant 0 : i32
      %dma_start3A_268 = tpu.memref_slice %arg8[%run_scoped3A, %dma_start3A_266, %dma_start3A_267] : memref<8x128x16xf32, #tpu.memory_space<vmem>> -> memref<1x128x16xf32, #tpu.memory_space<vmem>>
      %dma_start3A_269 = tpu.memref_squeeze %dma_start3A_268 : memref<1x128x16xf32, #tpu.memory_space<vmem>> -> memref<128x16xf32, #tpu.memory_space<vmem>>
      %dma_start3A_270 = arith.constant 0 : i32
      %dma_start3A_271 = tpu.memref_slice %arg9[%add3A_23, %dma_start3A_270] : memref<10240x16xf32, #tpu.memory_space<vmem_shared>> -> memref<128x16xf32, #tpu.memory_space<vmem_shared>>
      %dma_start3A_272 = arith.constant 0 : i32
      %dma_start3A_273 = tpu.memref_slice %arg9[%add3A_23, %dma_start3A_272] : memref<10240x16xf32, #tpu.memory_space<vmem_shared>> -> memref<128x16xf32, #tpu.memory_space<vmem_shared>>
      %dma_start3A_274 = arith.constant 0 : i32
      %dma_start3A_275 = arith.constant 0 : i32
      %dma_start3A_276 = tpu.memref_slice %arg8[%run_scoped3A, %dma_start3A_274, %dma_start3A_275] : memref<8x128x16xf32, #tpu.memory_space<vmem>> -> memref<1x128x16xf32, #tpu.memory_space<vmem>>
      %dma_start3A_277 = tpu.memref_squeeze %dma_start3A_276 : memref<1x128x16xf32, #tpu.memory_space<vmem>> -> memref<128x16xf32, #tpu.memory_space<vmem>>
      tpu.enqueue_dma source(%dma_start3A_277 : memref<128x16xf32, #tpu.memory_space<vmem>>) target(%dma_start3A_273 : memref<128x16xf32, #tpu.memory_space<vmem_shared>>) target_semaphore(%run_scoped3A_265 : memref<!tpu.dma_semaphore, #tpu.memory_space<semaphore_mem>>)
      %dma_wait3A_278 = arith.constant 0 : i32
      %dma_wait3A_279 = arith.constant 0 : i32
      %dma_wait3A_280 = tpu.memref_slice %arg8[%run_scoped3A, %dma_wait3A_278, %dma_wait3A_279] : memref<8x128x16xf32, #tpu.memory_space<vmem>> -> memref<1x128x16xf32, #tpu.memory_space<vmem>>
      %dma_wait3A_281 = tpu.memref_squeeze %dma_wait3A_280 : memref<1x128x16xf32, #tpu.memory_space<vmem>> -> memref<128x16xf32, #tpu.memory_space<vmem>>
      %dma_wait3A_282 = arith.constant 0 : i32
      %dma_wait3A_283 = tpu.memref_slice %arg9[%add3A_23, %dma_wait3A_282] : memref<10240x16xf32, #tpu.memory_space<vmem_shared>> -> memref<128x16xf32, #tpu.memory_space<vmem_shared>>
      %dma_wait3A_284 = arith.constant 0 : i32
      %dma_wait3A_285 = tpu.memref_slice %arg9[%add3A_23, %dma_wait3A_284] : memref<10240x16xf32, #tpu.memory_space<vmem_shared>> -> memref<128x16xf32, #tpu.memory_space<vmem_shared>>
      %dma_wait3A_286 = arith.constant 0 : i32
      %dma_wait3A_287 = arith.constant 0 : i32
      %dma_wait3A_288 = tpu.memref_slice %arg8[%run_scoped3A, %dma_wait3A_286, %dma_wait3A_287] : memref<8x128x16xf32, #tpu.memory_space<vmem>> -> memref<1x128x16xf32, #tpu.memory_space<vmem>>
      %dma_wait3A_289 = tpu.memref_squeeze %dma_wait3A_288 : memref<1x128x16xf32, #tpu.memory_space<vmem>> -> memref<128x16xf32, #tpu.memory_space<vmem>>
      tpu.wait_dma2 semaphore(%run_scoped3A_265 : memref<!tpu.dma_semaphore, #tpu.memory_space<semaphore_mem>>) src(%dma_wait3A_289 : memref<128x16xf32, #tpu.memory_space<vmem>>) dst(%dma_wait3A_285 : memref<128x16xf32, #tpu.memory_space<vmem_shared>>)
      tpu.yield
    }) : () -> ()
    %add3A_24 = arith.constant 128 : i32
    %add3A_25 = arith.addi %multiple_of3A, %add3A_24 : i32
    %run_scoped3A_26 = arith.constant 0 : i32
    "tpu.region"() ({
      %run_scoped3A_265 = tpu.sem_alloc : memref<!tpu.dma_semaphore, #tpu.memory_space<semaphore_mem>>
      %dma_start3A_266 = arith.constant 0 : i32
      %dma_start3A_267 = arith.constant 0 : i32
      %dma_start3A_268 = tpu.memref_slice %arg8[%run_scoped3A_26, %dma_start3A_266, %dma_start3A_267] : memref<8x128x16xf32, #tpu.memory_space<vmem>> -> memref<1x128x16xf32, #tpu.memory_space<vmem>>
      %dma_start3A_269 = tpu.memref_squeeze %dma_start3A_268 : memref<1x128x16xf32, #tpu.memory_space<vmem>> -> memref<128x16xf32, #tpu.memory_space<vmem>>
      %dma_start3A_270 = arith.constant 0 : i32
      %dma_start3A_271 = tpu.memref_slice %arg9[%add3A_25, %dma_start3A_270] : memref<10240x16xf32, #tpu.memory_space<vmem_shared>> -> memref<128x16xf32, #tpu.memory_space<vmem_shared>>
      %dma_start3A_272 = arith.constant 0 : i32
      %dma_start3A_273 = tpu.memref_slice %arg9[%add3A_25, %dma_start3A_272] : memref<10240x16xf32, #tpu.memory_space<vmem_shared>> -> memref<128x16xf32, #tpu.memory_space<vmem_shared>>
      %dma_start3A_274 = arith.constant 0 : i32
      %dma_start3A_275 = arith.constant 0 : i32
      %dma_start3A_276 = tpu.memref_slice %arg8[%run_scoped3A_26, %dma_start3A_274, %dma_start3A_275] : memref<8x128x16xf32, #tpu.memory_space<vmem>> -> memref<1x128x16xf32, #tpu.memory_space<vmem>>
      %dma_start3A_277 = tpu.memref_squeeze %dma_start3A_276 : memref<1x128x16xf32, #tpu.memory_space<vmem>> -> memref<128x16xf32, #tpu.memory_space<vmem>>
      tpu.enqueue_dma source(%dma_start3A_277 : memref<128x16xf32, #tpu.memory_space<vmem>>) target(%dma_start3A_273 : memref<128x16xf32, #tpu.memory_space<vmem_shared>>) target_semaphore(%run_scoped3A_265 : memref<!tpu.dma_semaphore, #tpu.memory_space<semaphore_mem>>)
      %dma_wait3A_278 = arith.constant 0 : i32
      %dma_wait3A_279 = arith.constant 0 : i32
      %dma_wait3A_280 = tpu.memref_slice %arg8[%run_scoped3A_26, %dma_wait3A_278, %dma_wait3A_279] : memref<8x128x16xf32, #tpu.memory_space<vmem>> -> memref<1x128x16xf32, #tpu.memory_space<vmem>>
      %dma_wait3A_281 = tpu.memref_squeeze %dma_wait3A_280 : memref<1x128x16xf32, #tpu.memory_space<vmem>> -> memref<128x16xf32, #tpu.memory_space<vmem>>
      %dma_wait3A_282 = arith.constant 0 : i32
      %dma_wait3A_283 = tpu.memref_slice %arg9[%add3A_25, %dma_wait3A_282] : memref<10240x16xf32, #tpu.memory_space<vmem_shared>> -> memref<128x16xf32, #tpu.memory_space<vmem_shared>>
      %dma_wait3A_284 = arith.constant 0 : i32
      %dma_wait3A_285 = tpu.memref_slice %arg9[%add3A_25, %dma_wait3A_284] : memref<10240x16xf32, #tpu.memory_space<vmem_shared>> -> memref<128x16xf32, #tpu.memory_space<vmem_shared>>
      %dma_wait3A_286 = arith.constant 0 : i32
      %dma_wait3A_287 = arith.constant 0 : i32
      %dma_wait3A_288 = tpu.memref_slice %arg8[%run_scoped3A_26, %dma_wait3A_286, %dma_wait3A_287] : memref<8x128x16xf32, #tpu.memory_space<vmem>> -> memref<1x128x16xf32, #tpu.memory_space<vmem>>
      %dma_wait3A_289 = tpu.memref_squeeze %dma_wait3A_288 : memref<1x128x16xf32, #tpu.memory_space<vmem>> -> memref<128x16xf32, #tpu.memory_space<vmem>>
      tpu.wait_dma2 semaphore(%run_scoped3A_265 : memref<!tpu.dma_semaphore, #tpu.memory_space<semaphore_mem>>) src(%dma_wait3A_289 : memref<128x16xf32, #tpu.memory_space<vmem>>) dst(%dma_wait3A_285 : memref<128x16xf32, #tpu.memory_space<vmem_shared>>)
      tpu.yield
    }) : () -> ()
    %add3A_27 = arith.constant 256 : i32
    %add3A_28 = arith.addi %multiple_of3A, %add3A_27 : i32
    %run_scoped3A_29 = arith.constant 0 : i32
    "tpu.region"() ({
      %run_scoped3A_265 = tpu.sem_alloc : memref<!tpu.dma_semaphore, #tpu.memory_space<semaphore_mem>>
      %dma_start3A_266 = arith.constant 0 : i32
      %dma_start3A_267 = arith.constant 0 : i32
      %dma_start3A_268 = tpu.memref_slice %arg8[%run_scoped3A_29, %dma_start3A_266, %dma_start3A_267] : memref<8x128x16xf32, #tpu.memory_space<vmem>> -> memref<1x128x16xf32, #tpu.memory_space<vmem>>
      %dma_start3A_269 = tpu.memref_squeeze %dma_start3A_268 : memref<1x128x16xf32, #tpu.memory_space<vmem>> -> memref<128x16xf32, #tpu.memory_space<vmem>>
      %dma_start3A_270 = arith.constant 0 : i32
      %dma_start3A_271 = tpu.memref_slice %arg9[%add3A_28, %dma_start3A_270] : memref<10240x16xf32, #tpu.memory_space<vmem_shared>> -> memref<128x16xf32, #tpu.memory_space<vmem_shared>>
      %dma_start3A_272 = arith.constant 0 : i32
      %dma_start3A_273 = tpu.memref_slice %arg9[%add3A_28, %dma_start3A_272] : memref<10240x16xf32, #tpu.memory_space<vmem_shared>> -> memref<128x16xf32, #tpu.memory_space<vmem_shared>>
      %dma_start3A_274 = arith.constant 0 : i32
      %dma_start3A_275 = arith.constant 0 : i32
      %dma_start3A_276 = tpu.memref_slice %arg8[%run_scoped3A_29, %dma_start3A_274, %dma_start3A_275] : memref<8x128x16xf32, #tpu.memory_space<vmem>> -> memref<1x128x16xf32, #tpu.memory_space<vmem>>
      %dma_start3A_277 = tpu.memref_squeeze %dma_start3A_276 : memref<1x128x16xf32, #tpu.memory_space<vmem>> -> memref<128x16xf32, #tpu.memory_space<vmem>>
      tpu.enqueue_dma source(%dma_start3A_277 : memref<128x16xf32, #tpu.memory_space<vmem>>) target(%dma_start3A_273 : memref<128x16xf32, #tpu.memory_space<vmem_shared>>) target_semaphore(%run_scoped3A_265 : memref<!tpu.dma_semaphore, #tpu.memory_space<semaphore_mem>>)
      %dma_wait3A_278 = arith.constant 0 : i32
      %dma_wait3A_279 = arith.constant 0 : i32
      %dma_wait3A_280 = tpu.memref_slice %arg8[%run_scoped3A_29, %dma_wait3A_278, %dma_wait3A_279] : memref<8x128x16xf32, #tpu.memory_space<vmem>> -> memref<1x128x16xf32, #tpu.memory_space<vmem>>
      %dma_wait3A_281 = tpu.memref_squeeze %dma_wait3A_280 : memref<1x128x16xf32, #tpu.memory_space<vmem>> -> memref<128x16xf32, #tpu.memory_space<vmem>>
      %dma_wait3A_282 = arith.constant 0 : i32
      %dma_wait3A_283 = tpu.memref_slice %arg9[%add3A_28, %dma_wait3A_282] : memref<10240x16xf32, #tpu.memory_space<vmem_shared>> -> memref<128x16xf32, #tpu.memory_space<vmem_shared>>
      %dma_wait3A_284 = arith.constant 0 : i32
      %dma_wait3A_285 = tpu.memref_slice %arg9[%add3A_28, %dma_wait3A_284] : memref<10240x16xf32, #tpu.memory_space<vmem_shared>> -> memref<128x16xf32, #tpu.memory_space<vmem_shared>>
      %dma_wait3A_286 = arith.constant 0 : i32
      %dma_wait3A_287 = arith.constant 0 : i32
      %dma_wait3A_288 = tpu.memref_slice %arg8[%run_scoped3A_29, %dma_wait3A_286, %dma_wait3A_287] : memref<8x128x16xf32, #tpu.memory_space<vmem>> -> memref<1x128x16xf32, #tpu.memory_space<vmem>>
      %dma_wait3A_289 = tpu.memref_squeeze %dma_wait3A_288 : memref<1x128x16xf32, #tpu.memory_space<vmem>> -> memref<128x16xf32, #tpu.memory_space<vmem>>
      tpu.wait_dma2 semaphore(%run_scoped3A_265 : memref<!tpu.dma_semaphore, #tpu.memory_space<semaphore_mem>>) src(%dma_wait3A_289 : memref<128x16xf32, #tpu.memory_space<vmem>>) dst(%dma_wait3A_285 : memref<128x16xf32, #tpu.memory_space<vmem_shared>>)
      tpu.yield
    }) : () -> ()
    %add3A_30 = arith.constant 384 : i32
    %add3A_31 = arith.addi %multiple_of3A, %add3A_30 : i32
    %run_scoped3A_32 = arith.constant 0 : i32
    "tpu.region"() ({
      %run_scoped3A_265 = tpu.sem_alloc : memref<!tpu.dma_semaphore, #tpu.memory_space<semaphore_mem>>
      %dma_start3A_266 = arith.constant 0 : i32
      %dma_start3A_267 = arith.constant 0 : i32
      %dma_start3A_268 = tpu.memref_slice %arg8[%run_scoped3A_32, %dma_start3A_266, %dma_start3A_267] : memref<8x128x16xf32, #tpu.memory_space<vmem>> -> memref<1x128x16xf32, #tpu.memory_space<vmem>>
      %dma_start3A_269 = tpu.memref_squeeze %dma_start3A_268 : memref<1x128x16xf32, #tpu.memory_space<vmem>> -> memref<128x16xf32, #tpu.memory_space<vmem>>
      %dma_start3A_270 = arith.constant 0 : i32
      %dma_start3A_271 = tpu.memref_slice %arg9[%add3A_31, %dma_start3A_270] : memref<10240x16xf32, #tpu.memory_space<vmem_shared>> -> memref<128x16xf32, #tpu.memory_space<vmem_shared>>
      %dma_start3A_272 = arith.constant 0 : i32
      %dma_start3A_273 = tpu.memref_slice %arg9[%add3A_31, %dma_start3A_272] : memref<10240x16xf32, #tpu.memory_space<vmem_shared>> -> memref<128x16xf32, #tpu.memory_space<vmem_shared>>
      %dma_start3A_274 = arith.constant 0 : i32
      %dma_start3A_275 = arith.constant 0 : i32
      %dma_start3A_276 = tpu.memref_slice %arg8[%run_scoped3A_32, %dma_start3A_274, %dma_start3A_275] : memref<8x128x16xf32, #tpu.memory_space<vmem>> -> memref<1x128x16xf32, #tpu.memory_space<vmem>>
      %dma_start3A_277 = tpu.memref_squeeze %dma_start3A_276 : memref<1x128x16xf32, #tpu.memory_space<vmem>> -> memref<128x16xf32, #tpu.memory_space<vmem>>
      tpu.enqueue_dma source(%dma_start3A_277 : memref<128x16xf32, #tpu.memory_space<vmem>>) target(%dma_start3A_273 : memref<128x16xf32, #tpu.memory_space<vmem_shared>>) target_semaphore(%run_scoped3A_265 : memref<!tpu.dma_semaphore, #tpu.memory_space<semaphore_mem>>)
      %dma_wait3A_278 = arith.constant 0 : i32
      %dma_wait3A_279 = arith.constant 0 : i32
      %dma_wait3A_280 = tpu.memref_slice %arg8[%run_scoped3A_32, %dma_wait3A_278, %dma_wait3A_279] : memref<8x128x16xf32, #tpu.memory_space<vmem>> -> memref<1x128x16xf32, #tpu.memory_space<vmem>>
      %dma_wait3A_281 = tpu.memref_squeeze %dma_wait3A_280 : memref<1x128x16xf32, #tpu.memory_space<vmem>> -> memref<128x16xf32, #tpu.memory_space<vmem>>
      %dma_wait3A_282 = arith.constant 0 : i32
      %dma_wait3A_283 = tpu.memref_slice %arg9[%add3A_31, %dma_wait3A_282] : memref<10240x16xf32, #tpu.memory_space<vmem_shared>> -> memref<128x16xf32, #tpu.memory_space<vmem_shared>>
      %dma_wait3A_284 = arith.constant 0 : i32
      %dma_wait3A_285 = tpu.memref_slice %arg9[%add3A_31, %dma_wait3A_284] : memref<10240x16xf32, #tpu.memory_space<vmem_shared>> -> memref<128x16xf32, #tpu.memory_space<vmem_shared>>
      %dma_wait3A_286 = arith.constant 0 : i32
      %dma_wait3A_287 = arith.constant 0 : i32
      %dma_wait3A_288 = tpu.memref_slice %arg8[%run_scoped3A_32, %dma_wait3A_286, %dma_wait3A_287] : memref<8x128x16xf32, #tpu.memory_space<vmem>> -> memref<1x128x16xf32, #tpu.memory_space<vmem>>
      %dma_wait3A_289 = tpu.memref_squeeze %dma_wait3A_288 : memref<1x128x16xf32, #tpu.memory_space<vmem>> -> memref<128x16xf32, #tpu.memory_space<vmem>>
      tpu.wait_dma2 semaphore(%run_scoped3A_265 : memref<!tpu.dma_semaphore, #tpu.memory_space<semaphore_mem>>) src(%dma_wait3A_289 : memref<128x16xf32, #tpu.memory_space<vmem>>) dst(%dma_wait3A_285 : memref<128x16xf32, #tpu.memory_space<vmem_shared>>)
      tpu.yield
    }) : () -> ()
    %add3A_33 = arith.constant 512 : i32
    %add3A_34 = arith.addi %multiple_of3A, %add3A_33 : i32
    %run_scoped3A_35 = arith.constant 0 : i32
    "tpu.region"() ({
      %run_scoped3A_265 = tpu.sem_alloc : memref<!tpu.dma_semaphore, #tpu.memory_space<semaphore_mem>>
      %dma_start3A_266 = arith.constant 0 : i32
      %dma_start3A_267 = arith.constant 0 : i32
      %dma_start3A_268 = tpu.memref_slice %arg8[%run_scoped3A_35, %dma_start3A_266, %dma_start3A_267] : memref<8x128x16xf32, #tpu.memory_space<vmem>> -> memref<1x128x16xf32, #tpu.memory_space<vmem>>
      %dma_start3A_269 = tpu.memref_squeeze %dma_start3A_268 : memref<1x128x16xf32, #tpu.memory_space<vmem>> -> memref<128x16xf32, #tpu.memory_space<vmem>>
      %dma_start3A_270 = arith.constant 0 : i32
      %dma_start3A_271 = tpu.memref_slice %arg9[%add3A_34, %dma_start3A_270] : memref<10240x16xf32, #tpu.memory_space<vmem_shared>> -> memref<128x16xf32, #tpu.memory_space<vmem_shared>>
      %dma_start3A_272 = arith.constant 0 : i32
      %dma_start3A_273 = tpu.memref_slice %arg9[%add3A_34, %dma_start3A_272] : memref<10240x16xf32, #tpu.memory_space<vmem_shared>> -> memref<128x16xf32, #tpu.memory_space<vmem_shared>>
      %dma_start3A_274 = arith.constant 0 : i32
      %dma_start3A_275 = arith.constant 0 : i32
      %dma_start3A_276 = tpu.memref_slice %arg8[%run_scoped3A_35, %dma_start3A_274, %dma_start3A_275] : memref<8x128x16xf32, #tpu.memory_space<vmem>> -> memref<1x128x16xf32, #tpu.memory_space<vmem>>
      %dma_start3A_277 = tpu.memref_squeeze %dma_start3A_276 : memref<1x128x16xf32, #tpu.memory_space<vmem>> -> memref<128x16xf32, #tpu.memory_space<vmem>>
      tpu.enqueue_dma source(%dma_start3A_277 : memref<128x16xf32, #tpu.memory_space<vmem>>) target(%dma_start3A_273 : memref<128x16xf32, #tpu.memory_space<vmem_shared>>) target_semaphore(%run_scoped3A_265 : memref<!tpu.dma_semaphore, #tpu.memory_space<semaphore_mem>>)
      %dma_wait3A_278 = arith.constant 0 : i32
      %dma_wait3A_279 = arith.constant 0 : i32
      %dma_wait3A_280 = tpu.memref_slice %arg8[%run_scoped3A_35, %dma_wait3A_278, %dma_wait3A_279] : memref<8x128x16xf32, #tpu.memory_space<vmem>> -> memref<1x128x16xf32, #tpu.memory_space<vmem>>
      %dma_wait3A_281 = tpu.memref_squeeze %dma_wait3A_280 : memref<1x128x16xf32, #tpu.memory_space<vmem>> -> memref<128x16xf32, #tpu.memory_space<vmem>>
      %dma_wait3A_282 = arith.constant 0 : i32
      %dma_wait3A_283 = tpu.memref_slice %arg9[%add3A_34, %dma_wait3A_282] : memref<10240x16xf32, #tpu.memory_space<vmem_shared>> -> memref<128x16xf32, #tpu.memory_space<vmem_shared>>
      %dma_wait3A_284 = arith.constant 0 : i32
      %dma_wait3A_285 = tpu.memref_slice %arg9[%add3A_34, %dma_wait3A_284] : memref<10240x16xf32, #tpu.memory_space<vmem_shared>> -> memref<128x16xf32, #tpu.memory_space<vmem_shared>>
      %dma_wait3A_286 = arith.constant 0 : i32
      %dma_wait3A_287 = arith.constant 0 : i32
      %dma_wait3A_288 = tpu.memref_slice %arg8[%run_scoped3A_35, %dma_wait3A_286, %dma_wait3A_287] : memref<8x128x16xf32, #tpu.memory_space<vmem>> -> memref<1x128x16xf32, #tpu.memory_space<vmem>>
      %dma_wait3A_289 = tpu.memref_squeeze %dma_wait3A_288 : memref<1x128x16xf32, #tpu.memory_space<vmem>> -> memref<128x16xf32, #tpu.memory_space<vmem>>
      tpu.wait_dma2 semaphore(%run_scoped3A_265 : memref<!tpu.dma_semaphore, #tpu.memory_space<semaphore_mem>>) src(%dma_wait3A_289 : memref<128x16xf32, #tpu.memory_space<vmem>>) dst(%dma_wait3A_285 : memref<128x16xf32, #tpu.memory_space<vmem_shared>>)
      tpu.yield
    }) : () -> ()
    %dma_wait3A = arith.constant 0 : i32
    %dma_wait3A_36 = arith.constant 0 : i32
    %dma_wait3A_37 = tpu.memref_slice %arg3[%add3A, %dma_wait3A, %dma_wait3A_36] : memref<32x80x128xi32, #tpu.memory_space<hbm>> -> memref<1x80x128xi32, #tpu.memory_space<hbm>>
    %dma_wait3A_38 = tpu.memref_squeeze %dma_wait3A_37 : memref<1x80x128xi32, #tpu.memory_space<hbm>> -> memref<80x128xi32, #tpu.memory_space<hbm>>
    %dma_wait3A_39 = arith.constant 0 : i32
    %dma_wait3A_40 = arith.constant 0 : i32
    %dma_wait3A_41 = tpu.memref_slice %arg3[%add3A, %dma_wait3A_39, %dma_wait3A_40] : memref<32x80x128xi32, #tpu.memory_space<hbm>> -> memref<1x80x128xi32, #tpu.memory_space<hbm>>
    %dma_wait3A_42 = tpu.memref_squeeze %dma_wait3A_41 : memref<1x80x128xi32, #tpu.memory_space<hbm>> -> memref<80x128xi32, #tpu.memory_space<hbm>>
    tpu.wait_dma2 semaphore(%arg18 : memref<!tpu.dma_semaphore, #tpu.memory_space<semaphore_mem>>) src(%dma_wait3A_42 : memref<80x128xi32, #tpu.memory_space<hbm>>) dst(%arg6 : memref<80x128xi32, #tpu.memory_space<vmem>>)
    %dma_wait3A_43 = arith.constant 0 : i32
    %dma_wait3A_44 = arith.constant 0 : i32
    %dma_wait3A_45 = tpu.memref_slice %arg4[%add3A, %dma_wait3A_43, %dma_wait3A_44] : memref<32x80x128xi32, #tpu.memory_space<hbm>> -> memref<1x80x128xi32, #tpu.memory_space<hbm>>
    %dma_wait3A_46 = tpu.memref_squeeze %dma_wait3A_45 : memref<1x80x128xi32, #tpu.memory_space<hbm>> -> memref<80x128xi32, #tpu.memory_space<hbm>>
    %dma_wait3A_47 = arith.constant 0 : i32
    %dma_wait3A_48 = arith.constant 0 : i32
    %dma_wait3A_49 = tpu.memref_slice %arg4[%add3A, %dma_wait3A_47, %dma_wait3A_48] : memref<32x80x128xi32, #tpu.memory_space<hbm>> -> memref<1x80x128xi32, #tpu.memory_space<hbm>>
    %dma_wait3A_50 = tpu.memref_squeeze %dma_wait3A_49 : memref<1x80x128xi32, #tpu.memory_space<hbm>> -> memref<80x128xi32, #tpu.memory_space<hbm>>
    tpu.wait_dma2 semaphore(%arg19 : memref<!tpu.dma_semaphore, #tpu.memory_space<semaphore_mem>>) src(%dma_wait3A_50 : memref<80x128xi32, #tpu.memory_space<hbm>>) dst(%arg7 : memref<80x128xi32, #tpu.memory_space<vmem>>)
    %barrier3A = arith.constant 0 : index
    tpu.barrier barrier_id(%barrier3A)
    %dma_start3A_51 = arith.constant 0 : i32
    %dma_start3A_52 = arith.constant 0 : i32
    %dma_start3A_53 = arith.constant 0 : i32
    %dma_start3A_54 = arith.constant 0 : i32
    %dma_start3A_55 = tpu.memref_slice %arg8[%dma_start3A_52, %dma_start3A_53, %dma_start3A_54] : memref<8x128x16xf32, #tpu.memory_space<vmem>> -> memref<1x128x16xf32, #tpu.memory_space<vmem>>
    %dma_start3A_56 = tpu.memref_squeeze %dma_start3A_55 : memref<1x128x16xf32, #tpu.memory_space<vmem>> -> memref<128x16xf32, #tpu.memory_space<vmem>>
    %dma_start3A_57 = arith.constant 0 : i32
    %dma_start3A_58 = tpu.memref_slice %arg6[%dma_start3A_51, %dma_start3A_57] : memref<80x128xi32, #tpu.memory_space<vmem>> -> memref<1x128xi32, #tpu.memory_space<vmem>>
    %dma_start3A_59 = tpu.memref_squeeze %dma_start3A_58 : memref<1x128xi32, #tpu.memory_space<vmem>> -> memref<128xi32, #tpu.memory_space<vmem>>
    %dma_start3A_60 = arith.constant 0 : i32
    %dma_start3A_61 = arith.constant 0 : i32
    %dma_start3A_62 = tpu.memref_slice %arg2[%dma_start3A_60, %dma_start3A_61] : memref<10240x16xf32, #tpu.memory_space<hbm>> -> memref<10240x16xf32, #tpu.memory_space<hbm>>
    tpu.enqueue_indirect_dma source(%dma_start3A_62 : memref<10240x16xf32, #tpu.memory_space<hbm>>) target(%dma_start3A_56 : memref<128x16xf32, #tpu.memory_space<vmem>>) offsets(%dma_start3A_59 : memref<128xi32, #tpu.memory_space<vmem>>) semaphore(%arg10 : memref<!tpu.dma_semaphore, #tpu.memory_space<semaphore_mem>>)
    %dma_start3A_63 = arith.constant 1 : i32
    %dma_start3A_64 = arith.constant 1 : i32
    %dma_start3A_65 = arith.constant 0 : i32
    %dma_start3A_66 = arith.constant 0 : i32
    %dma_start3A_67 = tpu.memref_slice %arg8[%dma_start3A_64, %dma_start3A_65, %dma_start3A_66] : memref<8x128x16xf32, #tpu.memory_space<vmem>> -> memref<1x128x16xf32, #tpu.memory_space<vmem>>
    %dma_start3A_68 = tpu.memref_squeeze %dma_start3A_67 : memref<1x128x16xf32, #tpu.memory_space<vmem>> -> memref<128x16xf32, #tpu.memory_space<vmem>>
    %dma_start3A_69 = arith.constant 0 : i32
    %dma_start3A_70 = tpu.memref_slice %arg6[%dma_start3A_63, %dma_start3A_69] : memref<80x128xi32, #tpu.memory_space<vmem>> -> memref<1x128xi32, #tpu.memory_space<vmem>>
    %dma_start3A_71 = tpu.memref_squeeze %dma_start3A_70 : memref<1x128xi32, #tpu.memory_space<vmem>> -> memref<128xi32, #tpu.memory_space<vmem>>
    %dma_start3A_72 = arith.constant 0 : i32
    %dma_start3A_73 = arith.constant 0 : i32
    %dma_start3A_74 = tpu.memref_slice %arg2[%dma_start3A_72, %dma_start3A_73] : memref<10240x16xf32, #tpu.memory_space<hbm>> -> memref<10240x16xf32, #tpu.memory_space<hbm>>
    tpu.enqueue_indirect_dma source(%dma_start3A_74 : memref<10240x16xf32, #tpu.memory_space<hbm>>) target(%dma_start3A_68 : memref<128x16xf32, #tpu.memory_space<vmem>>) offsets(%dma_start3A_71 : memref<128xi32, #tpu.memory_space<vmem>>) semaphore(%arg11 : memref<!tpu.dma_semaphore, #tpu.memory_space<semaphore_mem>>)
    %dma_start3A_75 = arith.constant 2 : i32
    %dma_start3A_76 = arith.constant 2 : i32
    %dma_start3A_77 = arith.constant 0 : i32
    %dma_start3A_78 = arith.constant 0 : i32
    %dma_start3A_79 = tpu.memref_slice %arg8[%dma_start3A_76, %dma_start3A_77, %dma_start3A_78] : memref<8x128x16xf32, #tpu.memory_space<vmem>> -> memref<1x128x16xf32, #tpu.memory_space<vmem>>
    %dma_start3A_80 = tpu.memref_squeeze %dma_start3A_79 : memref<1x128x16xf32, #tpu.memory_space<vmem>> -> memref<128x16xf32, #tpu.memory_space<vmem>>
    %dma_start3A_81 = arith.constant 0 : i32
    %dma_start3A_82 = tpu.memref_slice %arg6[%dma_start3A_75, %dma_start3A_81] : memref<80x128xi32, #tpu.memory_space<vmem>> -> memref<1x128xi32, #tpu.memory_space<vmem>>
    %dma_start3A_83 = tpu.memref_squeeze %dma_start3A_82 : memref<1x128xi32, #tpu.memory_space<vmem>> -> memref<128xi32, #tpu.memory_space<vmem>>
    %dma_start3A_84 = arith.constant 0 : i32
    %dma_start3A_85 = arith.constant 0 : i32
    %dma_start3A_86 = tpu.memref_slice %arg2[%dma_start3A_84, %dma_start3A_85] : memref<10240x16xf32, #tpu.memory_space<hbm>> -> memref<10240x16xf32, #tpu.memory_space<hbm>>
    tpu.enqueue_indirect_dma source(%dma_start3A_86 : memref<10240x16xf32, #tpu.memory_space<hbm>>) target(%dma_start3A_80 : memref<128x16xf32, #tpu.memory_space<vmem>>) offsets(%dma_start3A_83 : memref<128xi32, #tpu.memory_space<vmem>>) semaphore(%arg12 : memref<!tpu.dma_semaphore, #tpu.memory_space<semaphore_mem>>)
    %dma_start3A_87 = arith.constant 3 : i32
    %dma_start3A_88 = arith.constant 3 : i32
    %dma_start3A_89 = arith.constant 0 : i32
    %dma_start3A_90 = arith.constant 0 : i32
    %dma_start3A_91 = tpu.memref_slice %arg8[%dma_start3A_88, %dma_start3A_89, %dma_start3A_90] : memref<8x128x16xf32, #tpu.memory_space<vmem>> -> memref<1x128x16xf32, #tpu.memory_space<vmem>>
    %dma_start3A_92 = tpu.memref_squeeze %dma_start3A_91 : memref<1x128x16xf32, #tpu.memory_space<vmem>> -> memref<128x16xf32, #tpu.memory_space<vmem>>
    %dma_start3A_93 = arith.constant 0 : i32
    %dma_start3A_94 = tpu.memref_slice %arg6[%dma_start3A_87, %dma_start3A_93] : memref<80x128xi32, #tpu.memory_space<vmem>> -> memref<1x128xi32, #tpu.memory_space<vmem>>
    %dma_start3A_95 = tpu.memref_squeeze %dma_start3A_94 : memref<1x128xi32, #tpu.memory_space<vmem>> -> memref<128xi32, #tpu.memory_space<vmem>>
    %dma_start3A_96 = arith.constant 0 : i32
    %dma_start3A_97 = arith.constant 0 : i32
    %dma_start3A_98 = tpu.memref_slice %arg2[%dma_start3A_96, %dma_start3A_97] : memref<10240x16xf32, #tpu.memory_space<hbm>> -> memref<10240x16xf32, #tpu.memory_space<hbm>>
    tpu.enqueue_indirect_dma source(%dma_start3A_98 : memref<10240x16xf32, #tpu.memory_space<hbm>>) target(%dma_start3A_92 : memref<128x16xf32, #tpu.memory_space<vmem>>) offsets(%dma_start3A_95 : memref<128xi32, #tpu.memory_space<vmem>>) semaphore(%arg13 : memref<!tpu.dma_semaphore, #tpu.memory_space<semaphore_mem>>)
    %dma_start3A_99 = arith.constant 4 : i32
    %dma_start3A_100 = arith.constant 4 : i32
    %dma_start3A_101 = arith.constant 0 : i32
    %dma_start3A_102 = arith.constant 0 : i32
    %dma_start3A_103 = tpu.memref_slice %arg8[%dma_start3A_100, %dma_start3A_101, %dma_start3A_102] : memref<8x128x16xf32, #tpu.memory_space<vmem>> -> memref<1x128x16xf32, #tpu.memory_space<vmem>>
    %dma_start3A_104 = tpu.memref_squeeze %dma_start3A_103 : memref<1x128x16xf32, #tpu.memory_space<vmem>> -> memref<128x16xf32, #tpu.memory_space<vmem>>
    %dma_start3A_105 = arith.constant 0 : i32
    %dma_start3A_106 = tpu.memref_slice %arg6[%dma_start3A_99, %dma_start3A_105] : memref<80x128xi32, #tpu.memory_space<vmem>> -> memref<1x128xi32, #tpu.memory_space<vmem>>
    %dma_start3A_107 = tpu.memref_squeeze %dma_start3A_106 : memref<1x128xi32, #tpu.memory_space<vmem>> -> memref<128xi32, #tpu.memory_space<vmem>>
    %dma_start3A_108 = arith.constant 0 : i32
    %dma_start3A_109 = arith.constant 0 : i32
    %dma_start3A_110 = tpu.memref_slice %arg2[%dma_start3A_108, %dma_start3A_109] : memref<10240x16xf32, #tpu.memory_space<hbm>> -> memref<10240x16xf32, #tpu.memory_space<hbm>>
    tpu.enqueue_indirect_dma source(%dma_start3A_110 : memref<10240x16xf32, #tpu.memory_space<hbm>>) target(%dma_start3A_104 : memref<128x16xf32, #tpu.memory_space<vmem>>) offsets(%dma_start3A_107 : memref<128xi32, #tpu.memory_space<vmem>>) semaphore(%arg14 : memref<!tpu.dma_semaphore, #tpu.memory_space<semaphore_mem>>)
    %dma_start3A_111 = arith.constant 5 : i32
    %dma_start3A_112 = arith.constant 5 : i32
    %dma_start3A_113 = arith.constant 0 : i32
    %dma_start3A_114 = arith.constant 0 : i32
    %dma_start3A_115 = tpu.memref_slice %arg8[%dma_start3A_112, %dma_start3A_113, %dma_start3A_114] : memref<8x128x16xf32, #tpu.memory_space<vmem>> -> memref<1x128x16xf32, #tpu.memory_space<vmem>>
    %dma_start3A_116 = tpu.memref_squeeze %dma_start3A_115 : memref<1x128x16xf32, #tpu.memory_space<vmem>> -> memref<128x16xf32, #tpu.memory_space<vmem>>
    %dma_start3A_117 = arith.constant 0 : i32
    %dma_start3A_118 = tpu.memref_slice %arg6[%dma_start3A_111, %dma_start3A_117] : memref<80x128xi32, #tpu.memory_space<vmem>> -> memref<1x128xi32, #tpu.memory_space<vmem>>
    %dma_start3A_119 = tpu.memref_squeeze %dma_start3A_118 : memref<1x128xi32, #tpu.memory_space<vmem>> -> memref<128xi32, #tpu.memory_space<vmem>>
    %dma_start3A_120 = arith.constant 0 : i32
    %dma_start3A_121 = arith.constant 0 : i32
    %dma_start3A_122 = tpu.memref_slice %arg2[%dma_start3A_120, %dma_start3A_121] : memref<10240x16xf32, #tpu.memory_space<hbm>> -> memref<10240x16xf32, #tpu.memory_space<hbm>>
    tpu.enqueue_indirect_dma source(%dma_start3A_122 : memref<10240x16xf32, #tpu.memory_space<hbm>>) target(%dma_start3A_116 : memref<128x16xf32, #tpu.memory_space<vmem>>) offsets(%dma_start3A_119 : memref<128xi32, #tpu.memory_space<vmem>>) semaphore(%arg15 : memref<!tpu.dma_semaphore, #tpu.memory_space<semaphore_mem>>)
    %dma_start3A_123 = arith.constant 6 : i32
    %dma_start3A_124 = arith.constant 6 : i32
    %dma_start3A_125 = arith.constant 0 : i32
    %dma_start3A_126 = arith.constant 0 : i32
    %dma_start3A_127 = tpu.memref_slice %arg8[%dma_start3A_124, %dma_start3A_125, %dma_start3A_126] : memref<8x128x16xf32, #tpu.memory_space<vmem>> -> memref<1x128x16xf32, #tpu.memory_space<vmem>>
    %dma_start3A_128 = tpu.memref_squeeze %dma_start3A_127 : memref<1x128x16xf32, #tpu.memory_space<vmem>> -> memref<128x16xf32, #tpu.memory_space<vmem>>
    %dma_start3A_129 = arith.constant 0 : i32
    %dma_start3A_130 = tpu.memref_slice %arg6[%dma_start3A_123, %dma_start3A_129] : memref<80x128xi32, #tpu.memory_space<vmem>> -> memref<1x128xi32, #tpu.memory_space<vmem>>
    %dma_start3A_131 = tpu.memref_squeeze %dma_start3A_130 : memref<1x128xi32, #tpu.memory_space<vmem>> -> memref<128xi32, #tpu.memory_space<vmem>>
    %dma_start3A_132 = arith.constant 0 : i32
    %dma_start3A_133 = arith.constant 0 : i32
    %dma_start3A_134 = tpu.memref_slice %arg2[%dma_start3A_132, %dma_start3A_133] : memref<10240x16xf32, #tpu.memory_space<hbm>> -> memref<10240x16xf32, #tpu.memory_space<hbm>>
    tpu.enqueue_indirect_dma source(%dma_start3A_134 : memref<10240x16xf32, #tpu.memory_space<hbm>>) target(%dma_start3A_128 : memref<128x16xf32, #tpu.memory_space<vmem>>) offsets(%dma_start3A_131 : memref<128xi32, #tpu.memory_space<vmem>>) semaphore(%arg16 : memref<!tpu.dma_semaphore, #tpu.memory_space<semaphore_mem>>)
    %dma_start3A_135 = arith.constant 7 : i32
    %dma_start3A_136 = arith.constant 7 : i32
    %dma_start3A_137 = arith.constant 0 : i32
    %dma_start3A_138 = arith.constant 0 : i32
    %dma_start3A_139 = tpu.memref_slice %arg8[%dma_start3A_136, %dma_start3A_137, %dma_start3A_138] : memref<8x128x16xf32, #tpu.memory_space<vmem>> -> memref<1x128x16xf32, #tpu.memory_space<vmem>>
    %dma_start3A_140 = tpu.memref_squeeze %dma_start3A_139 : memref<1x128x16xf32, #tpu.memory_space<vmem>> -> memref<128x16xf32, #tpu.memory_space<vmem>>
    %dma_start3A_141 = arith.constant 0 : i32
    %dma_start3A_142 = tpu.memref_slice %arg6[%dma_start3A_135, %dma_start3A_141] : memref<80x128xi32, #tpu.memory_space<vmem>> -> memref<1x128xi32, #tpu.memory_space<vmem>>
    %dma_start3A_143 = tpu.memref_squeeze %dma_start3A_142 : memref<1x128xi32, #tpu.memory_space<vmem>> -> memref<128xi32, #tpu.memory_space<vmem>>
    %dma_start3A_144 = arith.constant 0 : i32
    %dma_start3A_145 = arith.constant 0 : i32
    %dma_start3A_146 = tpu.memref_slice %arg2[%dma_start3A_144, %dma_start3A_145] : memref<10240x16xf32, #tpu.memory_space<hbm>> -> memref<10240x16xf32, #tpu.memory_space<hbm>>
    tpu.enqueue_indirect_dma source(%dma_start3A_146 : memref<10240x16xf32, #tpu.memory_space<hbm>>) target(%dma_start3A_140 : memref<128x16xf32, #tpu.memory_space<vmem>>) offsets(%dma_start3A_143 : memref<128xi32, #tpu.memory_space<vmem>>) semaphore(%arg17 : memref<!tpu.dma_semaphore, #tpu.memory_space<semaphore_mem>>)
    %scan3A_147 = arith.constant 0 : i32
    %scan3A_148 = arith.constant 9 : i32
    %scan3A_149 = arith.addi %scan3A_147, %scan3A_148 : i32
    %scan3A_150 = arith.constant 1 : i32
    scf.for %scan3A_265 = %scan3A_147 to %scan3A_149 step %scan3A_150  : i32 {
      %mul3A_266 = arith.constant 1 : i32
      %mul3A_267 = arith.muli %scan3A_265, %mul3A_266 : i32
      %add3A_268 = arith.constant 0 : i32
      %add3A_269 = arith.addi %add3A_268, %mul3A_267 : i32
      %mul3A_270 = arith.constant 8 : i32
      %mul3A_271 = arith.muli %add3A_269, %mul3A_270 : i32
      %dma_wait3A_272 = arith.constant 0 : i32
      %dma_wait3A_273 = arith.constant 0 : i32
      %dma_wait3A_274 = arith.constant 0 : i32
      %dma_wait3A_275 = arith.constant 0 : i32
      %dma_wait3A_276 = tpu.memref_slice %arg8[%dma_wait3A_273, %dma_wait3A_274, %dma_wait3A_275] : memref<8x128x16xf32, #tpu.memory_space<vmem>> -> memref<1x128x16xf32, #tpu.memory_space<vmem>>
      %dma_wait3A_277 = tpu.memref_squeeze %dma_wait3A_276 : memref<1x128x16xf32, #tpu.memory_space<vmem>> -> memref<128x16xf32, #tpu.memory_space<vmem>>
      %dma_wait3A_278 = arith.constant 0 : i32
      %dma_wait3A_279 = tpu.memref_slice %arg6[%dma_wait3A_272, %dma_wait3A_278] : memref<80x128xi32, #tpu.memory_space<vmem>> -> memref<1x128xi32, #tpu.memory_space<vmem>>
      %dma_wait3A_280 = tpu.memref_squeeze %dma_wait3A_279 : memref<1x128xi32, #tpu.memory_space<vmem>> -> memref<128xi32, #tpu.memory_space<vmem>>
      %dma_wait3A_281 = arith.constant 0 : i32
      %dma_wait3A_282 = arith.constant 0 : i32
      %dma_wait3A_283 = tpu.memref_slice %arg2[%dma_wait3A_281, %dma_wait3A_282] : memref<10240x16xf32, #tpu.memory_space<hbm>> -> memref<10240x16xf32, #tpu.memory_space<hbm>>
      tpu.wait_indirect_dma semaphore(%arg10 : memref<!tpu.dma_semaphore, #tpu.memory_space<semaphore_mem>>) src(%dma_wait3A_283 : memref<10240x16xf32, #tpu.memory_space<hbm>>) dst(%dma_wait3A_277 : memref<128x16xf32, #tpu.memory_space<vmem>>)
      %add3A_284 = arith.constant 0 : i32
      %add3A_285 = arith.addi %mul3A_271, %add3A_284 : i32
      %run_scoped3A_286 = arith.constant 0 : i32
      "tpu.region"() ({
        %run_scoped3A_512 = tpu.sem_alloc : memref<!tpu.dma_semaphore, #tpu.memory_space<semaphore_mem>>
        %dma_start3A_513 = arith.constant 0 : i32
        %dma_start3A_514 = arith.constant 0 : i32
        %dma_start3A_515 = tpu.memref_slice %arg8[%run_scoped3A_286, %dma_start3A_513, %dma_start3A_514] : memref<8x128x16xf32, #tpu.memory_space<vmem>> -> memref<1x128x16xf32, #tpu.memory_space<vmem>>
        %dma_start3A_516 = tpu.memref_squeeze %dma_start3A_515 : memref<1x128x16xf32, #tpu.memory_space<vmem>> -> memref<128x16xf32, #tpu.memory_space<vmem>>
        %dma_start3A_517 = arith.constant 0 : i32
        %dma_start3A_518 = tpu.memref_slice %arg7[%add3A_285, %dma_start3A_517] : memref<80x128xi32, #tpu.memory_space<vmem>> -> memref<1x128xi32, #tpu.memory_space<vmem>>
        %dma_start3A_519 = tpu.memref_squeeze %dma_start3A_518 : memref<1x128xi32, #tpu.memory_space<vmem>> -> memref<128xi32, #tpu.memory_space<vmem>>
        %dma_start3A_520 = arith.constant 0 : i32
        %dma_start3A_521 = arith.constant 0 : i32
        %dma_start3A_522 = tpu.memref_slice %arg9[%dma_start3A_520, %dma_start3A_521] : memref<10240x16xf32, #tpu.memory_space<vmem_shared>> -> memref<10240x16xf32, #tpu.memory_space<vmem_shared>>
        tpu.enqueue_indirect_dma source(%dma_start3A_516 : memref<128x16xf32, #tpu.memory_space<vmem>>) target(%dma_start3A_522 : memref<10240x16xf32, #tpu.memory_space<vmem_shared>>) offsets(%dma_start3A_519 : memref<128xi32, #tpu.memory_space<vmem>>) semaphore(%run_scoped3A_512 : memref<!tpu.dma_semaphore, #tpu.memory_space<semaphore_mem>>) {add = true}
        %dma_wait3A_523 = arith.constant 0 : i32
        %dma_wait3A_524 = arith.constant 0 : i32
        %dma_wait3A_525 = tpu.memref_slice %arg8[%run_scoped3A_286, %dma_wait3A_523, %dma_wait3A_524] : memref<8x128x16xf32, #tpu.memory_space<vmem>> -> memref<1x128x16xf32, #tpu.memory_space<vmem>>
        %dma_wait3A_526 = tpu.memref_squeeze %dma_wait3A_525 : memref<1x128x16xf32, #tpu.memory_space<vmem>> -> memref<128x16xf32, #tpu.memory_space<vmem>>
        %dma_wait3A_527 = arith.constant 0 : i32
        %dma_wait3A_528 = tpu.memref_slice %arg7[%add3A_285, %dma_wait3A_527] : memref<80x128xi32, #tpu.memory_space<vmem>> -> memref<1x128xi32, #tpu.memory_space<vmem>>
        %dma_wait3A_529 = tpu.memref_squeeze %dma_wait3A_528 : memref<1x128xi32, #tpu.memory_space<vmem>> -> memref<128xi32, #tpu.memory_space<vmem>>
        %dma_wait3A_530 = arith.constant 0 : i32
        %dma_wait3A_531 = arith.constant 0 : i32
        %dma_wait3A_532 = tpu.memref_slice %arg9[%dma_wait3A_530, %dma_wait3A_531] : memref<10240x16xf32, #tpu.memory_space<vmem_shared>> -> memref<10240x16xf32, #tpu.memory_space<vmem_shared>>
        tpu.wait_indirect_dma semaphore(%run_scoped3A_512 : memref<!tpu.dma_semaphore, #tpu.memory_space<semaphore_mem>>) src(%dma_wait3A_526 : memref<128x16xf32, #tpu.memory_space<vmem>>) dst(%dma_wait3A_532 : memref<10240x16xf32, #tpu.memory_space<vmem_shared>>)
        tpu.yield
      }) : () -> ()
      %add3A_287 = arith.constant 8 : i32
      %add3A_288 = arith.addi %mul3A_271, %add3A_287 : i32
      %add3A_289 = arith.constant 0 : i32
      %add3A_290 = arith.addi %add3A_288, %add3A_289 : i32
      %dma_start3A_291 = arith.constant 0 : i32
      %dma_start3A_292 = arith.constant 0 : i32
      %dma_start3A_293 = arith.constant 0 : i32
      %dma_start3A_294 = tpu.memref_slice %arg8[%dma_start3A_291, %dma_start3A_292, %dma_start3A_293] : memref<8x128x16xf32, #tpu.memory_space<vmem>> -> memref<1x128x16xf32, #tpu.memory_space<vmem>>
      %dma_start3A_295 = tpu.memref_squeeze %dma_start3A_294 : memref<1x128x16xf32, #tpu.memory_space<vmem>> -> memref<128x16xf32, #tpu.memory_space<vmem>>
      %dma_start3A_296 = arith.constant 0 : i32
      %dma_start3A_297 = tpu.memref_slice %arg6[%add3A_290, %dma_start3A_296] : memref<80x128xi32, #tpu.memory_space<vmem>> -> memref<1x128xi32, #tpu.memory_space<vmem>>
      %dma_start3A_298 = tpu.memref_squeeze %dma_start3A_297 : memref<1x128xi32, #tpu.memory_space<vmem>> -> memref<128xi32, #tpu.memory_space<vmem>>
      %dma_start3A_299 = arith.constant 0 : i32
      %dma_start3A_300 = arith.constant 0 : i32
      %dma_start3A_301 = tpu.memref_slice %arg2[%dma_start3A_299, %dma_start3A_300] : memref<10240x16xf32, #tpu.memory_space<hbm>> -> memref<10240x16xf32, #tpu.memory_space<hbm>>
      tpu.enqueue_indirect_dma source(%dma_start3A_301 : memref<10240x16xf32, #tpu.memory_space<hbm>>) target(%dma_start3A_295 : memref<128x16xf32, #tpu.memory_space<vmem>>) offsets(%dma_start3A_298 : memref<128xi32, #tpu.memory_space<vmem>>) semaphore(%arg10 : memref<!tpu.dma_semaphore, #tpu.memory_space<semaphore_mem>>)
      %dma_wait3A_302 = arith.constant 1 : i32
      %dma_wait3A_303 = arith.constant 1 : i32
      %dma_wait3A_304 = arith.constant 0 : i32
      %dma_wait3A_305 = arith.constant 0 : i32
      %dma_wait3A_306 = tpu.memref_slice %arg8[%dma_wait3A_303, %dma_wait3A_304, %dma_wait3A_305] : memref<8x128x16xf32, #tpu.memory_space<vmem>> -> memref<1x128x16xf32, #tpu.memory_space<vmem>>
      %dma_wait3A_307 = tpu.memref_squeeze %dma_wait3A_306 : memref<1x128x16xf32, #tpu.memory_space<vmem>> -> memref<128x16xf32, #tpu.memory_space<vmem>>
      %dma_wait3A_308 = arith.constant 0 : i32
      %dma_wait3A_309 = tpu.memref_slice %arg6[%dma_wait3A_302, %dma_wait3A_308] : memref<80x128xi32, #tpu.memory_space<vmem>> -> memref<1x128xi32, #tpu.memory_space<vmem>>
      %dma_wait3A_310 = tpu.memref_squeeze %dma_wait3A_309 : memref<1x128xi32, #tpu.memory_space<vmem>> -> memref<128xi32, #tpu.memory_space<vmem>>
      %dma_wait3A_311 = arith.constant 0 : i32
      %dma_wait3A_312 = arith.constant 0 : i32
      %dma_wait3A_313 = tpu.memref_slice %arg2[%dma_wait3A_311, %dma_wait3A_312] : memref<10240x16xf32, #tpu.memory_space<hbm>> -> memref<10240x16xf32, #tpu.memory_space<hbm>>
      tpu.wait_indirect_dma semaphore(%arg11 : memref<!tpu.dma_semaphore, #tpu.memory_space<semaphore_mem>>) src(%dma_wait3A_313 : memref<10240x16xf32, #tpu.memory_space<hbm>>) dst(%dma_wait3A_307 : memref<128x16xf32, #tpu.memory_space<vmem>>)
      %add3A_314 = arith.constant 1 : i32
      %add3A_315 = arith.addi %mul3A_271, %add3A_314 : i32
      %run_scoped3A_316 = arith.constant 1 : i32
      "tpu.region"() ({
        %run_scoped3A_512 = tpu.sem_alloc : memref<!tpu.dma_semaphore, #tpu.memory_space<semaphore_mem>>
        %dma_start3A_513 = arith.constant 0 : i32
        %dma_start3A_514 = arith.constant 0 : i32
        %dma_start3A_515 = tpu.memref_slice %arg8[%run_scoped3A_316, %dma_start3A_513, %dma_start3A_514] : memref<8x128x16xf32, #tpu.memory_space<vmem>> -> memref<1x128x16xf32, #tpu.memory_space<vmem>>
        %dma_start3A_516 = tpu.memref_squeeze %dma_start3A_515 : memref<1x128x16xf32, #tpu.memory_space<vmem>> -> memref<128x16xf32, #tpu.memory_space<vmem>>
        %dma_start3A_517 = arith.constant 0 : i32
        %dma_start3A_518 = tpu.memref_slice %arg7[%add3A_315, %dma_start3A_517] : memref<80x128xi32, #tpu.memory_space<vmem>> -> memref<1x128xi32, #tpu.memory_space<vmem>>
        %dma_start3A_519 = tpu.memref_squeeze %dma_start3A_518 : memref<1x128xi32, #tpu.memory_space<vmem>> -> memref<128xi32, #tpu.memory_space<vmem>>
        %dma_start3A_520 = arith.constant 0 : i32
        %dma_start3A_521 = arith.constant 0 : i32
        %dma_start3A_522 = tpu.memref_slice %arg9[%dma_start3A_520, %dma_start3A_521] : memref<10240x16xf32, #tpu.memory_space<vmem_shared>> -> memref<10240x16xf32, #tpu.memory_space<vmem_shared>>
        tpu.enqueue_indirect_dma source(%dma_start3A_516 : memref<128x16xf32, #tpu.memory_space<vmem>>) target(%dma_start3A_522 : memref<10240x16xf32, #tpu.memory_space<vmem_shared>>) offsets(%dma_start3A_519 : memref<128xi32, #tpu.memory_space<vmem>>) semaphore(%run_scoped3A_512 : memref<!tpu.dma_semaphore, #tpu.memory_space<semaphore_mem>>) {add = true}
        %dma_wait3A_523 = arith.constant 0 : i32
        %dma_wait3A_524 = arith.constant 0 : i32
        %dma_wait3A_525 = tpu.memref_slice %arg8[%run_scoped3A_316, %dma_wait3A_523, %dma_wait3A_524] : memref<8x128x16xf32, #tpu.memory_space<vmem>> -> memref<1x128x16xf32, #tpu.memory_space<vmem>>
        %dma_wait3A_526 = tpu.memref_squeeze %dma_wait3A_525 : memref<1x128x16xf32, #tpu.memory_space<vmem>> -> memref<128x16xf32, #tpu.memory_space<vmem>>
        %dma_wait3A_527 = arith.constant 0 : i32
        %dma_wait3A_528 = tpu.memref_slice %arg7[%add3A_315, %dma_wait3A_527] : memref<80x128xi32, #tpu.memory_space<vmem>> -> memref<1x128xi32, #tpu.memory_space<vmem>>
        %dma_wait3A_529 = tpu.memref_squeeze %dma_wait3A_528 : memref<1x128xi32, #tpu.memory_space<vmem>> -> memref<128xi32, #tpu.memory_space<vmem>>
        %dma_wait3A_530 = arith.constant 0 : i32
        %dma_wait3A_531 = arith.constant 0 : i32
        %dma_wait3A_532 = tpu.memref_slice %arg9[%dma_wait3A_530, %dma_wait3A_531] : memref<10240x16xf32, #tpu.memory_space<vmem_shared>> -> memref<10240x16xf32, #tpu.memory_space<vmem_shared>>
        tpu.wait_indirect_dma semaphore(%run_scoped3A_512 : memref<!tpu.dma_semaphore, #tpu.memory_space<semaphore_mem>>) src(%dma_wait3A_526 : memref<128x16xf32, #tpu.memory_space<vmem>>) dst(%dma_wait3A_532 : memref<10240x16xf32, #tpu.memory_space<vmem_shared>>)
        tpu.yield
      }) : () -> ()
      %add3A_317 = arith.constant 8 : i32
      %add3A_318 = arith.addi %mul3A_271, %add3A_317 : i32
      %add3A_319 = arith.constant 1 : i32
      %add3A_320 = arith.addi %add3A_318, %add3A_319 : i32
      %dma_start3A_321 = arith.constant 1 : i32
      %dma_start3A_322 = arith.constant 0 : i32
      %dma_start3A_323 = arith.constant 0 : i32
      %dma_start3A_324 = tpu.memref_slice %arg8[%dma_start3A_321, %dma_start3A_322, %dma_start3A_323] : memref<8x128x16xf32, #tpu.memory_space<vmem>> -> memref<1x128x16xf32, #tpu.memory_space<vmem>>
      %dma_start3A_325 = tpu.memref_squeeze %dma_start3A_324 : memref<1x128x16xf32, #tpu.memory_space<vmem>> -> memref<128x16xf32, #tpu.memory_space<vmem>>
      %dma_start3A_326 = arith.constant 0 : i32
      %dma_start3A_327 = tpu.memref_slice %arg6[%add3A_320, %dma_start3A_326] : memref<80x128xi32, #tpu.memory_space<vmem>> -> memref<1x128xi32, #tpu.memory_space<vmem>>
      %dma_start3A_328 = tpu.memref_squeeze %dma_start3A_327 : memref<1x128xi32, #tpu.memory_space<vmem>> -> memref<128xi32, #tpu.memory_space<vmem>>
      %dma_start3A_329 = arith.constant 0 : i32
      %dma_start3A_330 = arith.constant 0 : i32
      %dma_start3A_331 = tpu.memref_slice %arg2[%dma_start3A_329, %dma_start3A_330] : memref<10240x16xf32, #tpu.memory_space<hbm>> -> memref<10240x16xf32, #tpu.memory_space<hbm>>
      tpu.enqueue_indirect_dma source(%dma_start3A_331 : memref<10240x16xf32, #tpu.memory_space<hbm>>) target(%dma_start3A_325 : memref<128x16xf32, #tpu.memory_space<vmem>>) offsets(%dma_start3A_328 : memref<128xi32, #tpu.memory_space<vmem>>) semaphore(%arg11 : memref<!tpu.dma_semaphore, #tpu.memory_space<semaphore_mem>>)
      %dma_wait3A_332 = arith.constant 2 : i32
      %dma_wait3A_333 = arith.constant 2 : i32
      %dma_wait3A_334 = arith.constant 0 : i32
      %dma_wait3A_335 = arith.constant 0 : i32
      %dma_wait3A_336 = tpu.memref_slice %arg8[%dma_wait3A_333, %dma_wait3A_334, %dma_wait3A_335] : memref<8x128x16xf32, #tpu.memory_space<vmem>> -> memref<1x128x16xf32, #tpu.memory_space<vmem>>
      %dma_wait3A_337 = tpu.memref_squeeze %dma_wait3A_336 : memref<1x128x16xf32, #tpu.memory_space<vmem>> -> memref<128x16xf32, #tpu.memory_space<vmem>>
      %dma_wait3A_338 = arith.constant 0 : i32
      %dma_wait3A_339 = tpu.memref_slice %arg6[%dma_wait3A_332, %dma_wait3A_338] : memref<80x128xi32, #tpu.memory_space<vmem>> -> memref<1x128xi32, #tpu.memory_space<vmem>>
      %dma_wait3A_340 = tpu.memref_squeeze %dma_wait3A_339 : memref<1x128xi32, #tpu.memory_space<vmem>> -> memref<128xi32, #tpu.memory_space<vmem>>
      %dma_wait3A_341 = arith.constant 0 : i32
      %dma_wait3A_342 = arith.constant 0 : i32
      %dma_wait3A_343 = tpu.memref_slice %arg2[%dma_wait3A_341, %dma_wait3A_342] : memref<10240x16xf32, #tpu.memory_space<hbm>> -> memref<10240x16xf32, #tpu.memory_space<hbm>>
      tpu.wait_indirect_dma semaphore(%arg12 : memref<!tpu.dma_semaphore, #tpu.memory_space<semaphore_mem>>) src(%dma_wait3A_343 : memref<10240x16xf32, #tpu.memory_space<hbm>>) dst(%dma_wait3A_337 : memref<128x16xf32, #tpu.memory_space<vmem>>)
      %add3A_344 = arith.constant 2 : i32
      %add3A_345 = arith.addi %mul3A_271, %add3A_344 : i32
      %run_scoped3A_346 = arith.constant 2 : i32
      "tpu.region"() ({
        %run_scoped3A_512 = tpu.sem_alloc : memref<!tpu.dma_semaphore, #tpu.memory_space<semaphore_mem>>
        %dma_start3A_513 = arith.constant 0 : i32
        %dma_start3A_514 = arith.constant 0 : i32
        %dma_start3A_515 = tpu.memref_slice %arg8[%run_scoped3A_346, %dma_start3A_513, %dma_start3A_514] : memref<8x128x16xf32, #tpu.memory_space<vmem>> -> memref<1x128x16xf32, #tpu.memory_space<vmem>>
        %dma_start3A_516 = tpu.memref_squeeze %dma_start3A_515 : memref<1x128x16xf32, #tpu.memory_space<vmem>> -> memref<128x16xf32, #tpu.memory_space<vmem>>
        %dma_start3A_517 = arith.constant 0 : i32
        %dma_start3A_518 = tpu.memref_slice %arg7[%add3A_345, %dma_start3A_517] : memref<80x128xi32, #tpu.memory_space<vmem>> -> memref<1x128xi32, #tpu.memory_space<vmem>>
        %dma_start3A_519 = tpu.memref_squeeze %dma_start3A_518 : memref<1x128xi32, #tpu.memory_space<vmem>> -> memref<128xi32, #tpu.memory_space<vmem>>
        %dma_start3A_520 = arith.constant 0 : i32
        %dma_start3A_521 = arith.constant 0 : i32
        %dma_start3A_522 = tpu.memref_slice %arg9[%dma_start3A_520, %dma_start3A_521] : memref<10240x16xf32, #tpu.memory_space<vmem_shared>> -> memref<10240x16xf32, #tpu.memory_space<vmem_shared>>
        tpu.enqueue_indirect_dma source(%dma_start3A_516 : memref<128x16xf32, #tpu.memory_space<vmem>>) target(%dma_start3A_522 : memref<10240x16xf32, #tpu.memory_space<vmem_shared>>) offsets(%dma_start3A_519 : memref<128xi32, #tpu.memory_space<vmem>>) semaphore(%run_scoped3A_512 : memref<!tpu.dma_semaphore, #tpu.memory_space<semaphore_mem>>) {add = true}
        %dma_wait3A_523 = arith.constant 0 : i32
        %dma_wait3A_524 = arith.constant 0 : i32
        %dma_wait3A_525 = tpu.memref_slice %arg8[%run_scoped3A_346, %dma_wait3A_523, %dma_wait3A_524] : memref<8x128x16xf32, #tpu.memory_space<vmem>> -> memref<1x128x16xf32, #tpu.memory_space<vmem>>
        %dma_wait3A_526 = tpu.memref_squeeze %dma_wait3A_525 : memref<1x128x16xf32, #tpu.memory_space<vmem>> -> memref<128x16xf32, #tpu.memory_space<vmem>>
        %dma_wait3A_527 = arith.constant 0 : i32
        %dma_wait3A_528 = tpu.memref_slice %arg7[%add3A_345, %dma_wait3A_527] : memref<80x128xi32, #tpu.memory_space<vmem>> -> memref<1x128xi32, #tpu.memory_space<vmem>>
        %dma_wait3A_529 = tpu.memref_squeeze %dma_wait3A_528 : memref<1x128xi32, #tpu.memory_space<vmem>> -> memref<128xi32, #tpu.memory_space<vmem>>
        %dma_wait3A_530 = arith.constant 0 : i32
        %dma_wait3A_531 = arith.constant 0 : i32
        %dma_wait3A_532 = tpu.memref_slice %arg9[%dma_wait3A_530, %dma_wait3A_531] : memref<10240x16xf32, #tpu.memory_space<vmem_shared>> -> memref<10240x16xf32, #tpu.memory_space<vmem_shared>>
        tpu.wait_indirect_dma semaphore(%run_scoped3A_512 : memref<!tpu.dma_semaphore, #tpu.memory_space<semaphore_mem>>) src(%dma_wait3A_526 : memref<128x16xf32, #tpu.memory_space<vmem>>) dst(%dma_wait3A_532 : memref<10240x16xf32, #tpu.memory_space<vmem_shared>>)
        tpu.yield
      }) : () -> ()
      %add3A_347 = arith.constant 8 : i32
      %add3A_348 = arith.addi %mul3A_271, %add3A_347 : i32
      %add3A_349 = arith.constant 2 : i32
      %add3A_350 = arith.addi %add3A_348, %add3A_349 : i32
      %dma_start3A_351 = arith.constant 2 : i32
      %dma_start3A_352 = arith.constant 0 : i32
      %dma_start3A_353 = arith.constant 0 : i32
      %dma_start3A_354 = tpu.memref_slice %arg8[%dma_start3A_351, %dma_start3A_352, %dma_start3A_353] : memref<8x128x16xf32, #tpu.memory_space<vmem>> -> memref<1x128x16xf32, #tpu.memory_space<vmem>>
      %dma_start3A_355 = tpu.memref_squeeze %dma_start3A_354 : memref<1x128x16xf32, #tpu.memory_space<vmem>> -> memref<128x16xf32, #tpu.memory_space<vmem>>
      %dma_start3A_356 = arith.constant 0 : i32
      %dma_start3A_357 = tpu.memref_slice %arg6[%add3A_350, %dma_start3A_356] : memref<80x128xi32, #tpu.memory_space<vmem>> -> memref<1x128xi32, #tpu.memory_space<vmem>>
      %dma_start3A_358 = tpu.memref_squeeze %dma_start3A_357 : memref<1x128xi32, #tpu.memory_space<vmem>> -> memref<128xi32, #tpu.memory_space<vmem>>
      %dma_start3A_359 = arith.constant 0 : i32
      %dma_start3A_360 = arith.constant 0 : i32
      %dma_start3A_361 = tpu.memref_slice %arg2[%dma_start3A_359, %dma_start3A_360] : memref<10240x16xf32, #tpu.memory_space<hbm>> -> memref<10240x16xf32, #tpu.memory_space<hbm>>
      tpu.enqueue_indirect_dma source(%dma_start3A_361 : memref<10240x16xf32, #tpu.memory_space<hbm>>) target(%dma_start3A_355 : memref<128x16xf32, #tpu.memory_space<vmem>>) offsets(%dma_start3A_358 : memref<128xi32, #tpu.memory_space<vmem>>) semaphore(%arg12 : memref<!tpu.dma_semaphore, #tpu.memory_space<semaphore_mem>>)
      %dma_wait3A_362 = arith.constant 3 : i32
      %dma_wait3A_363 = arith.constant 3 : i32
      %dma_wait3A_364 = arith.constant 0 : i32
      %dma_wait3A_365 = arith.constant 0 : i32
      %dma_wait3A_366 = tpu.memref_slice %arg8[%dma_wait3A_363, %dma_wait3A_364, %dma_wait3A_365] : memref<8x128x16xf32, #tpu.memory_space<vmem>> -> memref<1x128x16xf32, #tpu.memory_space<vmem>>
      %dma_wait3A_367 = tpu.memref_squeeze %dma_wait3A_366 : memref<1x128x16xf32, #tpu.memory_space<vmem>> -> memref<128x16xf32, #tpu.memory_space<vmem>>
      %dma_wait3A_368 = arith.constant 0 : i32
      %dma_wait3A_369 = tpu.memref_slice %arg6[%dma_wait3A_362, %dma_wait3A_368] : memref<80x128xi32, #tpu.memory_space<vmem>> -> memref<1x128xi32, #tpu.memory_space<vmem>>
      %dma_wait3A_370 = tpu.memref_squeeze %dma_wait3A_369 : memref<1x128xi32, #tpu.memory_space<vmem>> -> memref<128xi32, #tpu.memory_space<vmem>>
      %dma_wait3A_371 = arith.constant 0 : i32
      %dma_wait3A_372 = arith.constant 0 : i32
      %dma_wait3A_373 = tpu.memref_slice %arg2[%dma_wait3A_371, %dma_wait3A_372] : memref<10240x16xf32, #tpu.memory_space<hbm>> -> memref<10240x16xf32, #tpu.memory_space<hbm>>
      tpu.wait_indirect_dma semaphore(%arg13 : memref<!tpu.dma_semaphore, #tpu.memory_space<semaphore_mem>>) src(%dma_wait3A_373 : memref<10240x16xf32, #tpu.memory_space<hbm>>) dst(%dma_wait3A_367 : memref<128x16xf32, #tpu.memory_space<vmem>>)
      %add3A_374 = arith.constant 3 : i32
      %add3A_375 = arith.addi %mul3A_271, %add3A_374 : i32
      %run_scoped3A_376 = arith.constant 3 : i32
      "tpu.region"() ({
        %run_scoped3A_512 = tpu.sem_alloc : memref<!tpu.dma_semaphore, #tpu.memory_space<semaphore_mem>>
        %dma_start3A_513 = arith.constant 0 : i32
        %dma_start3A_514 = arith.constant 0 : i32
        %dma_start3A_515 = tpu.memref_slice %arg8[%run_scoped3A_376, %dma_start3A_513, %dma_start3A_514] : memref<8x128x16xf32, #tpu.memory_space<vmem>> -> memref<1x128x16xf32, #tpu.memory_space<vmem>>
        %dma_start3A_516 = tpu.memref_squeeze %dma_start3A_515 : memref<1x128x16xf32, #tpu.memory_space<vmem>> -> memref<128x16xf32, #tpu.memory_space<vmem>>
        %dma_start3A_517 = arith.constant 0 : i32
        %dma_start3A_518 = tpu.memref_slice %arg7[%add3A_375, %dma_start3A_517] : memref<80x128xi32, #tpu.memory_space<vmem>> -> memref<1x128xi32, #tpu.memory_space<vmem>>
        %dma_start3A_519 = tpu.memref_squeeze %dma_start3A_518 : memref<1x128xi32, #tpu.memory_space<vmem>> -> memref<128xi32, #tpu.memory_space<vmem>>
        %dma_start3A_520 = arith.constant 0 : i32
        %dma_start3A_521 = arith.constant 0 : i32
        %dma_start3A_522 = tpu.memref_slice %arg9[%dma_start3A_520, %dma_start3A_521] : memref<10240x16xf32, #tpu.memory_space<vmem_shared>> -> memref<10240x16xf32, #tpu.memory_space<vmem_shared>>
        tpu.enqueue_indirect_dma source(%dma_start3A_516 : memref<128x16xf32, #tpu.memory_space<vmem>>) target(%dma_start3A_522 : memref<10240x16xf32, #tpu.memory_space<vmem_shared>>) offsets(%dma_start3A_519 : memref<128xi32, #tpu.memory_space<vmem>>) semaphore(%run_scoped3A_512 : memref<!tpu.dma_semaphore, #tpu.memory_space<semaphore_mem>>) {add = true}
        %dma_wait3A_523 = arith.constant 0 : i32
        %dma_wait3A_524 = arith.constant 0 : i32
        %dma_wait3A_525 = tpu.memref_slice %arg8[%run_scoped3A_376, %dma_wait3A_523, %dma_wait3A_524] : memref<8x128x16xf32, #tpu.memory_space<vmem>> -> memref<1x128x16xf32, #tpu.memory_space<vmem>>
        %dma_wait3A_526 = tpu.memref_squeeze %dma_wait3A_525 : memref<1x128x16xf32, #tpu.memory_space<vmem>> -> memref<128x16xf32, #tpu.memory_space<vmem>>
        %dma_wait3A_527 = arith.constant 0 : i32
        %dma_wait3A_528 = tpu.memref_slice %arg7[%add3A_375, %dma_wait3A_527] : memref<80x128xi32, #tpu.memory_space<vmem>> -> memref<1x128xi32, #tpu.memory_space<vmem>>
        %dma_wait3A_529 = tpu.memref_squeeze %dma_wait3A_528 : memref<1x128xi32, #tpu.memory_space<vmem>> -> memref<128xi32, #tpu.memory_space<vmem>>
        %dma_wait3A_530 = arith.constant 0 : i32
        %dma_wait3A_531 = arith.constant 0 : i32
        %dma_wait3A_532 = tpu.memref_slice %arg9[%dma_wait3A_530, %dma_wait3A_531] : memref<10240x16xf32, #tpu.memory_space<vmem_shared>> -> memref<10240x16xf32, #tpu.memory_space<vmem_shared>>
        tpu.wait_indirect_dma semaphore(%run_scoped3A_512 : memref<!tpu.dma_semaphore, #tpu.memory_space<semaphore_mem>>) src(%dma_wait3A_526 : memref<128x16xf32, #tpu.memory_space<vmem>>) dst(%dma_wait3A_532 : memref<10240x16xf32, #tpu.memory_space<vmem_shared>>)
        tpu.yield
      }) : () -> ()
      %add3A_377 = arith.constant 8 : i32
      %add3A_378 = arith.addi %mul3A_271, %add3A_377 : i32
      %add3A_379 = arith.constant 3 : i32
      %add3A_380 = arith.addi %add3A_378, %add3A_379 : i32
      %dma_start3A_381 = arith.constant 3 : i32
      %dma_start3A_382 = arith.constant 0 : i32
      %dma_start3A_383 = arith.constant 0 : i32
      %dma_start3A_384 = tpu.memref_slice %arg8[%dma_start3A_381, %dma_start3A_382, %dma_start3A_383] : memref<8x128x16xf32, #tpu.memory_space<vmem>> -> memref<1x128x16xf32, #tpu.memory_space<vmem>>
      %dma_start3A_385 = tpu.memref_squeeze %dma_start3A_384 : memref<1x128x16xf32, #tpu.memory_space<vmem>> -> memref<128x16xf32, #tpu.memory_space<vmem>>
      %dma_start3A_386 = arith.constant 0 : i32
      %dma_start3A_387 = tpu.memref_slice %arg6[%add3A_380, %dma_start3A_386] : memref<80x128xi32, #tpu.memory_space<vmem>> -> memref<1x128xi32, #tpu.memory_space<vmem>>
      %dma_start3A_388 = tpu.memref_squeeze %dma_start3A_387 : memref<1x128xi32, #tpu.memory_space<vmem>> -> memref<128xi32, #tpu.memory_space<vmem>>
      %dma_start3A_389 = arith.constant 0 : i32
      %dma_start3A_390 = arith.constant 0 : i32
      %dma_start3A_391 = tpu.memref_slice %arg2[%dma_start3A_389, %dma_start3A_390] : memref<10240x16xf32, #tpu.memory_space<hbm>> -> memref<10240x16xf32, #tpu.memory_space<hbm>>
      tpu.enqueue_indirect_dma source(%dma_start3A_391 : memref<10240x16xf32, #tpu.memory_space<hbm>>) target(%dma_start3A_385 : memref<128x16xf32, #tpu.memory_space<vmem>>) offsets(%dma_start3A_388 : memref<128xi32, #tpu.memory_space<vmem>>) semaphore(%arg13 : memref<!tpu.dma_semaphore, #tpu.memory_space<semaphore_mem>>)
      %dma_wait3A_392 = arith.constant 4 : i32
      %dma_wait3A_393 = arith.constant 4 : i32
      %dma_wait3A_394 = arith.constant 0 : i32
      %dma_wait3A_395 = arith.constant 0 : i32
      %dma_wait3A_396 = tpu.memref_slice %arg8[%dma_wait3A_393, %dma_wait3A_394, %dma_wait3A_395] : memref<8x128x16xf32, #tpu.memory_space<vmem>> -> memref<1x128x16xf32, #tpu.memory_space<vmem>>
      %dma_wait3A_397 = tpu.memref_squeeze %dma_wait3A_396 : memref<1x128x16xf32, #tpu.memory_space<vmem>> -> memref<128x16xf32, #tpu.memory_space<vmem>>
      %dma_wait3A_398 = arith.constant 0 : i32
      %dma_wait3A_399 = tpu.memref_slice %arg6[%dma_wait3A_392, %dma_wait3A_398] : memref<80x128xi32, #tpu.memory_space<vmem>> -> memref<1x128xi32, #tpu.memory_space<vmem>>
      %dma_wait3A_400 = tpu.memref_squeeze %dma_wait3A_399 : memref<1x128xi32, #tpu.memory_space<vmem>> -> memref<128xi32, #tpu.memory_space<vmem>>
      %dma_wait3A_401 = arith.constant 0 : i32
      %dma_wait3A_402 = arith.constant 0 : i32
      %dma_wait3A_403 = tpu.memref_slice %arg2[%dma_wait3A_401, %dma_wait3A_402] : memref<10240x16xf32, #tpu.memory_space<hbm>> -> memref<10240x16xf32, #tpu.memory_space<hbm>>
      tpu.wait_indirect_dma semaphore(%arg14 : memref<!tpu.dma_semaphore, #tpu.memory_space<semaphore_mem>>) src(%dma_wait3A_403 : memref<10240x16xf32, #tpu.memory_space<hbm>>) dst(%dma_wait3A_397 : memref<128x16xf32, #tpu.memory_space<vmem>>)
      %add3A_404 = arith.constant 4 : i32
      %add3A_405 = arith.addi %mul3A_271, %add3A_404 : i32
      %run_scoped3A_406 = arith.constant 4 : i32
      "tpu.region"() ({
        %run_scoped3A_512 = tpu.sem_alloc : memref<!tpu.dma_semaphore, #tpu.memory_space<semaphore_mem>>
        %dma_start3A_513 = arith.constant 0 : i32
        %dma_start3A_514 = arith.constant 0 : i32
        %dma_start3A_515 = tpu.memref_slice %arg8[%run_scoped3A_406, %dma_start3A_513, %dma_start3A_514] : memref<8x128x16xf32, #tpu.memory_space<vmem>> -> memref<1x128x16xf32, #tpu.memory_space<vmem>>
        %dma_start3A_516 = tpu.memref_squeeze %dma_start3A_515 : memref<1x128x16xf32, #tpu.memory_space<vmem>> -> memref<128x16xf32, #tpu.memory_space<vmem>>
        %dma_start3A_517 = arith.constant 0 : i32
        %dma_start3A_518 = tpu.memref_slice %arg7[%add3A_405, %dma_start3A_517] : memref<80x128xi32, #tpu.memory_space<vmem>> -> memref<1x128xi32, #tpu.memory_space<vmem>>
        %dma_start3A_519 = tpu.memref_squeeze %dma_start3A_518 : memref<1x128xi32, #tpu.memory_space<vmem>> -> memref<128xi32, #tpu.memory_space<vmem>>
        %dma_start3A_520 = arith.constant 0 : i32
        %dma_start3A_521 = arith.constant 0 : i32
        %dma_start3A_522 = tpu.memref_slice %arg9[%dma_start3A_520, %dma_start3A_521] : memref<10240x16xf32, #tpu.memory_space<vmem_shared>> -> memref<10240x16xf32, #tpu.memory_space<vmem_shared>>
        tpu.enqueue_indirect_dma source(%dma_start3A_516 : memref<128x16xf32, #tpu.memory_space<vmem>>) target(%dma_start3A_522 : memref<10240x16xf32, #tpu.memory_space<vmem_shared>>) offsets(%dma_start3A_519 : memref<128xi32, #tpu.memory_space<vmem>>) semaphore(%run_scoped3A_512 : memref<!tpu.dma_semaphore, #tpu.memory_space<semaphore_mem>>) {add = true}
        %dma_wait3A_523 = arith.constant 0 : i32
        %dma_wait3A_524 = arith.constant 0 : i32
        %dma_wait3A_525 = tpu.memref_slice %arg8[%run_scoped3A_406, %dma_wait3A_523, %dma_wait3A_524] : memref<8x128x16xf32, #tpu.memory_space<vmem>> -> memref<1x128x16xf32, #tpu.memory_space<vmem>>
        %dma_wait3A_526 = tpu.memref_squeeze %dma_wait3A_525 : memref<1x128x16xf32, #tpu.memory_space<vmem>> -> memref<128x16xf32, #tpu.memory_space<vmem>>
        %dma_wait3A_527 = arith.constant 0 : i32
        %dma_wait3A_528 = tpu.memref_slice %arg7[%add3A_405, %dma_wait3A_527] : memref<80x128xi32, #tpu.memory_space<vmem>> -> memref<1x128xi32, #tpu.memory_space<vmem>>
        %dma_wait3A_529 = tpu.memref_squeeze %dma_wait3A_528 : memref<1x128xi32, #tpu.memory_space<vmem>> -> memref<128xi32, #tpu.memory_space<vmem>>
        %dma_wait3A_530 = arith.constant 0 : i32
        %dma_wait3A_531 = arith.constant 0 : i32
        %dma_wait3A_532 = tpu.memref_slice %arg9[%dma_wait3A_530, %dma_wait3A_531] : memref<10240x16xf32, #tpu.memory_space<vmem_shared>> -> memref<10240x16xf32, #tpu.memory_space<vmem_shared>>
        tpu.wait_indirect_dma semaphore(%run_scoped3A_512 : memref<!tpu.dma_semaphore, #tpu.memory_space<semaphore_mem>>) src(%dma_wait3A_526 : memref<128x16xf32, #tpu.memory_space<vmem>>) dst(%dma_wait3A_532 : memref<10240x16xf32, #tpu.memory_space<vmem_shared>>)
        tpu.yield
      }) : () -> ()
      %add3A_407 = arith.constant 8 : i32
      %add3A_408 = arith.addi %mul3A_271, %add3A_407 : i32
      %add3A_409 = arith.constant 4 : i32
      %add3A_410 = arith.addi %add3A_408, %add3A_409 : i32
      %dma_start3A_411 = arith.constant 4 : i32
      %dma_start3A_412 = arith.constant 0 : i32
      %dma_start3A_413 = arith.constant 0 : i32
      %dma_start3A_414 = tpu.memref_slice %arg8[%dma_start3A_411, %dma_start3A_412, %dma_start3A_413] : memref<8x128x16xf32, #tpu.memory_space<vmem>> -> memref<1x128x16xf32, #tpu.memory_space<vmem>>
      %dma_start3A_415 = tpu.memref_squeeze %dma_start3A_414 : memref<1x128x16xf32, #tpu.memory_space<vmem>> -> memref<128x16xf32, #tpu.memory_space<vmem>>
      %dma_start3A_416 = arith.constant 0 : i32
      %dma_start3A_417 = tpu.memref_slice %arg6[%add3A_410, %dma_start3A_416] : memref<80x128xi32, #tpu.memory_space<vmem>> -> memref<1x128xi32, #tpu.memory_space<vmem>>
      %dma_start3A_418 = tpu.memref_squeeze %dma_start3A_417 : memref<1x128xi32, #tpu.memory_space<vmem>> -> memref<128xi32, #tpu.memory_space<vmem>>
      %dma_start3A_419 = arith.constant 0 : i32
      %dma_start3A_420 = arith.constant 0 : i32
      %dma_start3A_421 = tpu.memref_slice %arg2[%dma_start3A_419, %dma_start3A_420] : memref<10240x16xf32, #tpu.memory_space<hbm>> -> memref<10240x16xf32, #tpu.memory_space<hbm>>
      tpu.enqueue_indirect_dma source(%dma_start3A_421 : memref<10240x16xf32, #tpu.memory_space<hbm>>) target(%dma_start3A_415 : memref<128x16xf32, #tpu.memory_space<vmem>>) offsets(%dma_start3A_418 : memref<128xi32, #tpu.memory_space<vmem>>) semaphore(%arg14 : memref<!tpu.dma_semaphore, #tpu.memory_space<semaphore_mem>>)
      %dma_wait3A_422 = arith.constant 5 : i32
      %dma_wait3A_423 = arith.constant 5 : i32
      %dma_wait3A_424 = arith.constant 0 : i32
      %dma_wait3A_425 = arith.constant 0 : i32
      %dma_wait3A_426 = tpu.memref_slice %arg8[%dma_wait3A_423, %dma_wait3A_424, %dma_wait3A_425] : memref<8x128x16xf32, #tpu.memory_space<vmem>> -> memref<1x128x16xf32, #tpu.memory_space<vmem>>
      %dma_wait3A_427 = tpu.memref_squeeze %dma_wait3A_426 : memref<1x128x16xf32, #tpu.memory_space<vmem>> -> memref<128x16xf32, #tpu.memory_space<vmem>>
      %dma_wait3A_428 = arith.constant 0 : i32
      %dma_wait3A_429 = tpu.memref_slice %arg6[%dma_wait3A_422, %dma_wait3A_428] : memref<80x128xi32, #tpu.memory_space<vmem>> -> memref<1x128xi32, #tpu.memory_space<vmem>>
      %dma_wait3A_430 = tpu.memref_squeeze %dma_wait3A_429 : memref<1x128xi32, #tpu.memory_space<vmem>> -> memref<128xi32, #tpu.memory_space<vmem>>
      %dma_wait3A_431 = arith.constant 0 : i32
      %dma_wait3A_432 = arith.constant 0 : i32
      %dma_wait3A_433 = tpu.memref_slice %arg2[%dma_wait3A_431, %dma_wait3A_432] : memref<10240x16xf32, #tpu.memory_space<hbm>> -> memref<10240x16xf32, #tpu.memory_space<hbm>>
      tpu.wait_indirect_dma semaphore(%arg15 : memref<!tpu.dma_semaphore, #tpu.memory_space<semaphore_mem>>) src(%dma_wait3A_433 : memref<10240x16xf32, #tpu.memory_space<hbm>>) dst(%dma_wait3A_427 : memref<128x16xf32, #tpu.memory_space<vmem>>)
      %add3A_434 = arith.constant 5 : i32
      %add3A_435 = arith.addi %mul3A_271, %add3A_434 : i32
      %run_scoped3A_436 = arith.constant 5 : i32
      "tpu.region"() ({
        %run_scoped3A_512 = tpu.sem_alloc : memref<!tpu.dma_semaphore, #tpu.memory_space<semaphore_mem>>
        %dma_start3A_513 = arith.constant 0 : i32
        %dma_start3A_514 = arith.constant 0 : i32
        %dma_start3A_515 = tpu.memref_slice %arg8[%run_scoped3A_436, %dma_start3A_513, %dma_start3A_514] : memref<8x128x16xf32, #tpu.memory_space<vmem>> -> memref<1x128x16xf32, #tpu.memory_space<vmem>>
        %dma_start3A_516 = tpu.memref_squeeze %dma_start3A_515 : memref<1x128x16xf32, #tpu.memory_space<vmem>> -> memref<128x16xf32, #tpu.memory_space<vmem>>
        %dma_start3A_517 = arith.constant 0 : i32
        %dma_start3A_518 = tpu.memref_slice %arg7[%add3A_435, %dma_start3A_517] : memref<80x128xi32, #tpu.memory_space<vmem>> -> memref<1x128xi32, #tpu.memory_space<vmem>>
        %dma_start3A_519 = tpu.memref_squeeze %dma_start3A_518 : memref<1x128xi32, #tpu.memory_space<vmem>> -> memref<128xi32, #tpu.memory_space<vmem>>
        %dma_start3A_520 = arith.constant 0 : i32
        %dma_start3A_521 = arith.constant 0 : i32
        %dma_start3A_522 = tpu.memref_slice %arg9[%dma_start3A_520, %dma_start3A_521] : memref<10240x16xf32, #tpu.memory_space<vmem_shared>> -> memref<10240x16xf32, #tpu.memory_space<vmem_shared>>
        tpu.enqueue_indirect_dma source(%dma_start3A_516 : memref<128x16xf32, #tpu.memory_space<vmem>>) target(%dma_start3A_522 : memref<10240x16xf32, #tpu.memory_space<vmem_shared>>) offsets(%dma_start3A_519 : memref<128xi32, #tpu.memory_space<vmem>>) semaphore(%run_scoped3A_512 : memref<!tpu.dma_semaphore, #tpu.memory_space<semaphore_mem>>) {add = true}
        %dma_wait3A_523 = arith.constant 0 : i32
        %dma_wait3A_524 = arith.constant 0 : i32
        %dma_wait3A_525 = tpu.memref_slice %arg8[%run_scoped3A_436, %dma_wait3A_523, %dma_wait3A_524] : memref<8x128x16xf32, #tpu.memory_space<vmem>> -> memref<1x128x16xf32, #tpu.memory_space<vmem>>
        %dma_wait3A_526 = tpu.memref_squeeze %dma_wait3A_525 : memref<1x128x16xf32, #tpu.memory_space<vmem>> -> memref<128x16xf32, #tpu.memory_space<vmem>>
        %dma_wait3A_527 = arith.constant 0 : i32
        %dma_wait3A_528 = tpu.memref_slice %arg7[%add3A_435, %dma_wait3A_527] : memref<80x128xi32, #tpu.memory_space<vmem>> -> memref<1x128xi32, #tpu.memory_space<vmem>>
        %dma_wait3A_529 = tpu.memref_squeeze %dma_wait3A_528 : memref<1x128xi32, #tpu.memory_space<vmem>> -> memref<128xi32, #tpu.memory_space<vmem>>
        %dma_wait3A_530 = arith.constant 0 : i32
        %dma_wait3A_531 = arith.constant 0 : i32
        %dma_wait3A_532 = tpu.memref_slice %arg9[%dma_wait3A_530, %dma_wait3A_531] : memref<10240x16xf32, #tpu.memory_space<vmem_shared>> -> memref<10240x16xf32, #tpu.memory_space<vmem_shared>>
        tpu.wait_indirect_dma semaphore(%run_scoped3A_512 : memref<!tpu.dma_semaphore, #tpu.memory_space<semaphore_mem>>) src(%dma_wait3A_526 : memref<128x16xf32, #tpu.memory_space<vmem>>) dst(%dma_wait3A_532 : memref<10240x16xf32, #tpu.memory_space<vmem_shared>>)
        tpu.yield
      }) : () -> ()
      %add3A_437 = arith.constant 8 : i32
      %add3A_438 = arith.addi %mul3A_271, %add3A_437 : i32
      %add3A_439 = arith.constant 5 : i32
      %add3A_440 = arith.addi %add3A_438, %add3A_439 : i32
      %dma_start3A_441 = arith.constant 5 : i32
      %dma_start3A_442 = arith.constant 0 : i32
      %dma_start3A_443 = arith.constant 0 : i32
      %dma_start3A_444 = tpu.memref_slice %arg8[%dma_start3A_441, %dma_start3A_442, %dma_start3A_443] : memref<8x128x16xf32, #tpu.memory_space<vmem>> -> memref<1x128x16xf32, #tpu.memory_space<vmem>>
      %dma_start3A_445 = tpu.memref_squeeze %dma_start3A_444 : memref<1x128x16xf32, #tpu.memory_space<vmem>> -> memref<128x16xf32, #tpu.memory_space<vmem>>
      %dma_start3A_446 = arith.constant 0 : i32
      %dma_start3A_447 = tpu.memref_slice %arg6[%add3A_440, %dma_start3A_446] : memref<80x128xi32, #tpu.memory_space<vmem>> -> memref<1x128xi32, #tpu.memory_space<vmem>>
      %dma_start3A_448 = tpu.memref_squeeze %dma_start3A_447 : memref<1x128xi32, #tpu.memory_space<vmem>> -> memref<128xi32, #tpu.memory_space<vmem>>
      %dma_start3A_449 = arith.constant 0 : i32
      %dma_start3A_450 = arith.constant 0 : i32
      %dma_start3A_451 = tpu.memref_slice %arg2[%dma_start3A_449, %dma_start3A_450] : memref<10240x16xf32, #tpu.memory_space<hbm>> -> memref<10240x16xf32, #tpu.memory_space<hbm>>
      tpu.enqueue_indirect_dma source(%dma_start3A_451 : memref<10240x16xf32, #tpu.memory_space<hbm>>) target(%dma_start3A_445 : memref<128x16xf32, #tpu.memory_space<vmem>>) offsets(%dma_start3A_448 : memref<128xi32, #tpu.memory_space<vmem>>) semaphore(%arg15 : memref<!tpu.dma_semaphore, #tpu.memory_space<semaphore_mem>>)
      %dma_wait3A_452 = arith.constant 6 : i32
      %dma_wait3A_453 = arith.constant 6 : i32
      %dma_wait3A_454 = arith.constant 0 : i32
      %dma_wait3A_455 = arith.constant 0 : i32
      %dma_wait3A_456 = tpu.memref_slice %arg8[%dma_wait3A_453, %dma_wait3A_454, %dma_wait3A_455] : memref<8x128x16xf32, #tpu.memory_space<vmem>> -> memref<1x128x16xf32, #tpu.memory_space<vmem>>
      %dma_wait3A_457 = tpu.memref_squeeze %dma_wait3A_456 : memref<1x128x16xf32, #tpu.memory_space<vmem>> -> memref<128x16xf32, #tpu.memory_space<vmem>>
      %dma_wait3A_458 = arith.constant 0 : i32
      %dma_wait3A_459 = tpu.memref_slice %arg6[%dma_wait3A_452, %dma_wait3A_458] : memref<80x128xi32, #tpu.memory_space<vmem>> -> memref<1x128xi32, #tpu.memory_space<vmem>>
      %dma_wait3A_460 = tpu.memref_squeeze %dma_wait3A_459 : memref<1x128xi32, #tpu.memory_space<vmem>> -> memref<128xi32, #tpu.memory_space<vmem>>
      %dma_wait3A_461 = arith.constant 0 : i32
      %dma_wait3A_462 = arith.constant 0 : i32
      %dma_wait3A_463 = tpu.memref_slice %arg2[%dma_wait3A_461, %dma_wait3A_462] : memref<10240x16xf32, #tpu.memory_space<hbm>> -> memref<10240x16xf32, #tpu.memory_space<hbm>>
      tpu.wait_indirect_dma semaphore(%arg16 : memref<!tpu.dma_semaphore, #tpu.memory_space<semaphore_mem>>) src(%dma_wait3A_463 : memref<10240x16xf32, #tpu.memory_space<hbm>>) dst(%dma_wait3A_457 : memref<128x16xf32, #tpu.memory_space<vmem>>)
      %add3A_464 = arith.constant 6 : i32
      %add3A_465 = arith.addi %mul3A_271, %add3A_464 : i32
      %run_scoped3A_466 = arith.constant 6 : i32
      "tpu.region"() ({
        %run_scoped3A_512 = tpu.sem_alloc : memref<!tpu.dma_semaphore, #tpu.memory_space<semaphore_mem>>
        %dma_start3A_513 = arith.constant 0 : i32
        %dma_start3A_514 = arith.constant 0 : i32
        %dma_start3A_515 = tpu.memref_slice %arg8[%run_scoped3A_466, %dma_start3A_513, %dma_start3A_514] : memref<8x128x16xf32, #tpu.memory_space<vmem>> -> memref<1x128x16xf32, #tpu.memory_space<vmem>>
        %dma_start3A_516 = tpu.memref_squeeze %dma_start3A_515 : memref<1x128x16xf32, #tpu.memory_space<vmem>> -> memref<128x16xf32, #tpu.memory_space<vmem>>
        %dma_start3A_517 = arith.constant 0 : i32
        %dma_start3A_518 = tpu.memref_slice %arg7[%add3A_465, %dma_start3A_517] : memref<80x128xi32, #tpu.memory_space<vmem>> -> memref<1x128xi32, #tpu.memory_space<vmem>>
        %dma_start3A_519 = tpu.memref_squeeze %dma_start3A_518 : memref<1x128xi32, #tpu.memory_space<vmem>> -> memref<128xi32, #tpu.memory_space<vmem>>
        %dma_start3A_520 = arith.constant 0 : i32
        %dma_start3A_521 = arith.constant 0 : i32
        %dma_start3A_522 = tpu.memref_slice %arg9[%dma_start3A_520, %dma_start3A_521] : memref<10240x16xf32, #tpu.memory_space<vmem_shared>> -> memref<10240x16xf32, #tpu.memory_space<vmem_shared>>
        tpu.enqueue_indirect_dma source(%dma_start3A_516 : memref<128x16xf32, #tpu.memory_space<vmem>>) target(%dma_start3A_522 : memref<10240x16xf32, #tpu.memory_space<vmem_shared>>) offsets(%dma_start3A_519 : memref<128xi32, #tpu.memory_space<vmem>>) semaphore(%run_scoped3A_512 : memref<!tpu.dma_semaphore, #tpu.memory_space<semaphore_mem>>) {add = true}
        %dma_wait3A_523 = arith.constant 0 : i32
        %dma_wait3A_524 = arith.constant 0 : i32
        %dma_wait3A_525 = tpu.memref_slice %arg8[%run_scoped3A_466, %dma_wait3A_523, %dma_wait3A_524] : memref<8x128x16xf32, #tpu.memory_space<vmem>> -> memref<1x128x16xf32, #tpu.memory_space<vmem>>
        %dma_wait3A_526 = tpu.memref_squeeze %dma_wait3A_525 : memref<1x128x16xf32, #tpu.memory_space<vmem>> -> memref<128x16xf32, #tpu.memory_space<vmem>>
        %dma_wait3A_527 = arith.constant 0 : i32
        %dma_wait3A_528 = tpu.memref_slice %arg7[%add3A_465, %dma_wait3A_527] : memref<80x128xi32, #tpu.memory_space<vmem>> -> memref<1x128xi32, #tpu.memory_space<vmem>>
        %dma_wait3A_529 = tpu.memref_squeeze %dma_wait3A_528 : memref<1x128xi32, #tpu.memory_space<vmem>> -> memref<128xi32, #tpu.memory_space<vmem>>
        %dma_wait3A_530 = arith.constant 0 : i32
        %dma_wait3A_531 = arith.constant 0 : i32
        %dma_wait3A_532 = tpu.memref_slice %arg9[%dma_wait3A_530, %dma_wait3A_531] : memref<10240x16xf32, #tpu.memory_space<vmem_shared>> -> memref<10240x16xf32, #tpu.memory_space<vmem_shared>>
        tpu.wait_indirect_dma semaphore(%run_scoped3A_512 : memref<!tpu.dma_semaphore, #tpu.memory_space<semaphore_mem>>) src(%dma_wait3A_526 : memref<128x16xf32, #tpu.memory_space<vmem>>) dst(%dma_wait3A_532 : memref<10240x16xf32, #tpu.memory_space<vmem_shared>>)
        tpu.yield
      }) : () -> ()
      %add3A_467 = arith.constant 8 : i32
      %add3A_468 = arith.addi %mul3A_271, %add3A_467 : i32
      %add3A_469 = arith.constant 6 : i32
      %add3A_470 = arith.addi %add3A_468, %add3A_469 : i32
      %dma_start3A_471 = arith.constant 6 : i32
      %dma_start3A_472 = arith.constant 0 : i32
      %dma_start3A_473 = arith.constant 0 : i32
      %dma_start3A_474 = tpu.memref_slice %arg8[%dma_start3A_471, %dma_start3A_472, %dma_start3A_473] : memref<8x128x16xf32, #tpu.memory_space<vmem>> -> memref<1x128x16xf32, #tpu.memory_space<vmem>>
      %dma_start3A_475 = tpu.memref_squeeze %dma_start3A_474 : memref<1x128x16xf32, #tpu.memory_space<vmem>> -> memref<128x16xf32, #tpu.memory_space<vmem>>
      %dma_start3A_476 = arith.constant 0 : i32
      %dma_start3A_477 = tpu.memref_slice %arg6[%add3A_470, %dma_start3A_476] : memref<80x128xi32, #tpu.memory_space<vmem>> -> memref<1x128xi32, #tpu.memory_space<vmem>>
      %dma_start3A_478 = tpu.memref_squeeze %dma_start3A_477 : memref<1x128xi32, #tpu.memory_space<vmem>> -> memref<128xi32, #tpu.memory_space<vmem>>
      %dma_start3A_479 = arith.constant 0 : i32
      %dma_start3A_480 = arith.constant 0 : i32
      %dma_start3A_481 = tpu.memref_slice %arg2[%dma_start3A_479, %dma_start3A_480] : memref<10240x16xf32, #tpu.memory_space<hbm>> -> memref<10240x16xf32, #tpu.memory_space<hbm>>
      tpu.enqueue_indirect_dma source(%dma_start3A_481 : memref<10240x16xf32, #tpu.memory_space<hbm>>) target(%dma_start3A_475 : memref<128x16xf32, #tpu.memory_space<vmem>>) offsets(%dma_start3A_478 : memref<128xi32, #tpu.memory_space<vmem>>) semaphore(%arg16 : memref<!tpu.dma_semaphore, #tpu.memory_space<semaphore_mem>>)
      %dma_wait3A_482 = arith.constant 7 : i32
      %dma_wait3A_483 = arith.constant 7 : i32
      %dma_wait3A_484 = arith.constant 0 : i32
      %dma_wait3A_485 = arith.constant 0 : i32
      %dma_wait3A_486 = tpu.memref_slice %arg8[%dma_wait3A_483, %dma_wait3A_484, %dma_wait3A_485] : memref<8x128x16xf32, #tpu.memory_space<vmem>> -> memref<1x128x16xf32, #tpu.memory_space<vmem>>
      %dma_wait3A_487 = tpu.memref_squeeze %dma_wait3A_486 : memref<1x128x16xf32, #tpu.memory_space<vmem>> -> memref<128x16xf32, #tpu.memory_space<vmem>>
      %dma_wait3A_488 = arith.constant 0 : i32
      %dma_wait3A_489 = tpu.memref_slice %arg6[%dma_wait3A_482, %dma_wait3A_488] : memref<80x128xi32, #tpu.memory_space<vmem>> -> memref<1x128xi32, #tpu.memory_space<vmem>>
      %dma_wait3A_490 = tpu.memref_squeeze %dma_wait3A_489 : memref<1x128xi32, #tpu.memory_space<vmem>> -> memref<128xi32, #tpu.memory_space<vmem>>
      %dma_wait3A_491 = arith.constant 0 : i32
      %dma_wait3A_492 = arith.constant 0 : i32
      %dma_wait3A_493 = tpu.memref_slice %arg2[%dma_wait3A_491, %dma_wait3A_492] : memref<10240x16xf32, #tpu.memory_space<hbm>> -> memref<10240x16xf32, #tpu.memory_space<hbm>>
      tpu.wait_indirect_dma semaphore(%arg17 : memref<!tpu.dma_semaphore, #tpu.memory_space<semaphore_mem>>) src(%dma_wait3A_493 : memref<10240x16xf32, #tpu.memory_space<hbm>>) dst(%dma_wait3A_487 : memref<128x16xf32, #tpu.memory_space<vmem>>)
      %add3A_494 = arith.constant 7 : i32
      %add3A_495 = arith.addi %mul3A_271, %add3A_494 : i32
      %run_scoped3A_496 = arith.constant 7 : i32
      "tpu.region"() ({
        %run_scoped3A_512 = tpu.sem_alloc : memref<!tpu.dma_semaphore, #tpu.memory_space<semaphore_mem>>
        %dma_start3A_513 = arith.constant 0 : i32
        %dma_start3A_514 = arith.constant 0 : i32
        %dma_start3A_515 = tpu.memref_slice %arg8[%run_scoped3A_496, %dma_start3A_513, %dma_start3A_514] : memref<8x128x16xf32, #tpu.memory_space<vmem>> -> memref<1x128x16xf32, #tpu.memory_space<vmem>>
        %dma_start3A_516 = tpu.memref_squeeze %dma_start3A_515 : memref<1x128x16xf32, #tpu.memory_space<vmem>> -> memref<128x16xf32, #tpu.memory_space<vmem>>
        %dma_start3A_517 = arith.constant 0 : i32
        %dma_start3A_518 = tpu.memref_slice %arg7[%add3A_495, %dma_start3A_517] : memref<80x128xi32, #tpu.memory_space<vmem>> -> memref<1x128xi32, #tpu.memory_space<vmem>>
        %dma_start3A_519 = tpu.memref_squeeze %dma_start3A_518 : memref<1x128xi32, #tpu.memory_space<vmem>> -> memref<128xi32, #tpu.memory_space<vmem>>
        %dma_start3A_520 = arith.constant 0 : i32
        %dma_start3A_521 = arith.constant 0 : i32
        %dma_start3A_522 = tpu.memref_slice %arg9[%dma_start3A_520, %dma_start3A_521] : memref<10240x16xf32, #tpu.memory_space<vmem_shared>> -> memref<10240x16xf32, #tpu.memory_space<vmem_shared>>
        tpu.enqueue_indirect_dma source(%dma_start3A_516 : memref<128x16xf32, #tpu.memory_space<vmem>>) target(%dma_start3A_522 : memref<10240x16xf32, #tpu.memory_space<vmem_shared>>) offsets(%dma_start3A_519 : memref<128xi32, #tpu.memory_space<vmem>>) semaphore(%run_scoped3A_512 : memref<!tpu.dma_semaphore, #tpu.memory_space<semaphore_mem>>) {add = true}
        %dma_wait3A_523 = arith.constant 0 : i32
        %dma_wait3A_524 = arith.constant 0 : i32
        %dma_wait3A_525 = tpu.memref_slice %arg8[%run_scoped3A_496, %dma_wait3A_523, %dma_wait3A_524] : memref<8x128x16xf32, #tpu.memory_space<vmem>> -> memref<1x128x16xf32, #tpu.memory_space<vmem>>
        %dma_wait3A_526 = tpu.memref_squeeze %dma_wait3A_525 : memref<1x128x16xf32, #tpu.memory_space<vmem>> -> memref<128x16xf32, #tpu.memory_space<vmem>>
        %dma_wait3A_527 = arith.constant 0 : i32
        %dma_wait3A_528 = tpu.memref_slice %arg7[%add3A_495, %dma_wait3A_527] : memref<80x128xi32, #tpu.memory_space<vmem>> -> memref<1x128xi32, #tpu.memory_space<vmem>>
        %dma_wait3A_529 = tpu.memref_squeeze %dma_wait3A_528 : memref<1x128xi32, #tpu.memory_space<vmem>> -> memref<128xi32, #tpu.memory_space<vmem>>
        %dma_wait3A_530 = arith.constant 0 : i32
        %dma_wait3A_531 = arith.constant 0 : i32
        %dma_wait3A_532 = tpu.memref_slice %arg9[%dma_wait3A_530, %dma_wait3A_531] : memref<10240x16xf32, #tpu.memory_space<vmem_shared>> -> memref<10240x16xf32, #tpu.memory_space<vmem_shared>>
        tpu.wait_indirect_dma semaphore(%run_scoped3A_512 : memref<!tpu.dma_semaphore, #tpu.memory_space<semaphore_mem>>) src(%dma_wait3A_526 : memref<128x16xf32, #tpu.memory_space<vmem>>) dst(%dma_wait3A_532 : memref<10240x16xf32, #tpu.memory_space<vmem_shared>>)
        tpu.yield
      }) : () -> ()
      %add3A_497 = arith.constant 8 : i32
      %add3A_498 = arith.addi %mul3A_271, %add3A_497 : i32
      %add3A_499 = arith.constant 7 : i32
      %add3A_500 = arith.addi %add3A_498, %add3A_499 : i32
      %dma_start3A_501 = arith.constant 7 : i32
      %dma_start3A_502 = arith.constant 0 : i32
      %dma_start3A_503 = arith.constant 0 : i32
      %dma_start3A_504 = tpu.memref_slice %arg8[%dma_start3A_501, %dma_start3A_502, %dma_start3A_503] : memref<8x128x16xf32, #tpu.memory_space<vmem>> -> memref<1x128x16xf32, #tpu.memory_space<vmem>>
      %dma_start3A_505 = tpu.memref_squeeze %dma_start3A_504 : memref<1x128x16xf32, #tpu.memory_space<vmem>> -> memref<128x16xf32, #tpu.memory_space<vmem>>
      %dma_start3A_506 = arith.constant 0 : i32
      %dma_start3A_507 = tpu.memref_slice %arg6[%add3A_500, %dma_start3A_506] : memref<80x128xi32, #tpu.memory_space<vmem>> -> memref<1x128xi32, #tpu.memory_space<vmem>>
      %dma_start3A_508 = tpu.memref_squeeze %dma_start3A_507 : memref<1x128xi32, #tpu.memory_space<vmem>> -> memref<128xi32, #tpu.memory_space<vmem>>
      %dma_start3A_509 = arith.constant 0 : i32
      %dma_start3A_510 = arith.constant 0 : i32
      %dma_start3A_511 = tpu.memref_slice %arg2[%dma_start3A_509, %dma_start3A_510] : memref<10240x16xf32, #tpu.memory_space<hbm>> -> memref<10240x16xf32, #tpu.memory_space<hbm>>
      tpu.enqueue_indirect_dma source(%dma_start3A_511 : memref<10240x16xf32, #tpu.memory_space<hbm>>) target(%dma_start3A_505 : memref<128x16xf32, #tpu.memory_space<vmem>>) offsets(%dma_start3A_508 : memref<128xi32, #tpu.memory_space<vmem>>) semaphore(%arg17 : memref<!tpu.dma_semaphore, #tpu.memory_space<semaphore_mem>>)
    }
    %scan3A_151 = arith.constant 9 : i32
    %dma_wait3A_152 = arith.constant 0 : i32
    %dma_wait3A_153 = arith.constant 0 : i32
    %dma_wait3A_154 = arith.constant 0 : i32
    %dma_wait3A_155 = arith.constant 0 : i32
    %dma_wait3A_156 = tpu.memref_slice %arg8[%dma_wait3A_153, %dma_wait3A_154, %dma_wait3A_155] : memref<8x128x16xf32, #tpu.memory_space<vmem>> -> memref<1x128x16xf32, #tpu.memory_space<vmem>>
    %dma_wait3A_157 = tpu.memref_squeeze %dma_wait3A_156 : memref<1x128x16xf32, #tpu.memory_space<vmem>> -> memref<128x16xf32, #tpu.memory_space<vmem>>
    %dma_wait3A_158 = arith.constant 0 : i32
    %dma_wait3A_159 = tpu.memref_slice %arg6[%dma_wait3A_152, %dma_wait3A_158] : memref<80x128xi32, #tpu.memory_space<vmem>> -> memref<1x128xi32, #tpu.memory_space<vmem>>
    %dma_wait3A_160 = tpu.memref_squeeze %dma_wait3A_159 : memref<1x128xi32, #tpu.memory_space<vmem>> -> memref<128xi32, #tpu.memory_space<vmem>>
    %dma_wait3A_161 = arith.constant 0 : i32
    %dma_wait3A_162 = arith.constant 0 : i32
    %dma_wait3A_163 = tpu.memref_slice %arg2[%dma_wait3A_161, %dma_wait3A_162] : memref<10240x16xf32, #tpu.memory_space<hbm>> -> memref<10240x16xf32, #tpu.memory_space<hbm>>
    tpu.wait_indirect_dma semaphore(%arg10 : memref<!tpu.dma_semaphore, #tpu.memory_space<semaphore_mem>>) src(%dma_wait3A_163 : memref<10240x16xf32, #tpu.memory_space<hbm>>) dst(%dma_wait3A_157 : memref<128x16xf32, #tpu.memory_space<vmem>>)
    %run_scoped3A_164 = arith.constant 0 : i32
    %run_scoped3A_165 = arith.constant 72 : i32
    "tpu.region"() ({
      %run_scoped3A_265 = tpu.sem_alloc : memref<!tpu.dma_semaphore, #tpu.memory_space<semaphore_mem>>
      %dma_start3A_266 = arith.constant 0 : i32
      %dma_start3A_267 = arith.constant 0 : i32
      %dma_start3A_268 = tpu.memref_slice %arg8[%run_scoped3A_164, %dma_start3A_266, %dma_start3A_267] : memref<8x128x16xf32, #tpu.memory_space<vmem>> -> memref<1x128x16xf32, #tpu.memory_space<vmem>>
      %dma_start3A_269 = tpu.memref_squeeze %dma_start3A_268 : memref<1x128x16xf32, #tpu.memory_space<vmem>> -> memref<128x16xf32, #tpu.memory_space<vmem>>
      %dma_start3A_270 = arith.constant 0 : i32
      %dma_start3A_271 = tpu.memref_slice %arg7[%run_scoped3A_165, %dma_start3A_270] : memref<80x128xi32, #tpu.memory_space<vmem>> -> memref<1x128xi32, #tpu.memory_space<vmem>>
      %dma_start3A_272 = tpu.memref_squeeze %dma_start3A_271 : memref<1x128xi32, #tpu.memory_space<vmem>> -> memref<128xi32, #tpu.memory_space<vmem>>
      %dma_start3A_273 = arith.constant 0 : i32
      %dma_start3A_274 = arith.constant 0 : i32
      %dma_start3A_275 = tpu.memref_slice %arg9[%dma_start3A_273, %dma_start3A_274] : memref<10240x16xf32, #tpu.memory_space<vmem_shared>> -> memref<10240x16xf32, #tpu.memory_space<vmem_shared>>
      tpu.enqueue_indirect_dma source(%dma_start3A_269 : memref<128x16xf32, #tpu.memory_space<vmem>>) target(%dma_start3A_275 : memref<10240x16xf32, #tpu.memory_space<vmem_shared>>) offsets(%dma_start3A_272 : memref<128xi32, #tpu.memory_space<vmem>>) semaphore(%run_scoped3A_265 : memref<!tpu.dma_semaphore, #tpu.memory_space<semaphore_mem>>) {add = true}
      %dma_wait3A_276 = arith.constant 0 : i32
      %dma_wait3A_277 = arith.constant 0 : i32
      %dma_wait3A_278 = tpu.memref_slice %arg8[%run_scoped3A_164, %dma_wait3A_276, %dma_wait3A_277] : memref<8x128x16xf32, #tpu.memory_space<vmem>> -> memref<1x128x16xf32, #tpu.memory_space<vmem>>
      %dma_wait3A_279 = tpu.memref_squeeze %dma_wait3A_278 : memref<1x128x16xf32, #tpu.memory_space<vmem>> -> memref<128x16xf32, #tpu.memory_space<vmem>>
      %dma_wait3A_280 = arith.constant 0 : i32
      %dma_wait3A_281 = tpu.memref_slice %arg7[%run_scoped3A_165, %dma_wait3A_280] : memref<80x128xi32, #tpu.memory_space<vmem>> -> memref<1x128xi32, #tpu.memory_space<vmem>>
      %dma_wait3A_282 = tpu.memref_squeeze %dma_wait3A_281 : memref<1x128xi32, #tpu.memory_space<vmem>> -> memref<128xi32, #tpu.memory_space<vmem>>
      %dma_wait3A_283 = arith.constant 0 : i32
      %dma_wait3A_284 = arith.constant 0 : i32
      %dma_wait3A_285 = tpu.memref_slice %arg9[%dma_wait3A_283, %dma_wait3A_284] : memref<10240x16xf32, #tpu.memory_space<vmem_shared>> -> memref<10240x16xf32, #tpu.memory_space<vmem_shared>>
      tpu.wait_indirect_dma semaphore(%run_scoped3A_265 : memref<!tpu.dma_semaphore, #tpu.memory_space<semaphore_mem>>) src(%dma_wait3A_279 : memref<128x16xf32, #tpu.memory_space<vmem>>) dst(%dma_wait3A_285 : memref<10240x16xf32, #tpu.memory_space<vmem_shared>>)
      tpu.yield
    }) : () -> ()
    %dma_wait3A_166 = arith.constant 1 : i32
    %dma_wait3A_167 = arith.constant 1 : i32
    %dma_wait3A_168 = arith.constant 0 : i32
    %dma_wait3A_169 = arith.constant 0 : i32
    %dma_wait3A_170 = tpu.memref_slice %arg8[%dma_wait3A_167, %dma_wait3A_168, %dma_wait3A_169] : memref<8x128x16xf32, #tpu.memory_space<vmem>> -> memref<1x128x16xf32, #tpu.memory_space<vmem>>
    %dma_wait3A_171 = tpu.memref_squeeze %dma_wait3A_170 : memref<1x128x16xf32, #tpu.memory_space<vmem>> -> memref<128x16xf32, #tpu.memory_space<vmem>>
    %dma_wait3A_172 = arith.constant 0 : i32
    %dma_wait3A_173 = tpu.memref_slice %arg6[%dma_wait3A_166, %dma_wait3A_172] : memref<80x128xi32, #tpu.memory_space<vmem>> -> memref<1x128xi32, #tpu.memory_space<vmem>>
    %dma_wait3A_174 = tpu.memref_squeeze %dma_wait3A_173 : memref<1x128xi32, #tpu.memory_space<vmem>> -> memref<128xi32, #tpu.memory_space<vmem>>
    %dma_wait3A_175 = arith.constant 0 : i32
    %dma_wait3A_176 = arith.constant 0 : i32
    %dma_wait3A_177 = tpu.memref_slice %arg2[%dma_wait3A_175, %dma_wait3A_176] : memref<10240x16xf32, #tpu.memory_space<hbm>> -> memref<10240x16xf32, #tpu.memory_space<hbm>>
    tpu.wait_indirect_dma semaphore(%arg11 : memref<!tpu.dma_semaphore, #tpu.memory_space<semaphore_mem>>) src(%dma_wait3A_177 : memref<10240x16xf32, #tpu.memory_space<hbm>>) dst(%dma_wait3A_171 : memref<128x16xf32, #tpu.memory_space<vmem>>)
    %run_scoped3A_178 = arith.constant 1 : i32
    %run_scoped3A_179 = arith.constant 73 : i32
    "tpu.region"() ({
      %run_scoped3A_265 = tpu.sem_alloc : memref<!tpu.dma_semaphore, #tpu.memory_space<semaphore_mem>>
      %dma_start3A_266 = arith.constant 0 : i32
      %dma_start3A_267 = arith.constant 0 : i32
      %dma_start3A_268 = tpu.memref_slice %arg8[%run_scoped3A_178, %dma_start3A_266, %dma_start3A_267] : memref<8x128x16xf32, #tpu.memory_space<vmem>> -> memref<1x128x16xf32, #tpu.memory_space<vmem>>
      %dma_start3A_269 = tpu.memref_squeeze %dma_start3A_268 : memref<1x128x16xf32, #tpu.memory_space<vmem>> -> memref<128x16xf32, #tpu.memory_space<vmem>>
      %dma_start3A_270 = arith.constant 0 : i32
      %dma_start3A_271 = tpu.memref_slice %arg7[%run_scoped3A_179, %dma_start3A_270] : memref<80x128xi32, #tpu.memory_space<vmem>> -> memref<1x128xi32, #tpu.memory_space<vmem>>
      %dma_start3A_272 = tpu.memref_squeeze %dma_start3A_271 : memref<1x128xi32, #tpu.memory_space<vmem>> -> memref<128xi32, #tpu.memory_space<vmem>>
      %dma_start3A_273 = arith.constant 0 : i32
      %dma_start3A_274 = arith.constant 0 : i32
      %dma_start3A_275 = tpu.memref_slice %arg9[%dma_start3A_273, %dma_start3A_274] : memref<10240x16xf32, #tpu.memory_space<vmem_shared>> -> memref<10240x16xf32, #tpu.memory_space<vmem_shared>>
      tpu.enqueue_indirect_dma source(%dma_start3A_269 : memref<128x16xf32, #tpu.memory_space<vmem>>) target(%dma_start3A_275 : memref<10240x16xf32, #tpu.memory_space<vmem_shared>>) offsets(%dma_start3A_272 : memref<128xi32, #tpu.memory_space<vmem>>) semaphore(%run_scoped3A_265 : memref<!tpu.dma_semaphore, #tpu.memory_space<semaphore_mem>>) {add = true}
      %dma_wait3A_276 = arith.constant 0 : i32
      %dma_wait3A_277 = arith.constant 0 : i32
      %dma_wait3A_278 = tpu.memref_slice %arg8[%run_scoped3A_178, %dma_wait3A_276, %dma_wait3A_277] : memref<8x128x16xf32, #tpu.memory_space<vmem>> -> memref<1x128x16xf32, #tpu.memory_space<vmem>>
      %dma_wait3A_279 = tpu.memref_squeeze %dma_wait3A_278 : memref<1x128x16xf32, #tpu.memory_space<vmem>> -> memref<128x16xf32, #tpu.memory_space<vmem>>
      %dma_wait3A_280 = arith.constant 0 : i32
      %dma_wait3A_281 = tpu.memref_slice %arg7[%run_scoped3A_179, %dma_wait3A_280] : memref<80x128xi32, #tpu.memory_space<vmem>> -> memref<1x128xi32, #tpu.memory_space<vmem>>
      %dma_wait3A_282 = tpu.memref_squeeze %dma_wait3A_281 : memref<1x128xi32, #tpu.memory_space<vmem>> -> memref<128xi32, #tpu.memory_space<vmem>>
      %dma_wait3A_283 = arith.constant 0 : i32
      %dma_wait3A_284 = arith.constant 0 : i32
      %dma_wait3A_285 = tpu.memref_slice %arg9[%dma_wait3A_283, %dma_wait3A_284] : memref<10240x16xf32, #tpu.memory_space<vmem_shared>> -> memref<10240x16xf32, #tpu.memory_space<vmem_shared>>
      tpu.wait_indirect_dma semaphore(%run_scoped3A_265 : memref<!tpu.dma_semaphore, #tpu.memory_space<semaphore_mem>>) src(%dma_wait3A_279 : memref<128x16xf32, #tpu.memory_space<vmem>>) dst(%dma_wait3A_285 : memref<10240x16xf32, #tpu.memory_space<vmem_shared>>)
      tpu.yield
    }) : () -> ()
    %dma_wait3A_180 = arith.constant 2 : i32
    %dma_wait3A_181 = arith.constant 2 : i32
    %dma_wait3A_182 = arith.constant 0 : i32
    %dma_wait3A_183 = arith.constant 0 : i32
    %dma_wait3A_184 = tpu.memref_slice %arg8[%dma_wait3A_181, %dma_wait3A_182, %dma_wait3A_183] : memref<8x128x16xf32, #tpu.memory_space<vmem>> -> memref<1x128x16xf32, #tpu.memory_space<vmem>>
    %dma_wait3A_185 = tpu.memref_squeeze %dma_wait3A_184 : memref<1x128x16xf32, #tpu.memory_space<vmem>> -> memref<128x16xf32, #tpu.memory_space<vmem>>
    %dma_wait3A_186 = arith.constant 0 : i32
    %dma_wait3A_187 = tpu.memref_slice %arg6[%dma_wait3A_180, %dma_wait3A_186] : memref<80x128xi32, #tpu.memory_space<vmem>> -> memref<1x128xi32, #tpu.memory_space<vmem>>
    %dma_wait3A_188 = tpu.memref_squeeze %dma_wait3A_187 : memref<1x128xi32, #tpu.memory_space<vmem>> -> memref<128xi32, #tpu.memory_space<vmem>>
    %dma_wait3A_189 = arith.constant 0 : i32
    %dma_wait3A_190 = arith.constant 0 : i32
    %dma_wait3A_191 = tpu.memref_slice %arg2[%dma_wait3A_189, %dma_wait3A_190] : memref<10240x16xf32, #tpu.memory_space<hbm>> -> memref<10240x16xf32, #tpu.memory_space<hbm>>
    tpu.wait_indirect_dma semaphore(%arg12 : memref<!tpu.dma_semaphore, #tpu.memory_space<semaphore_mem>>) src(%dma_wait3A_191 : memref<10240x16xf32, #tpu.memory_space<hbm>>) dst(%dma_wait3A_185 : memref<128x16xf32, #tpu.memory_space<vmem>>)
    %run_scoped3A_192 = arith.constant 2 : i32
    %run_scoped3A_193 = arith.constant 74 : i32
    "tpu.region"() ({
      %run_scoped3A_265 = tpu.sem_alloc : memref<!tpu.dma_semaphore, #tpu.memory_space<semaphore_mem>>
      %dma_start3A_266 = arith.constant 0 : i32
      %dma_start3A_267 = arith.constant 0 : i32
      %dma_start3A_268 = tpu.memref_slice %arg8[%run_scoped3A_192, %dma_start3A_266, %dma_start3A_267] : memref<8x128x16xf32, #tpu.memory_space<vmem>> -> memref<1x128x16xf32, #tpu.memory_space<vmem>>
      %dma_start3A_269 = tpu.memref_squeeze %dma_start3A_268 : memref<1x128x16xf32, #tpu.memory_space<vmem>> -> memref<128x16xf32, #tpu.memory_space<vmem>>
      %dma_start3A_270 = arith.constant 0 : i32
      %dma_start3A_271 = tpu.memref_slice %arg7[%run_scoped3A_193, %dma_start3A_270] : memref<80x128xi32, #tpu.memory_space<vmem>> -> memref<1x128xi32, #tpu.memory_space<vmem>>
      %dma_start3A_272 = tpu.memref_squeeze %dma_start3A_271 : memref<1x128xi32, #tpu.memory_space<vmem>> -> memref<128xi32, #tpu.memory_space<vmem>>
      %dma_start3A_273 = arith.constant 0 : i32
      %dma_start3A_274 = arith.constant 0 : i32
      %dma_start3A_275 = tpu.memref_slice %arg9[%dma_start3A_273, %dma_start3A_274] : memref<10240x16xf32, #tpu.memory_space<vmem_shared>> -> memref<10240x16xf32, #tpu.memory_space<vmem_shared>>
      tpu.enqueue_indirect_dma source(%dma_start3A_269 : memref<128x16xf32, #tpu.memory_space<vmem>>) target(%dma_start3A_275 : memref<10240x16xf32, #tpu.memory_space<vmem_shared>>) offsets(%dma_start3A_272 : memref<128xi32, #tpu.memory_space<vmem>>) semaphore(%run_scoped3A_265 : memref<!tpu.dma_semaphore, #tpu.memory_space<semaphore_mem>>) {add = true}
      %dma_wait3A_276 = arith.constant 0 : i32
      %dma_wait3A_277 = arith.constant 0 : i32
      %dma_wait3A_278 = tpu.memref_slice %arg8[%run_scoped3A_192, %dma_wait3A_276, %dma_wait3A_277] : memref<8x128x16xf32, #tpu.memory_space<vmem>> -> memref<1x128x16xf32, #tpu.memory_space<vmem>>
      %dma_wait3A_279 = tpu.memref_squeeze %dma_wait3A_278 : memref<1x128x16xf32, #tpu.memory_space<vmem>> -> memref<128x16xf32, #tpu.memory_space<vmem>>
      %dma_wait3A_280 = arith.constant 0 : i32
      %dma_wait3A_281 = tpu.memref_slice %arg7[%run_scoped3A_193, %dma_wait3A_280] : memref<80x128xi32, #tpu.memory_space<vmem>> -> memref<1x128xi32, #tpu.memory_space<vmem>>
      %dma_wait3A_282 = tpu.memref_squeeze %dma_wait3A_281 : memref<1x128xi32, #tpu.memory_space<vmem>> -> memref<128xi32, #tpu.memory_space<vmem>>
      %dma_wait3A_283 = arith.constant 0 : i32
      %dma_wait3A_284 = arith.constant 0 : i32
      %dma_wait3A_285 = tpu.memref_slice %arg9[%dma_wait3A_283, %dma_wait3A_284] : memref<10240x16xf32, #tpu.memory_space<vmem_shared>> -> memref<10240x16xf32, #tpu.memory_space<vmem_shared>>
      tpu.wait_indirect_dma semaphore(%run_scoped3A_265 : memref<!tpu.dma_semaphore, #tpu.memory_space<semaphore_mem>>) src(%dma_wait3A_279 : memref<128x16xf32, #tpu.memory_space<vmem>>) dst(%dma_wait3A_285 : memref<10240x16xf32, #tpu.memory_space<vmem_shared>>)
      tpu.yield
    }) : () -> ()
    %dma_wait3A_194 = arith.constant 3 : i32
    %dma_wait3A_195 = arith.constant 3 : i32
    %dma_wait3A_196 = arith.constant 0 : i32
    %dma_wait3A_197 = arith.constant 0 : i32
    %dma_wait3A_198 = tpu.memref_slice %arg8[%dma_wait3A_195, %dma_wait3A_196, %dma_wait3A_197] : memref<8x128x16xf32, #tpu.memory_space<vmem>> -> memref<1x128x16xf32, #tpu.memory_space<vmem>>
    %dma_wait3A_199 = tpu.memref_squeeze %dma_wait3A_198 : memref<1x128x16xf32, #tpu.memory_space<vmem>> -> memref<128x16xf32, #tpu.memory_space<vmem>>
    %dma_wait3A_200 = arith.constant 0 : i32
    %dma_wait3A_201 = tpu.memref_slice %arg6[%dma_wait3A_194, %dma_wait3A_200] : memref<80x128xi32, #tpu.memory_space<vmem>> -> memref<1x128xi32, #tpu.memory_space<vmem>>
    %dma_wait3A_202 = tpu.memref_squeeze %dma_wait3A_201 : memref<1x128xi32, #tpu.memory_space<vmem>> -> memref<128xi32, #tpu.memory_space<vmem>>
    %dma_wait3A_203 = arith.constant 0 : i32
    %dma_wait3A_204 = arith.constant 0 : i32
    %dma_wait3A_205 = tpu.memref_slice %arg2[%dma_wait3A_203, %dma_wait3A_204] : memref<10240x16xf32, #tpu.memory_space<hbm>> -> memref<10240x16xf32, #tpu.memory_space<hbm>>
    tpu.wait_indirect_dma semaphore(%arg13 : memref<!tpu.dma_semaphore, #tpu.memory_space<semaphore_mem>>) src(%dma_wait3A_205 : memref<10240x16xf32, #tpu.memory_space<hbm>>) dst(%dma_wait3A_199 : memref<128x16xf32, #tpu.memory_space<vmem>>)
    %run_scoped3A_206 = arith.constant 3 : i32
    %run_scoped3A_207 = arith.constant 75 : i32
    "tpu.region"() ({
      %run_scoped3A_265 = tpu.sem_alloc : memref<!tpu.dma_semaphore, #tpu.memory_space<semaphore_mem>>
      %dma_start3A_266 = arith.constant 0 : i32
      %dma_start3A_267 = arith.constant 0 : i32
      %dma_start3A_268 = tpu.memref_slice %arg8[%run_scoped3A_206, %dma_start3A_266, %dma_start3A_267] : memref<8x128x16xf32, #tpu.memory_space<vmem>> -> memref<1x128x16xf32, #tpu.memory_space<vmem>>
      %dma_start3A_269 = tpu.memref_squeeze %dma_start3A_268 : memref<1x128x16xf32, #tpu.memory_space<vmem>> -> memref<128x16xf32, #tpu.memory_space<vmem>>
      %dma_start3A_270 = arith.constant 0 : i32
      %dma_start3A_271 = tpu.memref_slice %arg7[%run_scoped3A_207, %dma_start3A_270] : memref<80x128xi32, #tpu.memory_space<vmem>> -> memref<1x128xi32, #tpu.memory_space<vmem>>
      %dma_start3A_272 = tpu.memref_squeeze %dma_start3A_271 : memref<1x128xi32, #tpu.memory_space<vmem>> -> memref<128xi32, #tpu.memory_space<vmem>>
      %dma_start3A_273 = arith.constant 0 : i32
      %dma_start3A_274 = arith.constant 0 : i32
      %dma_start3A_275 = tpu.memref_slice %arg9[%dma_start3A_273, %dma_start3A_274] : memref<10240x16xf32, #tpu.memory_space<vmem_shared>> -> memref<10240x16xf32, #tpu.memory_space<vmem_shared>>
      tpu.enqueue_indirect_dma source(%dma_start3A_269 : memref<128x16xf32, #tpu.memory_space<vmem>>) target(%dma_start3A_275 : memref<10240x16xf32, #tpu.memory_space<vmem_shared>>) offsets(%dma_start3A_272 : memref<128xi32, #tpu.memory_space<vmem>>) semaphore(%run_scoped3A_265 : memref<!tpu.dma_semaphore, #tpu.memory_space<semaphore_mem>>) {add = true}
      %dma_wait3A_276 = arith.constant 0 : i32
      %dma_wait3A_277 = arith.constant 0 : i32
      %dma_wait3A_278 = tpu.memref_slice %arg8[%run_scoped3A_206, %dma_wait3A_276, %dma_wait3A_277] : memref<8x128x16xf32, #tpu.memory_space<vmem>> -> memref<1x128x16xf32, #tpu.memory_space<vmem>>
      %dma_wait3A_279 = tpu.memref_squeeze %dma_wait3A_278 : memref<1x128x16xf32, #tpu.memory_space<vmem>> -> memref<128x16xf32, #tpu.memory_space<vmem>>
      %dma_wait3A_280 = arith.constant 0 : i32
      %dma_wait3A_281 = tpu.memref_slice %arg7[%run_scoped3A_207, %dma_wait3A_280] : memref<80x128xi32, #tpu.memory_space<vmem>> -> memref<1x128xi32, #tpu.memory_space<vmem>>
      %dma_wait3A_282 = tpu.memref_squeeze %dma_wait3A_281 : memref<1x128xi32, #tpu.memory_space<vmem>> -> memref<128xi32, #tpu.memory_space<vmem>>
      %dma_wait3A_283 = arith.constant 0 : i32
      %dma_wait3A_284 = arith.constant 0 : i32
      %dma_wait3A_285 = tpu.memref_slice %arg9[%dma_wait3A_283, %dma_wait3A_284] : memref<10240x16xf32, #tpu.memory_space<vmem_shared>> -> memref<10240x16xf32, #tpu.memory_space<vmem_shared>>
      tpu.wait_indirect_dma semaphore(%run_scoped3A_265 : memref<!tpu.dma_semaphore, #tpu.memory_space<semaphore_mem>>) src(%dma_wait3A_279 : memref<128x16xf32, #tpu.memory_space<vmem>>) dst(%dma_wait3A_285 : memref<10240x16xf32, #tpu.memory_space<vmem_shared>>)
      tpu.yield
    }) : () -> ()
    %dma_wait3A_208 = arith.constant 4 : i32
    %dma_wait3A_209 = arith.constant 4 : i32
    %dma_wait3A_210 = arith.constant 0 : i32
    %dma_wait3A_211 = arith.constant 0 : i32
    %dma_wait3A_212 = tpu.memref_slice %arg8[%dma_wait3A_209, %dma_wait3A_210, %dma_wait3A_211] : memref<8x128x16xf32, #tpu.memory_space<vmem>> -> memref<1x128x16xf32, #tpu.memory_space<vmem>>
    %dma_wait3A_213 = tpu.memref_squeeze %dma_wait3A_212 : memref<1x128x16xf32, #tpu.memory_space<vmem>> -> memref<128x16xf32, #tpu.memory_space<vmem>>
    %dma_wait3A_214 = arith.constant 0 : i32
    %dma_wait3A_215 = tpu.memref_slice %arg6[%dma_wait3A_208, %dma_wait3A_214] : memref<80x128xi32, #tpu.memory_space<vmem>> -> memref<1x128xi32, #tpu.memory_space<vmem>>
    %dma_wait3A_216 = tpu.memref_squeeze %dma_wait3A_215 : memref<1x128xi32, #tpu.memory_space<vmem>> -> memref<128xi32, #tpu.memory_space<vmem>>
    %dma_wait3A_217 = arith.constant 0 : i32
    %dma_wait3A_218 = arith.constant 0 : i32
    %dma_wait3A_219 = tpu.memref_slice %arg2[%dma_wait3A_217, %dma_wait3A_218] : memref<10240x16xf32, #tpu.memory_space<hbm>> -> memref<10240x16xf32, #tpu.memory_space<hbm>>
    tpu.wait_indirect_dma semaphore(%arg14 : memref<!tpu.dma_semaphore, #tpu.memory_space<semaphore_mem>>) src(%dma_wait3A_219 : memref<10240x16xf32, #tpu.memory_space<hbm>>) dst(%dma_wait3A_213 : memref<128x16xf32, #tpu.memory_space<vmem>>)
    %run_scoped3A_220 = arith.constant 4 : i32
    %run_scoped3A_221 = arith.constant 76 : i32
    "tpu.region"() ({
      %run_scoped3A_265 = tpu.sem_alloc : memref<!tpu.dma_semaphore, #tpu.memory_space<semaphore_mem>>
      %dma_start3A_266 = arith.constant 0 : i32
      %dma_start3A_267 = arith.constant 0 : i32
      %dma_start3A_268 = tpu.memref_slice %arg8[%run_scoped3A_220, %dma_start3A_266, %dma_start3A_267] : memref<8x128x16xf32, #tpu.memory_space<vmem>> -> memref<1x128x16xf32, #tpu.memory_space<vmem>>
      %dma_start3A_269 = tpu.memref_squeeze %dma_start3A_268 : memref<1x128x16xf32, #tpu.memory_space<vmem>> -> memref<128x16xf32, #tpu.memory_space<vmem>>
      %dma_start3A_270 = arith.constant 0 : i32
      %dma_start3A_271 = tpu.memref_slice %arg7[%run_scoped3A_221, %dma_start3A_270] : memref<80x128xi32, #tpu.memory_space<vmem>> -> memref<1x128xi32, #tpu.memory_space<vmem>>
      %dma_start3A_272 = tpu.memref_squeeze %dma_start3A_271 : memref<1x128xi32, #tpu.memory_space<vmem>> -> memref<128xi32, #tpu.memory_space<vmem>>
      %dma_start3A_273 = arith.constant 0 : i32
      %dma_start3A_274 = arith.constant 0 : i32
      %dma_start3A_275 = tpu.memref_slice %arg9[%dma_start3A_273, %dma_start3A_274] : memref<10240x16xf32, #tpu.memory_space<vmem_shared>> -> memref<10240x16xf32, #tpu.memory_space<vmem_shared>>
      tpu.enqueue_indirect_dma source(%dma_start3A_269 : memref<128x16xf32, #tpu.memory_space<vmem>>) target(%dma_start3A_275 : memref<10240x16xf32, #tpu.memory_space<vmem_shared>>) offsets(%dma_start3A_272 : memref<128xi32, #tpu.memory_space<vmem>>) semaphore(%run_scoped3A_265 : memref<!tpu.dma_semaphore, #tpu.memory_space<semaphore_mem>>) {add = true}
      %dma_wait3A_276 = arith.constant 0 : i32
      %dma_wait3A_277 = arith.constant 0 : i32
      %dma_wait3A_278 = tpu.memref_slice %arg8[%run_scoped3A_220, %dma_wait3A_276, %dma_wait3A_277] : memref<8x128x16xf32, #tpu.memory_space<vmem>> -> memref<1x128x16xf32, #tpu.memory_space<vmem>>
      %dma_wait3A_279 = tpu.memref_squeeze %dma_wait3A_278 : memref<1x128x16xf32, #tpu.memory_space<vmem>> -> memref<128x16xf32, #tpu.memory_space<vmem>>
      %dma_wait3A_280 = arith.constant 0 : i32
      %dma_wait3A_281 = tpu.memref_slice %arg7[%run_scoped3A_221, %dma_wait3A_280] : memref<80x128xi32, #tpu.memory_space<vmem>> -> memref<1x128xi32, #tpu.memory_space<vmem>>
      %dma_wait3A_282 = tpu.memref_squeeze %dma_wait3A_281 : memref<1x128xi32, #tpu.memory_space<vmem>> -> memref<128xi32, #tpu.memory_space<vmem>>
      %dma_wait3A_283 = arith.constant 0 : i32
      %dma_wait3A_284 = arith.constant 0 : i32
      %dma_wait3A_285 = tpu.memref_slice %arg9[%dma_wait3A_283, %dma_wait3A_284] : memref<10240x16xf32, #tpu.memory_space<vmem_shared>> -> memref<10240x16xf32, #tpu.memory_space<vmem_shared>>
      tpu.wait_indirect_dma semaphore(%run_scoped3A_265 : memref<!tpu.dma_semaphore, #tpu.memory_space<semaphore_mem>>) src(%dma_wait3A_279 : memref<128x16xf32, #tpu.memory_space<vmem>>) dst(%dma_wait3A_285 : memref<10240x16xf32, #tpu.memory_space<vmem_shared>>)
      tpu.yield
    }) : () -> ()
    %dma_wait3A_222 = arith.constant 5 : i32
    %dma_wait3A_223 = arith.constant 5 : i32
    %dma_wait3A_224 = arith.constant 0 : i32
    %dma_wait3A_225 = arith.constant 0 : i32
    %dma_wait3A_226 = tpu.memref_slice %arg8[%dma_wait3A_223, %dma_wait3A_224, %dma_wait3A_225] : memref<8x128x16xf32, #tpu.memory_space<vmem>> -> memref<1x128x16xf32, #tpu.memory_space<vmem>>
    %dma_wait3A_227 = tpu.memref_squeeze %dma_wait3A_226 : memref<1x128x16xf32, #tpu.memory_space<vmem>> -> memref<128x16xf32, #tpu.memory_space<vmem>>
    %dma_wait3A_228 = arith.constant 0 : i32
    %dma_wait3A_229 = tpu.memref_slice %arg6[%dma_wait3A_222, %dma_wait3A_228] : memref<80x128xi32, #tpu.memory_space<vmem>> -> memref<1x128xi32, #tpu.memory_space<vmem>>
    %dma_wait3A_230 = tpu.memref_squeeze %dma_wait3A_229 : memref<1x128xi32, #tpu.memory_space<vmem>> -> memref<128xi32, #tpu.memory_space<vmem>>
    %dma_wait3A_231 = arith.constant 0 : i32
    %dma_wait3A_232 = arith.constant 0 : i32
    %dma_wait3A_233 = tpu.memref_slice %arg2[%dma_wait3A_231, %dma_wait3A_232] : memref<10240x16xf32, #tpu.memory_space<hbm>> -> memref<10240x16xf32, #tpu.memory_space<hbm>>
    tpu.wait_indirect_dma semaphore(%arg15 : memref<!tpu.dma_semaphore, #tpu.memory_space<semaphore_mem>>) src(%dma_wait3A_233 : memref<10240x16xf32, #tpu.memory_space<hbm>>) dst(%dma_wait3A_227 : memref<128x16xf32, #tpu.memory_space<vmem>>)
    %run_scoped3A_234 = arith.constant 5 : i32
    %run_scoped3A_235 = arith.constant 77 : i32
    "tpu.region"() ({
      %run_scoped3A_265 = tpu.sem_alloc : memref<!tpu.dma_semaphore, #tpu.memory_space<semaphore_mem>>
      %dma_start3A_266 = arith.constant 0 : i32
      %dma_start3A_267 = arith.constant 0 : i32
      %dma_start3A_268 = tpu.memref_slice %arg8[%run_scoped3A_234, %dma_start3A_266, %dma_start3A_267] : memref<8x128x16xf32, #tpu.memory_space<vmem>> -> memref<1x128x16xf32, #tpu.memory_space<vmem>>
      %dma_start3A_269 = tpu.memref_squeeze %dma_start3A_268 : memref<1x128x16xf32, #tpu.memory_space<vmem>> -> memref<128x16xf32, #tpu.memory_space<vmem>>
      %dma_start3A_270 = arith.constant 0 : i32
      %dma_start3A_271 = tpu.memref_slice %arg7[%run_scoped3A_235, %dma_start3A_270] : memref<80x128xi32, #tpu.memory_space<vmem>> -> memref<1x128xi32, #tpu.memory_space<vmem>>
      %dma_start3A_272 = tpu.memref_squeeze %dma_start3A_271 : memref<1x128xi32, #tpu.memory_space<vmem>> -> memref<128xi32, #tpu.memory_space<vmem>>
      %dma_start3A_273 = arith.constant 0 : i32
      %dma_start3A_274 = arith.constant 0 : i32
      %dma_start3A_275 = tpu.memref_slice %arg9[%dma_start3A_273, %dma_start3A_274] : memref<10240x16xf32, #tpu.memory_space<vmem_shared>> -> memref<10240x16xf32, #tpu.memory_space<vmem_shared>>
      tpu.enqueue_indirect_dma source(%dma_start3A_269 : memref<128x16xf32, #tpu.memory_space<vmem>>) target(%dma_start3A_275 : memref<10240x16xf32, #tpu.memory_space<vmem_shared>>) offsets(%dma_start3A_272 : memref<128xi32, #tpu.memory_space<vmem>>) semaphore(%run_scoped3A_265 : memref<!tpu.dma_semaphore, #tpu.memory_space<semaphore_mem>>) {add = true}
      %dma_wait3A_276 = arith.constant 0 : i32
      %dma_wait3A_277 = arith.constant 0 : i32
      %dma_wait3A_278 = tpu.memref_slice %arg8[%run_scoped3A_234, %dma_wait3A_276, %dma_wait3A_277] : memref<8x128x16xf32, #tpu.memory_space<vmem>> -> memref<1x128x16xf32, #tpu.memory_space<vmem>>
      %dma_wait3A_279 = tpu.memref_squeeze %dma_wait3A_278 : memref<1x128x16xf32, #tpu.memory_space<vmem>> -> memref<128x16xf32, #tpu.memory_space<vmem>>
      %dma_wait3A_280 = arith.constant 0 : i32
      %dma_wait3A_281 = tpu.memref_slice %arg7[%run_scoped3A_235, %dma_wait3A_280] : memref<80x128xi32, #tpu.memory_space<vmem>> -> memref<1x128xi32, #tpu.memory_space<vmem>>
      %dma_wait3A_282 = tpu.memref_squeeze %dma_wait3A_281 : memref<1x128xi32, #tpu.memory_space<vmem>> -> memref<128xi32, #tpu.memory_space<vmem>>
      %dma_wait3A_283 = arith.constant 0 : i32
      %dma_wait3A_284 = arith.constant 0 : i32
      %dma_wait3A_285 = tpu.memref_slice %arg9[%dma_wait3A_283, %dma_wait3A_284] : memref<10240x16xf32, #tpu.memory_space<vmem_shared>> -> memref<10240x16xf32, #tpu.memory_space<vmem_shared>>
      tpu.wait_indirect_dma semaphore(%run_scoped3A_265 : memref<!tpu.dma_semaphore, #tpu.memory_space<semaphore_mem>>) src(%dma_wait3A_279 : memref<128x16xf32, #tpu.memory_space<vmem>>) dst(%dma_wait3A_285 : memref<10240x16xf32, #tpu.memory_space<vmem_shared>>)
      tpu.yield
    }) : () -> ()
    %dma_wait3A_236 = arith.constant 6 : i32
    %dma_wait3A_237 = arith.constant 6 : i32
    %dma_wait3A_238 = arith.constant 0 : i32
    %dma_wait3A_239 = arith.constant 0 : i32
    %dma_wait3A_240 = tpu.memref_slice %arg8[%dma_wait3A_237, %dma_wait3A_238, %dma_wait3A_239] : memref<8x128x16xf32, #tpu.memory_space<vmem>> -> memref<1x128x16xf32, #tpu.memory_space<vmem>>
    %dma_wait3A_241 = tpu.memref_squeeze %dma_wait3A_240 : memref<1x128x16xf32, #tpu.memory_space<vmem>> -> memref<128x16xf32, #tpu.memory_space<vmem>>
    %dma_wait3A_242 = arith.constant 0 : i32
    %dma_wait3A_243 = tpu.memref_slice %arg6[%dma_wait3A_236, %dma_wait3A_242] : memref<80x128xi32, #tpu.memory_space<vmem>> -> memref<1x128xi32, #tpu.memory_space<vmem>>
    %dma_wait3A_244 = tpu.memref_squeeze %dma_wait3A_243 : memref<1x128xi32, #tpu.memory_space<vmem>> -> memref<128xi32, #tpu.memory_space<vmem>>
    %dma_wait3A_245 = arith.constant 0 : i32
    %dma_wait3A_246 = arith.constant 0 : i32
    %dma_wait3A_247 = tpu.memref_slice %arg2[%dma_wait3A_245, %dma_wait3A_246] : memref<10240x16xf32, #tpu.memory_space<hbm>> -> memref<10240x16xf32, #tpu.memory_space<hbm>>
    tpu.wait_indirect_dma semaphore(%arg16 : memref<!tpu.dma_semaphore, #tpu.memory_space<semaphore_mem>>) src(%dma_wait3A_247 : memref<10240x16xf32, #tpu.memory_space<hbm>>) dst(%dma_wait3A_241 : memref<128x16xf32, #tpu.memory_space<vmem>>)
    %run_scoped3A_248 = arith.constant 6 : i32
    %run_scoped3A_249 = arith.constant 78 : i32
    "tpu.region"() ({
      %run_scoped3A_265 = tpu.sem_alloc : memref<!tpu.dma_semaphore, #tpu.memory_space<semaphore_mem>>
      %dma_start3A_266 = arith.constant 0 : i32
      %dma_start3A_267 = arith.constant 0 : i32
      %dma_start3A_268 = tpu.memref_slice %arg8[%run_scoped3A_248, %dma_start3A_266, %dma_start3A_267] : memref<8x128x16xf32, #tpu.memory_space<vmem>> -> memref<1x128x16xf32, #tpu.memory_space<vmem>>
      %dma_start3A_269 = tpu.memref_squeeze %dma_start3A_268 : memref<1x128x16xf32, #tpu.memory_space<vmem>> -> memref<128x16xf32, #tpu.memory_space<vmem>>
      %dma_start3A_270 = arith.constant 0 : i32
      %dma_start3A_271 = tpu.memref_slice %arg7[%run_scoped3A_249, %dma_start3A_270] : memref<80x128xi32, #tpu.memory_space<vmem>> -> memref<1x128xi32, #tpu.memory_space<vmem>>
      %dma_start3A_272 = tpu.memref_squeeze %dma_start3A_271 : memref<1x128xi32, #tpu.memory_space<vmem>> -> memref<128xi32, #tpu.memory_space<vmem>>
      %dma_start3A_273 = arith.constant 0 : i32
      %dma_start3A_274 = arith.constant 0 : i32
      %dma_start3A_275 = tpu.memref_slice %arg9[%dma_start3A_273, %dma_start3A_274] : memref<10240x16xf32, #tpu.memory_space<vmem_shared>> -> memref<10240x16xf32, #tpu.memory_space<vmem_shared>>
      tpu.enqueue_indirect_dma source(%dma_start3A_269 : memref<128x16xf32, #tpu.memory_space<vmem>>) target(%dma_start3A_275 : memref<10240x16xf32, #tpu.memory_space<vmem_shared>>) offsets(%dma_start3A_272 : memref<128xi32, #tpu.memory_space<vmem>>) semaphore(%run_scoped3A_265 : memref<!tpu.dma_semaphore, #tpu.memory_space<semaphore_mem>>) {add = true}
      %dma_wait3A_276 = arith.constant 0 : i32
      %dma_wait3A_277 = arith.constant 0 : i32
      %dma_wait3A_278 = tpu.memref_slice %arg8[%run_scoped3A_248, %dma_wait3A_276, %dma_wait3A_277] : memref<8x128x16xf32, #tpu.memory_space<vmem>> -> memref<1x128x16xf32, #tpu.memory_space<vmem>>
      %dma_wait3A_279 = tpu.memref_squeeze %dma_wait3A_278 : memref<1x128x16xf32, #tpu.memory_space<vmem>> -> memref<128x16xf32, #tpu.memory_space<vmem>>
      %dma_wait3A_280 = arith.constant 0 : i32
      %dma_wait3A_281 = tpu.memref_slice %arg7[%run_scoped3A_249, %dma_wait3A_280] : memref<80x128xi32, #tpu.memory_space<vmem>> -> memref<1x128xi32, #tpu.memory_space<vmem>>
      %dma_wait3A_282 = tpu.memref_squeeze %dma_wait3A_281 : memref<1x128xi32, #tpu.memory_space<vmem>> -> memref<128xi32, #tpu.memory_space<vmem>>
      %dma_wait3A_283 = arith.constant 0 : i32
      %dma_wait3A_284 = arith.constant 0 : i32
      %dma_wait3A_285 = tpu.memref_slice %arg9[%dma_wait3A_283, %dma_wait3A_284] : memref<10240x16xf32, #tpu.memory_space<vmem_shared>> -> memref<10240x16xf32, #tpu.memory_space<vmem_shared>>
      tpu.wait_indirect_dma semaphore(%run_scoped3A_265 : memref<!tpu.dma_semaphore, #tpu.memory_space<semaphore_mem>>) src(%dma_wait3A_279 : memref<128x16xf32, #tpu.memory_space<vmem>>) dst(%dma_wait3A_285 : memref<10240x16xf32, #tpu.memory_space<vmem_shared>>)
      tpu.yield
    }) : () -> ()
    %dma_wait3A_250 = arith.constant 7 : i32
    %dma_wait3A_251 = arith.constant 7 : i32
    %dma_wait3A_252 = arith.constant 0 : i32
    %dma_wait3A_253 = arith.constant 0 : i32
    %dma_wait3A_254 = tpu.memref_slice %arg8[%dma_wait3A_251, %dma_wait3A_252, %dma_wait3A_253] : memref<8x128x16xf32, #tpu.memory_space<vmem>> -> memref<1x128x16xf32, #tpu.memory_space<vmem>>
    %dma_wait3A_255 = tpu.memref_squeeze %dma_wait3A_254 : memref<1x128x16xf32, #tpu.memory_space<vmem>> -> memref<128x16xf32, #tpu.memory_space<vmem>>
    %dma_wait3A_256 = arith.constant 0 : i32
    %dma_wait3A_257 = tpu.memref_slice %arg6[%dma_wait3A_250, %dma_wait3A_256] : memref<80x128xi32, #tpu.memory_space<vmem>> -> memref<1x128xi32, #tpu.memory_space<vmem>>
    %dma_wait3A_258 = tpu.memref_squeeze %dma_wait3A_257 : memref<1x128xi32, #tpu.memory_space<vmem>> -> memref<128xi32, #tpu.memory_space<vmem>>
    %dma_wait3A_259 = arith.constant 0 : i32
    %dma_wait3A_260 = arith.constant 0 : i32
    %dma_wait3A_261 = tpu.memref_slice %arg2[%dma_wait3A_259, %dma_wait3A_260] : memref<10240x16xf32, #tpu.memory_space<hbm>> -> memref<10240x16xf32, #tpu.memory_space<hbm>>
    tpu.wait_indirect_dma semaphore(%arg17 : memref<!tpu.dma_semaphore, #tpu.memory_space<semaphore_mem>>) src(%dma_wait3A_261 : memref<10240x16xf32, #tpu.memory_space<hbm>>) dst(%dma_wait3A_255 : memref<128x16xf32, #tpu.memory_space<vmem>>)
    %run_scoped3A_262 = arith.constant 7 : i32
    %run_scoped3A_263 = arith.constant 79 : i32
    "tpu.region"() ({
      %run_scoped3A_265 = tpu.sem_alloc : memref<!tpu.dma_semaphore, #tpu.memory_space<semaphore_mem>>
      %dma_start3A_266 = arith.constant 0 : i32
      %dma_start3A_267 = arith.constant 0 : i32
      %dma_start3A_268 = tpu.memref_slice %arg8[%run_scoped3A_262, %dma_start3A_266, %dma_start3A_267] : memref<8x128x16xf32, #tpu.memory_space<vmem>> -> memref<1x128x16xf32, #tpu.memory_space<vmem>>
      %dma_start3A_269 = tpu.memref_squeeze %dma_start3A_268 : memref<1x128x16xf32, #tpu.memory_space<vmem>> -> memref<128x16xf32, #tpu.memory_space<vmem>>
      %dma_start3A_270 = arith.constant 0 : i32
      %dma_start3A_271 = tpu.memref_slice %arg7[%run_scoped3A_263, %dma_start3A_270] : memref<80x128xi32, #tpu.memory_space<vmem>> -> memref<1x128xi32, #tpu.memory_space<vmem>>
      %dma_start3A_272 = tpu.memref_squeeze %dma_start3A_271 : memref<1x128xi32, #tpu.memory_space<vmem>> -> memref<128xi32, #tpu.memory_space<vmem>>
      %dma_start3A_273 = arith.constant 0 : i32
      %dma_start3A_274 = arith.constant 0 : i32
      %dma_start3A_275 = tpu.memref_slice %arg9[%dma_start3A_273, %dma_start3A_274] : memref<10240x16xf32, #tpu.memory_space<vmem_shared>> -> memref<10240x16xf32, #tpu.memory_space<vmem_shared>>
      tpu.enqueue_indirect_dma source(%dma_start3A_269 : memref<128x16xf32, #tpu.memory_space<vmem>>) target(%dma_start3A_275 : memref<10240x16xf32, #tpu.memory_space<vmem_shared>>) offsets(%dma_start3A_272 : memref<128xi32, #tpu.memory_space<vmem>>) semaphore(%run_scoped3A_265 : memref<!tpu.dma_semaphore, #tpu.memory_space<semaphore_mem>>) {add = true}
      %dma_wait3A_276 = arith.constant 0 : i32
      %dma_wait3A_277 = arith.constant 0 : i32
      %dma_wait3A_278 = tpu.memref_slice %arg8[%run_scoped3A_262, %dma_wait3A_276, %dma_wait3A_277] : memref<8x128x16xf32, #tpu.memory_space<vmem>> -> memref<1x128x16xf32, #tpu.memory_space<vmem>>
      %dma_wait3A_279 = tpu.memref_squeeze %dma_wait3A_278 : memref<1x128x16xf32, #tpu.memory_space<vmem>> -> memref<128x16xf32, #tpu.memory_space<vmem>>
      %dma_wait3A_280 = arith.constant 0 : i32
      %dma_wait3A_281 = tpu.memref_slice %arg7[%run_scoped3A_263, %dma_wait3A_280] : memref<80x128xi32, #tpu.memory_space<vmem>> -> memref<1x128xi32, #tpu.memory_space<vmem>>
      %dma_wait3A_282 = tpu.memref_squeeze %dma_wait3A_281 : memref<1x128xi32, #tpu.memory_space<vmem>> -> memref<128xi32, #tpu.memory_space<vmem>>
      %dma_wait3A_283 = arith.constant 0 : i32
      %dma_wait3A_284 = arith.constant 0 : i32
      %dma_wait3A_285 = tpu.memref_slice %arg9[%dma_wait3A_283, %dma_wait3A_284] : memref<10240x16xf32, #tpu.memory_space<vmem_shared>> -> memref<10240x16xf32, #tpu.memory_space<vmem_shared>>
      tpu.wait_indirect_dma semaphore(%run_scoped3A_265 : memref<!tpu.dma_semaphore, #tpu.memory_space<semaphore_mem>>) src(%dma_wait3A_279 : memref<128x16xf32, #tpu.memory_space<vmem>>) dst(%dma_wait3A_285 : memref<10240x16xf32, #tpu.memory_space<vmem_shared>>)
      tpu.yield
    }) : () -> ()
    %barrier3A_264 = arith.constant 0 : index
    tpu.barrier barrier_id(%barrier3A_264)
    "tpu.region"() ({
      %run_scoped3A_265 = tpu.sem_alloc : memref<!tpu.dma_semaphore, #tpu.memory_space<semaphore_mem>>
      %dma_start3A_266 = arith.constant 0 : i32
      %dma_start3A_267 = tpu.memref_slice %arg5[%arg0, %multiple_of3A, %dma_start3A_266] : memref<2x10240x16xf32, #tpu.memory_space<hbm>> -> memref<1x640x16xf32, #tpu.memory_space<hbm>>
      %dma_start3A_268 = tpu.memref_squeeze %dma_start3A_267 : memref<1x640x16xf32, #tpu.memory_space<hbm>> -> memref<640x16xf32, #tpu.memory_space<hbm>>
      %dma_start3A_269 = arith.constant 0 : i32
      %dma_start3A_270 = tpu.memref_slice %arg9[%multiple_of3A, %dma_start3A_269] : memref<10240x16xf32, #tpu.memory_space<vmem_shared>> -> memref<640x16xf32, #tpu.memory_space<vmem_shared>>
      tpu.enqueue_dma source(%dma_start3A_270 : memref<640x16xf32, #tpu.memory_space<vmem_shared>>) target(%dma_start3A_268 : memref<640x16xf32, #tpu.memory_space<hbm>>) target_semaphore(%run_scoped3A_265 : memref<!tpu.dma_semaphore, #tpu.memory_space<semaphore_mem>>)
      %dma_wait3A_271 = arith.constant 0 : i32
      %dma_wait3A_272 = tpu.memref_slice %arg5[%arg0, %multiple_of3A, %dma_wait3A_271] : memref<2x10240x16xf32, #tpu.memory_space<hbm>> -> memref<1x640x16xf32, #tpu.memory_space<hbm>>
      %dma_wait3A_273 = tpu.memref_squeeze %dma_wait3A_272 : memref<1x640x16xf32, #tpu.memory_space<hbm>> -> memref<640x16xf32, #tpu.memory_space<hbm>>
      %dma_wait3A_274 = arith.constant 0 : i32
      %dma_wait3A_275 = tpu.memref_slice %arg9[%multiple_of3A, %dma_wait3A_274] : memref<10240x16xf32, #tpu.memory_space<vmem_shared>> -> memref<640x16xf32, #tpu.memory_space<vmem_shared>>
      tpu.wait_dma2 semaphore(%run_scoped3A_265 : memref<!tpu.dma_semaphore, #tpu.memory_space<semaphore_mem>>) src(%dma_wait3A_275 : memref<640x16xf32, #tpu.memory_space<vmem_shared>>) dst(%dma_wait3A_273 : memref<640x16xf32, #tpu.memory_space<hbm>>)
      tpu.yield
    }) : () -> ()
    return
  }
}

module attributes {stable_mosaic.version = 14 : i64} {
  func.func @_g1_body(%arg0: memref<1280x1024xf32, #tpu.memory_space<vmem>>, %arg1: memref<1024x128xf32, #tpu.memory_space<vmem>>, %arg2: memref<2x1280x8xf32, #tpu.memory_space<vmem>>, %arg3: memref<8x128xf32, #tpu.memory_space<vmem>>, %arg4: memref<1280x128xf32, #tpu.memory_space<vmem>>, %arg5: memref<1280x128xf32, #tpu.memory_space<vmem>>) attributes {dimension_semantics = [], scalar_prefetch = 0 : i64, scratch_operands = 0 : i64, tpu.core_type = #tpu.core_type<tc>} {
    %get3A = arith.constant 0 : index
    %get3A_0 = arith.constant 0 : index
    %get3A_1 = arith.constant 0 : index
    %get3A_2 = vector.load %arg2[%get3A, %get3A_0, %get3A_1] : memref<2x1280x8xf32, #tpu.memory_space<vmem>>, vector<1x1280x8xf32>
    %get3A_3 = vector.shape_cast %get3A_2 : vector<1x1280x8xf32> to vector<1280x8xf32>
    %get3A_4 = arith.constant 1 : index
    %get3A_5 = arith.constant 0 : index
    %get3A_6 = arith.constant 0 : index
    %get3A_7 = vector.load %arg2[%get3A_4, %get3A_5, %get3A_6] : memref<2x1280x8xf32, #tpu.memory_space<vmem>>, vector<1x1280x8xf32>
    %get3A_8 = vector.shape_cast %get3A_7 : vector<1x1280x8xf32> to vector<1280x8xf32>
    %add3A = arith.addf %get3A_3, %get3A_8 : vector<1280x8xf32>
    %add3A_9 = arith.constant 1.000000e+00 : f32
    %add3A_10 = vector.broadcast %add3A_9 : f32 to vector<1280x8xf32>
    %add3A_11 = arith.addf %add3A, %add3A_10 : vector<1280x8xf32>
    %rsqrt3A = math.rsqrt %add3A_11 : vector<1280x8xf32>
    %get3A_12 = arith.constant 0 : index
    %get3A_13 = arith.constant 0 : index
    %get3A_14 = vector.load %arg3[%get3A_12, %get3A_13] : memref<8x128xf32, #tpu.memory_space<vmem>>, vector<8x128xf32>
    %dot_general3A = arith.constant dense<0.000000e+00> : vector<1280x128xf32>
    %dot_general3A_15 = tpu.matmul %rsqrt3A, %get3A_14, %dot_general3A {dimension_numbers = #tpu.dot_dimension_numbers<[1], [0], [0], [1], [0, 0, 1, 1], [], []>, transpose_lhs_hint = false} : vector<1280x8xf32>, vector<8x128xf32>, vector<1280x128xf32> -> vector<1280x128xf32>
    %get3A_16 = arith.constant 0 : index
    %get3A_17 = arith.constant 0 : index
    %get3A_18 = vector.load %arg0[%get3A_16, %get3A_17] : memref<1280x1024xf32, #tpu.memory_space<vmem>>, vector<1280x1024xf32>
    %get3A_19 = arith.constant 0 : index
    %get3A_20 = arith.constant 0 : index
    %get3A_21 = vector.load %arg1[%get3A_19, %get3A_20] : memref<1024x128xf32, #tpu.memory_space<vmem>>, vector<1024x128xf32>
    %dot_general3A_22 = arith.constant dense<0.000000e+00> : vector<1280x128xf32>
    %dot_general3A_23 = tpu.matmul %get3A_18, %get3A_21, %dot_general3A_22 {dimension_numbers = #tpu.dot_dimension_numbers<[1], [0], [0], [1], [0, 0, 1, 1], [], []>, transpose_lhs_hint = false} : vector<1280x1024xf32>, vector<1024x128xf32>, vector<1280x128xf32> -> vector<1280x128xf32>
    %mul3A = arith.mulf %dot_general3A_23, %dot_general3A_15 : vector<1280x128xf32>
    %swap3A = arith.constant 0 : index
    %swap3A_24 = arith.constant 0 : index
    %swap3A_25 = vector.load %arg4[%swap3A, %swap3A_24] : memref<1280x128xf32, #tpu.memory_space<vmem>>, vector<1280x128xf32>
    tpu.vector_store %arg4[%swap3A, %swap3A_24], %mul3A {strides = array<i32>} : memref<1280x128xf32, #tpu.memory_space<vmem>>, vector<1280x128xf32>,
    %swap3A_26 = arith.constant 0 : index
    %swap3A_27 = arith.constant 0 : index
    %swap3A_28 = vector.load %arg5[%swap3A_26, %swap3A_27] : memref<1280x128xf32, #tpu.memory_space<vmem>>, vector<1280x128xf32>
    tpu.vector_store %arg5[%swap3A_26, %swap3A_27], %dot_general3A_15 {strides = array<i32>} : memref<1280x128xf32, #tpu.memory_space<vmem>>, vector<1280x128xf32>,
    return
  }
}

module attributes {stable_mosaic.version = 14 : i64} {
  func.func @_g2_body(%arg0: memref<2x1280x128xf32, #tpu.memory_space<vmem>>, %arg1: memref<1280x128xf32, #tpu.memory_space<vmem>>, %arg2: memref<1280x128xf32, #tpu.memory_space<vmem>>, %arg3: memref<128xf32, #tpu.memory_space<vmem>>, %arg4: memref<1280x128xf32, #tpu.memory_space<vmem>>) attributes {dimension_semantics = [], scalar_prefetch = 0 : i64, scratch_operands = 0 : i64, tpu.core_type = #tpu.core_type<tc>} {
    %get3A = arith.constant 0 : index
    %get3A_0 = arith.constant 0 : index
    %get3A_1 = vector.load %arg2[%get3A, %get3A_0] : memref<1280x128xf32, #tpu.memory_space<vmem>>, vector<1280x128xf32>
    %get3A_2 = arith.constant 0 : index
    %get3A_3 = arith.constant 0 : index
    %get3A_4 = arith.constant 0 : index
    %get3A_5 = vector.load %arg0[%get3A_2, %get3A_3, %get3A_4] : memref<2x1280x128xf32, #tpu.memory_space<vmem>>, vector<1x1280x128xf32>
    %get3A_6 = vector.shape_cast %get3A_5 : vector<1x1280x128xf32> to vector<1280x128xf32>
    %get3A_7 = arith.constant 1 : index
    %get3A_8 = arith.constant 0 : index
    %get3A_9 = arith.constant 0 : index
    %get3A_10 = vector.load %arg0[%get3A_7, %get3A_8, %get3A_9] : memref<2x1280x128xf32, #tpu.memory_space<vmem>>, vector<1x1280x128xf32>
    %get3A_11 = vector.shape_cast %get3A_10 : vector<1x1280x128xf32> to vector<1280x128xf32>
    %add3A = arith.addf %get3A_6, %get3A_11 : vector<1280x128xf32>
    %get3A_12 = arith.constant 0 : index
    %get3A_13 = arith.constant 0 : index
    %get3A_14 = vector.load %arg1[%get3A_12, %get3A_13] : memref<1280x128xf32, #tpu.memory_space<vmem>>, vector<1280x128xf32>
    %add3A_15 = arith.addf %add3A, %get3A_14 : vector<1280x128xf32>
    %mul3A = arith.mulf %add3A_15, %get3A_1 : vector<1280x128xf32>
    %get3A_16 = arith.constant 0 : index
    %get3A_17 = vector.load %arg3[%get3A_16] : memref<128xf32, #tpu.memory_space<vmem>>, vector<128xf32>
    %broadcast_in_dim3A = vector.shape_cast %get3A_17 : vector<128xf32> to vector<1x128xf32>
    %add3A_18 = vector.broadcast %broadcast_in_dim3A : vector<1x128xf32> to vector<1280x128xf32>
    %add3A_19 = arith.addf %mul3A, %add3A_18 : vector<1280x128xf32>
    %max3A = arith.constant 0.000000e+00 : f32
    %max3A_20 = vector.broadcast %max3A : f32 to vector<1280x128xf32>
    %max3A_21 = arith.maximumf %add3A_19, %max3A_20 : vector<1280x128xf32>
    %mul3A_22 = arith.mulf %max3A_21, %get3A_1 : vector<1280x128xf32>
    %swap3A = arith.constant 0 : index
    %swap3A_23 = arith.constant 0 : index
    %swap3A_24 = vector.load %arg4[%swap3A, %swap3A_23] : memref<1280x128xf32, #tpu.memory_space<vmem>>, vector<1280x128xf32>
    tpu.vector_store %arg4[%swap3A, %swap3A_23], %mul3A_22 {strides = array<i32>} : memref<1280x128xf32, #tpu.memory_space<vmem>>, vector<1280x128xf32>,
    %broadcast_in_dim3A_25 = arith.constant 0.000000e+00 : f32
    %broadcast_in_dim3A_26 = vector.broadcast %broadcast_in_dim3A_25 : f32 to vector<16xf32>
    %swap3A_27 = arith.constant 1250 : index
    %swap3A_28 = arith.constant 0 : index
    %swap3A_29 = vector.load %arg4[%swap3A_27, %swap3A_28] : memref<1280x128xf32, #tpu.memory_space<vmem>>, vector<1x16xf32>
    %swap3A_30 = vector.shape_cast %swap3A_29 : vector<1x16xf32> to vector<16xf32>
    %swap3A_31 = vector.shape_cast %broadcast_in_dim3A_26 : vector<16xf32> to vector<1x16xf32>
    tpu.vector_store %arg4[%swap3A_27, %swap3A_28], %swap3A_31 {strides = array<i32>} : memref<1280x128xf32, #tpu.memory_space<vmem>>, vector<1x16xf32>,
    return
  }
}

module attributes {stable_mosaic.version = 14 : i64} {
  func.func @_out_body(%arg0: memref<2x1280x128xf32, #tpu.memory_space<vmem>>, %arg1: memref<1280x128xf32, #tpu.memory_space<vmem>>, %arg2: memref<1280x128xf32, #tpu.memory_space<vmem>>, %arg3: memref<128x16xf32, #tpu.memory_space<vmem>>, %arg4: memref<16x16xf32, #tpu.memory_space<vmem>>, %arg5: memref<16xf32, #tpu.memory_space<vmem>>, %arg6: memref<1280x16xf32, #tpu.memory_space<vmem>>) attributes {dimension_semantics = [], scalar_prefetch = 0 : i64, scratch_operands = 0 : i64, tpu.core_type = #tpu.core_type<tc>} {
    %get3A = arith.constant 0 : index
    %get3A_0 = arith.constant 0 : index
    %get3A_1 = arith.constant 0 : index
    %get3A_2 = vector.load %arg0[%get3A, %get3A_0, %get3A_1] : memref<2x1280x128xf32, #tpu.memory_space<vmem>>, vector<1x1280x128xf32>
    %get3A_3 = vector.shape_cast %get3A_2 : vector<1x1280x128xf32> to vector<1280x128xf32>
    %get3A_4 = arith.constant 1 : index
    %get3A_5 = arith.constant 0 : index
    %get3A_6 = arith.constant 0 : index
    %get3A_7 = vector.load %arg0[%get3A_4, %get3A_5, %get3A_6] : memref<2x1280x128xf32, #tpu.memory_space<vmem>>, vector<1x1280x128xf32>
    %get3A_8 = vector.shape_cast %get3A_7 : vector<1x1280x128xf32> to vector<1280x128xf32>
    %add3A = arith.addf %get3A_3, %get3A_8 : vector<1280x128xf32>
    %get3A_9 = arith.constant 0 : index
    %get3A_10 = arith.constant 0 : index
    %get3A_11 = vector.load %arg1[%get3A_9, %get3A_10] : memref<1280x128xf32, #tpu.memory_space<vmem>>, vector<1280x128xf32>
    %add3A_12 = arith.addf %add3A, %get3A_11 : vector<1280x128xf32>
    %get3A_13 = arith.constant 0 : index
    %get3A_14 = arith.constant 0 : index
    %get3A_15 = vector.load %arg2[%get3A_13, %get3A_14] : memref<1280x128xf32, #tpu.memory_space<vmem>>, vector<1280x128xf32>
    %mul3A = arith.mulf %add3A_12, %get3A_15 : vector<1280x128xf32>
    %get3A_16 = arith.constant 0 : index
    %get3A_17 = arith.constant 0 : index
    %get3A_18 = vector.load %arg3[%get3A_16, %get3A_17] : memref<128x16xf32, #tpu.memory_space<vmem>>, vector<128x16xf32>
    %dot_general3A = arith.constant dense<0.000000e+00> : vector<1280x16xf32>
    %dot_general3A_19 = tpu.matmul %mul3A, %get3A_18, %dot_general3A {dimension_numbers = #tpu.dot_dimension_numbers<[1], [0], [0], [1], [0, 0, 1, 1], [], []>, transpose_lhs_hint = false} : vector<1280x128xf32>, vector<128x16xf32>, vector<1280x16xf32> -> vector<1280x16xf32>
    %get3A_20 = arith.constant 0 : index
    %get3A_21 = vector.load %arg5[%get3A_20] : memref<16xf32, #tpu.memory_space<vmem>>, vector<16xf32>
    %broadcast_in_dim3A = vector.shape_cast %get3A_21 : vector<16xf32> to vector<1x16xf32>
    %add3A_22 = vector.broadcast %broadcast_in_dim3A : vector<1x16xf32> to vector<1280x16xf32>
    %add3A_23 = arith.addf %dot_general3A_19, %add3A_22 : vector<1280x16xf32>
    %get3A_24 = arith.constant 0 : index
    %get3A_25 = arith.constant 0 : index
    %get3A_26 = vector.load %arg4[%get3A_24, %get3A_25] : memref<16x16xf32, #tpu.memory_space<vmem>>, vector<16x16xf32>
    %dot_general3A_27 = arith.constant dense<0.000000e+00> : vector<1280x16xf32>
    %dot_general3A_28 = tpu.matmul %add3A_23, %get3A_26, %dot_general3A_27 {dimension_numbers = #tpu.dot_dimension_numbers<[1], [0], [0], [1], [0, 0, 1, 1], [], []>, transpose_lhs_hint = false} : vector<1280x16xf32>, vector<16x16xf32>, vector<1280x16xf32> -> vector<1280x16xf32>
    %max3A = arith.maximumf %add3A_23, %dot_general3A_28 : vector<1280x16xf32>
    %sub3A = arith.subf %add3A_23, %max3A : vector<1280x16xf32>
    %exp3A = math.exp %sub3A : vector<1280x16xf32>
    %sub3A_29 = arith.subf %dot_general3A_28, %max3A : vector<1280x16xf32>
    %exp3A_30 = math.exp %sub3A_29 : vector<1280x16xf32>
    %add3A_31 = arith.addf %exp3A, %exp3A_30 : vector<1280x16xf32>
    %log3A = math.log %add3A_31 : vector<1280x16xf32>
    %add3A_32 = arith.addf %max3A, %log3A : vector<1280x16xf32>
    %sub3A_33 = arith.subf %add3A_23, %add3A_32 : vector<1280x16xf32>
    %swap3A = arith.constant 0 : index
    %swap3A_34 = arith.constant 0 : index
    %swap3A_35 = vector.load %arg6[%swap3A, %swap3A_34] : memref<1280x16xf32, #tpu.memory_space<vmem>>, vector<1280x16xf32>
    tpu.vector_store %arg6[%swap3A, %swap3A_34], %sub3A_33 {strides = array<i32>} : memref<1280x16xf32, #tpu.memory_space<vmem>>, vector<1280x16xf32>,
    return
  }
}

</mosaic_0001>

<sc_bundles>
// kernel: kernel.11.cloned.1.call-start
scs
__scs_entry_jumppad:
0x0: {  	(pc) =	sbr.rel $0x88, $3  }
0x1: {  	(tag) =	ssettag $0x0;
	lr =	simm.s32 $0x1  }
0x2: {  	[smem:$0x3F9B] =	sst lr;
	_ =	strace $0xD0000000  }
0x3: {  	_ = 	snop  }
0x4: {  	_ = 	snop  }
0x5: {  	_ = 	snop  }
0x6: {  	_ = 	snop  }
0x7: {  	_ = 	snop  }
__scs_overlays_trampoline_lowered:
0x8: {  	[smem:$0x3FAA] =	sst s0  }
0x9: {  	[smem:$0x3FAB] =	sst s1  }
0xa: {  	[smem:$0x3FAC] =	sst s2  }
0xb: {  	[smem:$0x3FAD] =	sst s3  }
0xc: {  	[smem:$0x3FAE] =	sst s4  }
0xd: {  	[smem:$0x3FAF] =	sst s5  }
0xe: {  	[smem:$0x3FB0] =	sst s6  }
0xf: {  	[smem:$0x3FB1] =	sst s7  }
0x10: {  	[smem:$0x3FB2] =	sst s8  }
0x11: {  	[smem:$0x3FB3] =	sst s9;
	s0 =	simm.s32 @!p0 $0x0  }
0x12: {  	s1 =	sld [smem:$0x3F99];
	s0 =	simm.s32 @p0 $0x1  }
0x13: {  	[smem:$0x3FB4] =	sst s0;
	s0 =	simm.s32 @!p1 $0x0  }
0x14: {  	s2 =	sld [smem:$0x3F98];
	s0 =	simm.s32 @p1 $0x1  }
0x15: {  	[smem:$0x3FB5] =	sst s0;
	s0 =	simm.s32 @!p2 $0x0  }
0x16: {  	s3 =	sld [smem:$0x3FDB];
	s0 =	simm.s32 @p2 $0x1  }
0x17: {  	s4 =	simm.s32 $0x1BF5;
	[smem:$0x3FB7] =	sst s0  }
0x18: {  	s0 =	sld [smem:$0x3F9A];
	_ =	swait.ge [sflag:s4], $0x0  }
0x19: {  	s7 =	sld [smem:$0x3F9B]  }
0x1a: {  	s8 =	sadd.s32 $0xFFFFE003, lr  }
0x1b: {  	s9 =	sadd.s32 $0xFFFFFEF7, lr;
	s5 =	simm.s32 $0xFFFFFFFF;
	p2 =	slt.u32 s8, $0xFFFFF086  }
0x1c: {  	p1 =	slt.u32 s9, $0xF7A;
	s5 =	simm.s32 @!p2 $0x0  }
0x1d: {  	s5 =	simm.s32 @p1 $0x1;
	p0 =	seq.s32 s7, s2  }
0x1e: {  	s7 =	smul.u32 @!p0 $0xF7A, s2;
	p2 =	seq.s32 @!p0 s5, $0x0  }
0x1f: {  	s9 =	smul.u32 $0xF7A, s1;
	s8 =	simm.s32 @!p0 $0x1BF5;
	p2 =	por !p2, p0  }
0x20: {  	[sflag:s8] =	ssyncset.s32 @!p0 $0xFFFFF086;
	s6 =	sadd.s32 @!p0 s3, s7;
	s7 =	simm.s32 @!p0 $0x108  }
0x21: {  	s3 =	sadd.s32 s3, s9;
	s6 =	sadd.s32 @!p0 $0x88, s6;
	s7 =	simm.s32 @p2 $0x1082  }
0x22: {  	[simem:s7], [sflag:s8] =	dma.local @!p0 [hbm:s6], $0xF7A  }
0x23: {  	s9 =	sor.u32 $0xD0000000, s2;
	s6 =	simm.s32 $0x108;
	_ =	swait.ge @!p0 [sflag:s8], $0x0  }
0x24: {  	s3 =	sadd.s32 $0x88, s3;
	s6 =	simm.s32 @!p1 $0x1082;
	[sflag:s4] =	ssyncset.s32 $0xFFFFF086  }
0x25: {  	[simem:s6], [sflag:s4] =	dma.local [hbm:s3], $0xF7A  }
0x26: {  	[smem:$0x3F9B] =	sst s1;
	(tag) =	ssettag s2;
	_ =	strace s9  }
0x27: {  	s1 =	sld [smem:$0x3FAB]  }
0x28: {  	s2 =	sld [smem:$0x3FAC]  }
0x29: {  	s4 =	sld [smem:$0x3FAE]  }
0x2a: {  	p0 =	seq.s32 s5, $0x0;
	s5 =	sld [smem:$0x3FAF]  }
0x2b: {  	s6 =	sld [smem:$0x3FB0]  }
0x2c: {  	s7 =	sld [smem:$0x3FB1]  }
0x2d: {  	s3 =	simm.s32 $0x108;
	s8 =	sld [smem:$0x3FB2]  }
0x2e: {  	s3 =	simm.s32 @!p0 $0x1082;
	s9 =	sld [smem:$0x3FB3]  }
0x2f: {  	lr =	sadd.s32 s0, s3;
	s0 =	sld [smem:$0x3FAA]  }
0x30: {  	s3 =	sld [smem:$0x3FAD]  }
0x31: {  	[smem:$0x3FB6] =	sst s10  }
0x32: {  	s10 =	sld [smem:$0x3FB4];
	_ =	sdelay $0x3  }
0x33: {  	p0 =	seq.s32 s10, $0x1;
	s10 =	sld [smem:$0x3FB6];
	_ =	sdelay $0x3  }
0x34: {  	[smem:$0x3FB6] =	sst s10  }
0x35: {  	s10 =	sld [smem:$0x3FB5];
	_ =	sdelay $0x3  }
0x36: {  	p1 =	seq.s32 s10, $0x1;
	s10 =	sld [smem:$0x3FB6];
	_ =	sdelay $0x3  }
0x37: {  	[smem:$0x3FB6] =	sst s10  }
0x38: {  	s10 =	sld [smem:$0x3FB7]  }
0x39: {  	_ = 	snop;
	(pc) =	sbr.ind lr, $3  }
0x3a: {  	_ = 	snop  }
0x3b: {  	_ = 	snop  }
0x3c: {  	p2 =	seq.s32 s10, $0x1;
	s10 =	sld [smem:$0x3FB6]  }
0x3d: {  	_ =	shalt  }
0x3e: {  	_ =	shalt  }
0x3f: {  	_ =	shalt  }
0x40: {  	_ =	shalt  }
0x41: {  	_ =	shalt  }
0x42: {  	_ =	shalt  }
0x43: {  	_ =	shalt  }
0x44: {  	_ =	shalt  }
0x45: {  	_ =	shalt  }
0x46: {  	_ =	shalt  }
0x47: {  	_ =	shalt  }
0x48: {  	_ =	shalt  }
0x49: {  	_ =	shalt  }
0x4a: {  	_ =	shalt  }
0x4b: {  	_ =	shalt  }
0x4c: {  	_ =	shalt  }
0x4d: {  	_ =	shalt  }
0x4e: {  	_ =	shalt  }
0x4f: {  	_ =	shalt  }
0x50: {  	_ =	shalt  }
0x51: {  	_ =	shalt  }
0x52: {  	_ =	shalt  }
0x53: {  	_ =	shalt  }
0x54: {  	_ =	shalt  }
0x55: {  	_ =	shalt  }
0x56: {  	_ =	shalt  }
0x57: {  	_ =	shalt  }
0x58: {  	_ =	shalt  }
0x59: {  	_ =	shalt  }
0x5a: {  	_ =	shalt  }
0x5b: {  	_ =	shalt  }
0x5c: {  	_ =	shalt  }
0x5d: {  	_ =	shalt  }
0x5e: {  	_ =	shalt  }
0x5f: {  	_ =	shalt  }
0x60: {  	_ =	shalt  }
0x61: {  	_ =	shalt  }
0x62: {  	_ =	shalt  }
0x63: {  	_ =	shalt  }
0x64: {  	_ =	shalt  }
0x65: {  	_ =	shalt  }
0x66: {  	_ =	shalt  }
0x67: {  	_ =	shalt  }
0x68: {  	_ =	shalt  }
0x69: {  	_ =	shalt  }
0x6a: {  	_ =	shalt  }
0x6b: {  	_ =	shalt  }
0x6c: {  	_ =	shalt  }
0x6d: {  	_ =	shalt  }
0x6e: {  	_ =	shalt  }
0x6f: {  	_ =	shalt  }
0x70: {  	_ =	shalt  }
0x71: {  	_ =	shalt  }
0x72: {  	_ =	shalt  }
0x73: {  	_ =	shalt  }
0x74: {  	_ =	shalt  }
0x75: {  	_ =	shalt  }
0x76: {  	_ =	shalt  }
0x77: {  	_ =	shalt  }
0x78: {  	_ =	shalt  }
0x79: {  	_ =	shalt  }
0x7a: {  	_ =	shalt  }
0x7b: {  	_ =	shalt  }
0x7c: {  	_ =	shalt  }
0x7d: {  	_ =	shalt  }
0x7e: {  	_ =	shalt  }
0x7f: {  	_ =	shalt  }
0x80: {  	_ =	shalt  }
0x81: {  	_ =	shalt  }
0x82: {  	_ =	shalt  }
0x83: {  	_ =	shalt  }
0x84: {  	_ =	shalt  }
0x85: {  	_ =	shalt  }
0x86: {  	_ =	shalt  }
0x87: {  	_ =	shalt  }
.Lfunc_end0:
.L_simem_size_0:
called_computation.1_lowered:
.L_overlay_start_0:
0x88: {  	s2 =	sld [smem:$0x3FD9]  }
0x89: {  	s3 =	sld [smem:$0x3FFE];
	_ =	sdelay $0x1  }
0x8a: {  	s1 =	srdreg.scid  }
0x8b: {  	s0 =	sand.u32 $0x1, s1  }
0x8c: {  	s16 =	sshll.u32 s0, $0xA;
	s2 =	sadd.s32 s3, s2  }
0x8d: {  	s2 =	sadd.s32 s2, s16  }
0x8e: {  	[smem:$0x3FC2] =	sst s2  }
0x8f: {  	_ = 	snop  }
0x90: {  	(tm) =	ssettm $0x1  }
0x91: {  	s17 =	sld [smem:$0x3FFB];
	_ =	sdelay $0x3  }
0x92: {  	_ =	strace s17  }
0x93: {  	s2 =	sld [smem:$0x3FFC];
	_ =	sdelay $0x3  }
0x94: {  	_ =	strace s2  }
0x95: {  	s2 =	sld [smem:$0x3FFD];
	_ =	sdelay $0x3  }
0x96: {  	_ =	strace s2  }
0x97: {  	_ =	strace $0x8FFFFFFF  }
0x98: {  	s18 =	sld [smem:$0x3FDB];
	_ =	sdelay $0x1  }
0x99: {  	s19 =	simm.s32 $_scs_section_size  }
0x9a: {  	s4 =	simm.s32 $_size__tile_overlayer_lowered;
	s5 =	simm.s32 $_tile_overlayer_lowered  }
0x9b: {  	s22 =	simm.s32 $0x1BFF;
	s21 =	sshll.u32 s5, $0x1;
	s2 =	sadd.s32 s19, s18  }
0x9c: {  	s6 =	simm.s32 $0x0;
	s20 =	sshll.u32 s4, $0x1;
	s4 =	sadd.s32 s21, s2  }
0x9d: {  	[timem:s6], [sflag:s22] =	dma.local [hbm:s4], s20  }
0x9e: {  	_ =	swait.ge [sflag:s22], s20  }
0x9f: {  	s3 =	ssub.s32 $0x0, s20;
	[sflag:s22] =	ssyncset.done $0x0  }
0xa0: {  	[sflag:s22] =	ssyncadd.s32 s3;
	_ =	sdelay $0x1  }
0xa1: {  	s23 =	simm.s32 $0x1B8B  }
0xa2: {  	_ =	swait.ge [sflag:s23], $0x1  }
0xa3: {  	[sflag:s23] =	ssyncset.done $0x0  }
0xa4: {  	s25 =	simm.s32 $0x1B8E;
	s24 =	sld [smem:$0x3FFE];
	[sflag:s23] =	ssyncadd.s32 $0xFFFFFFFF  }
0xa5: {  	s26 =	simm.s32 $execute0_lowered;
	[smem:$0x3FD2] =	sst s25  }
0xa6: {  	s4 =	sshll.u32 s26, $0x1;
	_ =	strace $0x80000049;
	[dreg:$0x1] =	wrdreg $0xFFFFFFFF  }
0xa7: {  	s28 =	simm.s32 $_size_execute0_lowered;
	s2 =	sadd.s32 s2, s4;
	[dreg:$0x0] =	wrdreg $0x0  }
0xa8: {  	s4 =	sshll.u32 s28, $0x1;
	[dreg:$0x2] =	wrdreg s2  }
0xa9: {  	[dreg:$0x3] =	wrdreg s4  }
0xaa: {  	[dreg:$0x4] =	wrdreg $0xC0  }
0xab: {  	_ =	task [dreg:s6], $0x5FFFF  }
0xac: {  	[dreg:$0x1] =	wrdreg $0xFFFFFFFF  }
0xad: {  	[dreg:$0x0] =	wrdreg $0x60  }
0xae: {  	[dreg:$0x2] =	wrdreg s24  }
0xaf: {  	[dreg:$0x3] =	wrdreg $0x90000  }
0xb0: {  	[dreg:$0x4] =	wrdreg $0x9  }
0xb1: {  	_ =	task.clear_ibuf [dreg:s6], $0x5FFFF;
	_ =	strace $0x90000049  }
0xb2: {  	s29 =	simm.s32 $0x9;
	_ =	strace $0x8000004B  }
0xb3: {  	_ =	swait.ge [sflag:s29], $0x1  }
0xb4: {  	[sflag:s29] =	ssyncadd.s32 $0xFFFFFFFF  }
0xb5: {  	_ =	strace $0x9000004B  }
0xb6: {  	_ =	sfence  }
0xb7: {  	s30 =	sld [smem:$0x0];
	_ =	sdelay $0x2  }
0xb8: {  	s31 =	sshll.u32 s1, $0xD;
	s1 =	sshrl.u32 s1, $0x2  }
0xb9: {  	s3 =	sand.u32 $0x4000, s31;
	s1 =	sadd.s32 s1, s30  }
0xba: {  	s0 =	sor.u32 s3, s0;
	s1 =	sshll.u32 s1, $0x11  }
0xbb: {  	s0 =	sor.u32 s1, s0  }
0xbc: {  	s0 =	sadd.s32 $0x8F2B, s0  }
0xbd: {  	[sflag:s0] =	ssyncadd.remote.s32 $0x1  }
0xbe: {  	_ =	sfence.sel $0xFFFF  }
0xbf: {  	[dreg:$0x0] =	wrdreg $0xFFFFFFFF;
	(pc) =	sbr.abs _section_cstart, $3  }
0xc0: {  	[dreg:$0x1] =	wrdreg $0xFFFFFFFF  }
0xc1: {  	_ =	task.clear_ibuf [dreg:s6], $0x2FFFF;
	_ =	strace $0x9FFFFFFF  }
0xc2: {  	(tm) =	ssettm $0x7FFFFFFF  }
0xc3: {  	_ =	shalt  }
tec
execute0_lowered:
.L_overlay_start_1:
0x0: {  	(tag) =	ssettag $0x1  }
0x1: {  	s0 =	rddreg [dreg:$0x0]  }
0x2: {  	s2 =	rddreg [dreg:$0x1]  }
0x3: {  	s1 =	srdreg.scid;
	s7 =	stileid.u32  }
0x4: {  	s4 =	simm.s32 $0x0;
	s15 =	simm.s32 $0x5000;
	s16 =	simm.s32 $0xB  }
0x5: {  	s17 =	simm.s32 $0x9;
	s18 =	simm.s32 $0xA;
	s19 =	simm.s32 $0x80  }
0x6: {  	s20 =	simm.s32 $0x5800;
	s29 =	simm.s32 $0x7800;
	s31 =	simm.s32 $0x8000  }
0x7: {  	s14 =	simm.s32 $0x8800;
	s28 =	simm.s32 $0x4;
	s30 =	simm.s32 $0x6  }
0x8: {  	s1 =	sand.u32 $0x1, s1;
	s3 =	smul.u32 $0x2800, s7;
	[smem:$0x7FF] =	sst s4  }
0x9: {  	s4 =	sadd.s32 $0x16C00, s0;
	s21 =	sshll.u32 s1, $0x4;
	s5 =	smul.u32 $0x28000, s1  }
0xa: {  	_ =	strace $0x8000004A;
	s1 =	ssub.s32 $0x2, s1;
	s6 =	sor.u32 s7, s21  }
0xb: {  	s7 =	smul.u32 $0xA000, s7;
	s22 =	sshrl.u32 s1, $0x1;
	s21 =	simm.s32 $0x1  }
0xc: {  	s6 =	smul.u32 $0x500, s6;
	s5 =	sadd.s32 s3, s5;
	s1 =	ssub.s32 s1, s22  }
0xd: {  	s22 =	simm.s32 $0x6000;
	s5 =	sshrl.u32 s5, $0x3;
	s24 =	sshrl.u32 s7, $0x2  }
0xe: {  	s7 =	sadd.s32 s3, s2;
	s13 =	smax.u32 s1, $0x1;
	s1 =	simm.s32 $0x5  }
0xf: {  	s3 =	simm.s32 $0x8;
	s6 =	sadd.s32 s6, s0;
	s0 =	sadd.s32 s5, s0  }
0x10: {  	s25 =	sadd.s32 s24, s2;
	s24 =	simm.s32 $0x6800;
	s23 =	sadd.s32 $0x2C00, s6  }
0x11: {  	s6 =	sadd.s32 $0xCC00, s6;
	s5 =	sadd.s32 $0x800, s25;
	[dreg:$0x3] =	wrdreg s23  }
0x12: {  	s26 =	sadd.s32 $0x1000, s25;
	s10 =	sadd.s32 $0x1800, s25;
	[dreg:$0x4] =	wrdreg s6  }
0x13: {  	s11 =	sadd.s32 $0x2000, s25;
	s12 =	sadd.s32 $0x1BC00, s0;
	[dreg:$0x5] =	wrdreg s5  }
0x14: {  	s25 =	simm.s32 $0x3;
	s0 =	simm.s32 $0x7;
	[dreg:$0x6] =	wrdreg s26  }
0x15: {  	v0 =	vimm.f32 $0.0e+00;
	s26 =	simm.s32 $0x7000;
	s23 =	simm.s32 $0x2;
	s5 =	simm.s32 $0x0  }
.LBB2_1:
0x16: {  	s6 =	simm.s32 $0x0;
	s8 =	rddreg [dreg:$0x3]  }
0x17: {  	[tilespmem:s6], [sflag:$0x9] =	stream.linear.gather [hbm4b:s8+s6], $0x2800, $0x38;
	[tilespmem:$0xB800] =	vst v63  }
0x18: {  	s9 =	simm.s32 $0x2800;
	s8 =	rddreg [dreg:$0x4]  }
0x19: {  	[tilespmem:s9], [sflag:$0xA] =	stream.linear.gather [hbm4b:s8+s6], $0x2800, $0x38;
	[tilespmem:$0xB800] =	vst v63  }
0x1a: {  	s6 =	simm.s32 $0x40;
	s8 =	simm.s32 $0x0  }
.LBB2_2:
0x1b: {  	p0 =	sne.s32 s6, $0x1FC0;
	[tilespmem:s8+$0x5000] =	vst v0;
	s8 =	smov.u32 s6;
	s6 =	sadd.s32 $0x40, s6  }
.Ltmp0:
0x1c: {  	(pc) =	sbr.rel @p0 .LBB2_2-.Ltmp0, $2  }
0x1d: {  	_ =	sdelay $0x2  }
0x1e: {  	s8 =	sshra.s32 s8, $0x2  }
0x1f: {  	[tilespmem:s8+$0x5000] =	vst v0  }
0x20: {  	[spmem:s7] =	stream.linear.scatter [tilespmem:s15], [sflag:$0xB], $0x800, $0x38;
	[tilespmem:$0xB800] =	vst v63  }
0x21: {  	_ =	swait.ge [sflag:s16], $0x800  }
0x22: {  	[sflag:s16] =	ssyncset.done $0x0  }
0x23: {  	s6 =	rddreg [dreg:$0x5];
	[sflag:s16] =	ssyncadd.s32 $0xFFFFF800  }
0x24: {  	[spmem:s6] =	stream.linear.scatter [tilespmem:s15], [sflag:$0xB], $0x800, $0x38;
	[tilespmem:$0xB800] =	vst v63  }
0x25: {  	_ =	swait.ge [sflag:s16], $0x800  }
0x26: {  	[sflag:s16] =	ssyncset.done $0x0  }
0x27: {  	s9 =	rddreg [dreg:$0x6];
	[sflag:s16] =	ssyncadd.s32 $0xFFFFF800  }
0x28: {  	[spmem:s9] =	stream.linear.scatter [tilespmem:s15], [sflag:$0xB], $0x800, $0x38;
	[tilespmem:$0xB800] =	vst v63  }
0x29: {  	_ =	swait.ge [sflag:s16], $0x800  }
0x2a: {  	[sflag:s16] =	ssyncset.done $0x0  }
0x2b: {  	[sflag:s16] =	ssyncadd.s32 $0xFFFFF800  }
0x2c: {  	[spmem:s10] =	stream.linear.scatter [tilespmem:s15], [sflag:$0xB], $0x800, $0x38;
	[tilespmem:$0xB800] =	vst v63  }
0x2d: {  	_ =	swait.ge [sflag:s16], $0x800  }
0x2e: {  	[sflag:s16] =	ssyncset.done $0x0  }
0x2f: {  	[sflag:s16] =	ssyncadd.s32 $0xFFFFF800  }
0x30: {  	[spmem:s11] =	stream.linear.scatter [tilespmem:s15], [sflag:$0xB], $0x800, $0x38;
	[tilespmem:$0xB800] =	vst v63  }
0x31: {  	_ =	swait.ge [sflag:s16], $0x800  }
0x32: {  	[sflag:s16] =	ssyncset.done $0x0  }
0x33: {  	[sflag:s16] =	ssyncadd.s32 $0xFFFFF800  }
0x34: {  	_ =	swait.ge [sflag:s17], $0x2800  }
0x35: {  	[sflag:s17] =	ssyncset.done $0x0  }
0x36: {  	[sflag:s17] =	ssyncadd.s32 $0xFFFFD800  }
0x37: {  	_ =	swait.ge [sflag:s18], $0x2800  }
0x38: {  	[sflag:s18] =	ssyncset.done $0x0  }
0x39: {  	[sflag:s18] =	ssyncadd.s32 $0xFFFFD800  }
0x3a: {  	s8 =	simm.s32 $0x0;
	[bflag:$0x0] =	sbarrier.arrive $0xFFFF  }
0x3b: {  	[tilespmem:s15], [sflag:$0x1] =	stream.indirect.gather [hbm4b:s4+s19], $0x10, s8, s19, $0xb8;
	[tilespmem:$0xB800] =	vst v63  }
0x3c: {  	_ = 	snop  }
0x3d: {  	[tilespmem:s20], [sflag:$0x2] =	stream.indirect.gather [hbm4b:s4+s19], $0x10, s19, s19, $0xb8;
	[tilespmem:$0xB800] =	vst v63  }
0x3e: {  	s9 =	simm.s32 $0x100  }
0x3f: {  	[tilespmem:s22], [sflag:$0x3] =	stream.indirect.gather [hbm4b:s4+s19], $0x10, s9, s19, $0xb8;
	[tilespmem:$0xB800] =	vst v63  }
0x40: {  	s8 =	simm.s32 $0x180  }
0x41: {  	[tilespmem:s24], [sflag:$0x4] =	stream.indirect.gather [hbm4b:s4+s19], $0x10, s8, s19, $0xb8;
	[tilespmem:$0xB800] =	vst v63  }
0x42: {  	s9 =	simm.s32 $0x200  }
0x43: {  	[tilespmem:s26], [sflag:$0x5] =	stream.indirect.gather [hbm4b:s4+s19], $0x10, s9, s19, $0xb8;
	[tilespmem:$0xB800] =	vst v63  }
0x44: {  	s8 =	simm.s32 $0x280  }
0x45: {  	[tilespmem:s29], [sflag:$0x6] =	stream.indirect.gather [hbm4b:s4+s19], $0x10, s8, s19, $0xb8;
	[tilespmem:$0xB800] =	vst v63  }
0x46: {  	s9 =	simm.s32 $0x300  }
0x47: {  	[tilespmem:s31], [sflag:$0x7] =	stream.indirect.gather [hbm4b:s4+s19], $0x10, s9, s19, $0xb8;
	[tilespmem:$0xB800] =	vst v63  }
0x48: {  	s8 =	simm.s32 $0x380  }
0x49: {  	[tilespmem:s14], [sflag:$0x8] =	stream.indirect.gather [hbm4b:s4+s19], $0x10, s8, s19, $0xb8;
	[tilespmem:$0xB800] =	vst v63  }
0x4a: {  	_ =	swait.ge [sflag:s21], $0x800  }
0x4b: {  	[sflag:s21] =	ssyncset.done $0x0  }
0x4c: {  	s9 =	simm.s32 $0x2800;
	[sflag:s21] =	ssyncadd.s32 $0xFFFFF800  }
0x4d: {  	[spmem:s2] =	stream.indirect.scatter.add.f32 [tilespmem:s15], [sflag:$0xB], $0x10, s9, s19, $0xb8;
	[tilespmem:$0xB800] =	vst v63  }
0x4e: {  	_ =	swait.ge [sflag:s16], $0x800  }
0x4f: {  	[sflag:s16] =	ssyncset.done $0x0  }
0x50: {  	s8 =	simm.s32 $0x400;
	[sflag:s16] =	ssyncadd.s32 $0xFFFFF800  }
0x51: {  	[tilespmem:s15], [sflag:$0x1] =	stream.indirect.gather [hbm4b:s4+s19], $0x10, s8, s19, $0xb8;
	[tilespmem:$0xB800] =	vst v63  }
0x52: {  	_ =	swait.ge [sflag:s23], $0x800  }
0x53: {  	[sflag:s23] =	ssyncset.done $0x0  }
0x54: {  	s9 =	simm.s32 $0x2880;
	[sflag:s23] =	ssyncadd.s32 $0xFFFFF800  }
0x55: {  	[spmem:s2] =	stream.indirect.scatter.add.f32 [tilespmem:s20], [sflag:$0xB], $0x10, s9, s19, $0xb8;
	[tilespmem:$0xB800] =	vst v63  }
0x56: {  	_ =	swait.ge [sflag:s16], $0x800  }
0x57: {  	[sflag:s16] =	ssyncset.done $0x0  }
0x58: {  	s8 =	simm.s32 $0x480;
	[sflag:s16] =	ssyncadd.s32 $0xFFFFF800  }
0x59: {  	[tilespmem:s20], [sflag:$0x2] =	stream.indirect.gather [hbm4b:s4+s19], $0x10, s8, s19, $0xb8;
	[tilespmem:$0xB800] =	vst v63  }
0x5a: {  	_ =	swait.ge [sflag:s25], $0x800  }
0x5b: {  	[sflag:s25] =	ssyncset.done $0x0  }
0x5c: {  	s9 =	simm.s32 $0x2900;
	[sflag:s25] =	ssyncadd.s32 $0xFFFFF800  }
0x5d: {  	[spmem:s2] =	stream.indirect.scatter.add.f32 [tilespmem:s22], [sflag:$0xB], $0x10, s9, s19, $0xb8;
	[tilespmem:$0xB800] =	vst v63  }
0x5e: {  	_ =	swait.ge [sflag:s16], $0x800  }
0x5f: {  	[sflag:s16] =	ssyncset.done $0x0  }
0x60: {  	s8 =	simm.s32 $0x500;
	[sflag:s16] =	ssyncadd.s32 $0xFFFFF800  }
0x61: {  	[tilespmem:s22], [sflag:$0x3] =	stream.indirect.gather [hbm4b:s4+s19], $0x10, s8, s19, $0xb8;
	[tilespmem:$0xB800] =	vst v63  }
0x62: {  	_ =	swait.ge [sflag:s28], $0x800  }
0x63: {  	[sflag:s28] =	ssyncset.done $0x0  }
0x64: {  	s9 =	simm.s32 $0x2980;
	[sflag:s28] =	ssyncadd.s32 $0xFFFFF800  }
0x65: {  	[spmem:s2] =	stream.indirect.scatter.add.f32 [tilespmem:s24], [sflag:$0xB], $0x10, s9, s19, $0xb8;
	[tilespmem:$0xB800] =	vst v63  }
0x66: {  	_ =	swait.ge [sflag:s16], $0x800  }
0x67: {  	[sflag:s16] =	ssyncset.done $0x0  }
0x68: {  	s8 =	simm.s32 $0x580;
	[sflag:s16] =	ssyncadd.s32 $0xFFFFF800  }
0x69: {  	[tilespmem:s24], [sflag:$0x4] =	stream.indirect.gather [hbm4b:s4+s19], $0x10, s8, s19, $0xb8;
	[tilespmem:$0xB800] =	vst v63  }
0x6a: {  	_ =	swait.ge [sflag:s1], $0x800  }
0x6b: {  	[sflag:s1] =	ssyncset.done $0x0  }
0x6c: {  	s9 =	simm.s32 $0x2A00;
	[sflag:s1] =	ssyncadd.s32 $0xFFFFF800  }
0x6d: {  	[spmem:s2] =	stream.indirect.scatter.add.f32 [tilespmem:s26], [sflag:$0xB], $0x10, s9, s19, $0xb8;
	[tilespmem:$0xB800] =	vst v63  }
0x6e: {  	_ =	swait.ge [sflag:s16], $0x800  }
0x6f: {  	[sflag:s16] =	ssyncset.done $0x0  }
0x70: {  	s8 =	simm.s32 $0x600;
	[sflag:s16] =	ssyncadd.s32 $0xFFFFF800  }
0x71: {  	[tilespmem:s26], [sflag:$0x5] =	stream.indirect.gather [hbm4b:s4+s19], $0x10, s8, s19, $0xb8;
	[tilespmem:$0xB800] =	vst v63  }
0x72: {  	_ =	swait.ge [sflag:s30], $0x800  }
0x73: {  	[sflag:s30] =	ssyncset.done $0x0  }
0x74: {  	s9 =	simm.s32 $0x2A80;
	[sflag:s30] =	ssyncadd.s32 $0xFFFFF800  }
0x75: {  	[spmem:s2] =	stream.indirect.scatter.add.f32 [tilespmem:s29], [sflag:$0xB], $0x10, s9, s19, $0xb8;
	[tilespmem:$0xB800] =	vst v63  }
0x76: {  	_ =	swait.ge [sflag:s16], $0x800  }
0x77: {  	[sflag:s16] =	ssyncset.done $0x0  }
0x78: {  	s8 =	simm.s32 $0x680;
	[sflag:s16] =	ssyncadd.s32 $0xFFFFF800  }
0x79: {  	[tilespmem:s29], [sflag:$0x6] =	stream.indirect.gather [hbm4b:s4+s19], $0x10, s8, s19, $0xb8;
	[tilespmem:$0xB800] =	vst v63  }
0x7a: {  	_ =	swait.ge [sflag:s0], $0x800  }
0x7b: {  	[sflag:s0] =	ssyncset.done $0x0  }
0x7c: {  	s9 =	simm.s32 $0x2B00;
	[sflag:s0] =	ssyncadd.s32 $0xFFFFF800  }
0x7d: {  	[spmem:s2] =	stream.indirect.scatter.add.f32 [tilespmem:s31], [sflag:$0xB], $0x10, s9, s19, $0xb8;
	[tilespmem:$0xB800] =	vst v63  }
0x7e: {  	_ =	swait.ge [sflag:s16], $0x800  }
0x7f: {  	[sflag:s16] =	ssyncset.done $0x0  }
0x80: {  	s8 =	simm.s32 $0x700;
	[sflag:s16] =	ssyncadd.s32 $0xFFFFF800  }
0x81: {  	[tilespmem:s31], [sflag:$0x7] =	stream.indirect.gather [hbm4b:s4+s19], $0x10, s8, s19, $0xb8;
	[tilespmem:$0xB800] =	vst v63  }
0x82: {  	_ =	swait.ge [sflag:s3], $0x800  }
0x83: {  	[sflag:s3] =	ssyncset.done $0x0  }
0x84: {  	s9 =	simm.s32 $0x2B80;
	[sflag:s3] =	ssyncadd.s32 $0xFFFFF800  }
0x85: {  	[spmem:s2] =	stream.indirect.scatter.add.f32 [tilespmem:s14], [sflag:$0xB], $0x10, s9, s19, $0xb8;
	[tilespmem:$0xB800] =	vst v63  }
0x86: {  	_ =	swait.ge [sflag:s16], $0x800  }
0x87: {  	[sflag:s16] =	ssyncset.done $0x0  }
0x88: {  	s6 =	simm.s32 $0x1000;
	s8 =	simm.s32 $0x780;
	[sflag:s16] =	ssyncadd.s32 $0xFFFFF800  }
.LBB2_4:
0x89: {  	[tilespmem:s14], [sflag:$0x8] =	stream.indirect.gather [hbm4b:s4+s19], $0x10, s8, s19, $0xb8;
	[tilespmem:$0xB800] =	vst v63  }
0x8a: {  	s8 =	smov.u32 s6  }
0x8b: {  	p0 =	sne.s32 s6, $0x8000;
	s6 =	sadd.s32 $0x1000, s6;
	_ =	swait.ge [sflag:s21], $0x800  }
0x8c: {  	s8 =	sshra.s32 s8, $0x2;
	[sflag:s21] =	ssyncset.done $0x0  }
0x8d: {  	s9 =	sadd.s32 $0x2800, s8;
	[sflag:s21] =	ssyncadd.s32 $0xFFFFF800  }
0x8e: {  	[spmem:s2] =	stream.indirect.scatter.add.f32 [tilespmem:s15], [sflag:$0xB], $0x10, s9, s19, $0xb8;
	[tilespmem:$0xB800] =	vst v63  }
0x8f: {  	_ =	swait.ge [sflag:s16], $0x800  }
0x90: {  	[sflag:s16] =	ssyncset.done $0x0  }
0x91: {  	s9 =	sadd.s32 $0x400, s8;
	[sflag:s16] =	ssyncadd.s32 $0xFFFFF800  }
0x92: {  	[tilespmem:s15], [sflag:$0x1] =	stream.indirect.gather [hbm4b:s4+s19], $0x10, s9, s19, $0xb8;
	[tilespmem:$0xB800] =	vst v63  }
0x93: {  	_ =	swait.ge [sflag:s23], $0x800  }
0x94: {  	[sflag:s23] =	ssyncset.done $0x0  }
0x95: {  	s9 =	sadd.s32 $0x2880, s8;
	[sflag:s23] =	ssyncadd.s32 $0xFFFFF800  }
0x96: {  	[spmem:s2] =	stream.indirect.scatter.add.f32 [tilespmem:s20], [sflag:$0xB], $0x10, s9, s19, $0xb8;
	[tilespmem:$0xB800] =	vst v63  }
0x97: {  	_ =	swait.ge [sflag:s16], $0x800  }
0x98: {  	[sflag:s16] =	ssyncset.done $0x0  }
0x99: {  	s9 =	sadd.s32 $0x480, s8;
	[sflag:s16] =	ssyncadd.s32 $0xFFFFF800  }
0x9a: {  	[tilespmem:s20], [sflag:$0x2] =	stream.indirect.gather [hbm4b:s4+s19], $0x10, s9, s19, $0xb8;
	[tilespmem:$0xB800] =	vst v63  }
0x9b: {  	_ =	swait.ge [sflag:s25], $0x800  }
0x9c: {  	[sflag:s25] =	ssyncset.done $0x0  }
0x9d: {  	s9 =	sadd.s32 $0x2900, s8;
	[sflag:s25] =	ssyncadd.s32 $0xFFFFF800  }
0x9e: {  	[spmem:s2] =	stream.indirect.scatter.add.f32 [tilespmem:s22], [sflag:$0xB], $0x10, s9, s19, $0xb8;
	[tilespmem:$0xB800] =	vst v63  }
0x9f: {  	_ =	swait.ge [sflag:s16], $0x800  }
0xa0: {  	[sflag:s16] =	ssyncset.done $0x0  }
0xa1: {  	s9 =	sadd.s32 $0x500, s8;
	[sflag:s16] =	ssyncadd.s32 $0xFFFFF800  }
0xa2: {  	[tilespmem:s22], [sflag:$0x3] =	stream.indirect.gather [hbm4b:s4+s19], $0x10, s9, s19, $0xb8;
	[tilespmem:$0xB800] =	vst v63  }
0xa3: {  	_ =	swait.ge [sflag:s28], $0x800  }
0xa4: {  	[sflag:s28] =	ssyncset.done $0x0  }
0xa5: {  	s9 =	sadd.s32 $0x2980, s8;
	[sflag:s28] =	ssyncadd.s32 $0xFFFFF800  }
0xa6: {  	[spmem:s2] =	stream.indirect.scatter.add.f32 [tilespmem:s24], [sflag:$0xB], $0x10, s9, s19, $0xb8;
	[tilespmem:$0xB800] =	vst v63  }
0xa7: {  	_ =	swait.ge [sflag:s16], $0x800  }
0xa8: {  	[sflag:s16] =	ssyncset.done $0x0  }
0xa9: {  	s9 =	sadd.s32 $0x580, s8;
	[sflag:s16] =	ssyncadd.s32 $0xFFFFF800  }
0xaa: {  	[tilespmem:s24], [sflag:$0x4] =	stream.indirect.gather [hbm4b:s4+s19], $0x10, s9, s19, $0xb8;
	[tilespmem:$0xB800] =	vst v63  }
0xab: {  	_ =	swait.ge [sflag:s1], $0x800  }
0xac: {  	[sflag:s1] =	ssyncset.done $0x0  }
0xad: {  	s9 =	sadd.s32 $0x2A00, s8;
	[sflag:s1] =	ssyncadd.s32 $0xFFFFF800  }
0xae: {  	[spmem:s2] =	stream.indirect.scatter.add.f32 [tilespmem:s26], [sflag:$0xB], $0x10, s9, s19, $0xb8;
	[tilespmem:$0xB800] =	vst v63  }
0xaf: {  	_ =	swait.ge [sflag:s16], $0x800  }
0xb0: {  	[sflag:s16] =	ssyncset.done $0x0  }
0xb1: {  	s9 =	sadd.s32 $0x600, s8;
	[sflag:s16] =	ssyncadd.s32 $0xFFFFF800  }
0xb2: {  	[tilespmem:s26], [sflag:$0x5] =	stream.indirect.gather [hbm4b:s4+s19], $0x10, s9, s19, $0xb8;
	[tilespmem:$0xB800] =	vst v63  }
0xb3: {  	_ =	swait.ge [sflag:s30], $0x800  }
0xb4: {  	[sflag:s30] =	ssyncset.done $0x0  }
0xb5: {  	s9 =	sadd.s32 $0x2A80, s8;
	[sflag:s30] =	ssyncadd.s32 $0xFFFFF800  }
0xb6: {  	[spmem:s2] =	stream.indirect.scatter.add.f32 [tilespmem:s29], [sflag:$0xB], $0x10, s9, s19, $0xb8;
	[tilespmem:$0xB800] =	vst v63  }
0xb7: {  	_ =	swait.ge [sflag:s16], $0x800  }
0xb8: {  	[sflag:s16] =	ssyncset.done $0x0  }
0xb9: {  	s9 =	sadd.s32 $0x680, s8;
	[sflag:s16] =	ssyncadd.s32 $0xFFFFF800  }
0xba: {  	[tilespmem:s29], [sflag:$0x6] =	stream.indirect.gather [hbm4b:s4+s19], $0x10, s9, s19, $0xb8;
	[tilespmem:$0xB800] =	vst v63  }
0xbb: {  	_ =	swait.ge [sflag:s0], $0x800  }
0xbc: {  	[sflag:s0] =	ssyncset.done $0x0  }
0xbd: {  	s9 =	sadd.s32 $0x2B00, s8;
	[sflag:s0] =	ssyncadd.s32 $0xFFFFF800  }
0xbe: {  	[spmem:s2] =	stream.indirect.scatter.add.f32 [tilespmem:s31], [sflag:$0xB], $0x10, s9, s19, $0xb8;
	[tilespmem:$0xB800] =	vst v63  }
0xbf: {  	_ =	swait.ge [sflag:s16], $0x800  }
0xc0: {  	[sflag:s16] =	ssyncset.done $0x0  }
0xc1: {  	s9 =	sadd.s32 $0x700, s8;
	[sflag:s16] =	ssyncadd.s32 $0xFFFFF800  }
0xc2: {  	[tilespmem:s31], [sflag:$0x7] =	stream.indirect.gather [hbm4b:s4+s19], $0x10, s9, s19, $0xb8;
	[tilespmem:$0xB800] =	vst v63  }
0xc3: {  	_ =	swait.ge [sflag:s3], $0x800  }
0xc4: {  	[sflag:s3] =	ssyncset.done $0x0  }
.Ltmp1:
0xc5: {  	s9 =	sadd.s32 $0x2B80, s8;
	[sflag:s3] =	ssyncadd.s32 $0xFFFFF800;
	(pc) =	sbr.rel @p0 .LBB2_4-.Ltmp1, $4  }
0xc6: {  	[spmem:s2] =	stream.indirect.scatter.add.f32 [tilespmem:s14], [sflag:$0xB], $0x10, s9, s19, $0xb8;
	[tilespmem:$0xB800] =	vst v63  }
0xc7: {  	_ =	swait.ge [sflag:s16], $0x800  }
0xc8: {  	[sflag:s16] =	ssyncset.done $0x0  }
0xc9: {  	s8 =	sadd.s32 $0x780, s8;
	[sflag:s16] =	ssyncadd.s32 $0xFFFFF800  }
0xca: {  	[tilespmem:s14], [sflag:$0x8] =	stream.indirect.gather [hbm4b:s4+s19], $0x10, s8, s19, $0xb8;
	[tilespmem:$0xB800] =	vst v63  }
0xcb: {  	_ =	swait.ge [sflag:s21], $0x800  }
0xcc: {  	[sflag:s21] =	ssyncset.done $0x0  }
0xcd: {  	s6 =	simm.s32 $0x4C00;
	[sflag:s21] =	ssyncadd.s32 $0xFFFFF800  }
0xce: {  	[spmem:s2] =	stream.indirect.scatter.add.f32 [tilespmem:s15], [sflag:$0xB], $0x10, s6, s19, $0xb8;
	[tilespmem:$0xB800] =	vst v63  }
0xcf: {  	_ =	swait.ge [sflag:s16], $0x800  }
0xd0: {  	[sflag:s16] =	ssyncset.done $0x0  }
0xd1: {  	[sflag:s16] =	ssyncadd.s32 $0xFFFFF800  }
0xd2: {  	_ =	swait.ge [sflag:s23], $0x800  }
0xd3: {  	[sflag:s23] =	ssyncset.done $0x0  }
0xd4: {  	s9 =	simm.s32 $0x4C80;
	[sflag:s23] =	ssyncadd.s32 $0xFFFFF800  }
0xd5: {  	[spmem:s2] =	stream.indirect.scatter.add.f32 [tilespmem:s20], [sflag:$0xB], $0x10, s9, s19, $0xb8;
	[tilespmem:$0xB800] =	vst v63  }
0xd6: {  	_ =	swait.ge [sflag:s16], $0x800  }
0xd7: {  	[sflag:s16] =	ssyncset.done $0x0  }
0xd8: {  	[sflag:s16] =	ssyncadd.s32 $0xFFFFF800  }
0xd9: {  	_ =	swait.ge [sflag:s25], $0x800  }
0xda: {  	[sflag:s25] =	ssyncset.done $0x0  }
0xdb: {  	s8 =	simm.s32 $0x4D00;
	[sflag:s25] =	ssyncadd.s32 $0xFFFFF800  }
0xdc: {  	[spmem:s2] =	stream.indirect.scatter.add.f32 [tilespmem:s22], [sflag:$0xB], $0x10, s8, s19, $0xb8;
	[tilespmem:$0xB800] =	vst v63  }
0xdd: {  	_ =	swait.ge [sflag:s16], $0x800  }
0xde: {  	[sflag:s16] =	ssyncset.done $0x0  }
0xdf: {  	[sflag:s16] =	ssyncadd.s32 $0xFFFFF800  }
0xe0: {  	_ =	swait.ge [sflag:s28], $0x800  }
0xe1: {  	[sflag:s28] =	ssyncset.done $0x0  }
0xe2: {  	s9 =	simm.s32 $0x4D80;
	[sflag:s28] =	ssyncadd.s32 $0xFFFFF800  }
0xe3: {  	[spmem:s2] =	stream.indirect.scatter.add.f32 [tilespmem:s24], [sflag:$0xB], $0x10, s9, s19, $0xb8;
	[tilespmem:$0xB800] =	vst v63  }
0xe4: {  	_ =	swait.ge [sflag:s16], $0x800  }
0xe5: {  	[sflag:s16] =	ssyncset.done $0x0  }
0xe6: {  	[sflag:s16] =	ssyncadd.s32 $0xFFFFF800  }
0xe7: {  	_ =	swait.ge [sflag:s1], $0x800  }
0xe8: {  	[sflag:s1] =	ssyncset.done $0x0  }
0xe9: {  	s8 =	simm.s32 $0x4E00;
	[sflag:s1] =	ssyncadd.s32 $0xFFFFF800  }
0xea: {  	[spmem:s2] =	stream.indirect.scatter.add.f32 [tilespmem:s26], [sflag:$0xB], $0x10, s8, s19, $0xb8;
	[tilespmem:$0xB800] =	vst v63  }
0xeb: {  	_ =	swait.ge [sflag:s16], $0x800  }
0xec: {  	[sflag:s16] =	ssyncset.done $0x0  }
0xed: {  	[sflag:s16] =	ssyncadd.s32 $0xFFFFF800  }
0xee: {  	_ =	swait.ge [sflag:s30], $0x800  }
0xef: {  	[sflag:s30] =	ssyncset.done $0x0  }
0xf0: {  	s9 =	simm.s32 $0x4E80;
	[sflag:s30] =	ssyncadd.s32 $0xFFFFF800  }
0xf1: {  	[spmem:s2] =	stream.indirect.scatter.add.f32 [tilespmem:s29], [sflag:$0xB], $0x10, s9, s19, $0xb8;
	[tilespmem:$0xB800] =	vst v63  }
0xf2: {  	_ =	swait.ge [sflag:s16], $0x800  }
0xf3: {  	[sflag:s16] =	ssyncset.done $0x0  }
0xf4: {  	[sflag:s16] =	ssyncadd.s32 $0xFFFFF800  }
0xf5: {  	_ =	swait.ge [sflag:s0], $0x800  }
0xf6: {  	[sflag:s0] =	ssyncset.done $0x0  }
0xf7: {  	s8 =	simm.s32 $0x4F00;
	[sflag:s0] =	ssyncadd.s32 $0xFFFFF800  }
0xf8: {  	[spmem:s2] =	stream.indirect.scatter.add.f32 [tilespmem:s31], [sflag:$0xB], $0x10, s8, s19, $0xb8;
	[tilespmem:$0xB800] =	vst v63  }
0xf9: {  	_ =	swait.ge [sflag:s16], $0x800  }
0xfa: {  	[sflag:s16] =	ssyncset.done $0x0  }
0xfb: {  	[sflag:s16] =	ssyncadd.s32 $0xFFFFF800  }
0xfc: {  	_ =	swait.ge [sflag:s3], $0x800  }
0xfd: {  	[sflag:s3] =	ssyncset.done $0x0  }
0xfe: {  	s9 =	simm.s32 $0x4F80;
	[sflag:s3] =	ssyncadd.s32 $0xFFFFF800  }
0xff: {  	[spmem:s2] =	stream.indirect.scatter.add.f32 [tilespmem:s14], [sflag:$0xB], $0x10, s9, s19, $0xb8;
	[tilespmem:$0xB800] =	vst v63  }
0x100: {  	s8 =	stileid.u32;
	_ =	swait.ge [sflag:s16], $0x800  }
0x101: {  	s5 =	sadd.s32 $0x1, s5;
	s6 =	sshll.u32 s8, $0x6;
	[sflag:s16] =	ssyncset.done $0x0  }
0x102: {  	p0 =	sne.s32 s5, s13;
	s6 =	sor.u32 $0x1C0B, s6;
	[sflag:s16] =	ssyncadd.s32 $0xFFFFF800  }
.Ltmp2:
0x103: {  	s9 =	sshrl.u32 s7, $0x3;
	[bflag:$0x0] =	sbarrier.arrive $0xFFFF;
	(pc) =	sbr.rel @p0 .LBB2_1-.Ltmp2, $4  }
0x104: {  	[hbm:s12], [sflag:s6] =	dma.local [spmem:s9], $0x500  }
0x105: {  	_ =	swait.ge [sflag:s16], $0x500  }
0x106: {  	[sflag:s16] =	ssyncset.done $0x0  }
0x107: {  	[sflag:s16] =	ssyncadd.s32 $0xFFFFFB00  }
0x108: {  	_ =	sfence.sel $0x180000  }
0x109: {  	[bflag:$0x0] =	sbarrier.arrive $0xFFFF  }
0x10a: {  	_ =	strace $0x9000004A  }
0x10b: {  	s0 =	stileid.u32;
	[bflag:$0x2] =	sbarrier.arrive $0xFFFF  }
0x10c: {  	p0 =	sne.s32 s0, $0x0;
	s0 =	rddreg [dreg:$0x2]  }
0x10d: {  	s0 =	sadd.s32 @!p0 $0x100000, s0  }
0x10e: {  	[sflag:s0] =	ssyncadd.tile.s32 @!p0 $0x1;
	_ =	shalt  }
.Lfunc_end2:
_tile_overlayer_lowered:
.L_overlay_start_2:
0x10f: {  	(tag) =	ssettag $0x2  }
0x110: {  	s0 =	rddreg [dreg:$0x0];
	s2 =	stileid.u32  }
0x111: {  	s1 =	rddreg [dreg:$0x1];
	p0 =	sne.s32 s2, $0x0  }
0x112: {  	s3 =	rddreg [dreg:$0x2];
	[bflag:$0x3] =	sbarrier.arrive $0xFFFF;
	s2 =	simm.s32 @!p0 $0x1C0B  }
0x113: {  	[timem:s3], [sflag:s2] =	dma.local @!p0 [hbm:s0], s1  }
0x114: {  	s0 =	simm.s32 @!p0 $0xB  }
0x115: {  	_ =	swait.ge @!p0 [sflag:s0], s1  }
0x116: {  	s1 =	ssub.s32 @!p0 $0x0, s1;
	[sflag:s0] =	ssyncset.done @!p0 $0x0  }
0x117: {  	[sflag:s0] =	ssyncadd.s32 @!p0 s1  }
0x118: {  	[bflag:$0x3] =	sbarrier.arrive $0xFFFF  }
0x119: {  	_ =	shalt  }

// kernel: kernel.14.cloned.1.call-start
scs
__scs_entry_jumppad:
0x0: {  	(pc) =	sbr.rel $0x88, $3  }
0x1: {  	(tag) =	ssettag $0x0;
	lr =	simm.s32 $0x1  }
0x2: {  	[smem:$0x3F9B] =	sst lr;
	_ =	strace $0xD0000000  }
0x3: {  	_ = 	snop  }
0x4: {  	_ = 	snop  }
0x5: {  	_ = 	snop  }
0x6: {  	_ = 	snop  }
0x7: {  	_ = 	snop  }
__scs_overlays_trampoline_lowered:
0x8: {  	[smem:$0x3FAA] =	sst s0  }
0x9: {  	[smem:$0x3FAB] =	sst s1  }
0xa: {  	[smem:$0x3FAC] =	sst s2  }
0xb: {  	[smem:$0x3FAD] =	sst s3  }
0xc: {  	[smem:$0x3FAE] =	sst s4  }
0xd: {  	[smem:$0x3FAF] =	sst s5  }
0xe: {  	[smem:$0x3FB0] =	sst s6  }
0xf: {  	[smem:$0x3FB1] =	sst s7  }
0x10: {  	[smem:$0x3FB2] =	sst s8  }
0x11: {  	[smem:$0x3FB3] =	sst s9;
	s0 =	simm.s32 @!p0 $0x0  }
0x12: {  	s1 =	sld [smem:$0x3F99];
	s0 =	simm.s32 @p0 $0x1  }
0x13: {  	[smem:$0x3FB4] =	sst s0;
	s0 =	simm.s32 @!p1 $0x0  }
0x14: {  	s2 =	sld [smem:$0x3F98];
	s0 =	simm.s32 @p1 $0x1  }
0x15: {  	[smem:$0x3FB5] =	sst s0;
	s0 =	simm.s32 @!p2 $0x0  }
0x16: {  	s3 =	sld [smem:$0x3FDB];
	s0 =	simm.s32 @p2 $0x1  }
0x17: {  	s4 =	simm.s32 $0x1BF5;
	[smem:$0x3FB7] =	sst s0  }
0x18: {  	s0 =	sld [smem:$0x3F9A];
	_ =	swait.ge [sflag:s4], $0x0  }
0x19: {  	s7 =	sld [smem:$0x3F9B]  }
0x1a: {  	s8 =	sadd.s32 $0xFFFFE003, lr  }
0x1b: {  	s9 =	sadd.s32 $0xFFFFFEF7, lr;
	s5 =	simm.s32 $0xFFFFFFFF;
	p2 =	slt.u32 s8, $0xFFFFF086  }
0x1c: {  	p1 =	slt.u32 s9, $0xF7A;
	s5 =	simm.s32 @!p2 $0x0  }
0x1d: {  	s5 =	simm.s32 @p1 $0x1;
	p0 =	seq.s32 s7, s2  }
0x1e: {  	s7 =	smul.u32 @!p0 $0xF7A, s2;
	p2 =	seq.s32 @!p0 s5, $0x0  }
0x1f: {  	s9 =	smul.u32 $0xF7A, s1;
	s8 =	simm.s32 @!p0 $0x1BF5;
	p2 =	por !p2, p0  }
0x20: {  	[sflag:s8] =	ssyncset.s32 @!p0 $0xFFFFF086;
	s6 =	sadd.s32 @!p0 s3, s7;
	s7 =	simm.s32 @!p0 $0x108  }
0x21: {  	s3 =	sadd.s32 s3, s9;
	s6 =	sadd.s32 @!p0 $0x88, s6;
	s7 =	simm.s32 @p2 $0x1082  }
0x22: {  	[simem:s7], [sflag:s8] =	dma.local @!p0 [hbm:s6], $0xF7A  }
0x23: {  	s9 =	sor.u32 $0xD0000000, s2;
	s6 =	simm.s32 $0x108;
	_ =	swait.ge @!p0 [sflag:s8], $0x0  }
0x24: {  	s3 =	sadd.s32 $0x88, s3;
	s6 =	simm.s32 @!p1 $0x1082;
	[sflag:s4] =	ssyncset.s32 $0xFFFFF086  }
0x25: {  	[simem:s6], [sflag:s4] =	dma.local [hbm:s3], $0xF7A  }
0x26: {  	[smem:$0x3F9B] =	sst s1;
	(tag) =	ssettag s2;
	_ =	strace s9  }
0x27: {  	s1 =	sld [smem:$0x3FAB]  }
0x28: {  	s2 =	sld [smem:$0x3FAC]  }
0x29: {  	s4 =	sld [smem:$0x3FAE]  }
0x2a: {  	p0 =	seq.s32 s5, $0x0;
	s5 =	sld [smem:$0x3FAF]  }
0x2b: {  	s6 =	sld [smem:$0x3FB0]  }
0x2c: {  	s7 =	sld [smem:$0x3FB1]  }
0x2d: {  	s3 =	simm.s32 $0x108;
	s8 =	sld [smem:$0x3FB2]  }
0x2e: {  	s3 =	simm.s32 @!p0 $0x1082;
	s9 =	sld [smem:$0x3FB3]  }
0x2f: {  	lr =	sadd.s32 s0, s3;
	s0 =	sld [smem:$0x3FAA]  }
0x30: {  	s3 =	sld [smem:$0x3FAD]  }
0x31: {  	[smem:$0x3FB6] =	sst s10  }
0x32: {  	s10 =	sld [smem:$0x3FB4];
	_ =	sdelay $0x3  }
0x33: {  	p0 =	seq.s32 s10, $0x1;
	s10 =	sld [smem:$0x3FB6];
	_ =	sdelay $0x3  }
0x34: {  	[smem:$0x3FB6] =	sst s10  }
0x35: {  	s10 =	sld [smem:$0x3FB5];
	_ =	sdelay $0x3  }
0x36: {  	p1 =	seq.s32 s10, $0x1;
	s10 =	sld [smem:$0x3FB6];
	_ =	sdelay $0x3  }
0x37: {  	[smem:$0x3FB6] =	sst s10  }
0x38: {  	s10 =	sld [smem:$0x3FB7]  }
0x39: {  	_ = 	snop;
	(pc) =	sbr.ind lr, $3  }
0x3a: {  	_ = 	snop  }
0x3b: {  	_ = 	snop  }
0x3c: {  	p2 =	seq.s32 s10, $0x1;
	s10 =	sld [smem:$0x3FB6]  }
0x3d: {  	_ =	shalt  }
0x3e: {  	_ =	shalt  }
0x3f: {  	_ =	shalt  }
0x40: {  	_ =	shalt  }
0x41: {  	_ =	shalt  }
0x42: {  	_ =	shalt  }
0x43: {  	_ =	shalt  }
0x44: {  	_ =	shalt  }
0x45: {  	_ =	shalt  }
0x46: {  	_ =	shalt  }
0x47: {  	_ =	shalt  }
0x48: {  	_ =	shalt  }
0x49: {  	_ =	shalt  }
0x4a: {  	_ =	shalt  }
0x4b: {  	_ =	shalt  }
0x4c: {  	_ =	shalt  }
0x4d: {  	_ =	shalt  }
0x4e: {  	_ =	shalt  }
0x4f: {  	_ =	shalt  }
0x50: {  	_ =	shalt  }
0x51: {  	_ =	shalt  }
0x52: {  	_ =	shalt  }
0x53: {  	_ =	shalt  }
0x54: {  	_ =	shalt  }
0x55: {  	_ =	shalt  }
0x56: {  	_ =	shalt  }
0x57: {  	_ =	shalt  }
0x58: {  	_ =	shalt  }
0x59: {  	_ =	shalt  }
0x5a: {  	_ =	shalt  }
0x5b: {  	_ =	shalt  }
0x5c: {  	_ =	shalt  }
0x5d: {  	_ =	shalt  }
0x5e: {  	_ =	shalt  }
0x5f: {  	_ =	shalt  }
0x60: {  	_ =	shalt  }
0x61: {  	_ =	shalt  }
0x62: {  	_ =	shalt  }
0x63: {  	_ =	shalt  }
0x64: {  	_ =	shalt  }
0x65: {  	_ =	shalt  }
0x66: {  	_ =	shalt  }
0x67: {  	_ =	shalt  }
0x68: {  	_ =	shalt  }
0x69: {  	_ =	shalt  }
0x6a: {  	_ =	shalt  }
0x6b: {  	_ =	shalt  }
0x6c: {  	_ =	shalt  }
0x6d: {  	_ =	shalt  }
0x6e: {  	_ =	shalt  }
0x6f: {  	_ =	shalt  }
0x70: {  	_ =	shalt  }
0x71: {  	_ =	shalt  }
0x72: {  	_ =	shalt  }
0x73: {  	_ =	shalt  }
0x74: {  	_ =	shalt  }
0x75: {  	_ =	shalt  }
0x76: {  	_ =	shalt  }
0x77: {  	_ =	shalt  }
0x78: {  	_ =	shalt  }
0x79: {  	_ =	shalt  }
0x7a: {  	_ =	shalt  }
0x7b: {  	_ =	shalt  }
0x7c: {  	_ =	shalt  }
0x7d: {  	_ =	shalt  }
0x7e: {  	_ =	shalt  }
0x7f: {  	_ =	shalt  }
0x80: {  	_ =	shalt  }
0x81: {  	_ =	shalt  }
0x82: {  	_ =	shalt  }
0x83: {  	_ =	shalt  }
0x84: {  	_ =	shalt  }
0x85: {  	_ =	shalt  }
0x86: {  	_ =	shalt  }
0x87: {  	_ =	shalt  }
.Lfunc_end0:
.L_simem_size_0:
called_computation.2_lowered:
.L_overlay_start_0:
0x88: {  	s2 =	sld [smem:$0x3FD9]  }
0x89: {  	s3 =	sld [smem:$0x3FFE];
	_ =	sdelay $0x1  }
0x8a: {  	s1 =	srdreg.scid  }
0x8b: {  	s0 =	sand.u32 $0x1, s1  }
0x8c: {  	s16 =	sshll.u32 s0, $0xA;
	s2 =	sadd.s32 s3, s2  }
0x8d: {  	s2 =	sadd.s32 s2, s16  }
0x8e: {  	[smem:$0x3FC2] =	sst s2  }
0x8f: {  	_ = 	snop  }
0x90: {  	(tm) =	ssettm $0x1  }
0x91: {  	s17 =	sld [smem:$0x3FFB];
	_ =	sdelay $0x3  }
0x92: {  	_ =	strace s17  }
0x93: {  	s2 =	sld [smem:$0x3FFC];
	_ =	sdelay $0x3  }
0x94: {  	_ =	strace s2  }
0x95: {  	s2 =	sld [smem:$0x3FFD];
	_ =	sdelay $0x3  }
0x96: {  	_ =	strace s2  }
0x97: {  	_ =	strace $0x8FFFFFFF  }
0x98: {  	s18 =	sld [smem:$0x3FDB];
	_ =	sdelay $0x1  }
0x99: {  	s19 =	simm.s32 $_scs_section_size  }
0x9a: {  	s4 =	simm.s32 $_size__tile_overlayer_lowered;
	s5 =	simm.s32 $_tile_overlayer_lowered  }
0x9b: {  	s22 =	simm.s32 $0x1BFF;
	s21 =	sshll.u32 s5, $0x1;
	s2 =	sadd.s32 s19, s18  }
0x9c: {  	s6 =	simm.s32 $0x0;
	s20 =	sshll.u32 s4, $0x1;
	s4 =	sadd.s32 s21, s2  }
0x9d: {  	[timem:s6], [sflag:s22] =	dma.local [hbm:s4], s20  }
0x9e: {  	_ =	swait.ge [sflag:s22], s20  }
0x9f: {  	s3 =	ssub.s32 $0x0, s20;
	[sflag:s22] =	ssyncset.done $0x0  }
0xa0: {  	[sflag:s22] =	ssyncadd.s32 s3;
	_ =	sdelay $0x1  }
0xa1: {  	s23 =	simm.s32 $0x1B8B  }
0xa2: {  	_ =	swait.ge [sflag:s23], $0x1  }
0xa3: {  	[sflag:s23] =	ssyncset.done $0x0  }
0xa4: {  	s25 =	simm.s32 $0x1B8E;
	s24 =	sld [smem:$0x3FFE];
	[sflag:s23] =	ssyncadd.s32 $0xFFFFFFFF  }
0xa5: {  	s26 =	simm.s32 $execute0_lowered;
	[smem:$0x3FD2] =	sst s25  }
0xa6: {  	s4 =	sshll.u32 s26, $0x1;
	_ =	strace $0x8000004C;
	[dreg:$0x1] =	wrdreg $0xFFFFFFFF  }
0xa7: {  	s28 =	simm.s32 $_size_execute0_lowered;
	s2 =	sadd.s32 s2, s4;
	[dreg:$0x0] =	wrdreg $0x0  }
0xa8: {  	s4 =	sshll.u32 s28, $0x1;
	[dreg:$0x2] =	wrdreg s2  }
0xa9: {  	[dreg:$0x3] =	wrdreg s4  }
0xaa: {  	[dreg:$0x4] =	wrdreg $0xC0  }
0xab: {  	_ =	task [dreg:s6], $0x5FFFF  }
0xac: {  	[dreg:$0x1] =	wrdreg $0xFFFFFFFF  }
0xad: {  	[dreg:$0x0] =	wrdreg $0x60  }
0xae: {  	[dreg:$0x2] =	wrdreg s24  }
0xaf: {  	[dreg:$0x3] =	wrdreg $0x90000  }
0xb0: {  	[dreg:$0x4] =	wrdreg $0x9  }
0xb1: {  	_ =	task.clear_ibuf [dreg:s6], $0x5FFFF;
	_ =	strace $0x9000004C  }
0xb2: {  	s29 =	simm.s32 $0x9;
	_ =	strace $0x8000004E  }
0xb3: {  	_ =	swait.ge [sflag:s29], $0x1  }
0xb4: {  	[sflag:s29] =	ssyncadd.s32 $0xFFFFFFFF  }
0xb5: {  	_ =	strace $0x9000004E  }
0xb6: {  	_ =	sfence  }
0xb7: {  	s30 =	sld [smem:$0x0];
	_ =	sdelay $0x2  }
0xb8: {  	s31 =	sshll.u32 s1, $0xD;
	s1 =	sshrl.u32 s1, $0x2  }
0xb9: {  	s3 =	sand.u32 $0x4000, s31;
	s1 =	sadd.s32 s1, s30  }
0xba: {  	s0 =	sor.u32 s3, s0;
	s1 =	sshll.u32 s1, $0x11  }
0xbb: {  	s0 =	sor.u32 s1, s0  }
0xbc: {  	s0 =	sadd.s32 $0x8F2B, s0  }
0xbd: {  	[sflag:s0] =	ssyncadd.remote.s32 $0x1  }
0xbe: {  	_ =	sfence.sel $0xFFFF  }
0xbf: {  	[dreg:$0x0] =	wrdreg $0xFFFFFFFF;
	(pc) =	sbr.abs _section_cstart, $3  }
0xc0: {  	[dreg:$0x1] =	wrdreg $0xFFFFFFFF  }
0xc1: {  	_ =	task.clear_ibuf [dreg:s6], $0x2FFFF;
	_ =	strace $0x9FFFFFFF  }
0xc2: {  	(tm) =	ssettm $0x7FFFFFFF  }
0xc3: {  	_ =	shalt  }
tec
execute0_lowered:
.L_overlay_start_1:
0x0: {  	(tag) =	ssettag $0x1  }
0x1: {  	s0 =	rddreg [dreg:$0x0]  }
0x2: {  	s2 =	rddreg [dreg:$0x1]  }
0x3: {  	s1 =	srdreg.scid;
	s7 =	stileid.u32  }
0x4: {  	s4 =	simm.s32 $0x0;
	s15 =	simm.s32 $0x5000;
	s16 =	simm.s32 $0xB  }
0x5: {  	s17 =	simm.s32 $0x9;
	s18 =	simm.s32 $0xA;
	s19 =	simm.s32 $0x80  }
0x6: {  	s20 =	simm.s32 $0x5800;
	s29 =	simm.s32 $0x7800;
	s31 =	simm.s32 $0x8000  }
0x7: {  	s14 =	simm.s32 $0x8800;
	s28 =	simm.s32 $0x4;
	s30 =	simm.s32 $0x6  }
0x8: {  	s1 =	sand.u32 $0x1, s1;
	s3 =	smul.u32 $0x2800, s7;
	[smem:$0x7FF] =	sst s4  }
0x9: {  	s4 =	sadd.s32 $0x16C00, s0;
	s21 =	sshll.u32 s1, $0x4;
	s5 =	smul.u32 $0x28000, s1  }
0xa: {  	_ =	strace $0x8000004D;
	s1 =	ssub.s32 $0x2, s1;
	s6 =	sor.u32 s7, s21  }
0xb: {  	s7 =	smul.u32 $0xA000, s7;
	s22 =	sshrl.u32 s1, $0x1;
	s21 =	simm.s32 $0x1  }
0xc: {  	s6 =	smul.u32 $0x500, s6;
	s5 =	sadd.s32 s3, s5;
	s1 =	ssub.s32 s1, s22  }
0xd: {  	s22 =	simm.s32 $0x6000;
	s5 =	sshrl.u32 s5, $0x3;
	s24 =	sshrl.u32 s7, $0x2  }
0xe: {  	s7 =	sadd.s32 s3, s2;
	s13 =	smax.u32 s1, $0x1;
	s1 =	simm.s32 $0x5  }
0xf: {  	s3 =	simm.s32 $0x8;
	s6 =	sadd.s32 s6, s0;
	s0 =	sadd.s32 s5, s0  }
0x10: {  	s25 =	sadd.s32 s24, s2;
	s24 =	simm.s32 $0x6800;
	s23 =	sadd.s32 $0x2C00, s6  }
0x11: {  	s6 =	sadd.s32 $0xCC00, s6;
	s5 =	sadd.s32 $0x800, s25;
	[dreg:$0x3] =	wrdreg s23  }
0x12: {  	s26 =	sadd.s32 $0x1000, s25;
	s10 =	sadd.s32 $0x1800, s25;
	[dreg:$0x4] =	wrdreg s6  }
0x13: {  	s11 =	sadd.s32 $0x2000, s25;
	s12 =	sadd.s32 $0x1BC00, s0;
	[dreg:$0x5] =	wrdreg s5  }
0x14: {  	s25 =	simm.s32 $0x3;
	s0 =	simm.s32 $0x7;
	[dreg:$0x6] =	wrdreg s26  }
0x15: {  	v0 =	vimm.f32 $0.0e+00;
	s26 =	simm.s32 $0x7000;
	s23 =	simm.s32 $0x2;
	s5 =	simm.s32 $0x0  }
.LBB2_1:
0x16: {  	s6 =	simm.s32 $0x0;
	s8 =	rddreg [dreg:$0x3]  }
0x17: {  	[tilespmem:s6], [sflag:$0x9] =	stream.linear.gather [hbm4b:s8+s6], $0x2800, $0x38;
	[tilespmem:$0xB800] =	vst v63  }
0x18: {  	s9 =	simm.s32 $0x2800;
	s8 =	rddreg [dreg:$0x4]  }
0x19: {  	[tilespmem:s9], [sflag:$0xA] =	stream.linear.gather [hbm4b:s8+s6], $0x2800, $0x38;
	[tilespmem:$0xB800] =	vst v63  }
0x1a: {  	s6 =	simm.s32 $0x40;
	s8 =	simm.s32 $0x0  }
.LBB2_2:
0x1b: {  	p0 =	sne.s32 s6, $0x1FC0;
	[tilespmem:s8+$0x5000] =	vst v0;
	s8 =	smov.u32 s6;
	s6 =	sadd.s32 $0x40, s6  }
.Ltmp0:
0x1c: {  	(pc) =	sbr.rel @p0 .LBB2_2-.Ltmp0, $2  }
0x1d: {  	_ =	sdelay $0x2  }
0x1e: {  	s8 =	sshra.s32 s8, $0x2  }
0x1f: {  	[tilespmem:s8+$0x5000] =	vst v0  }
0x20: {  	[spmem:s7] =	stream.linear.scatter [tilespmem:s15], [sflag:$0xB], $0x800, $0x38;
	[tilespmem:$0xB800] =	vst v63  }
0x21: {  	_ =	swait.ge [sflag:s16], $0x800  }
0x22: {  	[sflag:s16] =	ssyncset.done $0x0  }
0x23: {  	s6 =	rddreg [dreg:$0x5];
	[sflag:s16] =	ssyncadd.s32 $0xFFFFF800  }
0x24: {  	[spmem:s6] =	stream.linear.scatter [tilespmem:s15], [sflag:$0xB], $0x800, $0x38;
	[tilespmem:$0xB800] =	vst v63  }
0x25: {  	_ =	swait.ge [sflag:s16], $0x800  }
0x26: {  	[sflag:s16] =	ssyncset.done $0x0  }
0x27: {  	s9 =	rddreg [dreg:$0x6];
	[sflag:s16] =	ssyncadd.s32 $0xFFFFF800  }
0x28: {  	[spmem:s9] =	stream.linear.scatter [tilespmem:s15], [sflag:$0xB], $0x800, $0x38;
	[tilespmem:$0xB800] =	vst v63  }
0x29: {  	_ =	swait.ge [sflag:s16], $0x800  }
0x2a: {  	[sflag:s16] =	ssyncset.done $0x0  }
0x2b: {  	[sflag:s16] =	ssyncadd.s32 $0xFFFFF800  }
0x2c: {  	[spmem:s10] =	stream.linear.scatter [tilespmem:s15], [sflag:$0xB], $0x800, $0x38;
	[tilespmem:$0xB800] =	vst v63  }
0x2d: {  	_ =	swait.ge [sflag:s16], $0x800  }
0x2e: {  	[sflag:s16] =	ssyncset.done $0x0  }
0x2f: {  	[sflag:s16] =	ssyncadd.s32 $0xFFFFF800  }
0x30: {  	[spmem:s11] =	stream.linear.scatter [tilespmem:s15], [sflag:$0xB], $0x800, $0x38;
	[tilespmem:$0xB800] =	vst v63  }
0x31: {  	_ =	swait.ge [sflag:s16], $0x800  }
0x32: {  	[sflag:s16] =	ssyncset.done $0x0  }
0x33: {  	[sflag:s16] =	ssyncadd.s32 $0xFFFFF800  }
0x34: {  	_ =	swait.ge [sflag:s17], $0x2800  }
0x35: {  	[sflag:s17] =	ssyncset.done $0x0  }
0x36: {  	[sflag:s17] =	ssyncadd.s32 $0xFFFFD800  }
0x37: {  	_ =	swait.ge [sflag:s18], $0x2800  }
0x38: {  	[sflag:s18] =	ssyncset.done $0x0  }
0x39: {  	[sflag:s18] =	ssyncadd.s32 $0xFFFFD800  }
0x3a: {  	s8 =	simm.s32 $0x0;
	[bflag:$0x0] =	sbarrier.arrive $0xFFFF  }
0x3b: {  	[tilespmem:s15], [sflag:$0x1] =	stream.indirect.gather [hbm4b:s4+s19], $0x10, s8, s19, $0xb8;
	[tilespmem:$0xB800] =	vst v63  }
0x3c: {  	_ = 	snop  }
0x3d: {  	[tilespmem:s20], [sflag:$0x2] =	stream.indirect.gather [hbm4b:s4+s19], $0x10, s19, s19, $0xb8;
	[tilespmem:$0xB800] =	vst v63  }
0x3e: {  	s9 =	simm.s32 $0x100  }
0x3f: {  	[tilespmem:s22], [sflag:$0x3] =	stream.indirect.gather [hbm4b:s4+s19], $0x10, s9, s19, $0xb8;
	[tilespmem:$0xB800] =	vst v63  }
0x40: {  	s8 =	simm.s32 $0x180  }
0x41: {  	[tilespmem:s24], [sflag:$0x4] =	stream.indirect.gather [hbm4b:s4+s19], $0x10, s8, s19, $0xb8;
	[tilespmem:$0xB800] =	vst v63  }
0x42: {  	s9 =	simm.s32 $0x200  }
0x43: {  	[tilespmem:s26], [sflag:$0x5] =	stream.indirect.gather [hbm4b:s4+s19], $0x10, s9, s19, $0xb8;
	[tilespmem:$0xB800] =	vst v63  }
0x44: {  	s8 =	simm.s32 $0x280  }
0x45: {  	[tilespmem:s29], [sflag:$0x6] =	stream.indirect.gather [hbm4b:s4+s19], $0x10, s8, s19, $0xb8;
	[tilespmem:$0xB800] =	vst v63  }
0x46: {  	s9 =	simm.s32 $0x300  }
0x47: {  	[tilespmem:s31], [sflag:$0x7] =	stream.indirect.gather [hbm4b:s4+s19], $0x10, s9, s19, $0xb8;
	[tilespmem:$0xB800] =	vst v63  }
0x48: {  	s8 =	simm.s32 $0x380  }
0x49: {  	[tilespmem:s14], [sflag:$0x8] =	stream.indirect.gather [hbm4b:s4+s19], $0x10, s8, s19, $0xb8;
	[tilespmem:$0xB800] =	vst v63  }
0x4a: {  	_ =	swait.ge [sflag:s21], $0x800  }
0x4b: {  	[sflag:s21] =	ssyncset.done $0x0  }
0x4c: {  	s9 =	simm.s32 $0x2800;
	[sflag:s21] =	ssyncadd.s32 $0xFFFFF800  }
0x4d: {  	[spmem:s2] =	stream.indirect.scatter.add.f32 [tilespmem:s15], [sflag:$0xB], $0x10, s9, s19, $0xb8;
	[tilespmem:$0xB800] =	vst v63  }
0x4e: {  	_ =	swait.ge [sflag:s16], $0x800  }
0x4f: {  	[sflag:s16] =	ssyncset.done $0x0  }
0x50: {  	s8 =	simm.s32 $0x400;
	[sflag:s16] =	ssyncadd.s32 $0xFFFFF800  }
0x51: {  	[tilespmem:s15], [sflag:$0x1] =	stream.indirect.gather [hbm4b:s4+s19], $0x10, s8, s19, $0xb8;
	[tilespmem:$0xB800] =	vst v63  }
0x52: {  	_ =	swait.ge [sflag:s23], $0x800  }
0x53: {  	[sflag:s23] =	ssyncset.done $0x0  }
0x54: {  	s9 =	simm.s32 $0x2880;
	[sflag:s23] =	ssyncadd.s32 $0xFFFFF800  }
0x55: {  	[spmem:s2] =	stream.indirect.scatter.add.f32 [tilespmem:s20], [sflag:$0xB], $0x10, s9, s19, $0xb8;
	[tilespmem:$0xB800] =	vst v63  }
0x56: {  	_ =	swait.ge [sflag:s16], $0x800  }
0x57: {  	[sflag:s16] =	ssyncset.done $0x0  }
0x58: {  	s8 =	simm.s32 $0x480;
	[sflag:s16] =	ssyncadd.s32 $0xFFFFF800  }
0x59: {  	[tilespmem:s20], [sflag:$0x2] =	stream.indirect.gather [hbm4b:s4+s19], $0x10, s8, s19, $0xb8;
	[tilespmem:$0xB800] =	vst v63  }
0x5a: {  	_ =	swait.ge [sflag:s25], $0x800  }
0x5b: {  	[sflag:s25] =	ssyncset.done $0x0  }
0x5c: {  	s9 =	simm.s32 $0x2900;
	[sflag:s25] =	ssyncadd.s32 $0xFFFFF800  }
0x5d: {  	[spmem:s2] =	stream.indirect.scatter.add.f32 [tilespmem:s22], [sflag:$0xB], $0x10, s9, s19, $0xb8;
	[tilespmem:$0xB800] =	vst v63  }
0x5e: {  	_ =	swait.ge [sflag:s16], $0x800  }
0x5f: {  	[sflag:s16] =	ssyncset.done $0x0  }
0x60: {  	s8 =	simm.s32 $0x500;
	[sflag:s16] =	ssyncadd.s32 $0xFFFFF800  }
0x61: {  	[tilespmem:s22], [sflag:$0x3] =	stream.indirect.gather [hbm4b:s4+s19], $0x10, s8, s19, $0xb8;
	[tilespmem:$0xB800] =	vst v63  }
0x62: {  	_ =	swait.ge [sflag:s28], $0x800  }
0x63: {  	[sflag:s28] =	ssyncset.done $0x0  }
0x64: {  	s9 =	simm.s32 $0x2980;
	[sflag:s28] =	ssyncadd.s32 $0xFFFFF800  }
0x65: {  	[spmem:s2] =	stream.indirect.scatter.add.f32 [tilespmem:s24], [sflag:$0xB], $0x10, s9, s19, $0xb8;
	[tilespmem:$0xB800] =	vst v63  }
0x66: {  	_ =	swait.ge [sflag:s16], $0x800  }
0x67: {  	[sflag:s16] =	ssyncset.done $0x0  }
0x68: {  	s8 =	simm.s32 $0x580;
	[sflag:s16] =	ssyncadd.s32 $0xFFFFF800  }
0x69: {  	[tilespmem:s24], [sflag:$0x4] =	stream.indirect.gather [hbm4b:s4+s19], $0x10, s8, s19, $0xb8;
	[tilespmem:$0xB800] =	vst v63  }
0x6a: {  	_ =	swait.ge [sflag:s1], $0x800  }
0x6b: {  	[sflag:s1] =	ssyncset.done $0x0  }
0x6c: {  	s9 =	simm.s32 $0x2A00;
	[sflag:s1] =	ssyncadd.s32 $0xFFFFF800  }
0x6d: {  	[spmem:s2] =	stream.indirect.scatter.add.f32 [tilespmem:s26], [sflag:$0xB], $0x10, s9, s19, $0xb8;
	[tilespmem:$0xB800] =	vst v63  }
0x6e: {  	_ =	swait.ge [sflag:s16], $0x800  }
0x6f: {  	[sflag:s16] =	ssyncset.done $0x0  }
0x70: {  	s8 =	simm.s32 $0x600;
	[sflag:s16] =	ssyncadd.s32 $0xFFFFF800  }
0x71: {  	[tilespmem:s26], [sflag:$0x5] =	stream.indirect.gather [hbm4b:s4+s19], $0x10, s8, s19, $0xb8;
	[tilespmem:$0xB800] =	vst v63  }
0x72: {  	_ =	swait.ge [sflag:s30], $0x800  }
0x73: {  	[sflag:s30] =	ssyncset.done $0x0  }
0x74: {  	s9 =	simm.s32 $0x2A80;
	[sflag:s30] =	ssyncadd.s32 $0xFFFFF800  }
0x75: {  	[spmem:s2] =	stream.indirect.scatter.add.f32 [tilespmem:s29], [sflag:$0xB], $0x10, s9, s19, $0xb8;
	[tilespmem:$0xB800] =	vst v63  }
0x76: {  	_ =	swait.ge [sflag:s16], $0x800  }
0x77: {  	[sflag:s16] =	ssyncset.done $0x0  }
0x78: {  	s8 =	simm.s32 $0x680;
	[sflag:s16] =	ssyncadd.s32 $0xFFFFF800  }
0x79: {  	[tilespmem:s29], [sflag:$0x6] =	stream.indirect.gather [hbm4b:s4+s19], $0x10, s8, s19, $0xb8;
	[tilespmem:$0xB800] =	vst v63  }
0x7a: {  	_ =	swait.ge [sflag:s0], $0x800  }
0x7b: {  	[sflag:s0] =	ssyncset.done $0x0  }
0x7c: {  	s9 =	simm.s32 $0x2B00;
	[sflag:s0] =	ssyncadd.s32 $0xFFFFF800  }
0x7d: {  	[spmem:s2] =	stream.indirect.scatter.add.f32 [tilespmem:s31], [sflag:$0xB], $0x10, s9, s19, $0xb8;
	[tilespmem:$0xB800] =	vst v63  }
0x7e: {  	_ =	swait.ge [sflag:s16], $0x800  }
0x7f: {  	[sflag:s16] =	ssyncset.done $0x0  }
0x80: {  	s8 =	simm.s32 $0x700;
	[sflag:s16] =	ssyncadd.s32 $0xFFFFF800  }
0x81: {  	[tilespmem:s31], [sflag:$0x7] =	stream.indirect.gather [hbm4b:s4+s19], $0x10, s8, s19, $0xb8;
	[tilespmem:$0xB800] =	vst v63  }
0x82: {  	_ =	swait.ge [sflag:s3], $0x800  }
0x83: {  	[sflag:s3] =	ssyncset.done $0x0  }
0x84: {  	s9 =	simm.s32 $0x2B80;
	[sflag:s3] =	ssyncadd.s32 $0xFFFFF800  }
0x85: {  	[spmem:s2] =	stream.indirect.scatter.add.f32 [tilespmem:s14], [sflag:$0xB], $0x10, s9, s19, $0xb8;
	[tilespmem:$0xB800] =	vst v63  }
0x86: {  	_ =	swait.ge [sflag:s16], $0x800  }
0x87: {  	[sflag:s16] =	ssyncset.done $0x0  }
0x88: {  	s6 =	simm.s32 $0x1000;
	s8 =	simm.s32 $0x780;
	[sflag:s16] =	ssyncadd.s32 $0xFFFFF800  }
.LBB2_4:
0x89: {  	[tilespmem:s14], [sflag:$0x8] =	stream.indirect.gather [hbm4b:s4+s19], $0x10, s8, s19, $0xb8;
	[tilespmem:$0xB800] =	vst v63  }
0x8a: {  	s8 =	smov.u32 s6  }
0x8b: {  	p0 =	sne.s32 s6, $0x8000;
	s6 =	sadd.s32 $0x1000, s6;
	_ =	swait.ge [sflag:s21], $0x800  }
0x8c: {  	s8 =	sshra.s32 s8, $0x2;
	[sflag:s21] =	ssyncset.done $0x0  }
0x8d: {  	s9 =	sadd.s32 $0x2800, s8;
	[sflag:s21] =	ssyncadd.s32 $0xFFFFF800  }
0x8e: {  	[spmem:s2] =	stream.indirect.scatter.add.f32 [tilespmem:s15], [sflag:$0xB], $0x10, s9, s19, $0xb8;
	[tilespmem:$0xB800] =	vst v63  }
0x8f: {  	_ =	swait.ge [sflag:s16], $0x800  }
0x90: {  	[sflag:s16] =	ssyncset.done $0x0  }
0x91: {  	s9 =	sadd.s32 $0x400, s8;
	[sflag:s16] =	ssyncadd.s32 $0xFFFFF800  }
0x92: {  	[tilespmem:s15], [sflag:$0x1] =	stream.indirect.gather [hbm4b:s4+s19], $0x10, s9, s19, $0xb8;
	[tilespmem:$0xB800] =	vst v63  }
0x93: {  	_ =	swait.ge [sflag:s23], $0x800  }
0x94: {  	[sflag:s23] =	ssyncset.done $0x0  }
0x95: {  	s9 =	sadd.s32 $0x2880, s8;
	[sflag:s23] =	ssyncadd.s32 $0xFFFFF800  }
0x96: {  	[spmem:s2] =	stream.indirect.scatter.add.f32 [tilespmem:s20], [sflag:$0xB], $0x10, s9, s19, $0xb8;
	[tilespmem:$0xB800] =	vst v63  }
0x97: {  	_ =	swait.ge [sflag:s16], $0x800  }
0x98: {  	[sflag:s16] =	ssyncset.done $0x0  }
0x99: {  	s9 =	sadd.s32 $0x480, s8;
	[sflag:s16] =	ssyncadd.s32 $0xFFFFF800  }
0x9a: {  	[tilespmem:s20], [sflag:$0x2] =	stream.indirect.gather [hbm4b:s4+s19], $0x10, s9, s19, $0xb8;
	[tilespmem:$0xB800] =	vst v63  }
0x9b: {  	_ =	swait.ge [sflag:s25], $0x800  }
0x9c: {  	[sflag:s25] =	ssyncset.done $0x0  }
0x9d: {  	s9 =	sadd.s32 $0x2900, s8;
	[sflag:s25] =	ssyncadd.s32 $0xFFFFF800  }
0x9e: {  	[spmem:s2] =	stream.indirect.scatter.add.f32 [tilespmem:s22], [sflag:$0xB], $0x10, s9, s19, $0xb8;
	[tilespmem:$0xB800] =	vst v63  }
0x9f: {  	_ =	swait.ge [sflag:s16], $0x800  }
0xa0: {  	[sflag:s16] =	ssyncset.done $0x0  }
0xa1: {  	s9 =	sadd.s32 $0x500, s8;
	[sflag:s16] =	ssyncadd.s32 $0xFFFFF800  }
0xa2: {  	[tilespmem:s22], [sflag:$0x3] =	stream.indirect.gather [hbm4b:s4+s19], $0x10, s9, s19, $0xb8;
	[tilespmem:$0xB800] =	vst v63  }
0xa3: {  	_ =	swait.ge [sflag:s28], $0x800  }
0xa4: {  	[sflag:s28] =	ssyncset.done $0x0  }
0xa5: {  	s9 =	sadd.s32 $0x2980, s8;
	[sflag:s28] =	ssyncadd.s32 $0xFFFFF800  }
0xa6: {  	[spmem:s2] =	stream.indirect.scatter.add.f32 [tilespmem:s24], [sflag:$0xB], $0x10, s9, s19, $0xb8;
	[tilespmem:$0xB800] =	vst v63  }
0xa7: {  	_ =	swait.ge [sflag:s16], $0x800  }
0xa8: {  	[sflag:s16] =	ssyncset.done $0x0  }
0xa9: {  	s9 =	sadd.s32 $0x580, s8;
	[sflag:s16] =	ssyncadd.s32 $0xFFFFF800  }
0xaa: {  	[tilespmem:s24], [sflag:$0x4] =	stream.indirect.gather [hbm4b:s4+s19], $0x10, s9, s19, $0xb8;
	[tilespmem:$0xB800] =	vst v63  }
0xab: {  	_ =	swait.ge [sflag:s1], $0x800  }
0xac: {  	[sflag:s1] =	ssyncset.done $0x0  }
0xad: {  	s9 =	sadd.s32 $0x2A00, s8;
	[sflag:s1] =	ssyncadd.s32 $0xFFFFF800  }
0xae: {  	[spmem:s2] =	stream.indirect.scatter.add.f32 [tilespmem:s26], [sflag:$0xB], $0x10, s9, s19, $0xb8;
	[tilespmem:$0xB800] =	vst v63  }
0xaf: {  	_ =	swait.ge [sflag:s16], $0x800  }
0xb0: {  	[sflag:s16] =	ssyncset.done $0x0  }
0xb1: {  	s9 =	sadd.s32 $0x600, s8;
	[sflag:s16] =	ssyncadd.s32 $0xFFFFF800  }
0xb2: {  	[tilespmem:s26], [sflag:$0x5] =	stream.indirect.gather [hbm4b:s4+s19], $0x10, s9, s19, $0xb8;
	[tilespmem:$0xB800] =	vst v63  }
0xb3: {  	_ =	swait.ge [sflag:s30], $0x800  }
0xb4: {  	[sflag:s30] =	ssyncset.done $0x0  }
0xb5: {  	s9 =	sadd.s32 $0x2A80, s8;
	[sflag:s30] =	ssyncadd.s32 $0xFFFFF800  }
0xb6: {  	[spmem:s2] =	stream.indirect.scatter.add.f32 [tilespmem:s29], [sflag:$0xB], $0x10, s9, s19, $0xb8;
	[tilespmem:$0xB800] =	vst v63  }
0xb7: {  	_ =	swait.ge [sflag:s16], $0x800  }
0xb8: {  	[sflag:s16] =	ssyncset.done $0x0  }
0xb9: {  	s9 =	sadd.s32 $0x680, s8;
	[sflag:s16] =	ssyncadd.s32 $0xFFFFF800  }
0xba: {  	[tilespmem:s29], [sflag:$0x6] =	stream.indirect.gather [hbm4b:s4+s19], $0x10, s9, s19, $0xb8;
	[tilespmem:$0xB800] =	vst v63  }
0xbb: {  	_ =	swait.ge [sflag:s0], $0x800  }
0xbc: {  	[sflag:s0] =	ssyncset.done $0x0  }
0xbd: {  	s9 =	sadd.s32 $0x2B00, s8;
	[sflag:s0] =	ssyncadd.s32 $0xFFFFF800  }
0xbe: {  	[spmem:s2] =	stream.indirect.scatter.add.f32 [tilespmem:s31], [sflag:$0xB], $0x10, s9, s19, $0xb8;
	[tilespmem:$0xB800] =	vst v63  }
0xbf: {  	_ =	swait.ge [sflag:s16], $0x800  }
0xc0: {  	[sflag:s16] =	ssyncset.done $0x0  }
0xc1: {  	s9 =	sadd.s32 $0x700, s8;
	[sflag:s16] =	ssyncadd.s32 $0xFFFFF800  }
0xc2: {  	[tilespmem:s31], [sflag:$0x7] =	stream.indirect.gather [hbm4b:s4+s19], $0x10, s9, s19, $0xb8;
	[tilespmem:$0xB800] =	vst v63  }
0xc3: {  	_ =	swait.ge [sflag:s3], $0x800  }
0xc4: {  	[sflag:s3] =	ssyncset.done $0x0  }
.Ltmp1:
0xc5: {  	s9 =	sadd.s32 $0x2B80, s8;
	[sflag:s3] =	ssyncadd.s32 $0xFFFFF800;
	(pc) =	sbr.rel @p0 .LBB2_4-.Ltmp1, $4  }
0xc6: {  	[spmem:s2] =	stream.indirect.scatter.add.f32 [tilespmem:s14], [sflag:$0xB], $0x10, s9, s19, $0xb8;
	[tilespmem:$0xB800] =	vst v63  }
0xc7: {  	_ =	swait.ge [sflag:s16], $0x800  }
0xc8: {  	[sflag:s16] =	ssyncset.done $0x0  }
0xc9: {  	s8 =	sadd.s32 $0x780, s8;
	[sflag:s16] =	ssyncadd.s32 $0xFFFFF800  }
0xca: {  	[tilespmem:s14], [sflag:$0x8] =	stream.indirect.gather [hbm4b:s4+s19], $0x10, s8, s19, $0xb8;
	[tilespmem:$0xB800] =	vst v63  }
0xcb: {  	_ =	swait.ge [sflag:s21], $0x800  }
0xcc: {  	[sflag:s21] =	ssyncset.done $0x0  }
0xcd: {  	s6 =	simm.s32 $0x4C00;
	[sflag:s21] =	ssyncadd.s32 $0xFFFFF800  }
0xce: {  	[spmem:s2] =	stream.indirect.scatter.add.f32 [tilespmem:s15], [sflag:$0xB], $0x10, s6, s19, $0xb8;
	[tilespmem:$0xB800] =	vst v63  }
0xcf: {  	_ =	swait.ge [sflag:s16], $0x800  }
0xd0: {  	[sflag:s16] =	ssyncset.done $0x0  }
0xd1: {  	[sflag:s16] =	ssyncadd.s32 $0xFFFFF800  }
0xd2: {  	_ =	swait.ge [sflag:s23], $0x800  }
0xd3: {  	[sflag:s23] =	ssyncset.done $0x0  }
0xd4: {  	s9 =	simm.s32 $0x4C80;
	[sflag:s23] =	ssyncadd.s32 $0xFFFFF800  }
0xd5: {  	[spmem:s2] =	stream.indirect.scatter.add.f32 [tilespmem:s20], [sflag:$0xB], $0x10, s9, s19, $0xb8;
	[tilespmem:$0xB800] =	vst v63  }
0xd6: {  	_ =	swait.ge [sflag:s16], $0x800  }
0xd7: {  	[sflag:s16] =	ssyncset.done $0x0  }
0xd8: {  	[sflag:s16] =	ssyncadd.s32 $0xFFFFF800  }
0xd9: {  	_ =	swait.ge [sflag:s25], $0x800  }
0xda: {  	[sflag:s25] =	ssyncset.done $0x0  }
0xdb: {  	s8 =	simm.s32 $0x4D00;
	[sflag:s25] =	ssyncadd.s32 $0xFFFFF800  }
0xdc: {  	[spmem:s2] =	stream.indirect.scatter.add.f32 [tilespmem:s22], [sflag:$0xB], $0x10, s8, s19, $0xb8;
	[tilespmem:$0xB800] =	vst v63  }
0xdd: {  	_ =	swait.ge [sflag:s16], $0x800  }
0xde: {  	[sflag:s16] =	ssyncset.done $0x0  }
0xdf: {  	[sflag:s16] =	ssyncadd.s32 $0xFFFFF800  }
0xe0: {  	_ =	swait.ge [sflag:s28], $0x800  }
0xe1: {  	[sflag:s28] =	ssyncset.done $0x0  }
0xe2: {  	s9 =	simm.s32 $0x4D80;
	[sflag:s28] =	ssyncadd.s32 $0xFFFFF800  }
0xe3: {  	[spmem:s2] =	stream.indirect.scatter.add.f32 [tilespmem:s24], [sflag:$0xB], $0x10, s9, s19, $0xb8;
	[tilespmem:$0xB800] =	vst v63  }
0xe4: {  	_ =	swait.ge [sflag:s16], $0x800  }
0xe5: {  	[sflag:s16] =	ssyncset.done $0x0  }
0xe6: {  	[sflag:s16] =	ssyncadd.s32 $0xFFFFF800  }
0xe7: {  	_ =	swait.ge [sflag:s1], $0x800  }
0xe8: {  	[sflag:s1] =	ssyncset.done $0x0  }
0xe9: {  	s8 =	simm.s32 $0x4E00;
	[sflag:s1] =	ssyncadd.s32 $0xFFFFF800  }
0xea: {  	[spmem:s2] =	stream.indirect.scatter.add.f32 [tilespmem:s26], [sflag:$0xB], $0x10, s8, s19, $0xb8;
	[tilespmem:$0xB800] =	vst v63  }
0xeb: {  	_ =	swait.ge [sflag:s16], $0x800  }
0xec: {  	[sflag:s16] =	ssyncset.done $0x0  }
0xed: {  	[sflag:s16] =	ssyncadd.s32 $0xFFFFF800  }
0xee: {  	_ =	swait.ge [sflag:s30], $0x800  }
0xef: {  	[sflag:s30] =	ssyncset.done $0x0  }
0xf0: {  	s9 =	simm.s32 $0x4E80;
	[sflag:s30] =	ssyncadd.s32 $0xFFFFF800  }
0xf1: {  	[spmem:s2] =	stream.indirect.scatter.add.f32 [tilespmem:s29], [sflag:$0xB], $0x10, s9, s19, $0xb8;
	[tilespmem:$0xB800] =	vst v63  }
0xf2: {  	_ =	swait.ge [sflag:s16], $0x800  }
0xf3: {  	[sflag:s16] =	ssyncset.done $0x0  }
0xf4: {  	[sflag:s16] =	ssyncadd.s32 $0xFFFFF800  }
0xf5: {  	_ =	swait.ge [sflag:s0], $0x800  }
0xf6: {  	[sflag:s0] =	ssyncset.done $0x0  }
0xf7: {  	s8 =	simm.s32 $0x4F00;
	[sflag:s0] =	ssyncadd.s32 $0xFFFFF800  }
0xf8: {  	[spmem:s2] =	stream.indirect.scatter.add.f32 [tilespmem:s31], [sflag:$0xB], $0x10, s8, s19, $0xb8;
	[tilespmem:$0xB800] =	vst v63  }
0xf9: {  	_ =	swait.ge [sflag:s16], $0x800  }
0xfa: {  	[sflag:s16] =	ssyncset.done $0x0  }
0xfb: {  	[sflag:s16] =	ssyncadd.s32 $0xFFFFF800  }
0xfc: {  	_ =	swait.ge [sflag:s3], $0x800  }
0xfd: {  	[sflag:s3] =	ssyncset.done $0x0  }
0xfe: {  	s9 =	simm.s32 $0x4F80;
	[sflag:s3] =	ssyncadd.s32 $0xFFFFF800  }
0xff: {  	[spmem:s2] =	stream.indirect.scatter.add.f32 [tilespmem:s14], [sflag:$0xB], $0x10, s9, s19, $0xb8;
	[tilespmem:$0xB800] =	vst v63  }
0x100: {  	s8 =	stileid.u32;
	_ =	swait.ge [sflag:s16], $0x800  }
0x101: {  	s5 =	sadd.s32 $0x1, s5;
	s6 =	sshll.u32 s8, $0x6;
	[sflag:s16] =	ssyncset.done $0x0  }
0x102: {  	p0 =	sne.s32 s5, s13;
	s6 =	sor.u32 $0x1C0B, s6;
	[sflag:s16] =	ssyncadd.s32 $0xFFFFF800  }
.Ltmp2:
0x103: {  	s9 =	sshrl.u32 s7, $0x3;
	[bflag:$0x0] =	sbarrier.arrive $0xFFFF;
	(pc) =	sbr.rel @p0 .LBB2_1-.Ltmp2, $4  }
0x104: {  	[hbm:s12], [sflag:s6] =	dma.local [spmem:s9], $0x500  }
0x105: {  	_ =	swait.ge [sflag:s16], $0x500  }
0x106: {  	[sflag:s16] =	ssyncset.done $0x0  }
0x107: {  	[sflag:s16] =	ssyncadd.s32 $0xFFFFFB00  }
0x108: {  	_ =	sfence.sel $0x180000  }
0x109: {  	[bflag:$0x0] =	sbarrier.arrive $0xFFFF  }
0x10a: {  	_ =	strace $0x9000004D  }
0x10b: {  	s0 =	stileid.u32;
	[bflag:$0x2] =	sbarrier.arrive $0xFFFF  }
0x10c: {  	p0 =	sne.s32 s0, $0x0;
	s0 =	rddreg [dreg:$0x2]  }
0x10d: {  	s0 =	sadd.s32 @!p0 $0x100000, s0  }
0x10e: {  	[sflag:s0] =	ssyncadd.tile.s32 @!p0 $0x1;
	_ =	shalt  }
.Lfunc_end2:
_tile_overlayer_lowered:
.L_overlay_start_2:
0x10f: {  	(tag) =	ssettag $0x2  }
0x110: {  	s0 =	rddreg [dreg:$0x0];
	s2 =	stileid.u32  }
0x111: {  	s1 =	rddreg [dreg:$0x1];
	p0 =	sne.s32 s2, $0x0  }
0x112: {  	s3 =	rddreg [dreg:$0x2];
	[bflag:$0x3] =	sbarrier.arrive $0xFFFF;
	s2 =	simm.s32 @!p0 $0x1C0B  }
0x113: {  	[timem:s3], [sflag:s2] =	dma.local @!p0 [hbm:s0], s1  }
0x114: {  	s0 =	simm.s32 @!p0 $0xB  }
0x115: {  	_ =	swait.ge @!p0 [sflag:s0], s1  }
0x116: {  	s1 =	ssub.s32 @!p0 $0x0, s1;
	[sflag:s0] =	ssyncset.done @!p0 $0x0  }
0x117: {  	[sflag:s0] =	ssyncadd.s32 @!p0 s1  }
0x118: {  	[bflag:$0x3] =	sbarrier.arrive $0xFFFF  }
0x119: {  	_ =	shalt  }

// kernel: kernel.8.cloned.1.call-start
scs
__scs_entry_jumppad:
0x0: {  	(pc) =	sbr.rel $0x88, $3  }
0x1: {  	(tag) =	ssettag $0x0;
	lr =	simm.s32 $0x1  }
0x2: {  	[smem:$0x3F9B] =	sst lr;
	_ =	strace $0xD0000000  }
0x3: {  	_ = 	snop  }
0x4: {  	_ = 	snop  }
0x5: {  	_ = 	snop  }
0x6: {  	_ = 	snop  }
0x7: {  	_ = 	snop  }
__scs_overlays_trampoline_lowered:
0x8: {  	[smem:$0x3FAA] =	sst s0  }
0x9: {  	[smem:$0x3FAB] =	sst s1  }
0xa: {  	[smem:$0x3FAC] =	sst s2  }
0xb: {  	[smem:$0x3FAD] =	sst s3  }
0xc: {  	[smem:$0x3FAE] =	sst s4  }
0xd: {  	[smem:$0x3FAF] =	sst s5  }
0xe: {  	[smem:$0x3FB0] =	sst s6  }
0xf: {  	[smem:$0x3FB1] =	sst s7  }
0x10: {  	[smem:$0x3FB2] =	sst s8  }
0x11: {  	[smem:$0x3FB3] =	sst s9;
	s0 =	simm.s32 @!p0 $0x0  }
0x12: {  	s1 =	sld [smem:$0x3F99];
	s0 =	simm.s32 @p0 $0x1  }
0x13: {  	[smem:$0x3FB4] =	sst s0;
	s0 =	simm.s32 @!p1 $0x0  }
0x14: {  	s2 =	sld [smem:$0x3F98];
	s0 =	simm.s32 @p1 $0x1  }
0x15: {  	[smem:$0x3FB5] =	sst s0;
	s0 =	simm.s32 @!p2 $0x0  }
0x16: {  	s3 =	sld [smem:$0x3FDB];
	s0 =	simm.s32 @p2 $0x1  }
0x17: {  	s4 =	simm.s32 $0x1BF5;
	[smem:$0x3FB7] =	sst s0  }
0x18: {  	s0 =	sld [smem:$0x3F9A];
	_ =	swait.ge [sflag:s4], $0x0  }
0x19: {  	s7 =	sld [smem:$0x3F9B]  }
0x1a: {  	s8 =	sadd.s32 $0xFFFFE003, lr  }
0x1b: {  	s9 =	sadd.s32 $0xFFFFFEF7, lr;
	s5 =	simm.s32 $0xFFFFFFFF;
	p2 =	slt.u32 s8, $0xFFFFF086  }
0x1c: {  	p1 =	slt.u32 s9, $0xF7A;
	s5 =	simm.s32 @!p2 $0x0  }
0x1d: {  	s5 =	simm.s32 @p1 $0x1;
	p0 =	seq.s32 s7, s2  }
0x1e: {  	s7 =	smul.u32 @!p0 $0xF7A, s2;
	p2 =	seq.s32 @!p0 s5, $0x0  }
0x1f: {  	s9 =	smul.u32 $0xF7A, s1;
	s8 =	simm.s32 @!p0 $0x1BF5;
	p2 =	por !p2, p0  }
0x20: {  	[sflag:s8] =	ssyncset.s32 @!p0 $0xFFFFF086;
	s6 =	sadd.s32 @!p0 s3, s7;
	s7 =	simm.s32 @!p0 $0x108  }
0x21: {  	s3 =	sadd.s32 s3, s9;
	s6 =	sadd.s32 @!p0 $0x88, s6;
	s7 =	simm.s32 @p2 $0x1082  }
0x22: {  	[simem:s7], [sflag:s8] =	dma.local @!p0 [hbm:s6], $0xF7A  }
0x23: {  	s9 =	sor.u32 $0xD0000000, s2;
	s6 =	simm.s32 $0x108;
	_ =	swait.ge @!p0 [sflag:s8], $0x0  }
0x24: {  	s3 =	sadd.s32 $0x88, s3;
	s6 =	simm.s32 @!p1 $0x1082;
	[sflag:s4] =	ssyncset.s32 $0xFFFFF086  }
0x25: {  	[simem:s6], [sflag:s4] =	dma.local [hbm:s3], $0xF7A  }
0x26: {  	[smem:$0x3F9B] =	sst s1;
	(tag) =	ssettag s2;
	_ =	strace s9  }
0x27: {  	s1 =	sld [smem:$0x3FAB]  }
0x28: {  	s2 =	sld [smem:$0x3FAC]  }
0x29: {  	s4 =	sld [smem:$0x3FAE]  }
0x2a: {  	p0 =	seq.s32 s5, $0x0;
	s5 =	sld [smem:$0x3FAF]  }
0x2b: {  	s6 =	sld [smem:$0x3FB0]  }
0x2c: {  	s7 =	sld [smem:$0x3FB1]  }
0x2d: {  	s3 =	simm.s32 $0x108;
	s8 =	sld [smem:$0x3FB2]  }
0x2e: {  	s3 =	simm.s32 @!p0 $0x1082;
	s9 =	sld [smem:$0x3FB3]  }
0x2f: {  	lr =	sadd.s32 s0, s3;
	s0 =	sld [smem:$0x3FAA]  }
0x30: {  	s3 =	sld [smem:$0x3FAD]  }
0x31: {  	[smem:$0x3FB6] =	sst s10  }
0x32: {  	s10 =	sld [smem:$0x3FB4];
	_ =	sdelay $0x3  }
0x33: {  	p0 =	seq.s32 s10, $0x1;
	s10 =	sld [smem:$0x3FB6];
	_ =	sdelay $0x3  }
0x34: {  	[smem:$0x3FB6] =	sst s10  }
0x35: {  	s10 =	sld [smem:$0x3FB5];
	_ =	sdelay $0x3  }
0x36: {  	p1 =	seq.s32 s10, $0x1;
	s10 =	sld [smem:$0x3FB6];
	_ =	sdelay $0x3  }
0x37: {  	[smem:$0x3FB6] =	sst s10  }
0x38: {  	s10 =	sld [smem:$0x3FB7]  }
0x39: {  	_ = 	snop;
	(pc) =	sbr.ind lr, $3  }
0x3a: {  	_ = 	snop  }
0x3b: {  	_ = 	snop  }
0x3c: {  	p2 =	seq.s32 s10, $0x1;
	s10 =	sld [smem:$0x3FB6]  }
0x3d: {  	_ =	shalt  }
0x3e: {  	_ =	shalt  }
0x3f: {  	_ =	shalt  }
0x40: {  	_ =	shalt  }
0x41: {  	_ =	shalt  }
0x42: {  	_ =	shalt  }
0x43: {  	_ =	shalt  }
0x44: {  	_ =	shalt  }
0x45: {  	_ =	shalt  }
0x46: {  	_ =	shalt  }
0x47: {  	_ =	shalt  }
0x48: {  	_ =	shalt  }
0x49: {  	_ =	shalt  }
0x4a: {  	_ =	shalt  }
0x4b: {  	_ =	shalt  }
0x4c: {  	_ =	shalt  }
0x4d: {  	_ =	shalt  }
0x4e: {  	_ =	shalt  }
0x4f: {  	_ =	shalt  }
0x50: {  	_ =	shalt  }
0x51: {  	_ =	shalt  }
0x52: {  	_ =	shalt  }
0x53: {  	_ =	shalt  }
0x54: {  	_ =	shalt  }
0x55: {  	_ =	shalt  }
0x56: {  	_ =	shalt  }
0x57: {  	_ =	shalt  }
0x58: {  	_ =	shalt  }
0x59: {  	_ =	shalt  }
0x5a: {  	_ =	shalt  }
0x5b: {  	_ =	shalt  }
0x5c: {  	_ =	shalt  }
0x5d: {  	_ =	shalt  }
0x5e: {  	_ =	shalt  }
0x5f: {  	_ =	shalt  }
0x60: {  	_ =	shalt  }
0x61: {  	_ =	shalt  }
0x62: {  	_ =	shalt  }
0x63: {  	_ =	shalt  }
0x64: {  	_ =	shalt  }
0x65: {  	_ =	shalt  }
0x66: {  	_ =	shalt  }
0x67: {  	_ =	shalt  }
0x68: {  	_ =	shalt  }
0x69: {  	_ =	shalt  }
0x6a: {  	_ =	shalt  }
0x6b: {  	_ =	shalt  }
0x6c: {  	_ =	shalt  }
0x6d: {  	_ =	shalt  }
0x6e: {  	_ =	shalt  }
0x6f: {  	_ =	shalt  }
0x70: {  	_ =	shalt  }
0x71: {  	_ =	shalt  }
0x72: {  	_ =	shalt  }
0x73: {  	_ =	shalt  }
0x74: {  	_ =	shalt  }
0x75: {  	_ =	shalt  }
0x76: {  	_ =	shalt  }
0x77: {  	_ =	shalt  }
0x78: {  	_ =	shalt  }
0x79: {  	_ =	shalt  }
0x7a: {  	_ =	shalt  }
0x7b: {  	_ =	shalt  }
0x7c: {  	_ =	shalt  }
0x7d: {  	_ =	shalt  }
0x7e: {  	_ =	shalt  }
0x7f: {  	_ =	shalt  }
0x80: {  	_ =	shalt  }
0x81: {  	_ =	shalt  }
0x82: {  	_ =	shalt  }
0x83: {  	_ =	shalt  }
0x84: {  	_ =	shalt  }
0x85: {  	_ =	shalt  }
0x86: {  	_ =	shalt  }
0x87: {  	_ =	shalt  }
.Lfunc_end0:
.L_simem_size_0:
called_computation_lowered:
.L_overlay_start_0:
0x88: {  	s2 =	sld [smem:$0x3FD9]  }
0x89: {  	s3 =	sld [smem:$0x3FFE];
	_ =	sdelay $0x1  }
0x8a: {  	s1 =	srdreg.scid  }
0x8b: {  	s0 =	sand.u32 $0x1, s1  }
0x8c: {  	s16 =	sshll.u32 s0, $0xA;
	s2 =	sadd.s32 s3, s2  }
0x8d: {  	s2 =	sadd.s32 s2, s16  }
0x8e: {  	[smem:$0x3FC2] =	sst s2  }
0x8f: {  	_ = 	snop  }
0x90: {  	(tm) =	ssettm $0x1  }
0x91: {  	s17 =	sld [smem:$0x3FFB];
	_ =	sdelay $0x3  }
0x92: {  	_ =	strace s17  }
0x93: {  	s2 =	sld [smem:$0x3FFC];
	_ =	sdelay $0x3  }
0x94: {  	_ =	strace s2  }
0x95: {  	s2 =	sld [smem:$0x3FFD];
	_ =	sdelay $0x3  }
0x96: {  	_ =	strace s2  }
0x97: {  	_ =	strace $0x8FFFFFFF  }
0x98: {  	s18 =	sld [smem:$0x3FDB];
	_ =	sdelay $0x1  }
0x99: {  	s19 =	simm.s32 $_scs_section_size  }
0x9a: {  	s4 =	simm.s32 $_size__tile_overlayer_lowered;
	s5 =	simm.s32 $_tile_overlayer_lowered  }
0x9b: {  	s22 =	simm.s32 $0x1BFF;
	s21 =	sshll.u32 s5, $0x1;
	s2 =	sadd.s32 s19, s18  }
0x9c: {  	s6 =	simm.s32 $0x0;
	s20 =	sshll.u32 s4, $0x1;
	s4 =	sadd.s32 s21, s2  }
0x9d: {  	[timem:s6], [sflag:s22] =	dma.local [hbm:s4], s20  }
0x9e: {  	_ =	swait.ge [sflag:s22], s20  }
0x9f: {  	s3 =	ssub.s32 $0x0, s20;
	[sflag:s22] =	ssyncset.done $0x0  }
0xa0: {  	[sflag:s22] =	ssyncadd.s32 s3;
	_ =	sdelay $0x1  }
0xa1: {  	s23 =	simm.s32 $0x1B8B  }
0xa2: {  	_ =	swait.ge [sflag:s23], $0x1  }
0xa3: {  	[sflag:s23] =	ssyncset.done $0x0  }
0xa4: {  	s25 =	simm.s32 $0x1B8E;
	s24 =	sld [smem:$0x3FFE];
	[sflag:s23] =	ssyncadd.s32 $0xFFFFFFFF  }
0xa5: {  	s26 =	simm.s32 $execute0_lowered;
	[smem:$0x3FD2] =	sst s25  }
0xa6: {  	s4 =	sshll.u32 s26, $0x1;
	_ =	strace $0x80000046;
	[dreg:$0x1] =	wrdreg $0xFFFFFFFF  }
0xa7: {  	s28 =	simm.s32 $_size_execute0_lowered;
	s2 =	sadd.s32 s2, s4;
	[dreg:$0x0] =	wrdreg $0x0  }
0xa8: {  	s4 =	sshll.u32 s28, $0x1;
	[dreg:$0x2] =	wrdreg s2  }
0xa9: {  	[dreg:$0x3] =	wrdreg s4  }
0xaa: {  	[dreg:$0x4] =	wrdreg $0xC0  }
0xab: {  	_ =	task [dreg:s6], $0x5FFFF  }
0xac: {  	[dreg:$0x1] =	wrdreg $0xFFFFFFFF  }
0xad: {  	[dreg:$0x0] =	wrdreg $0x60  }
0xae: {  	[dreg:$0x2] =	wrdreg s24  }
0xaf: {  	[dreg:$0x3] =	wrdreg $0x28800  }
0xb0: {  	[dreg:$0x4] =	wrdreg $0x9  }
0xb1: {  	_ =	task.clear_ibuf [dreg:s6], $0x5FFFF;
	_ =	strace $0x90000046  }
0xb2: {  	s29 =	simm.s32 $0x9;
	_ =	strace $0x80000048  }
0xb3: {  	_ =	swait.ge [sflag:s29], $0x1  }
0xb4: {  	[sflag:s29] =	ssyncadd.s32 $0xFFFFFFFF  }
0xb5: {  	_ =	strace $0x90000048  }
0xb6: {  	_ =	sfence  }
0xb7: {  	s30 =	sld [smem:$0x0];
	_ =	sdelay $0x2  }
0xb8: {  	s31 =	sshll.u32 s1, $0xD;
	s1 =	sshrl.u32 s1, $0x2  }
0xb9: {  	s3 =	sand.u32 $0x4000, s31;
	s1 =	sadd.s32 s1, s30  }
0xba: {  	s0 =	sor.u32 s3, s0;
	s1 =	sshll.u32 s1, $0x11  }
0xbb: {  	s0 =	sor.u32 s1, s0  }
0xbc: {  	s0 =	sadd.s32 $0x8F2B, s0  }
0xbd: {  	[sflag:s0] =	ssyncadd.remote.s32 $0x1  }
0xbe: {  	_ =	sfence.sel $0xFFFF  }
0xbf: {  	[dreg:$0x0] =	wrdreg $0xFFFFFFFF;
	(pc) =	sbr.abs _section_cstart, $3  }
0xc0: {  	[dreg:$0x1] =	wrdreg $0xFFFFFFFF  }
0xc1: {  	_ =	task.clear_ibuf [dreg:s6], $0x2FFFF;
	_ =	strace $0x9FFFFFFF  }
0xc2: {  	(tm) =	ssettm $0x7FFFFFFF  }
0xc3: {  	_ =	shalt  }
tec
execute0_lowered:
.L_overlay_start_1:
0x0: {  	(tag) =	ssettag $0x1  }
0x1: {  	s5 =	rddreg [dreg:$0x0]  }
0x2: {  	s0 =	srdreg.scid;
	s2 =	rddreg [dreg:$0x1];
	s3 =	simm.s32 $0x0  }
0x3: {  	s12 =	simm.s32 $0x2800;
	s13 =	simm.s32 $0x1;
	s14 =	simm.s32 $0x80  }
0x4: {  	s17 =	simm.s32 $0x20;
	s4 =	sand.u32 $0x1, s0;
	s0 =	stileid.u32  }
0x5: {  	s18 =	simm.s32 $0x10;
	s19 =	simm.s32 $0x0;
	s7 =	smul.u32 $0x500, s0  }
0x6: {  	[smem:$0x7FF] =	sst s3;
	s1 =	sshll.u32 s4, $0x4;
	s8 =	smul.u32 $0xA00, s0  }
0x7: {  	s28 =	sshll.u32 s4, $0x7;
	s29 =	ssub.s32 $0x2, s4;
	s15 =	sshll.u32 s0, $0x6  }
0x8: {  	s1 =	sor.u32 s0, s1;
	s31 =	sshrl.u32 s29, $0x1;
	s15 =	sor.u32 $0x1C01, s15  }
0x9: {  	s6 =	smul.u32 $0x500, s1;
	s1 =	rddreg [dreg:$0x2];
	s30 =	sshrl.u32 s8, $0x2  }
0xa: {  	_ =	strace $0x80000047;
	s11 =	ssub.s32 s29, s31;
	s4 =	sadd.s32 s30, s2  }
0xb: {  	s11 =	smax.u32 s11, $0x1;
	s9 =	sadd.s32 s6, s5;
	s6 =	sor.u32 s28, s7  }
0xc: {  	s7 =	sadd.s32 $0x180, s4;
	s8 =	sadd.s32 $0x200, s4;
	s6 =	sshrl.u32 s6, $0x3  }
0xd: {  	s16 =	sshrl.u32 s4, $0x3;
	s9 =	sadd.s32 $0xCC00, s9;
	s10 =	sadd.s32 s6, s5  }
0xe: {  	v0 =	vimm.f32 $0.0e+00;
	v1 =	vimm.f32 $1.000000000e+00;
	s5 =	sadd.s32 $0x80, s4;
	s6 =	sadd.s32 $0x100, s4;
	s10 =	sadd.s32 $0x16C00, s10  }
.LBB2_1:
0xf: {  	[tilespmem:$0x2800] =	vst v0  }
0x10: {  	[tilespmem:$0x2810] =	vst v0  }
0x11: {  	[tilespmem:$0x2820] =	vst v0  }
0x12: {  	[tilespmem:$0x2830] =	vst v0  }
0x13: {  	[tilespmem:$0x2840] =	vst v0  }
0x14: {  	[tilespmem:$0x2850] =	vst v0  }
0x15: {  	[tilespmem:$0x2860] =	vst v0  }
0x16: {  	[tilespmem:$0x2870] =	vst v0  }
0x17: {  	[spmem:s4] =	stream.linear.scatter [tilespmem:s12], [sflag:$0x1], $0x80, $0x38;
	[tilespmem:$0x2B00] =	vst v63  }
0x18: {  	_ =	swait.ge [sflag:s13], $0x80  }
0x19: {  	[sflag:s13] =	ssyncset.done $0x0  }
0x1a: {  	[sflag:s13] =	ssyncadd.s32 $0xFFFFFF80  }
0x1b: {  	[spmem:s5] =	stream.linear.scatter [tilespmem:s12], [sflag:$0x1], $0x80, $0x38;
	[tilespmem:$0x2B00] =	vst v63  }
0x1c: {  	_ =	swait.ge [sflag:s13], $0x80  }
0x1d: {  	[sflag:s13] =	ssyncset.done $0x0  }
0x1e: {  	[sflag:s13] =	ssyncadd.s32 $0xFFFFFF80  }
0x1f: {  	[spmem:s6] =	stream.linear.scatter [tilespmem:s12], [sflag:$0x1], $0x80, $0x38;
	[tilespmem:$0x2B00] =	vst v63  }
0x20: {  	_ =	swait.ge [sflag:s13], $0x80  }
0x21: {  	[sflag:s13] =	ssyncset.done $0x0  }
0x22: {  	[sflag:s13] =	ssyncadd.s32 $0xFFFFFF80  }
0x23: {  	[spmem:s7] =	stream.linear.scatter [tilespmem:s12], [sflag:$0x1], $0x80, $0x38;
	[tilespmem:$0x2B00] =	vst v63  }
0x24: {  	_ =	swait.ge [sflag:s13], $0x80  }
0x25: {  	[sflag:s13] =	ssyncset.done $0x0  }
0x26: {  	[sflag:s13] =	ssyncadd.s32 $0xFFFFFF80  }
0x27: {  	[spmem:s8] =	stream.linear.scatter [tilespmem:s12], [sflag:$0x1], $0x80, $0x38;
	[tilespmem:$0x2B00] =	vst v63  }
0x28: {  	_ =	swait.ge [sflag:s13], $0x80  }
0x29: {  	[sflag:s13] =	ssyncset.done $0x0  }
0x2a: {  	[sflag:s13] =	ssyncadd.s32 $0xFFFFFF80  }
0x2b: {  	[tilespmem:$0x2800] =	vst v1  }
0x2c: {  	[tilespmem:$0x2810] =	vst v1  }
0x2d: {  	[tilespmem:$0x2820] =	vst v1  }
0x2e: {  	[tilespmem:$0x2830] =	vst v1  }
0x2f: {  	[tilespmem:$0x2840] =	vst v1  }
0x30: {  	[tilespmem:$0x2850] =	vst v1  }
0x31: {  	[tilespmem:$0x2860] =	vst v1  }
0x32: {  	[tilespmem:$0x2870] =	vst v1  }
0x33: {  	[tilespmem:s3], [sflag:$0x1] =	stream.linear.gather [hbm4b:s9+s3], $0x2800, $0x38;
	[tilespmem:$0x2B00] =	vst v63  }
0x34: {  	_ =	swait.ge [sflag:s13], $0x2800  }
0x35: {  	[sflag:s13] =	ssyncset.done $0x0  }
0x36: {  	[sflag:s13] =	ssyncadd.s32 $0xFFFFD800  }
0x37: {  	s20 =	simm.s32 $0x0;
	[bflag:$0x0] =	sbarrier.arrive $0xFFFF  }
0x38: {  	[spmem:s2] =	stream.indirect.scatter.add.f32 [tilespmem:s12], [sflag:$0x1], $0x1, s20, s14, $0xb8;
	[tilespmem:$0x2B00] =	vst v63  }
0x39: {  	_ =	swait.ge [sflag:s13], $0x80  }
0x3a: {  	s20 =	simm.s32 $0x200;
	[sflag:s13] =	ssyncset.done $0x0  }
.LBB2_2:
0x3b: {  	s21 =	sshra.s32 s20, $0x2;
	[sflag:s13] =	ssyncadd.s32 $0xFFFFFF80;
	p0 =	sne.s32 s20, $0x9E00  }
0x3c: {  	[spmem:s2] =	stream.indirect.scatter.add.f32 [tilespmem:s12], [sflag:$0x1], $0x1, s21, s14, $0xb8;
	[tilespmem:$0x2B00] =	vst v63  }
.Ltmp0:
0x3d: {  	_ = 	snop;
	(pc) =	sbr.rel @p0 .LBB2_2-.Ltmp0, $4  }
0x3e: {  	_ = 	snop  }
0x3f: {  	s20 =	sadd.s32 $0x200, s20  }
0x40: {  	_ =	swait.ge [sflag:s13], $0x80  }
0x41: {  	[sflag:s13] =	ssyncset.done $0x0  }
0x42: {  	s19 =	sadd.s32 $0x1, s19  }
0x43: {  	[sflag:s13] =	ssyncadd.s32 $0xFFFFFF80;
	p0 =	sne.s32 s19, s11  }
.Ltmp1:
0x44: {  	[bflag:$0x0] =	sbarrier.arrive $0xFFFF;
	(pc) =	sbr.rel @p0 .LBB2_1-.Ltmp1, $4  }
0x45: {  	[hbm:s10@s17], [sflag:s15] =	dma.strided [spmem:s16@s18], $0x50, s13, $0x10   }
0x46: {  	_ =	swait.ge [sflag:s13], $0x50  }
0x47: {  	[sflag:s13] =	ssyncset.done $0x0  }
0x48: {  	[sflag:s13] =	ssyncadd.s32 $0xFFFFFFB0  }
0x49: {  	_ =	sfence.sel $0x180000  }
0x4a: {  	[bflag:$0x0] =	sbarrier.arrive $0xFFFF  }
0x4b: {  	p0 =	sne.s32 s0, $0x0;
	_ =	strace $0x90000047  }
0x4c: {  	s0 =	sadd.s32 @!p0 $0x100000, s1;
	[bflag:$0x2] =	sbarrier.arrive $0xFFFF  }
0x4d: {  	[sflag:s0] =	ssyncadd.tile.s32 @!p0 $0x1;
	_ =	shalt  }
.Lfunc_end2:
_tile_overlayer_lowered:
.L_overlay_start_2:
0x4e: {  	(tag) =	ssettag $0x2  }
0x4f: {  	s0 =	rddreg [dreg:$0x0];
	s2 =	stileid.u32  }
0x50: {  	s1 =	rddreg [dreg:$0x1];
	p0 =	sne.s32 s2, $0x0  }
0x51: {  	s3 =	rddreg [dreg:$0x2];
	[bflag:$0x3] =	sbarrier.arrive $0xFFFF;
	s2 =	simm.s32 @!p0 $0x1C01  }
0x52: {  	[timem:s3], [sflag:s2] =	dma.local @!p0 [hbm:s0], s1  }
0x53: {  	s0 =	simm.s32 @!p0 $0x1  }
0x54: {  	_ =	swait.ge @!p0 [sflag:s0], s1  }
0x55: {  	s1 =	ssub.s32 @!p0 $0x0, s1;
	[sflag:s0] =	ssyncset.done @!p0 $0x0  }
0x56: {  	[sflag:s0] =	ssyncadd.s32 @!p0 s1  }
0x57: {  	[bflag:$0x3] =	sbarrier.arrive $0xFFFF  }
0x58: {  	_ =	shalt  }

</sc_bundles>
